<compile_context>
chip_gen: v7x
topology: tpu7x:2x2x1
jax: 0.10.2.dev20260603
libtpu: 0.0.44.dev20260713+nightly
codegen_flags: <defaults>
</compile_context>

<pallas_src>
import functools

import jax
import jax.numpy as jnp
from jax import lax
from jax.experimental import pallas as pl
from jax.experimental.pallas import tpu as pltpu
from jax.experimental.pallas import tpu_sc as plsc

_NC = 2
_NS = 16
_NW = _NC * _NS
_L = 16

_NUM_RELS = 10
_INV_DENOM = 1.0 / (_NUM_RELS - 1)
_SC_PARAMS = pltpu.CompilerParams(use_tc_tiling_on_sc=False)


def _sigmoid_table(ability, w_relation, bias):
    n, d = ability.shape
    at = ability.T
    br = 8192

    def body(a_ref, w_ref, b_ref, o_ref):
        x = jnp.sum(a_ref[...] * w_ref[...], axis=0) + b_ref[0]
        o_ref[...] = jax.nn.sigmoid(x)

    return pl.pallas_call(
        body,
        grid=(-(-n // br),),
        in_specs=[
            pl.BlockSpec((d, br), lambda i: (0, i)),
            pl.BlockSpec((d, 1), lambda i: (0, 0)),
            pl.BlockSpec(memory_space=pltpu.SMEM),
        ],
        out_specs=pl.BlockSpec((br,), lambda i: (i,)),
        out_shape=jax.ShapeDtypeStruct((n,), jnp.float32),
    )(at, w_relation, bias)


def _blend(p16, t16):
    q = (1.0 - p16) * _INV_DENOM
    return p16 * t16 + q * (1.0 - t16)


def _tail_split(tail):
    t_per = -(-(tail // _L) // _NW) * _L
    n_full = tail // t_per
    t_rest = tail - n_full * t_per
    assert t_per % 8 == 0 and t_rest % _L == 0
    assert n_full <= _NW and (t_rest == 0 or n_full < _NW)
    return t_per, n_full, t_rest


@functools.lru_cache(maxsize=None)
def _p_gather_kernel(e, n_wkr, chunk, n_per_tile, tail):
    mesh = plsc.VectorSubcoreMesh(core_axis_name="c", subcore_axis_name="s")
    per_p = (n_wkr // _NS) & ~7
    p_rem = n_wkr - _NS * per_p
    assert per_p <= chunk and p_rem % 8 == 0 and p_rem <= chunk

    scratch = [pltpu.VMEM((chunk,), jnp.int32) for _ in range(2)] + \
              [pltpu.VMEM((chunk,), jnp.float32) for _ in range(2)] + \
              [pltpu.VMEM_SHARED((n_wkr,), jnp.float32)] + \
              [pltpu.SemaphoreType.DMA for _ in range(6)]

    @functools.partial(
        pl.kernel,
        out_type=jax.ShapeDtypeStruct((e,), jnp.float32),
        mesh=mesh,
        scratch_types=scratch,
        compiler_params=_SC_PARAMS,
    )
    def body(p_hbm, wkr_hbm, out_hbm, wkr0, wkr1, g0, g1, tab,
             si0, si1, sg0, sg1, so0, so1):
        wkr_b, g_b = [wkr0, wkr1], [g0, g1]
        sem_i, sem_g, sem_o = [si0, si1], [sg0, sg1], [so0, so1]
        sid = lax.axis_index("s")
        wid = sid * _NC + lax.axis_index("c")

        def load_idx(g, b):
            off = (g * _NW) * chunk + wid * chunk
            return pltpu.async_copy(wkr_hbm.at[pl.ds(off, chunk)],
                                    wkr_b[b], sem_i[b])

        idx_cps = {0: load_idx(0, 0)}
        if n_per_tile > 1:
            idx_cps[1] = load_idx(1, 1)

        cp = pltpu.async_copy(p_hbm.at[pl.ds(sid * per_p, per_p)],
                              g0.at[pl.ds(0, per_p)], sg0)
        cp.wait()
        pltpu.sync_copy(g0.at[pl.ds(0, per_p)],
                        tab.at[pl.ds(sid * per_p, per_p)])
        if p_rem:
            @pl.when(sid == 0)
            def _():
                cpr = pltpu.async_copy(p_hbm.at[pl.ds(_NS * per_p, p_rem)],
                                       g0.at[pl.ds(0, p_rem)], sg0)
                cpr.wait()
                pltpu.sync_copy(g0.at[pl.ds(0, p_rem)],
                                tab.at[pl.ds(_NS * per_p, p_rem)])

        gat_cps = {}
        out_cps = {}
        for g in range(n_per_tile):
            b, nb = g % 2, (g + 1) % 2
            idx_cps.pop(g).wait()
            if g == 0:
                plsc.subcore_barrier()
            if g - 2 in out_cps:
                out_cps.pop(g - 2).wait()
            gat_cps[g] = pltpu.async_copy(tab.at[wkr_b[b]], g_b[b], sem_g[b])
            if g >= 1:
                gat_cps.pop(g - 1).wait()
            if g + 1 < n_per_tile and g + 1 not in idx_cps:
                idx_cps[g + 1] = load_idx(g + 1, nb)
            if g >= 1:
                off = ((g - 1) * _NW) * chunk + wid * chunk
                out_cps[g - 1] = pltpu.async_copy(
                    g_b[nb], out_hbm.at[pl.ds(off, chunk)], sem_o[nb])
        gl = n_per_tile - 1
        bl = gl % 2
        gat_cps.pop(gl).wait()
        if gl - 1 in out_cps:
            out_cps.pop(gl - 1).wait()
        off = (gl * _NW) * chunk + wid * chunk
        pltpu.sync_copy(g_b[bl], out_hbm.at[pl.ds(off, chunk)])

        if tail:
            t_off = n_per_tile * _NW * chunk
            t_per, n_full, t_rest = _tail_split(tail)

            def do_tail(my_off, width):
                sl = pl.ds(0, width)
                pltpu.sync_copy(wkr_hbm.at[pl.ds(my_off, width)], wkr0.at[sl])
                cpt = pltpu.async_copy(tab.at[wkr0.at[sl]], g0.at[sl], sg0)
                cpt.wait()
                pltpu.sync_copy(g0.at[sl], out_hbm.at[pl.ds(my_off, width)])

            @pl.when(wid < n_full)
            def _():
                do_tail(t_off + wid * t_per, t_per)
            if t_rest:
                @pl.when(wid == n_full)
                def _():
                    do_tail(t_off + n_full * t_per, t_rest)

    return body


@functools.lru_cache(maxsize=None)
def _t_blend_kernel(e, n_rel, n_tsk, chunk, n_per_tile, tail):
    mesh = plsc.VectorSubcoreMesh(core_axis_name="c", subcore_axis_name="s")
    n_lab = n_rel * n_tsk
    n_vec = chunk // _L
    unroll = next(u for u in (8, 4, 2, 1) if n_vec % u == 0)
    per_row = (n_tsk // _NS) & ~7
    row_rem = n_tsk - _NS * per_row
    assert per_row <= chunk and row_rem % 8 == 0 and row_rem <= chunk

    scratch = [pltpu.VMEM((chunk,), jnp.int32) for _ in range(4)] + \
              [pltpu.VMEM((chunk,), jnp.float32) for _ in range(4)] + \
              [pltpu.VMEM_SHARED((n_lab,), jnp.float32)] + \
              [pltpu.SemaphoreType.DMA for _ in range(8)]

    @functools.partial(
        pl.kernel,
        out_type=jax.ShapeDtypeStruct((1, e), jnp.float32),
        mesh=mesh,
        scratch_types=scratch,
        compiler_params=_SC_PARAMS,
    )
    def body(lab_hbm, pa_hbm, tsk_hbm, rel_hbm, out_hbm,
             tsk0, tsk1, fid0, fid1, pa0, pa1, t0, t1, tab,
             si0, si1, sp0, sp1, st0, st1, so0, so1):
        tsk_b, fid_b = [tsk0, tsk1], [fid0, fid1]
        pa_b, t_b = [pa0, pa1], [t0, t1]
        sem_i, sem_t, sem_o = [si0, si1], [st0, st1], [so0, so1]
        stage_sems = [sp0, sp1]
        sid = lax.axis_index("s")
        wid = sid * _NC + lax.axis_index("c")

        def load_idx(g, b):
            off = (g * _NW) * chunk + wid * chunk
            return (pltpu.async_copy(tsk_hbm.at[pl.ds(off, chunk)], tsk_b[b], sem_i[b]),
                    pltpu.async_copy(rel_hbm.at[pl.ds(off, chunk)], fid_b[b], sem_i[b]),
                    pltpu.async_copy(pa_hbm.at[pl.ds(off, chunk)], pa_b[b], sem_i[b]))

        idx_cps = {0: load_idx(0, 0)}
        if n_per_tile > 1:
            idx_cps[1] = load_idx(1, 1)

        bounce = [t0, t1]
        cps = {}
        segs = [(r, sid * per_row, r * n_tsk + sid * per_row, per_row)
                for r in range(n_rel)]
        n_main = len(segs)
        if row_rem:
            for r in range(n_rel):
                segs.append((r, _NS * per_row, r * n_tsk + _NS * per_row,
                             row_rem))

        def hop2(kk):
            cps.pop(kk).wait()
            _, _, do1, w1 = segs[kk]
            pltpu.sync_copy(bounce[kk % 2].at[pl.ds(0, w1)],
                            tab.at[pl.ds(do1, w1)])

        for k, (r, so, do, w) in enumerate(segs):
            def issue(r=r, so=so, w=w, k=k):
                cps[k] = pltpu.async_copy(lab_hbm.at[r, pl.ds(so, w)],
                                          bounce[k % 2].at[pl.ds(0, w)],
                                          stage_sems[k % 2])

            if k >= n_main:
                pl.when(sid == 0)(issue)
            else:
                issue()
            if k - 1 in cps:
                if k - 1 >= n_main:
                    pl.when(sid == 0)(functools.partial(hop2, k - 1))
                else:
                    hop2(k - 1)
        kl = len(segs) - 1
        if kl in cps:
            if kl >= n_main:
                pl.when(sid == 0)(functools.partial(hop2, kl))
            else:
                hop2(kl)

        def fidx_loop(b):
            @plsc.parallel_loop(0, chunk, step=_L, unroll=unroll)
            def _(i):
                s = pl.ds(pl.multiple_of(i, _L), _L)
                fid_b[b][s] = fid_b[b][s] * n_tsk + tsk_b[b][s]

        def blend_loop(b):
            @plsc.parallel_loop(0, chunk, step=_L, unroll=unroll)
            def _(i):
                s = pl.ds(pl.multiple_of(i, _L), _L)
                pa_b[b][s] = _blend(pa_b[b][s], t_b[b][s])

        gat_cps = {}
        out_cps = {}
        for g in range(n_per_tile):
            b, nb = g % 2, (g + 1) % 2
            for cp in idx_cps.pop(g):
                cp.wait()
            fidx_loop(b)
            if g == 0:
                plsc.subcore_barrier()
            gat_cps[g] = pltpu.async_copy(tab.at[fid_b[b]], t_b[b], sem_t[b])
            if g >= 1:
                gat_cps.pop(g - 1).wait()
            if g + 1 < n_per_tile and g + 1 not in idx_cps:
                idx_cps[g + 1] = load_idx(g + 1, nb)
            if g >= 1:
                if g - 1 in out_cps:
                    out_cps.pop(g - 1).wait()
                blend_loop(nb)
                off = ((g - 1) * _NW) * chunk + wid * chunk
                out_cps[g - 1] = pltpu.async_copy(
                    pa_b[nb], out_hbm.at[0, pl.ds(off, chunk)], sem_o[nb])
        gl = n_per_tile - 1
        bl = gl % 2
        gat_cps.pop(gl).wait()
        if gl - 1 in out_cps:
            out_cps.pop(gl - 1).wait()
        blend_loop(bl)
        off = (gl * _NW) * chunk + wid * chunk
        pltpu.sync_copy(pa_b[bl], out_hbm.at[0, pl.ds(off, chunk)])

        if tail:
            t_off = n_per_tile * _NW * chunk
            t_per, n_full, t_rest = _tail_split(tail)

            def do_tail(my_off, width):
                sl = pl.ds(0, width)
                pltpu.sync_copy(tsk_hbm.at[pl.ds(my_off, width)], tsk0.at[sl])
                pltpu.sync_copy(rel_hbm.at[pl.ds(my_off, width)], fid0.at[sl])
                pltpu.sync_copy(pa_hbm.at[pl.ds(my_off, width)], pa0.at[sl])

                @plsc.parallel_loop(0, width, step=_L, unroll=1)
                def _(i):
                    s = pl.ds(pl.multiple_of(i, _L), _L)
                    fid0[s] = fid0[s] * n_tsk + tsk0[s]

                cpt = pltpu.async_copy(tab.at[fid0.at[sl]], t0.at[sl], st0)
                cpt.wait()

                @plsc.parallel_loop(0, width, step=_L, unroll=1)
                def _(i):
                    s = pl.ds(pl.multiple_of(i, _L), _L)
                    pa0[s] = _blend(pa0[s], t0[s])
                pltpu.sync_copy(pa0.at[sl], out_hbm.at[0, pl.ds(my_off, width)])

            @pl.when(wid < n_full)
            def _():
                do_tail(t_off + wid * t_per, t_per)
            if t_rest:
                @pl.when(wid == n_full)
                def _():
                    do_tail(t_off + n_full * t_per, t_rest)

    return body


def kernel(ability, labels, wkr_idx, rel_idx, tsk_idx, w_relation, bias):
    e = wkr_idx.shape[0]
    assert labels.shape[2] == _NUM_RELS
    n_tsk = labels.shape[0]
    n_wkr = ability.shape[0]

    p_tab = _sigmoid_table(ability, w_relation, bias)
    lab2 = labels.transpose(2, 1, 0).reshape(_NUM_RELS, n_tsk)

    c1 = 15616
    n1 = e // (_NW * c1)
    tail1 = e - _NW * c1 * n1
    assert n1 >= 2 and tail1 < c1 and tail1 % _L == 0
    p_all = _p_gather_kernel(e, n_wkr, c1, n1, tail1)(
        p_tab, wkr_idx.astype(jnp.int32))

    c2 = 7808
    n2 = e // (_NW * c2)
    tail2 = e - _NW * c2 * n2
    assert n2 >= 2 and tail2 < c2 and tail2 % _L == 0
    out = _t_blend_kernel(e, _NUM_RELS, n_tsk, c2, n2, tail2)(
        lab2, p_all, tsk_idx.astype(jnp.int32), rel_idx.astype(jnp.int32))
    return out.T

# --- scband reference (transcript-rebuilt; emitter-appended) ---
"""Pipeline reference for scband-gladlink-predict-10136122818669 (READ-ONLY COPY).

The authoritative reference and input builder live on the scoring server;
editing this copy changes nothing except your own understanding.
"""

import jax, jax.numpy as jnp
import numpy as np

NUM_RELS = 10
NUM_WKR = 100000
NUM_TSK = 100000
WKR_DIM = 64
E = 1000000


def setup_inputs(seed: int = 0) -> dict:
    key = jax.random.key(seed)
    ks = jax.random.split(key, 6)
    ability = jax.random.normal(ks[0], (NUM_WKR, WKR_DIM), dtype=jnp.float32)
    labels = jax.random.uniform(ks[1], (NUM_TSK, 1, NUM_RELS), dtype=jnp.float32)
    wkr_idx = jax.random.randint(ks[2], (E,), 0, NUM_WKR)
    rel_idx = jax.random.randint(ks[3], (E,), 0, NUM_RELS)
    tsk_idx = jax.random.randint(ks[4], (E,), 0, NUM_TSK)
    w_relation = jax.random.normal(ks[5], (WKR_DIM, 1), dtype=jnp.float32) * (2.0 ** 0.5) * (6.0 / (WKR_DIM + 1)) ** 0.5
    bias = jnp.zeros((1,), dtype=jnp.float32)
    return {"ability": ability, "labels": labels, "wkr_idx": wkr_idx,
            "rel_idx": rel_idx, "tsk_idx": tsk_idx,
            "w_relation": w_relation, "bias": bias}


def reference(ability, labels, wkr_idx, rel_idx, tsk_idx, w_relation, bias):
    # calc_score from GLADLinkPredict:
    # wkr_feature = nodes['ability'][wkr]
    wkr_feature = jnp.take(ability, wkr_idx, axis=0)  # [E, wkr_dim] gather
    # tsk_feature = nodes['labels'][tsk, :, relation]  -> advanced indexing [E, 1]
    tsk_feature = labels[tsk_idx, :, rel_idx]  # [E, 1] gather
    score_part1 = jax.nn.sigmoid(jnp.matmul(wkr_feature, w_relation) + bias)  # [E, 1]
    score_part2 = (1.0 - score_part1) / (NUM_RELS - 1)
    score = score_part1 * tsk_feature + score_part2 * (1.0 - tsk_feature)
    return score

if __name__ == "__main__":
    import jax
    _d = setup_inputs()
    print(jax.jit(kernel)(*tuple(_d.values())))

</pallas_src>

<mosaic_0001>
#map = affine_map<(d0, d1) -> (0)>
module attributes {stable_mosaic.version = 14 : i64} {
  func.func @body(%arg0: i32, %arg1: i32, %arg2: memref<100000xf32, #tpu.memory_space<hbm>>, %arg3: memref<1000000xi32, #tpu.memory_space<hbm>>, %arg4: memref<1000000xf32, #tpu.memory_space<hbm>>, %arg5: memref<15616xi32, #tpu.memory_space<vmem>>, %arg6: memref<15616xi32, #tpu.memory_space<vmem>>, %arg7: memref<15616xf32, #tpu.memory_space<vmem>>, %arg8: memref<15616xf32, #tpu.memory_space<vmem>>, %arg9: memref<100000xf32, #tpu.memory_space<vmem_shared>>, %arg10: memref<!tpu.dma_semaphore, #tpu.memory_space<semaphore_mem>>, %arg11: memref<!tpu.dma_semaphore, #tpu.memory_space<semaphore_mem>>, %arg12: memref<!tpu.dma_semaphore, #tpu.memory_space<semaphore_mem>>, %arg13: memref<!tpu.dma_semaphore, #tpu.memory_space<semaphore_mem>>, %arg14: memref<!tpu.dma_semaphore, #tpu.memory_space<semaphore_mem>>, %arg15: memref<!tpu.dma_semaphore, #tpu.memory_space<semaphore_mem>>) attributes {dimension_semantics = [#tpu.dimension_semantics<core_parallel>, #tpu.dimension_semantics<subcore_parallel>], iteration_bounds = array<i64: 2, 16>, scalar_prefetch = 0 : i64, scratch_operands = 11 : i64, tpu.core_type = #tpu.core_type<sc_vector_subcore>, window_params = [{transform_indices = #map}, {transform_indices = #map}, {transform_indices = #map}]} {
    %mul3A = arith.constant 2 : i32
    %mul3A_0 = arith.muli %arg1, %mul3A : i32
    %add3A = arith.addi %mul3A_0, %arg0 : i32
    %mul3A_1 = arith.constant 15616 : i32
    %mul3A_2 = arith.muli %add3A, %mul3A_1 : i32
    %add3A_3 = arith.constant 0 : i32
    %add3A_4 = arith.addi %add3A_3, %mul3A_2 : i32
    %dma_start3A = tpu.memref_slice %arg3[%add3A_4] : memref<1000000xi32, #tpu.memory_space<hbm>> -> memref<15616xi32, #tpu.memory_space<hbm>>
    %dma_start3A_5 = tpu.memref_slice %arg3[%add3A_4] : memref<1000000xi32, #tpu.memory_space<hbm>> -> memref<15616xi32, #tpu.memory_space<hbm>>
    tpu.enqueue_dma source(%dma_start3A_5 : memref<15616xi32, #tpu.memory_space<hbm>>) target(%arg5 : memref<15616xi32, #tpu.memory_space<vmem>>) target_semaphore(%arg10 : memref<!tpu.dma_semaphore, #tpu.memory_space<semaphore_mem>>)
    %mul3A_6 = arith.constant 15616 : i32
    %mul3A_7 = arith.muli %add3A, %mul3A_6 : i32
    %add3A_8 = arith.constant 499712 : i32
    %add3A_9 = arith.addi %add3A_8, %mul3A_7 : i32
    %dma_start3A_10 = tpu.memref_slice %arg3[%add3A_9] : memref<1000000xi32, #tpu.memory_space<hbm>> -> memref<15616xi32, #tpu.memory_space<hbm>>
    %dma_start3A_11 = tpu.memref_slice %arg3[%add3A_9] : memref<1000000xi32, #tpu.memory_space<hbm>> -> memref<15616xi32, #tpu.memory_space<hbm>>
    tpu.enqueue_dma source(%dma_start3A_11 : memref<15616xi32, #tpu.memory_space<hbm>>) target(%arg6 : memref<15616xi32, #tpu.memory_space<vmem>>) target_semaphore(%arg11 : memref<!tpu.dma_semaphore, #tpu.memory_space<semaphore_mem>>)
    %mul3A_12 = arith.constant 6248 : i32
    %mul3A_13 = arith.muli %arg1, %mul3A_12 : i32
    %dma_start3A_14 = arith.constant 0 : i32
    %dma_start3A_15 = tpu.memref_slice %arg7[%dma_start3A_14] : memref<15616xf32, #tpu.memory_space<vmem>> -> memref<6248xf32, #tpu.memory_space<vmem>>
    %dma_start3A_16 = tpu.memref_slice %arg2[%mul3A_13] : memref<100000xf32, #tpu.memory_space<hbm>> -> memref<6248xf32, #tpu.memory_space<hbm>>
    %dma_start3A_17 = arith.constant 0 : i32
    %dma_start3A_18 = tpu.memref_slice %arg7[%dma_start3A_17] : memref<15616xf32, #tpu.memory_space<vmem>> -> memref<6248xf32, #tpu.memory_space<vmem>>
    %dma_start3A_19 = tpu.memref_slice %arg2[%mul3A_13] : memref<100000xf32, #tpu.memory_space<hbm>> -> memref<6248xf32, #tpu.memory_space<hbm>>
    tpu.enqueue_dma source(%dma_start3A_19 : memref<6248xf32, #tpu.memory_space<hbm>>) target(%dma_start3A_18 : memref<6248xf32, #tpu.memory_space<vmem>>) target_semaphore(%arg12 : memref<!tpu.dma_semaphore, #tpu.memory_space<semaphore_mem>>)
    %dma_wait3A = arith.constant 0 : i32
    %dma_wait3A_20 = tpu.memref_slice %arg7[%dma_wait3A] : memref<15616xf32, #tpu.memory_space<vmem>> -> memref<6248xf32, #tpu.memory_space<vmem>>
    %dma_wait3A_21 = tpu.memref_slice %arg2[%mul3A_13] : memref<100000xf32, #tpu.memory_space<hbm>> -> memref<6248xf32, #tpu.memory_space<hbm>>
    %dma_wait3A_22 = arith.constant 0 : i32
    %dma_wait3A_23 = tpu.memref_slice %arg7[%dma_wait3A_22] : memref<15616xf32, #tpu.memory_space<vmem>> -> memref<6248xf32, #tpu.memory_space<vmem>>
    %dma_wait3A_24 = tpu.memref_slice %arg2[%mul3A_13] : memref<100000xf32, #tpu.memory_space<hbm>> -> memref<6248xf32, #tpu.memory_space<hbm>>
    tpu.wait_dma2 semaphore(%arg12 : memref<!tpu.dma_semaphore, #tpu.memory_space<semaphore_mem>>) src(%dma_wait3A_24 : memref<6248xf32, #tpu.memory_space<hbm>>) dst(%dma_wait3A_23 : memref<6248xf32, #tpu.memory_space<vmem>>)
    %mul3A_25 = arith.constant 6248 : i32
    %mul3A_26 = arith.muli %arg1, %mul3A_25 : i32
    "tpu.region"() ({
      %run_scoped3A = tpu.sem_alloc : memref<!tpu.dma_semaphore, #tpu.memory_space<semaphore_mem>>
      %dma_start3A_57 = arith.constant 0 : i32
      %dma_start3A_58 = tpu.memref_slice %arg7[%dma_start3A_57] : memref<15616xf32, #tpu.memory_space<vmem>> -> memref<6248xf32, #tpu.memory_space<vmem>>
      %dma_start3A_59 = tpu.memref_slice %arg9[%mul3A_26] : memref<100000xf32, #tpu.memory_space<vmem_shared>> -> memref<6248xf32, #tpu.memory_space<vmem_shared>>
      %dma_start3A_60 = tpu.memref_slice %arg9[%mul3A_26] : memref<100000xf32, #tpu.memory_space<vmem_shared>> -> memref<6248xf32, #tpu.memory_space<vmem_shared>>
      %dma_start3A_61 = arith.constant 0 : i32
      %dma_start3A_62 = tpu.memref_slice %arg7[%dma_start3A_61] : memref<15616xf32, #tpu.memory_space<vmem>> -> memref<6248xf32, #tpu.memory_space<vmem>>
      tpu.enqueue_dma source(%dma_start3A_62 : memref<6248xf32, #tpu.memory_space<vmem>>) target(%dma_start3A_60 : memref<6248xf32, #tpu.memory_space<vmem_shared>>) target_semaphore(%run_scoped3A : memref<!tpu.dma_semaphore, #tpu.memory_space<semaphore_mem>>)
      %dma_wait3A_63 = arith.constant 0 : i32
      %dma_wait3A_64 = tpu.memref_slice %arg7[%dma_wait3A_63] : memref<15616xf32, #tpu.memory_space<vmem>> -> memref<6248xf32, #tpu.memory_space<vmem>>
      %dma_wait3A_65 = tpu.memref_slice %arg9[%mul3A_26] : memref<100000xf32, #tpu.memory_space<vmem_shared>> -> memref<6248xf32, #tpu.memory_space<vmem_shared>>
      %dma_wait3A_66 = tpu.memref_slice %arg9[%mul3A_26] : memref<100000xf32, #tpu.memory_space<vmem_shared>> -> memref<6248xf32, #tpu.memory_space<vmem_shared>>
      %dma_wait3A_67 = arith.constant 0 : i32
      %dma_wait3A_68 = tpu.memref_slice %arg7[%dma_wait3A_67] : memref<15616xf32, #tpu.memory_space<vmem>> -> memref<6248xf32, #tpu.memory_space<vmem>>
      tpu.wait_dma2 semaphore(%run_scoped3A : memref<!tpu.dma_semaphore, #tpu.memory_space<semaphore_mem>>) src(%dma_wait3A_68 : memref<6248xf32, #tpu.memory_space<vmem>>) dst(%dma_wait3A_66 : memref<6248xf32, #tpu.memory_space<vmem_shared>>)
      tpu.yield
    }) : () -> ()
    %eq3A = arith.constant 0 : i32
    %eq3A_27 = arith.cmpi eq, %arg1, %eq3A : i32
    %convert_element_type3A = arith.extui %eq3A_27 : i1 to i32
    %cond3A = arith.constant 0 : i32
    %cond3A_28 = arith.cmpi ne, %convert_element_type3A, %cond3A : i32
    scf.if %cond3A_28 {
      %dma_start3A_57 = arith.constant 0 : i32
      %dma_start3A_58 = tpu.memref_slice %arg7[%dma_start3A_57] : memref<15616xf32, #tpu.memory_space<vmem>> -> memref<32xf32, #tpu.memory_space<vmem>>
      %dma_start3A_59 = arith.constant 99968 : i32
      %dma_start3A_60 = tpu.memref_slice %arg2[%dma_start3A_59] : memref<100000xf32, #tpu.memory_space<hbm>> -> memref<32xf32, #tpu.memory_space<hbm>>
      %dma_start3A_61 = arith.constant 0 : i32
      %dma_start3A_62 = tpu.memref_slice %arg7[%dma_start3A_61] : memref<15616xf32, #tpu.memory_space<vmem>> -> memref<32xf32, #tpu.memory_space<vmem>>
      %dma_start3A_63 = arith.constant 99968 : i32
      %dma_start3A_64 = tpu.memref_slice %arg2[%dma_start3A_63] : memref<100000xf32, #tpu.memory_space<hbm>> -> memref<32xf32, #tpu.memory_space<hbm>>
      tpu.enqueue_dma source(%dma_start3A_64 : memref<32xf32, #tpu.memory_space<hbm>>) target(%dma_start3A_62 : memref<32xf32, #tpu.memory_space<vmem>>) target_semaphore(%arg12 : memref<!tpu.dma_semaphore, #tpu.memory_space<semaphore_mem>>)
      %dma_wait3A_65 = arith.constant 0 : i32
      %dma_wait3A_66 = tpu.memref_slice %arg7[%dma_wait3A_65] : memref<15616xf32, #tpu.memory_space<vmem>> -> memref<32xf32, #tpu.memory_space<vmem>>
      %dma_wait3A_67 = arith.constant 99968 : i32
      %dma_wait3A_68 = tpu.memref_slice %arg2[%dma_wait3A_67] : memref<100000xf32, #tpu.memory_space<hbm>> -> memref<32xf32, #tpu.memory_space<hbm>>
      %dma_wait3A_69 = arith.constant 0 : i32
      %dma_wait3A_70 = tpu.memref_slice %arg7[%dma_wait3A_69] : memref<15616xf32, #tpu.memory_space<vmem>> -> memref<32xf32, #tpu.memory_space<vmem>>
      %dma_wait3A_71 = arith.constant 99968 : i32
      %dma_wait3A_72 = tpu.memref_slice %arg2[%dma_wait3A_71] : memref<100000xf32, #tpu.memory_space<hbm>> -> memref<32xf32, #tpu.memory_space<hbm>>
      tpu.wait_dma2 semaphore(%arg12 : memref<!tpu.dma_semaphore, #tpu.memory_space<semaphore_mem>>) src(%dma_wait3A_72 : memref<32xf32, #tpu.memory_space<hbm>>) dst(%dma_wait3A_70 : memref<32xf32, #tpu.memory_space<vmem>>)
      "tpu.region"() ({
        %run_scoped3A = tpu.sem_alloc : memref<!tpu.dma_semaphore, #tpu.memory_space<semaphore_mem>>
        %dma_start3A_73 = arith.constant 0 : i32
        %dma_start3A_74 = tpu.memref_slice %arg7[%dma_start3A_73] : memref<15616xf32, #tpu.memory_space<vmem>> -> memref<32xf32, #tpu.memory_space<vmem>>
        %dma_start3A_75 = arith.constant 99968 : i32
        %dma_start3A_76 = tpu.memref_slice %arg9[%dma_start3A_75] : memref<100000xf32, #tpu.memory_space<vmem_shared>> -> memref<32xf32, #tpu.memory_space<vmem_shared>>
        %dma_start3A_77 = arith.constant 99968 : i32
        %dma_start3A_78 = tpu.memref_slice %arg9[%dma_start3A_77] : memref<100000xf32, #tpu.memory_space<vmem_shared>> -> memref<32xf32, #tpu.memory_space<vmem_shared>>
        %dma_start3A_79 = arith.constant 0 : i32
        %dma_start3A_80 = tpu.memref_slice %arg7[%dma_start3A_79] : memref<15616xf32, #tpu.memory_space<vmem>> -> memref<32xf32, #tpu.memory_space<vmem>>
        tpu.enqueue_dma source(%dma_start3A_80 : memref<32xf32, #tpu.memory_space<vmem>>) target(%dma_start3A_78 : memref<32xf32, #tpu.memory_space<vmem_shared>>) target_semaphore(%run_scoped3A : memref<!tpu.dma_semaphore, #tpu.memory_space<semaphore_mem>>)
        %dma_wait3A_81 = arith.constant 0 : i32
        %dma_wait3A_82 = tpu.memref_slice %arg7[%dma_wait3A_81] : memref<15616xf32, #tpu.memory_space<vmem>> -> memref<32xf32, #tpu.memory_space<vmem>>
        %dma_wait3A_83 = arith.constant 99968 : i32
        %dma_wait3A_84 = tpu.memref_slice %arg9[%dma_wait3A_83] : memref<100000xf32, #tpu.memory_space<vmem_shared>> -> memref<32xf32, #tpu.memory_space<vmem_shared>>
        %dma_wait3A_85 = arith.constant 99968 : i32
        %dma_wait3A_86 = tpu.memref_slice %arg9[%dma_wait3A_85] : memref<100000xf32, #tpu.memory_space<vmem_shared>> -> memref<32xf32, #tpu.memory_space<vmem_shared>>
        %dma_wait3A_87 = arith.constant 0 : i32
        %dma_wait3A_88 = tpu.memref_slice %arg7[%dma_wait3A_87] : memref<15616xf32, #tpu.memory_space<vmem>> -> memref<32xf32, #tpu.memory_space<vmem>>
        tpu.wait_dma2 semaphore(%run_scoped3A : memref<!tpu.dma_semaphore, #tpu.memory_space<semaphore_mem>>) src(%dma_wait3A_88 : memref<32xf32, #tpu.memory_space<vmem>>) dst(%dma_wait3A_86 : memref<32xf32, #tpu.memory_space<vmem_shared>>)
        tpu.yield
      }) : () -> ()
    } else {
    }
    %dma_wait3A_29 = tpu.memref_slice %arg3[%add3A_4] : memref<1000000xi32, #tpu.memory_space<hbm>> -> memref<15616xi32, #tpu.memory_space<hbm>>
    %dma_wait3A_30 = tpu.memref_slice %arg3[%add3A_4] : memref<1000000xi32, #tpu.memory_space<hbm>> -> memref<15616xi32, #tpu.memory_space<hbm>>
    tpu.wait_dma2 semaphore(%arg10 : memref<!tpu.dma_semaphore, #tpu.memory_space<semaphore_mem>>) src(%dma_wait3A_30 : memref<15616xi32, #tpu.memory_space<hbm>>) dst(%arg5 : memref<15616xi32, #tpu.memory_space<vmem>>)
    %barrier3A = arith.constant 0 : index
    tpu.barrier barrier_id(%barrier3A)
    %dma_start3A_31 = arith.constant 0 : i32
    %dma_start3A_32 = tpu.memref_slice %arg9[%dma_start3A_31] : memref<100000xf32, #tpu.memory_space<vmem_shared>> -> memref<100000xf32, #tpu.memory_space<vmem_shared>>
    tpu.enqueue_indirect_dma source(%dma_start3A_32 : memref<100000xf32, #tpu.memory_space<vmem_shared>>) target(%arg7 : memref<15616xf32, #tpu.memory_space<vmem>>) offsets(%arg5 : memref<15616xi32, #tpu.memory_space<vmem>>) semaphore(%arg12 : memref<!tpu.dma_semaphore, #tpu.memory_space<semaphore_mem>>)
    %dma_wait3A_33 = tpu.memref_slice %arg3[%add3A_9] : memref<1000000xi32, #tpu.memory_space<hbm>> -> memref<15616xi32, #tpu.memory_space<hbm>>
    %dma_wait3A_34 = tpu.memref_slice %arg3[%add3A_9] : memref<1000000xi32, #tpu.memory_space<hbm>> -> memref<15616xi32, #tpu.memory_space<hbm>>
    tpu.wait_dma2 semaphore(%arg11 : memref<!tpu.dma_semaphore, #tpu.memory_space<semaphore_mem>>) src(%dma_wait3A_34 : memref<15616xi32, #tpu.memory_space<hbm>>) dst(%arg6 : memref<15616xi32, #tpu.memory_space<vmem>>)
    %dma_start3A_35 = arith.constant 0 : i32
    %dma_start3A_36 = tpu.memref_slice %arg9[%dma_start3A_35] : memref<100000xf32, #tpu.memory_space<vmem_shared>> -> memref<100000xf32, #tpu.memory_space<vmem_shared>>
    tpu.enqueue_indirect_dma source(%dma_start3A_36 : memref<100000xf32, #tpu.memory_space<vmem_shared>>) target(%arg8 : memref<15616xf32, #tpu.memory_space<vmem>>) offsets(%arg6 : memref<15616xi32, #tpu.memory_space<vmem>>) semaphore(%arg13 : memref<!tpu.dma_semaphore, #tpu.memory_space<semaphore_mem>>)
    %dma_wait3A_37 = arith.constant 0 : i32
    %dma_wait3A_38 = tpu.memref_slice %arg9[%dma_wait3A_37] : memref<100000xf32, #tpu.memory_space<vmem_shared>> -> memref<100000xf32, #tpu.memory_space<vmem_shared>>
    tpu.wait_indirect_dma semaphore(%arg12 : memref<!tpu.dma_semaphore, #tpu.memory_space<semaphore_mem>>) src(%dma_wait3A_38 : memref<100000xf32, #tpu.memory_space<vmem_shared>>) dst(%arg7 : memref<15616xf32, #tpu.memory_space<vmem>>)
    %mul3A_39 = arith.constant 15616 : i32
    %mul3A_40 = arith.muli %add3A, %mul3A_39 : i32
    %add3A_41 = arith.constant 0 : i32
    %add3A_42 = arith.addi %add3A_41, %mul3A_40 : i32
    %dma_start3A_43 = tpu.memref_slice %arg4[%add3A_42] : memref<1000000xf32, #tpu.memory_space<hbm>> -> memref<15616xf32, #tpu.memory_space<hbm>>
    %dma_start3A_44 = tpu.memref_slice %arg4[%add3A_42] : memref<1000000xf32, #tpu.memory_space<hbm>> -> memref<15616xf32, #tpu.memory_space<hbm>>
    tpu.enqueue_dma source(%arg7 : memref<15616xf32, #tpu.memory_space<vmem>>) target(%dma_start3A_44 : memref<15616xf32, #tpu.memory_space<hbm>>) target_semaphore(%arg14 : memref<!tpu.dma_semaphore, #tpu.memory_space<semaphore_mem>>)
    %dma_wait3A_45 = arith.constant 0 : i32
    %dma_wait3A_46 = tpu.memref_slice %arg9[%dma_wait3A_45] : memref<100000xf32, #tpu.memory_space<vmem_shared>> -> memref<100000xf32, #tpu.memory_space<vmem_shared>>
    tpu.wait_indirect_dma semaphore(%arg13 : memref<!tpu.dma_semaphore, #tpu.memory_space<semaphore_mem>>) src(%dma_wait3A_46 : memref<100000xf32, #tpu.memory_space<vmem_shared>>) dst(%arg8 : memref<15616xf32, #tpu.memory_space<vmem>>)
    %dma_wait3A_47 = tpu.memref_slice %arg4[%add3A_42] : memref<1000000xf32, #tpu.memory_space<hbm>> -> memref<15616xf32, #tpu.memory_space<hbm>>
    %dma_wait3A_48 = tpu.memref_slice %arg4[%add3A_42] : memref<1000000xf32, #tpu.memory_space<hbm>> -> memref<15616xf32, #tpu.memory_space<hbm>>
    tpu.wait_dma2 semaphore(%arg14 : memref<!tpu.dma_semaphore, #tpu.memory_space<semaphore_mem>>) src(%arg7 : memref<15616xf32, #tpu.memory_space<vmem>>) dst(%dma_wait3A_48 : memref<15616xf32, #tpu.memory_space<hbm>>)
    %mul3A_49 = arith.constant 15616 : i32
    %mul3A_50 = arith.muli %add3A, %mul3A_49 : i32
    %add3A_51 = arith.constant 499712 : i32
    %add3A_52 = arith.addi %add3A_51, %mul3A_50 : i32
    "tpu.region"() ({
      %run_scoped3A = tpu.sem_alloc : memref<!tpu.dma_semaphore, #tpu.memory_space<semaphore_mem>>
      %dma_start3A_57 = tpu.memref_slice %arg4[%add3A_52] : memref<1000000xf32, #tpu.memory_space<hbm>> -> memref<15616xf32, #tpu.memory_space<hbm>>
      %dma_start3A_58 = tpu.memref_slice %arg4[%add3A_52] : memref<1000000xf32, #tpu.memory_space<hbm>> -> memref<15616xf32, #tpu.memory_space<hbm>>
      tpu.enqueue_dma source(%arg8 : memref<15616xf32, #tpu.memory_space<vmem>>) target(%dma_start3A_58 : memref<15616xf32, #tpu.memory_space<hbm>>) target_semaphore(%run_scoped3A : memref<!tpu.dma_semaphore, #tpu.memory_space<semaphore_mem>>)
      %dma_wait3A_59 = tpu.memref_slice %arg4[%add3A_52] : memref<1000000xf32, #tpu.memory_space<hbm>> -> memref<15616xf32, #tpu.memory_space<hbm>>
      %dma_wait3A_60 = tpu.memref_slice %arg4[%add3A_52] : memref<1000000xf32, #tpu.memory_space<hbm>> -> memref<15616xf32, #tpu.memory_space<hbm>>
      tpu.wait_dma2 semaphore(%run_scoped3A : memref<!tpu.dma_semaphore, #tpu.memory_space<semaphore_mem>>) src(%arg8 : memref<15616xf32, #tpu.memory_space<vmem>>) dst(%dma_wait3A_60 : memref<15616xf32, #tpu.memory_space<hbm>>)
      tpu.yield
    }) : () -> ()
    %lt3A = arith.constant 18 : i32
    %lt3A_53 = arith.cmpi slt, %add3A, %lt3A : i32
    %convert_element_type3A_54 = arith.extui %lt3A_53 : i1 to i32
    %cond3A_55 = arith.constant 0 : i32
    %cond3A_56 = arith.cmpi ne, %convert_element_type3A_54, %cond3A_55 : i32
    scf.if %cond3A_56 {
      %mul3A_57 = arith.constant 32 : i32
      %mul3A_58 = arith.muli %add3A, %mul3A_57 : i32
      %add3A_59 = arith.constant 999424 : i32
      %add3A_60 = arith.addi %add3A_59, %mul3A_58 : i32
      "tpu.region"() ({
        %run_scoped3A = tpu.sem_alloc : memref<!tpu.dma_semaphore, #tpu.memory_space<semaphore_mem>>
        %dma_start3A_73 = arith.constant 0 : i32
        %dma_start3A_74 = tpu.memref_slice %arg5[%dma_start3A_73] : memref<15616xi32, #tpu.memory_space<vmem>> -> memref<32xi32, #tpu.memory_space<vmem>>
        %dma_start3A_75 = tpu.memref_slice %arg3[%add3A_60] : memref<1000000xi32, #tpu.memory_space<hbm>> -> memref<32xi32, #tpu.memory_space<hbm>>
        %dma_start3A_76 = arith.constant 0 : i32
        %dma_start3A_77 = tpu.memref_slice %arg5[%dma_start3A_76] : memref<15616xi32, #tpu.memory_space<vmem>> -> memref<32xi32, #tpu.memory_space<vmem>>
        %dma_start3A_78 = tpu.memref_slice %arg3[%add3A_60] : memref<1000000xi32, #tpu.memory_space<hbm>> -> memref<32xi32, #tpu.memory_space<hbm>>
        tpu.enqueue_dma source(%dma_start3A_78 : memref<32xi32, #tpu.memory_space<hbm>>) target(%dma_start3A_77 : memref<32xi32, #tpu.memory_space<vmem>>) target_semaphore(%run_scoped3A : memref<!tpu.dma_semaphore, #tpu.memory_space<semaphore_mem>>)
        %dma_wait3A_79 = arith.constant 0 : i32
        %dma_wait3A_80 = tpu.memref_slice %arg5[%dma_wait3A_79] : memref<15616xi32, #tpu.memory_space<vmem>> -> memref<32xi32, #tpu.memory_space<vmem>>
        %dma_wait3A_81 = tpu.memref_slice %arg3[%add3A_60] : memref<1000000xi32, #tpu.memory_space<hbm>> -> memref<32xi32, #tpu.memory_space<hbm>>
        %dma_wait3A_82 = arith.constant 0 : i32
        %dma_wait3A_83 = tpu.memref_slice %arg5[%dma_wait3A_82] : memref<15616xi32, #tpu.memory_space<vmem>> -> memref<32xi32, #tpu.memory_space<vmem>>
        %dma_wait3A_84 = tpu.memref_slice %arg3[%add3A_60] : memref<1000000xi32, #tpu.memory_space<hbm>> -> memref<32xi32, #tpu.memory_space<hbm>>
        tpu.wait_dma2 semaphore(%run_scoped3A : memref<!tpu.dma_semaphore, #tpu.memory_space<semaphore_mem>>) src(%dma_wait3A_84 : memref<32xi32, #tpu.memory_space<hbm>>) dst(%dma_wait3A_83 : memref<32xi32, #tpu.memory_space<vmem>>)
        tpu.yield
      }) : () -> ()
      %dma_start3A_61 = arith.constant 0 : i32
      %dma_start3A_62 = tpu.memref_slice %arg7[%dma_start3A_61] : memref<15616xf32, #tpu.memory_space<vmem>> -> memref<32xf32, #tpu.memory_space<vmem>>
      %dma_start3A_63 = arith.constant 0 : i32
      %dma_start3A_64 = tpu.memref_slice %arg5[%dma_start3A_63] : memref<15616xi32, #tpu.memory_space<vmem>> -> memref<32xi32, #tpu.memory_space<vmem>>
      %dma_start3A_65 = arith.constant 0 : i32
      %dma_start3A_66 = tpu.memref_slice %arg9[%dma_start3A_65] : memref<100000xf32, #tpu.memory_space<vmem_shared>> -> memref<100000xf32, #tpu.memory_space<vmem_shared>>
      tpu.enqueue_indirect_dma source(%dma_start3A_66 : memref<100000xf32, #tpu.memory_space<vmem_shared>>) target(%dma_start3A_62 : memref<32xf32, #tpu.memory_space<vmem>>) offsets(%dma_start3A_64 : memref<32xi32, #tpu.memory_space<vmem>>) semaphore(%arg12 : memref<!tpu.dma_semaphore, #tpu.memory_space<semaphore_mem>>)
      %dma_wait3A_67 = arith.constant 0 : i32
      %dma_wait3A_68 = tpu.memref_slice %arg7[%dma_wait3A_67] : memref<15616xf32, #tpu.memory_space<vmem>> -> memref<32xf32, #tpu.memory_space<vmem>>
      %dma_wait3A_69 = arith.constant 0 : i32
      %dma_wait3A_70 = tpu.memref_slice %arg5[%dma_wait3A_69] : memref<15616xi32, #tpu.memory_space<vmem>> -> memref<32xi32, #tpu.memory_space<vmem>>
      %dma_wait3A_71 = arith.constant 0 : i32
      %dma_wait3A_72 = tpu.memref_slice %arg9[%dma_wait3A_71] : memref<100000xf32, #tpu.memory_space<vmem_shared>> -> memref<100000xf32, #tpu.memory_space<vmem_shared>>
      tpu.wait_indirect_dma semaphore(%arg12 : memref<!tpu.dma_semaphore, #tpu.memory_space<semaphore_mem>>) src(%dma_wait3A_72 : memref<100000xf32, #tpu.memory_space<vmem_shared>>) dst(%dma_wait3A_68 : memref<32xf32, #tpu.memory_space<vmem>>)
      "tpu.region"() ({
        %run_scoped3A = tpu.sem_alloc : memref<!tpu.dma_semaphore, #tpu.memory_space<semaphore_mem>>
        %dma_start3A_73 = arith.constant 0 : i32
        %dma_start3A_74 = tpu.memref_slice %arg7[%dma_start3A_73] : memref<15616xf32, #tpu.memory_space<vmem>> -> memref<32xf32, #tpu.memory_space<vmem>>
        %dma_start3A_75 = tpu.memref_slice %arg4[%add3A_60] : memref<1000000xf32, #tpu.memory_space<hbm>> -> memref<32xf32, #tpu.memory_space<hbm>>
        %dma_start3A_76 = tpu.memref_slice %arg4[%add3A_60] : memref<1000000xf32, #tpu.memory_space<hbm>> -> memref<32xf32, #tpu.memory_space<hbm>>
        %dma_start3A_77 = arith.constant 0 : i32
        %dma_start3A_78 = tpu.memref_slice %arg7[%dma_start3A_77] : memref<15616xf32, #tpu.memory_space<vmem>> -> memref<32xf32, #tpu.memory_space<vmem>>
        tpu.enqueue_dma source(%dma_start3A_78 : memref<32xf32, #tpu.memory_space<vmem>>) target(%dma_start3A_76 : memref<32xf32, #tpu.memory_space<hbm>>) target_semaphore(%run_scoped3A : memref<!tpu.dma_semaphore, #tpu.memory_space<semaphore_mem>>)
        %dma_wait3A_79 = arith.constant 0 : i32
        %dma_wait3A_80 = tpu.memref_slice %arg7[%dma_wait3A_79] : memref<15616xf32, #tpu.memory_space<vmem>> -> memref<32xf32, #tpu.memory_space<vmem>>
        %dma_wait3A_81 = tpu.memref_slice %arg4[%add3A_60] : memref<1000000xf32, #tpu.memory_space<hbm>> -> memref<32xf32, #tpu.memory_space<hbm>>
        %dma_wait3A_82 = tpu.memref_slice %arg4[%add3A_60] : memref<1000000xf32, #tpu.memory_space<hbm>> -> memref<32xf32, #tpu.memory_space<hbm>>
        %dma_wait3A_83 = arith.constant 0 : i32
        %dma_wait3A_84 = tpu.memref_slice %arg7[%dma_wait3A_83] : memref<15616xf32, #tpu.memory_space<vmem>> -> memref<32xf32, #tpu.memory_space<vmem>>
        tpu.wait_dma2 semaphore(%run_scoped3A : memref<!tpu.dma_semaphore, #tpu.memory_space<semaphore_mem>>) src(%dma_wait3A_84 : memref<32xf32, #tpu.memory_space<vmem>>) dst(%dma_wait3A_82 : memref<32xf32, #tpu.memory_space<hbm>>)
        tpu.yield
      }) : () -> ()
    } else {
    }
    return
  }
}

#map = affine_map<(d0, d1) -> (0, 0)>
#map1 = affine_map<(d0, d1) -> (0)>
module attributes {stable_mosaic.version = 14 : i64} {
  func.func @_rewritten_body(%arg0: i32, %arg1: i32, %arg2: memref<10x100000xf32, #tpu.memory_space<hbm>>, %arg3: memref<1000000xf32, #tpu.memory_space<hbm>>, %arg4: memref<1000000xi32, #tpu.memory_space<hbm>>, %arg5: memref<1000000xi32, #tpu.memory_space<hbm>>, %arg6: memref<1xi32, #tpu.memory_space<hbm>>, %arg7: memref<1xi32, #tpu.memory_space<hbm>>, %arg8: memref<1xi32, #tpu.memory_space<hbm>>, %arg9: memref<1xi32, #tpu.memory_space<hbm>>, %arg10: memref<1xi32, #tpu.memory_space<hbm>>, %arg11: memref<1xi32, #tpu.memory_space<hbm>>, %arg12: memref<1xi32, #tpu.memory_space<hbm>>, %arg13: memref<1xi32, #tpu.memory_space<hbm>>, %arg14: memref<1xi32, #tpu.memory_space<hbm>>, %arg15: memref<1xi32, #tpu.memory_space<hbm>>, %arg16: memref<1x1000000xf32, #tpu.memory_space<hbm>>, %arg17: memref<7808xi32, #tpu.memory_space<vmem>>, %arg18: memref<7808xi32, #tpu.memory_space<vmem>>, %arg19: memref<7808xi32, #tpu.memory_space<vmem>>, %arg20: memref<7808xi32, #tpu.memory_space<vmem>>, %arg21: memref<7808xf32, #tpu.memory_space<vmem>>, %arg22: memref<7808xf32, #tpu.memory_space<vmem>>, %arg23: memref<7808xf32, #tpu.memory_space<vmem>>, %arg24: memref<7808xf32, #tpu.memory_space<vmem>>, %arg25: memref<1000000xf32, #tpu.memory_space<vmem_shared>>, %arg26: memref<!tpu.dma_semaphore, #tpu.memory_space<semaphore_mem>>, %arg27: memref<!tpu.dma_semaphore, #tpu.memory_space<semaphore_mem>>, %arg28: memref<!tpu.dma_semaphore, #tpu.memory_space<semaphore_mem>>, %arg29: memref<!tpu.dma_semaphore, #tpu.memory_space<semaphore_mem>>, %arg30: memref<!tpu.dma_semaphore, #tpu.memory_space<semaphore_mem>>, %arg31: memref<!tpu.dma_semaphore, #tpu.memory_space<semaphore_mem>>, %arg32: memref<!tpu.dma_semaphore, #tpu.memory_space<semaphore_mem>>, %arg33: memref<!tpu.dma_semaphore, #tpu.memory_space<semaphore_mem>>) attributes {dimension_semantics = [#tpu.dimension_semantics<core_parallel>, #tpu.dimension_semantics<subcore_parallel>], iteration_bounds = array<i64: 2, 16>, scalar_prefetch = 0 : i64, scratch_operands = 17 : i64, tpu.core_type = #tpu.core_type<sc_vector_subcore>, window_params = [{transform_indices = #map}, {transform_indices = #map1}, {transform_indices = #map1}, {transform_indices = #map1}, {transform_indices = #map1}, {transform_indices = #map1}, {transform_indices = #map1}, {transform_indices = #map1}, {transform_indices = #map1}, {transform_indices = #map1}, {transform_indices = #map1}, {transform_indices = #map1}, {transform_indices = #map1}, {transform_indices = #map1}, {transform_indices = #map}]} {
    %empty_ref3A = memref.alloca() : memref<16xi32, #tpu.memory_space<vmem>>
    %empty_ref3A_0 = memref.alloca() : memref<16xi32, #tpu.memory_space<vmem>>
    %empty_ref3A_1 = memref.alloca() : memref<16xi32, #tpu.memory_space<vmem>>
    %empty_ref3A_2 = memref.alloca() : memref<16xi32, #tpu.memory_space<vmem>>
    %empty_ref3A_3 = memref.alloca() : memref<16xi32, #tpu.memory_space<vmem>>
    %empty_ref3A_4 = memref.alloca() : memref<16xi32, #tpu.memory_space<vmem>>
    %empty_ref3A_5 = memref.alloca() : memref<16xi32, #tpu.memory_space<vmem>>
    %empty_ref3A_6 = memref.alloca() : memref<16xi32, #tpu.memory_space<vmem>>
    %empty_ref3A_7 = memref.alloca() : memref<16xi32, #tpu.memory_space<vmem>>
    %empty_ref3A_8 = memref.alloca() : memref<16xi32, #tpu.memory_space<vmem>>
    "tpu.region"() ({
      %run_scoped3A_535 = tpu.sem_alloc : memref<!tpu.dma_semaphore, #tpu.memory_space<semaphore_mem>>
      %dma_start3A_536 = arith.constant 0 : i32
      %dma_start3A_537 = tpu.memref_slice %empty_ref3A[%dma_start3A_536] : memref<16xi32, #tpu.memory_space<vmem>> -> memref<1xi32, #tpu.memory_space<vmem>>
      %dma_start3A_538 = arith.constant 0 : i32
      %dma_start3A_539 = tpu.memref_slice %empty_ref3A[%dma_start3A_538] : memref<16xi32, #tpu.memory_space<vmem>> -> memref<1xi32, #tpu.memory_space<vmem>>
      tpu.enqueue_dma source(%arg6 : memref<1xi32, #tpu.memory_space<hbm>>) target(%dma_start3A_539 : memref<1xi32, #tpu.memory_space<vmem>>) target_semaphore(%run_scoped3A_535 : memref<!tpu.dma_semaphore, #tpu.memory_space<semaphore_mem>>)
      %dma_start3A_540 = arith.constant 0 : i32
      %dma_start3A_541 = tpu.memref_slice %empty_ref3A_0[%dma_start3A_540] : memref<16xi32, #tpu.memory_space<vmem>> -> memref<1xi32, #tpu.memory_space<vmem>>
      %dma_start3A_542 = arith.constant 0 : i32
      %dma_start3A_543 = tpu.memref_slice %empty_ref3A_0[%dma_start3A_542] : memref<16xi32, #tpu.memory_space<vmem>> -> memref<1xi32, #tpu.memory_space<vmem>>
      tpu.enqueue_dma source(%arg7 : memref<1xi32, #tpu.memory_space<hbm>>) target(%dma_start3A_543 : memref<1xi32, #tpu.memory_space<vmem>>) target_semaphore(%run_scoped3A_535 : memref<!tpu.dma_semaphore, #tpu.memory_space<semaphore_mem>>)
      %dma_start3A_544 = arith.constant 0 : i32
      %dma_start3A_545 = tpu.memref_slice %empty_ref3A_1[%dma_start3A_544] : memref<16xi32, #tpu.memory_space<vmem>> -> memref<1xi32, #tpu.memory_space<vmem>>
      %dma_start3A_546 = arith.constant 0 : i32
      %dma_start3A_547 = tpu.memref_slice %empty_ref3A_1[%dma_start3A_546] : memref<16xi32, #tpu.memory_space<vmem>> -> memref<1xi32, #tpu.memory_space<vmem>>
      tpu.enqueue_dma source(%arg8 : memref<1xi32, #tpu.memory_space<hbm>>) target(%dma_start3A_547 : memref<1xi32, #tpu.memory_space<vmem>>) target_semaphore(%run_scoped3A_535 : memref<!tpu.dma_semaphore, #tpu.memory_space<semaphore_mem>>)
      %dma_start3A_548 = arith.constant 0 : i32
      %dma_start3A_549 = tpu.memref_slice %empty_ref3A_2[%dma_start3A_548] : memref<16xi32, #tpu.memory_space<vmem>> -> memref<1xi32, #tpu.memory_space<vmem>>
      %dma_start3A_550 = arith.constant 0 : i32
      %dma_start3A_551 = tpu.memref_slice %empty_ref3A_2[%dma_start3A_550] : memref<16xi32, #tpu.memory_space<vmem>> -> memref<1xi32, #tpu.memory_space<vmem>>
      tpu.enqueue_dma source(%arg9 : memref<1xi32, #tpu.memory_space<hbm>>) target(%dma_start3A_551 : memref<1xi32, #tpu.memory_space<vmem>>) target_semaphore(%run_scoped3A_535 : memref<!tpu.dma_semaphore, #tpu.memory_space<semaphore_mem>>)
      %dma_start3A_552 = arith.constant 0 : i32
      %dma_start3A_553 = tpu.memref_slice %empty_ref3A_3[%dma_start3A_552] : memref<16xi32, #tpu.memory_space<vmem>> -> memref<1xi32, #tpu.memory_space<vmem>>
      %dma_start3A_554 = arith.constant 0 : i32
      %dma_start3A_555 = tpu.memref_slice %empty_ref3A_3[%dma_start3A_554] : memref<16xi32, #tpu.memory_space<vmem>> -> memref<1xi32, #tpu.memory_space<vmem>>
      tpu.enqueue_dma source(%arg10 : memref<1xi32, #tpu.memory_space<hbm>>) target(%dma_start3A_555 : memref<1xi32, #tpu.memory_space<vmem>>) target_semaphore(%run_scoped3A_535 : memref<!tpu.dma_semaphore, #tpu.memory_space<semaphore_mem>>)
      %dma_start3A_556 = arith.constant 0 : i32
      %dma_start3A_557 = tpu.memref_slice %empty_ref3A_4[%dma_start3A_556] : memref<16xi32, #tpu.memory_space<vmem>> -> memref<1xi32, #tpu.memory_space<vmem>>
      %dma_start3A_558 = arith.constant 0 : i32
      %dma_start3A_559 = tpu.memref_slice %empty_ref3A_4[%dma_start3A_558] : memref<16xi32, #tpu.memory_space<vmem>> -> memref<1xi32, #tpu.memory_space<vmem>>
      tpu.enqueue_dma source(%arg11 : memref<1xi32, #tpu.memory_space<hbm>>) target(%dma_start3A_559 : memref<1xi32, #tpu.memory_space<vmem>>) target_semaphore(%run_scoped3A_535 : memref<!tpu.dma_semaphore, #tpu.memory_space<semaphore_mem>>)
      %dma_start3A_560 = arith.constant 0 : i32
      %dma_start3A_561 = tpu.memref_slice %empty_ref3A_5[%dma_start3A_560] : memref<16xi32, #tpu.memory_space<vmem>> -> memref<1xi32, #tpu.memory_space<vmem>>
      %dma_start3A_562 = arith.constant 0 : i32
      %dma_start3A_563 = tpu.memref_slice %empty_ref3A_5[%dma_start3A_562] : memref<16xi32, #tpu.memory_space<vmem>> -> memref<1xi32, #tpu.memory_space<vmem>>
      tpu.enqueue_dma source(%arg12 : memref<1xi32, #tpu.memory_space<hbm>>) target(%dma_start3A_563 : memref<1xi32, #tpu.memory_space<vmem>>) target_semaphore(%run_scoped3A_535 : memref<!tpu.dma_semaphore, #tpu.memory_space<semaphore_mem>>)
      %dma_start3A_564 = arith.constant 0 : i32
      %dma_start3A_565 = tpu.memref_slice %empty_ref3A_6[%dma_start3A_564] : memref<16xi32, #tpu.memory_space<vmem>> -> memref<1xi32, #tpu.memory_space<vmem>>
      %dma_start3A_566 = arith.constant 0 : i32
      %dma_start3A_567 = tpu.memref_slice %empty_ref3A_6[%dma_start3A_566] : memref<16xi32, #tpu.memory_space<vmem>> -> memref<1xi32, #tpu.memory_space<vmem>>
      tpu.enqueue_dma source(%arg13 : memref<1xi32, #tpu.memory_space<hbm>>) target(%dma_start3A_567 : memref<1xi32, #tpu.memory_space<vmem>>) target_semaphore(%run_scoped3A_535 : memref<!tpu.dma_semaphore, #tpu.memory_space<semaphore_mem>>)
      %dma_start3A_568 = arith.constant 0 : i32
      %dma_start3A_569 = tpu.memref_slice %empty_ref3A_7[%dma_start3A_568] : memref<16xi32, #tpu.memory_space<vmem>> -> memref<1xi32, #tpu.memory_space<vmem>>
      %dma_start3A_570 = arith.constant 0 : i32
      %dma_start3A_571 = tpu.memref_slice %empty_ref3A_7[%dma_start3A_570] : memref<16xi32, #tpu.memory_space<vmem>> -> memref<1xi32, #tpu.memory_space<vmem>>
      tpu.enqueue_dma source(%arg14 : memref<1xi32, #tpu.memory_space<hbm>>) target(%dma_start3A_571 : memref<1xi32, #tpu.memory_space<vmem>>) target_semaphore(%run_scoped3A_535 : memref<!tpu.dma_semaphore, #tpu.memory_space<semaphore_mem>>)
      %dma_start3A_572 = arith.constant 0 : i32
      %dma_start3A_573 = tpu.memref_slice %empty_ref3A_8[%dma_start3A_572] : memref<16xi32, #tpu.memory_space<vmem>> -> memref<1xi32, #tpu.memory_space<vmem>>
      %dma_start3A_574 = arith.constant 0 : i32
      %dma_start3A_575 = tpu.memref_slice %empty_ref3A_8[%dma_start3A_574] : memref<16xi32, #tpu.memory_space<vmem>> -> memref<1xi32, #tpu.memory_space<vmem>>
      tpu.enqueue_dma source(%arg15 : memref<1xi32, #tpu.memory_space<hbm>>) target(%dma_start3A_575 : memref<1xi32, #tpu.memory_space<vmem>>) target_semaphore(%run_scoped3A_535 : memref<!tpu.dma_semaphore, #tpu.memory_space<semaphore_mem>>)
      %dma_wait3A_576 = arith.constant 0 : i32
      %dma_wait3A_577 = tpu.memref_slice %empty_ref3A[%dma_wait3A_576] : memref<16xi32, #tpu.memory_space<vmem>> -> memref<1xi32, #tpu.memory_space<vmem>>
      %dma_wait3A_578 = arith.constant 0 : i32
      %dma_wait3A_579 = tpu.memref_slice %empty_ref3A[%dma_wait3A_578] : memref<16xi32, #tpu.memory_space<vmem>> -> memref<1xi32, #tpu.memory_space<vmem>>
      tpu.wait_dma2 semaphore(%run_scoped3A_535 : memref<!tpu.dma_semaphore, #tpu.memory_space<semaphore_mem>>) src(%arg6 : memref<1xi32, #tpu.memory_space<hbm>>) dst(%dma_wait3A_579 : memref<1xi32, #tpu.memory_space<vmem>>)
      %dma_wait3A_580 = arith.constant 0 : i32
      %dma_wait3A_581 = tpu.memref_slice %empty_ref3A_0[%dma_wait3A_580] : memref<16xi32, #tpu.memory_space<vmem>> -> memref<1xi32, #tpu.memory_space<vmem>>
      %dma_wait3A_582 = arith.constant 0 : i32
      %dma_wait3A_583 = tpu.memref_slice %empty_ref3A_0[%dma_wait3A_582] : memref<16xi32, #tpu.memory_space<vmem>> -> memref<1xi32, #tpu.memory_space<vmem>>
      tpu.wait_dma2 semaphore(%run_scoped3A_535 : memref<!tpu.dma_semaphore, #tpu.memory_space<semaphore_mem>>) src(%arg7 : memref<1xi32, #tpu.memory_space<hbm>>) dst(%dma_wait3A_583 : memref<1xi32, #tpu.memory_space<vmem>>)
      %dma_wait3A_584 = arith.constant 0 : i32
      %dma_wait3A_585 = tpu.memref_slice %empty_ref3A_1[%dma_wait3A_584] : memref<16xi32, #tpu.memory_space<vmem>> -> memref<1xi32, #tpu.memory_space<vmem>>
      %dma_wait3A_586 = arith.constant 0 : i32
      %dma_wait3A_587 = tpu.memref_slice %empty_ref3A_1[%dma_wait3A_586] : memref<16xi32, #tpu.memory_space<vmem>> -> memref<1xi32, #tpu.memory_space<vmem>>
      tpu.wait_dma2 semaphore(%run_scoped3A_535 : memref<!tpu.dma_semaphore, #tpu.memory_space<semaphore_mem>>) src(%arg8 : memref<1xi32, #tpu.memory_space<hbm>>) dst(%dma_wait3A_587 : memref<1xi32, #tpu.memory_space<vmem>>)
      %dma_wait3A_588 = arith.constant 0 : i32
      %dma_wait3A_589 = tpu.memref_slice %empty_ref3A_2[%dma_wait3A_588] : memref<16xi32, #tpu.memory_space<vmem>> -> memref<1xi32, #tpu.memory_space<vmem>>
      %dma_wait3A_590 = arith.constant 0 : i32
      %dma_wait3A_591 = tpu.memref_slice %empty_ref3A_2[%dma_wait3A_590] : memref<16xi32, #tpu.memory_space<vmem>> -> memref<1xi32, #tpu.memory_space<vmem>>
      tpu.wait_dma2 semaphore(%run_scoped3A_535 : memref<!tpu.dma_semaphore, #tpu.memory_space<semaphore_mem>>) src(%arg9 : memref<1xi32, #tpu.memory_space<hbm>>) dst(%dma_wait3A_591 : memref<1xi32, #tpu.memory_space<vmem>>)
      %dma_wait3A_592 = arith.constant 0 : i32
      %dma_wait3A_593 = tpu.memref_slice %empty_ref3A_3[%dma_wait3A_592] : memref<16xi32, #tpu.memory_space<vmem>> -> memref<1xi32, #tpu.memory_space<vmem>>
      %dma_wait3A_594 = arith.constant 0 : i32
      %dma_wait3A_595 = tpu.memref_slice %empty_ref3A_3[%dma_wait3A_594] : memref<16xi32, #tpu.memory_space<vmem>> -> memref<1xi32, #tpu.memory_space<vmem>>
      tpu.wait_dma2 semaphore(%run_scoped3A_535 : memref<!tpu.dma_semaphore, #tpu.memory_space<semaphore_mem>>) src(%arg10 : memref<1xi32, #tpu.memory_space<hbm>>) dst(%dma_wait3A_595 : memref<1xi32, #tpu.memory_space<vmem>>)
      %dma_wait3A_596 = arith.constant 0 : i32
      %dma_wait3A_597 = tpu.memref_slice %empty_ref3A_4[%dma_wait3A_596] : memref<16xi32, #tpu.memory_space<vmem>> -> memref<1xi32, #tpu.memory_space<vmem>>
      %dma_wait3A_598 = arith.constant 0 : i32
      %dma_wait3A_599 = tpu.memref_slice %empty_ref3A_4[%dma_wait3A_598] : memref<16xi32, #tpu.memory_space<vmem>> -> memref<1xi32, #tpu.memory_space<vmem>>
      tpu.wait_dma2 semaphore(%run_scoped3A_535 : memref<!tpu.dma_semaphore, #tpu.memory_space<semaphore_mem>>) src(%arg11 : memref<1xi32, #tpu.memory_space<hbm>>) dst(%dma_wait3A_599 : memref<1xi32, #tpu.memory_space<vmem>>)
      %dma_wait3A_600 = arith.constant 0 : i32
      %dma_wait3A_601 = tpu.memref_slice %empty_ref3A_5[%dma_wait3A_600] : memref<16xi32, #tpu.memory_space<vmem>> -> memref<1xi32, #tpu.memory_space<vmem>>
      %dma_wait3A_602 = arith.constant 0 : i32
      %dma_wait3A_603 = tpu.memref_slice %empty_ref3A_5[%dma_wait3A_602] : memref<16xi32, #tpu.memory_space<vmem>> -> memref<1xi32, #tpu.memory_space<vmem>>
      tpu.wait_dma2 semaphore(%run_scoped3A_535 : memref<!tpu.dma_semaphore, #tpu.memory_space<semaphore_mem>>) src(%arg12 : memref<1xi32, #tpu.memory_space<hbm>>) dst(%dma_wait3A_603 : memref<1xi32, #tpu.memory_space<vmem>>)
      %dma_wait3A_604 = arith.constant 0 : i32
      %dma_wait3A_605 = tpu.memref_slice %empty_ref3A_6[%dma_wait3A_604] : memref<16xi32, #tpu.memory_space<vmem>> -> memref<1xi32, #tpu.memory_space<vmem>>
      %dma_wait3A_606 = arith.constant 0 : i32
      %dma_wait3A_607 = tpu.memref_slice %empty_ref3A_6[%dma_wait3A_606] : memref<16xi32, #tpu.memory_space<vmem>> -> memref<1xi32, #tpu.memory_space<vmem>>
      tpu.wait_dma2 semaphore(%run_scoped3A_535 : memref<!tpu.dma_semaphore, #tpu.memory_space<semaphore_mem>>) src(%arg13 : memref<1xi32, #tpu.memory_space<hbm>>) dst(%dma_wait3A_607 : memref<1xi32, #tpu.memory_space<vmem>>)
      %dma_wait3A_608 = arith.constant 0 : i32
      %dma_wait3A_609 = tpu.memref_slice %empty_ref3A_7[%dma_wait3A_608] : memref<16xi32, #tpu.memory_space<vmem>> -> memref<1xi32, #tpu.memory_space<vmem>>
      %dma_wait3A_610 = arith.constant 0 : i32
      %dma_wait3A_611 = tpu.memref_slice %empty_ref3A_7[%dma_wait3A_610] : memref<16xi32, #tpu.memory_space<vmem>> -> memref<1xi32, #tpu.memory_space<vmem>>
      tpu.wait_dma2 semaphore(%run_scoped3A_535 : memref<!tpu.dma_semaphore, #tpu.memory_space<semaphore_mem>>) src(%arg14 : memref<1xi32, #tpu.memory_space<hbm>>) dst(%dma_wait3A_611 : memref<1xi32, #tpu.memory_space<vmem>>)
      %dma_wait3A_612 = arith.constant 0 : i32
      %dma_wait3A_613 = tpu.memref_slice %empty_ref3A_8[%dma_wait3A_612] : memref<16xi32, #tpu.memory_space<vmem>> -> memref<1xi32, #tpu.memory_space<vmem>>
      %dma_wait3A_614 = arith.constant 0 : i32
      %dma_wait3A_615 = tpu.memref_slice %empty_ref3A_8[%dma_wait3A_614] : memref<16xi32, #tpu.memory_space<vmem>> -> memref<1xi32, #tpu.memory_space<vmem>>
      tpu.wait_dma2 semaphore(%run_scoped3A_535 : memref<!tpu.dma_semaphore, #tpu.memory_space<semaphore_mem>>) src(%arg15 : memref<1xi32, #tpu.memory_space<hbm>>) dst(%dma_wait3A_615 : memref<1xi32, #tpu.memory_space<vmem>>)
      tpu.yield
    }) : () -> ()
    %get3A = arith.constant 0 : index
    %get3A_9 = tpu.vector_load %empty_ref3A[%get3A] {strides = array<i32>} : memref<16xi32, #tpu.memory_space<vmem>>, vector<16xi32>,
    %get3A_10 = vector.shape_cast %get3A_9 : vector<16xi32> to vector<16xi32>
    %slice3A = vector.extract_strided_slice %get3A_10 {offsets = [0], sizes = [1], strides = [1]} : vector<16xi32> to vector<1xi32>
    %squeeze3A = vector.extract %slice3A[0] : i32 from vector<1xi32>
    %get3A_11 = arith.constant 0 : index
    %get3A_12 = tpu.vector_load %empty_ref3A_0[%get3A_11] {strides = array<i32>} : memref<16xi32, #tpu.memory_space<vmem>>, vector<16xi32>,
    %get3A_13 = vector.shape_cast %get3A_12 : vector<16xi32> to vector<16xi32>
    %slice3A_14 = vector.extract_strided_slice %get3A_13 {offsets = [0], sizes = [1], strides = [1]} : vector<16xi32> to vector<1xi32>
    %squeeze3A_15 = vector.extract %slice3A_14[0] : i32 from vector<1xi32>
    %get3A_16 = arith.constant 0 : index
    %get3A_17 = tpu.vector_load %empty_ref3A_1[%get3A_16] {strides = array<i32>} : memref<16xi32, #tpu.memory_space<vmem>>, vector<16xi32>,
    %get3A_18 = vector.shape_cast %get3A_17 : vector<16xi32> to vector<16xi32>
    %slice3A_19 = vector.extract_strided_slice %get3A_18 {offsets = [0], sizes = [1], strides = [1]} : vector<16xi32> to vector<1xi32>
    %squeeze3A_20 = vector.extract %slice3A_19[0] : i32 from vector<1xi32>
    %get3A_21 = arith.constant 0 : index
    %get3A_22 = tpu.vector_load %empty_ref3A_2[%get3A_21] {strides = array<i32>} : memref<16xi32, #tpu.memory_space<vmem>>, vector<16xi32>,
    %get3A_23 = vector.shape_cast %get3A_22 : vector<16xi32> to vector<16xi32>
    %slice3A_24 = vector.extract_strided_slice %get3A_23 {offsets = [0], sizes = [1], strides = [1]} : vector<16xi32> to vector<1xi32>
    %squeeze3A_25 = vector.extract %slice3A_24[0] : i32 from vector<1xi32>
    %get3A_26 = arith.constant 0 : index
    %get3A_27 = tpu.vector_load %empty_ref3A_3[%get3A_26] {strides = array<i32>} : memref<16xi32, #tpu.memory_space<vmem>>, vector<16xi32>,
    %get3A_28 = vector.shape_cast %get3A_27 : vector<16xi32> to vector<16xi32>
    %slice3A_29 = vector.extract_strided_slice %get3A_28 {offsets = [0], sizes = [1], strides = [1]} : vector<16xi32> to vector<1xi32>
    %squeeze3A_30 = vector.extract %slice3A_29[0] : i32 from vector<1xi32>
    %get3A_31 = arith.constant 0 : index
    %get3A_32 = tpu.vector_load %empty_ref3A_4[%get3A_31] {strides = array<i32>} : memref<16xi32, #tpu.memory_space<vmem>>, vector<16xi32>,
    %get3A_33 = vector.shape_cast %get3A_32 : vector<16xi32> to vector<16xi32>
    %slice3A_34 = vector.extract_strided_slice %get3A_33 {offsets = [0], sizes = [1], strides = [1]} : vector<16xi32> to vector<1xi32>
    %squeeze3A_35 = vector.extract %slice3A_34[0] : i32 from vector<1xi32>
    %get3A_36 = arith.constant 0 : index
    %get3A_37 = tpu.vector_load %empty_ref3A_5[%get3A_36] {strides = array<i32>} : memref<16xi32, #tpu.memory_space<vmem>>, vector<16xi32>,
    %get3A_38 = vector.shape_cast %get3A_37 : vector<16xi32> to vector<16xi32>
    %slice3A_39 = vector.extract_strided_slice %get3A_38 {offsets = [0], sizes = [1], strides = [1]} : vector<16xi32> to vector<1xi32>
    %squeeze3A_40 = vector.extract %slice3A_39[0] : i32 from vector<1xi32>
    %get3A_41 = arith.constant 0 : index
    %get3A_42 = tpu.vector_load %empty_ref3A_6[%get3A_41] {strides = array<i32>} : memref<16xi32, #tpu.memory_space<vmem>>, vector<16xi32>,
    %get3A_43 = vector.shape_cast %get3A_42 : vector<16xi32> to vector<16xi32>
    %slice3A_44 = vector.extract_strided_slice %get3A_43 {offsets = [0], sizes = [1], strides = [1]} : vector<16xi32> to vector<1xi32>
    %squeeze3A_45 = vector.extract %slice3A_44[0] : i32 from vector<1xi32>
    %get3A_46 = arith.constant 0 : index
    %get3A_47 = tpu.vector_load %empty_ref3A_7[%get3A_46] {strides = array<i32>} : memref<16xi32, #tpu.memory_space<vmem>>, vector<16xi32>,
    %get3A_48 = vector.shape_cast %get3A_47 : vector<16xi32> to vector<16xi32>
    %slice3A_49 = vector.extract_strided_slice %get3A_48 {offsets = [0], sizes = [1], strides = [1]} : vector<16xi32> to vector<1xi32>
    %squeeze3A_50 = vector.extract %slice3A_49[0] : i32 from vector<1xi32>
    %get3A_51 = arith.constant 0 : index
    %get3A_52 = tpu.vector_load %empty_ref3A_8[%get3A_51] {strides = array<i32>} : memref<16xi32, #tpu.memory_space<vmem>>, vector<16xi32>,
    %get3A_53 = vector.shape_cast %get3A_52 : vector<16xi32> to vector<16xi32>
    %slice3A_54 = vector.extract_strided_slice %get3A_53 {offsets = [0], sizes = [1], strides = [1]} : vector<16xi32> to vector<1xi32>
    %squeeze3A_55 = vector.extract %slice3A_54[0] : i32 from vector<1xi32>
    %mul3A = arith.constant 2 : i32
    %mul3A_56 = arith.muli %arg1, %mul3A : i32
    %add3A = arith.addi %mul3A_56, %arg0 : i32
    %mul3A_57 = arith.constant 7808 : i32
    %mul3A_58 = arith.muli %add3A, %mul3A_57 : i32
    %add3A_59 = arith.constant 0 : i32
    %add3A_60 = arith.addi %add3A_59, %mul3A_58 : i32
    %dma_start3A = tpu.memref_slice %arg4[%add3A_60] : memref<1000000xi32, #tpu.memory_space<hbm>> -> memref<7808xi32, #tpu.memory_space<hbm>>
    %dma_start3A_61 = tpu.memref_slice %arg4[%add3A_60] : memref<1000000xi32, #tpu.memory_space<hbm>> -> memref<7808xi32, #tpu.memory_space<hbm>>
    tpu.enqueue_dma source(%dma_start3A_61 : memref<7808xi32, #tpu.memory_space<hbm>>) target(%arg17 : memref<7808xi32, #tpu.memory_space<vmem>>) target_semaphore(%arg26 : memref<!tpu.dma_semaphore, #tpu.memory_space<semaphore_mem>>)
    %dma_start3A_62 = tpu.memref_slice %arg5[%add3A_60] : memref<1000000xi32, #tpu.memory_space<hbm>> -> memref<7808xi32, #tpu.memory_space<hbm>>
    %dma_start3A_63 = tpu.memref_slice %arg5[%add3A_60] : memref<1000000xi32, #tpu.memory_space<hbm>> -> memref<7808xi32, #tpu.memory_space<hbm>>
    tpu.enqueue_dma source(%dma_start3A_63 : memref<7808xi32, #tpu.memory_space<hbm>>) target(%arg19 : memref<7808xi32, #tpu.memory_space<vmem>>) target_semaphore(%arg26 : memref<!tpu.dma_semaphore, #tpu.memory_space<semaphore_mem>>)
    %dma_start3A_64 = tpu.memref_slice %arg3[%add3A_60] : memref<1000000xf32, #tpu.memory_space<hbm>> -> memref<7808xf32, #tpu.memory_space<hbm>>
    %dma_start3A_65 = tpu.memref_slice %arg3[%add3A_60] : memref<1000000xf32, #tpu.memory_space<hbm>> -> memref<7808xf32, #tpu.memory_space<hbm>>
    tpu.enqueue_dma source(%dma_start3A_65 : memref<7808xf32, #tpu.memory_space<hbm>>) target(%arg21 : memref<7808xf32, #tpu.memory_space<vmem>>) target_semaphore(%arg26 : memref<!tpu.dma_semaphore, #tpu.memory_space<semaphore_mem>>)
    %mul3A_66 = arith.constant 7808 : i32
    %mul3A_67 = arith.muli %add3A, %mul3A_66 : i32
    %add3A_68 = arith.constant 249856 : i32
    %add3A_69 = arith.addi %add3A_68, %mul3A_67 : i32
    %dma_start3A_70 = tpu.memref_slice %arg4[%add3A_69] : memref<1000000xi32, #tpu.memory_space<hbm>> -> memref<7808xi32, #tpu.memory_space<hbm>>
    %dma_start3A_71 = tpu.memref_slice %arg4[%add3A_69] : memref<1000000xi32, #tpu.memory_space<hbm>> -> memref<7808xi32, #tpu.memory_space<hbm>>
    tpu.enqueue_dma source(%dma_start3A_71 : memref<7808xi32, #tpu.memory_space<hbm>>) target(%arg18 : memref<7808xi32, #tpu.memory_space<vmem>>) target_semaphore(%arg27 : memref<!tpu.dma_semaphore, #tpu.memory_space<semaphore_mem>>)
    %dma_start3A_72 = tpu.memref_slice %arg5[%add3A_69] : memref<1000000xi32, #tpu.memory_space<hbm>> -> memref<7808xi32, #tpu.memory_space<hbm>>
    %dma_start3A_73 = tpu.memref_slice %arg5[%add3A_69] : memref<1000000xi32, #tpu.memory_space<hbm>> -> memref<7808xi32, #tpu.memory_space<hbm>>
    tpu.enqueue_dma source(%dma_start3A_73 : memref<7808xi32, #tpu.memory_space<hbm>>) target(%arg20 : memref<7808xi32, #tpu.memory_space<vmem>>) target_semaphore(%arg27 : memref<!tpu.dma_semaphore, #tpu.memory_space<semaphore_mem>>)
    %dma_start3A_74 = tpu.memref_slice %arg3[%add3A_69] : memref<1000000xf32, #tpu.memory_space<hbm>> -> memref<7808xf32, #tpu.memory_space<hbm>>
    %dma_start3A_75 = tpu.memref_slice %arg3[%add3A_69] : memref<1000000xf32, #tpu.memory_space<hbm>> -> memref<7808xf32, #tpu.memory_space<hbm>>
    tpu.enqueue_dma source(%dma_start3A_75 : memref<7808xf32, #tpu.memory_space<hbm>>) target(%arg22 : memref<7808xf32, #tpu.memory_space<vmem>>) target_semaphore(%arg27 : memref<!tpu.dma_semaphore, #tpu.memory_space<semaphore_mem>>)
    %mul3A_76 = arith.constant 6248 : i32
    %mul3A_77 = arith.muli %arg1, %mul3A_76 : i32
    %mul3A_78 = arith.constant 6248 : i32
    %mul3A_79 = arith.muli %arg1, %mul3A_78 : i32
    %add3A_80 = arith.constant 0 : i32
    %add3A_81 = arith.addi %add3A_80, %mul3A_79 : i32
    %mul3A_82 = arith.constant 6248 : i32
    %mul3A_83 = arith.muli %arg1, %mul3A_82 : i32
    %mul3A_84 = arith.constant 6248 : i32
    %mul3A_85 = arith.muli %arg1, %mul3A_84 : i32
    %add3A_86 = arith.constant 100000 : i32
    %add3A_87 = arith.addi %add3A_86, %mul3A_85 : i32
    %mul3A_88 = arith.constant 6248 : i32
    %mul3A_89 = arith.muli %arg1, %mul3A_88 : i32
    %mul3A_90 = arith.constant 6248 : i32
    %mul3A_91 = arith.muli %arg1, %mul3A_90 : i32
    %add3A_92 = arith.constant 200000 : i32
    %add3A_93 = arith.addi %add3A_92, %mul3A_91 : i32
    %mul3A_94 = arith.constant 6248 : i32
    %mul3A_95 = arith.muli %arg1, %mul3A_94 : i32
    %mul3A_96 = arith.constant 6248 : i32
    %mul3A_97 = arith.muli %arg1, %mul3A_96 : i32
    %add3A_98 = arith.constant 300000 : i32
    %add3A_99 = arith.addi %add3A_98, %mul3A_97 : i32
    %mul3A_100 = arith.constant 6248 : i32
    %mul3A_101 = arith.muli %arg1, %mul3A_100 : i32
    %mul3A_102 = arith.constant 6248 : i32
    %mul3A_103 = arith.muli %arg1, %mul3A_102 : i32
    %add3A_104 = arith.constant 400000 : i32
    %add3A_105 = arith.addi %add3A_104, %mul3A_103 : i32
    %mul3A_106 = arith.constant 6248 : i32
    %mul3A_107 = arith.muli %arg1, %mul3A_106 : i32
    %mul3A_108 = arith.constant 6248 : i32
    %mul3A_109 = arith.muli %arg1, %mul3A_108 : i32
    %add3A_110 = arith.constant 500000 : i32
    %add3A_111 = arith.addi %add3A_110, %mul3A_109 : i32
    %mul3A_112 = arith.constant 6248 : i32
    %mul3A_113 = arith.muli %arg1, %mul3A_112 : i32
    %mul3A_114 = arith.constant 6248 : i32
    %mul3A_115 = arith.muli %arg1, %mul3A_114 : i32
    %add3A_116 = arith.constant 600000 : i32
    %add3A_117 = arith.addi %add3A_116, %mul3A_115 : i32
    %mul3A_118 = arith.constant 6248 : i32
    %mul3A_119 = arith.muli %arg1, %mul3A_118 : i32
    %mul3A_120 = arith.constant 6248 : i32
    %mul3A_121 = arith.muli %arg1, %mul3A_120 : i32
    %add3A_122 = arith.constant 700000 : i32
    %add3A_123 = arith.addi %add3A_122, %mul3A_121 : i32
    %mul3A_124 = arith.constant 6248 : i32
    %mul3A_125 = arith.muli %arg1, %mul3A_124 : i32
    %mul3A_126 = arith.constant 6248 : i32
    %mul3A_127 = arith.muli %arg1, %mul3A_126 : i32
    %add3A_128 = arith.constant 800000 : i32
    %add3A_129 = arith.addi %add3A_128, %mul3A_127 : i32
    %mul3A_130 = arith.constant 6248 : i32
    %mul3A_131 = arith.muli %arg1, %mul3A_130 : i32
    %mul3A_132 = arith.constant 6248 : i32
    %mul3A_133 = arith.muli %arg1, %mul3A_132 : i32
    %add3A_134 = arith.constant 900000 : i32
    %add3A_135 = arith.addi %add3A_134, %mul3A_133 : i32
    %dma_start3A_136 = arith.constant 0 : i32
    %dma_start3A_137 = arith.constant 0 : i32
    %dma_start3A_138 = tpu.memref_slice %arg23[%dma_start3A_137] : memref<7808xf32, #tpu.memory_space<vmem>> -> memref<6248xf32, #tpu.memory_space<vmem>>
    %dma_start3A_139 = tpu.memref_slice %arg2[%dma_start3A_136, %mul3A_77] : memref<10x100000xf32, #tpu.memory_space<hbm>> -> memref<1x6248xf32, #tpu.memory_space<hbm>>
    %dma_start3A_140 = tpu.memref_squeeze %dma_start3A_139 : memref<1x6248xf32, #tpu.memory_space<hbm>> -> memref<6248xf32, #tpu.memory_space<hbm>>
    %dma_start3A_141 = arith.constant 0 : i32
    %dma_start3A_142 = tpu.memref_slice %arg23[%dma_start3A_141] : memref<7808xf32, #tpu.memory_space<vmem>> -> memref<6248xf32, #tpu.memory_space<vmem>>
    %dma_start3A_143 = tpu.memref_slice %arg2[%dma_start3A_136, %mul3A_77] : memref<10x100000xf32, #tpu.memory_space<hbm>> -> memref<1x6248xf32, #tpu.memory_space<hbm>>
    %dma_start3A_144 = tpu.memref_squeeze %dma_start3A_143 : memref<1x6248xf32, #tpu.memory_space<hbm>> -> memref<6248xf32, #tpu.memory_space<hbm>>
    tpu.enqueue_dma source(%dma_start3A_144 : memref<6248xf32, #tpu.memory_space<hbm>>) target(%dma_start3A_142 : memref<6248xf32, #tpu.memory_space<vmem>>) target_semaphore(%arg28 : memref<!tpu.dma_semaphore, #tpu.memory_space<semaphore_mem>>)
    %dma_start3A_145 = arith.constant 1 : i32
    %dma_start3A_146 = arith.constant 0 : i32
    %dma_start3A_147 = tpu.memref_slice %arg24[%dma_start3A_146] : memref<7808xf32, #tpu.memory_space<vmem>> -> memref<6248xf32, #tpu.memory_space<vmem>>
    %dma_start3A_148 = tpu.memref_slice %arg2[%dma_start3A_145, %mul3A_83] : memref<10x100000xf32, #tpu.memory_space<hbm>> -> memref<1x6248xf32, #tpu.memory_space<hbm>>
    %dma_start3A_149 = tpu.memref_squeeze %dma_start3A_148 : memref<1x6248xf32, #tpu.memory_space<hbm>> -> memref<6248xf32, #tpu.memory_space<hbm>>
    %dma_start3A_150 = arith.constant 0 : i32
    %dma_start3A_151 = tpu.memref_slice %arg24[%dma_start3A_150] : memref<7808xf32, #tpu.memory_space<vmem>> -> memref<6248xf32, #tpu.memory_space<vmem>>
    %dma_start3A_152 = tpu.memref_slice %arg2[%dma_start3A_145, %mul3A_83] : memref<10x100000xf32, #tpu.memory_space<hbm>> -> memref<1x6248xf32, #tpu.memory_space<hbm>>
    %dma_start3A_153 = tpu.memref_squeeze %dma_start3A_152 : memref<1x6248xf32, #tpu.memory_space<hbm>> -> memref<6248xf32, #tpu.memory_space<hbm>>
    tpu.enqueue_dma source(%dma_start3A_153 : memref<6248xf32, #tpu.memory_space<hbm>>) target(%dma_start3A_151 : memref<6248xf32, #tpu.memory_space<vmem>>) target_semaphore(%arg29 : memref<!tpu.dma_semaphore, #tpu.memory_space<semaphore_mem>>)
    %dma_wait3A = arith.constant 0 : i32
    %dma_wait3A_154 = arith.constant 0 : i32
    %dma_wait3A_155 = tpu.memref_slice %arg23[%dma_wait3A_154] : memref<7808xf32, #tpu.memory_space<vmem>> -> memref<6248xf32, #tpu.memory_space<vmem>>
    %dma_wait3A_156 = tpu.memref_slice %arg2[%dma_wait3A, %mul3A_77] : memref<10x100000xf32, #tpu.memory_space<hbm>> -> memref<1x6248xf32, #tpu.memory_space<hbm>>
    %dma_wait3A_157 = tpu.memref_squeeze %dma_wait3A_156 : memref<1x6248xf32, #tpu.memory_space<hbm>> -> memref<6248xf32, #tpu.memory_space<hbm>>
    %dma_wait3A_158 = arith.constant 0 : i32
    %dma_wait3A_159 = tpu.memref_slice %arg23[%dma_wait3A_158] : memref<7808xf32, #tpu.memory_space<vmem>> -> memref<6248xf32, #tpu.memory_space<vmem>>
    %dma_wait3A_160 = tpu.memref_slice %arg2[%dma_wait3A, %mul3A_77] : memref<10x100000xf32, #tpu.memory_space<hbm>> -> memref<1x6248xf32, #tpu.memory_space<hbm>>
    %dma_wait3A_161 = tpu.memref_squeeze %dma_wait3A_160 : memref<1x6248xf32, #tpu.memory_space<hbm>> -> memref<6248xf32, #tpu.memory_space<hbm>>
    tpu.wait_dma2 semaphore(%arg28 : memref<!tpu.dma_semaphore, #tpu.memory_space<semaphore_mem>>) src(%dma_wait3A_161 : memref<6248xf32, #tpu.memory_space<hbm>>) dst(%dma_wait3A_159 : memref<6248xf32, #tpu.memory_space<vmem>>)
    "tpu.region"() ({
      %run_scoped3A_535 = tpu.sem_alloc : memref<!tpu.dma_semaphore, #tpu.memory_space<semaphore_mem>>
      %dma_start3A_536 = arith.constant 0 : i32
      %dma_start3A_537 = tpu.memref_slice %arg23[%dma_start3A_536] : memref<7808xf32, #tpu.memory_space<vmem>> -> memref<6248xf32, #tpu.memory_space<vmem>>
      %dma_start3A_538 = tpu.memref_slice %arg25[%add3A_81] : memref<1000000xf32, #tpu.memory_space<vmem_shared>> -> memref<6248xf32, #tpu.memory_space<vmem_shared>>
      %dma_start3A_539 = tpu.memref_slice %arg25[%add3A_81] : memref<1000000xf32, #tpu.memory_space<vmem_shared>> -> memref<6248xf32, #tpu.memory_space<vmem_shared>>
      %dma_start3A_540 = arith.constant 0 : i32
      %dma_start3A_541 = tpu.memref_slice %arg23[%dma_start3A_540] : memref<7808xf32, #tpu.memory_space<vmem>> -> memref<6248xf32, #tpu.memory_space<vmem>>
      tpu.enqueue_dma source(%dma_start3A_541 : memref<6248xf32, #tpu.memory_space<vmem>>) target(%dma_start3A_539 : memref<6248xf32, #tpu.memory_space<vmem_shared>>) target_semaphore(%run_scoped3A_535 : memref<!tpu.dma_semaphore, #tpu.memory_space<semaphore_mem>>)
      %dma_wait3A_542 = arith.constant 0 : i32
      %dma_wait3A_543 = tpu.memref_slice %arg23[%dma_wait3A_542] : memref<7808xf32, #tpu.memory_space<vmem>> -> memref<6248xf32, #tpu.memory_space<vmem>>
      %dma_wait3A_544 = tpu.memref_slice %arg25[%add3A_81] : memref<1000000xf32, #tpu.memory_space<vmem_shared>> -> memref<6248xf32, #tpu.memory_space<vmem_shared>>
      %dma_wait3A_545 = tpu.memref_slice %arg25[%add3A_81] : memref<1000000xf32, #tpu.memory_space<vmem_shared>> -> memref<6248xf32, #tpu.memory_space<vmem_shared>>
      %dma_wait3A_546 = arith.constant 0 : i32
      %dma_wait3A_547 = tpu.memref_slice %arg23[%dma_wait3A_546] : memref<7808xf32, #tpu.memory_space<vmem>> -> memref<6248xf32, #tpu.memory_space<vmem>>
      tpu.wait_dma2 semaphore(%run_scoped3A_535 : memref<!tpu.dma_semaphore, #tpu.memory_space<semaphore_mem>>) src(%dma_wait3A_547 : memref<6248xf32, #tpu.memory_space<vmem>>) dst(%dma_wait3A_545 : memref<6248xf32, #tpu.memory_space<vmem_shared>>)
      tpu.yield
    }) : () -> ()
    %dma_start3A_162 = arith.constant 2 : i32
    %dma_start3A_163 = arith.constant 0 : i32
    %dma_start3A_164 = tpu.memref_slice %arg23[%dma_start3A_163] : memref<7808xf32, #tpu.memory_space<vmem>> -> memref<6248xf32, #tpu.memory_space<vmem>>
    %dma_start3A_165 = tpu.memref_slice %arg2[%dma_start3A_162, %mul3A_89] : memref<10x100000xf32, #tpu.memory_space<hbm>> -> memref<1x6248xf32, #tpu.memory_space<hbm>>
    %dma_start3A_166 = tpu.memref_squeeze %dma_start3A_165 : memref<1x6248xf32, #tpu.memory_space<hbm>> -> memref<6248xf32, #tpu.memory_space<hbm>>
    %dma_start3A_167 = arith.constant 0 : i32
    %dma_start3A_168 = tpu.memref_slice %arg23[%dma_start3A_167] : memref<7808xf32, #tpu.memory_space<vmem>> -> memref<6248xf32, #tpu.memory_space<vmem>>
    %dma_start3A_169 = tpu.memref_slice %arg2[%dma_start3A_162, %mul3A_89] : memref<10x100000xf32, #tpu.memory_space<hbm>> -> memref<1x6248xf32, #tpu.memory_space<hbm>>
    %dma_start3A_170 = tpu.memref_squeeze %dma_start3A_169 : memref<1x6248xf32, #tpu.memory_space<hbm>> -> memref<6248xf32, #tpu.memory_space<hbm>>
    tpu.enqueue_dma source(%dma_start3A_170 : memref<6248xf32, #tpu.memory_space<hbm>>) target(%dma_start3A_168 : memref<6248xf32, #tpu.memory_space<vmem>>) target_semaphore(%arg28 : memref<!tpu.dma_semaphore, #tpu.memory_space<semaphore_mem>>)
    %dma_wait3A_171 = arith.constant 1 : i32
    %dma_wait3A_172 = arith.constant 0 : i32
    %dma_wait3A_173 = tpu.memref_slice %arg24[%dma_wait3A_172] : memref<7808xf32, #tpu.memory_space<vmem>> -> memref<6248xf32, #tpu.memory_space<vmem>>
    %dma_wait3A_174 = tpu.memref_slice %arg2[%dma_wait3A_171, %mul3A_83] : memref<10x100000xf32, #tpu.memory_space<hbm>> -> memref<1x6248xf32, #tpu.memory_space<hbm>>
    %dma_wait3A_175 = tpu.memref_squeeze %dma_wait3A_174 : memref<1x6248xf32, #tpu.memory_space<hbm>> -> memref<6248xf32, #tpu.memory_space<hbm>>
    %dma_wait3A_176 = arith.constant 0 : i32
    %dma_wait3A_177 = tpu.memref_slice %arg24[%dma_wait3A_176] : memref<7808xf32, #tpu.memory_space<vmem>> -> memref<6248xf32, #tpu.memory_space<vmem>>
    %dma_wait3A_178 = tpu.memref_slice %arg2[%dma_wait3A_171, %mul3A_83] : memref<10x100000xf32, #tpu.memory_space<hbm>> -> memref<1x6248xf32, #tpu.memory_space<hbm>>
    %dma_wait3A_179 = tpu.memref_squeeze %dma_wait3A_178 : memref<1x6248xf32, #tpu.memory_space<hbm>> -> memref<6248xf32, #tpu.memory_space<hbm>>
    tpu.wait_dma2 semaphore(%arg29 : memref<!tpu.dma_semaphore, #tpu.memory_space<semaphore_mem>>) src(%dma_wait3A_179 : memref<6248xf32, #tpu.memory_space<hbm>>) dst(%dma_wait3A_177 : memref<6248xf32, #tpu.memory_space<vmem>>)
    "tpu.region"() ({
      %run_scoped3A_535 = tpu.sem_alloc : memref<!tpu.dma_semaphore, #tpu.memory_space<semaphore_mem>>
      %dma_start3A_536 = arith.constant 0 : i32
      %dma_start3A_537 = tpu.memref_slice %arg24[%dma_start3A_536] : memref<7808xf32, #tpu.memory_space<vmem>> -> memref<6248xf32, #tpu.memory_space<vmem>>
      %dma_start3A_538 = tpu.memref_slice %arg25[%add3A_87] : memref<1000000xf32, #tpu.memory_space<vmem_shared>> -> memref<6248xf32, #tpu.memory_space<vmem_shared>>
      %dma_start3A_539 = tpu.memref_slice %arg25[%add3A_87] : memref<1000000xf32, #tpu.memory_space<vmem_shared>> -> memref<6248xf32, #tpu.memory_space<vmem_shared>>
      %dma_start3A_540 = arith.constant 0 : i32
      %dma_start3A_541 = tpu.memref_slice %arg24[%dma_start3A_540] : memref<7808xf32, #tpu.memory_space<vmem>> -> memref<6248xf32, #tpu.memory_space<vmem>>
      tpu.enqueue_dma source(%dma_start3A_541 : memref<6248xf32, #tpu.memory_space<vmem>>) target(%dma_start3A_539 : memref<6248xf32, #tpu.memory_space<vmem_shared>>) target_semaphore(%run_scoped3A_535 : memref<!tpu.dma_semaphore, #tpu.memory_space<semaphore_mem>>)
      %dma_wait3A_542 = arith.constant 0 : i32
      %dma_wait3A_543 = tpu.memref_slice %arg24[%dma_wait3A_542] : memref<7808xf32, #tpu.memory_space<vmem>> -> memref<6248xf32, #tpu.memory_space<vmem>>
      %dma_wait3A_544 = tpu.memref_slice %arg25[%add3A_87] : memref<1000000xf32, #tpu.memory_space<vmem_shared>> -> memref<6248xf32, #tpu.memory_space<vmem_shared>>
      %dma_wait3A_545 = tpu.memref_slice %arg25[%add3A_87] : memref<1000000xf32, #tpu.memory_space<vmem_shared>> -> memref<6248xf32, #tpu.memory_space<vmem_shared>>
      %dma_wait3A_546 = arith.constant 0 : i32
      %dma_wait3A_547 = tpu.memref_slice %arg24[%dma_wait3A_546] : memref<7808xf32, #tpu.memory_space<vmem>> -> memref<6248xf32, #tpu.memory_space<vmem>>
      tpu.wait_dma2 semaphore(%run_scoped3A_535 : memref<!tpu.dma_semaphore, #tpu.memory_space<semaphore_mem>>) src(%dma_wait3A_547 : memref<6248xf32, #tpu.memory_space<vmem>>) dst(%dma_wait3A_545 : memref<6248xf32, #tpu.memory_space<vmem_shared>>)
      tpu.yield
    }) : () -> ()
    %dma_start3A_180 = arith.constant 3 : i32
    %dma_start3A_181 = arith.constant 0 : i32
    %dma_start3A_182 = tpu.memref_slice %arg24[%dma_start3A_181] : memref<7808xf32, #tpu.memory_space<vmem>> -> memref<6248xf32, #tpu.memory_space<vmem>>
    %dma_start3A_183 = tpu.memref_slice %arg2[%dma_start3A_180, %mul3A_95] : memref<10x100000xf32, #tpu.memory_space<hbm>> -> memref<1x6248xf32, #tpu.memory_space<hbm>>
    %dma_start3A_184 = tpu.memref_squeeze %dma_start3A_183 : memref<1x6248xf32, #tpu.memory_space<hbm>> -> memref<6248xf32, #tpu.memory_space<hbm>>
    %dma_start3A_185 = arith.constant 0 : i32
    %dma_start3A_186 = tpu.memref_slice %arg24[%dma_start3A_185] : memref<7808xf32, #tpu.memory_space<vmem>> -> memref<6248xf32, #tpu.memory_space<vmem>>
    %dma_start3A_187 = tpu.memref_slice %arg2[%dma_start3A_180, %mul3A_95] : memref<10x100000xf32, #tpu.memory_space<hbm>> -> memref<1x6248xf32, #tpu.memory_space<hbm>>
    %dma_start3A_188 = tpu.memref_squeeze %dma_start3A_187 : memref<1x6248xf32, #tpu.memory_space<hbm>> -> memref<6248xf32, #tpu.memory_space<hbm>>
    tpu.enqueue_dma source(%dma_start3A_188 : memref<6248xf32, #tpu.memory_space<hbm>>) target(%dma_start3A_186 : memref<6248xf32, #tpu.memory_space<vmem>>) target_semaphore(%arg29 : memref<!tpu.dma_semaphore, #tpu.memory_space<semaphore_mem>>)
    %dma_wait3A_189 = arith.constant 2 : i32
    %dma_wait3A_190 = arith.constant 0 : i32
    %dma_wait3A_191 = tpu.memref_slice %arg23[%dma_wait3A_190] : memref<7808xf32, #tpu.memory_space<vmem>> -> memref<6248xf32, #tpu.memory_space<vmem>>
    %dma_wait3A_192 = tpu.memref_slice %arg2[%dma_wait3A_189, %mul3A_89] : memref<10x100000xf32, #tpu.memory_space<hbm>> -> memref<1x6248xf32, #tpu.memory_space<hbm>>
    %dma_wait3A_193 = tpu.memref_squeeze %dma_wait3A_192 : memref<1x6248xf32, #tpu.memory_space<hbm>> -> memref<6248xf32, #tpu.memory_space<hbm>>
    %dma_wait3A_194 = arith.constant 0 : i32
    %dma_wait3A_195 = tpu.memref_slice %arg23[%dma_wait3A_194] : memref<7808xf32, #tpu.memory_space<vmem>> -> memref<6248xf32, #tpu.memory_space<vmem>>
    %dma_wait3A_196 = tpu.memref_slice %arg2[%dma_wait3A_189, %mul3A_89] : memref<10x100000xf32, #tpu.memory_space<hbm>> -> memref<1x6248xf32, #tpu.memory_space<hbm>>
    %dma_wait3A_197 = tpu.memref_squeeze %dma_wait3A_196 : memref<1x6248xf32, #tpu.memory_space<hbm>> -> memref<6248xf32, #tpu.memory_space<hbm>>
    tpu.wait_dma2 semaphore(%arg28 : memref<!tpu.dma_semaphore, #tpu.memory_space<semaphore_mem>>) src(%dma_wait3A_197 : memref<6248xf32, #tpu.memory_space<hbm>>) dst(%dma_wait3A_195 : memref<6248xf32, #tpu.memory_space<vmem>>)
    "tpu.region"() ({
      %run_scoped3A_535 = tpu.sem_alloc : memref<!tpu.dma_semaphore, #tpu.memory_space<semaphore_mem>>
      %dma_start3A_536 = arith.constant 0 : i32
      %dma_start3A_537 = tpu.memref_slice %arg23[%dma_start3A_536] : memref<7808xf32, #tpu.memory_space<vmem>> -> memref<6248xf32, #tpu.memory_space<vmem>>
      %dma_start3A_538 = tpu.memref_slice %arg25[%add3A_93] : memref<1000000xf32, #tpu.memory_space<vmem_shared>> -> memref<6248xf32, #tpu.memory_space<vmem_shared>>
      %dma_start3A_539 = tpu.memref_slice %arg25[%add3A_93] : memref<1000000xf32, #tpu.memory_space<vmem_shared>> -> memref<6248xf32, #tpu.memory_space<vmem_shared>>
      %dma_start3A_540 = arith.constant 0 : i32
      %dma_start3A_541 = tpu.memref_slice %arg23[%dma_start3A_540] : memref<7808xf32, #tpu.memory_space<vmem>> -> memref<6248xf32, #tpu.memory_space<vmem>>
      tpu.enqueue_dma source(%dma_start3A_541 : memref<6248xf32, #tpu.memory_space<vmem>>) target(%dma_start3A_539 : memref<6248xf32, #tpu.memory_space<vmem_shared>>) target_semaphore(%run_scoped3A_535 : memref<!tpu.dma_semaphore, #tpu.memory_space<semaphore_mem>>)
      %dma_wait3A_542 = arith.constant 0 : i32
      %dma_wait3A_543 = tpu.memref_slice %arg23[%dma_wait3A_542] : memref<7808xf32, #tpu.memory_space<vmem>> -> memref<6248xf32, #tpu.memory_space<vmem>>
      %dma_wait3A_544 = tpu.memref_slice %arg25[%add3A_93] : memref<1000000xf32, #tpu.memory_space<vmem_shared>> -> memref<6248xf32, #tpu.memory_space<vmem_shared>>
      %dma_wait3A_545 = tpu.memref_slice %arg25[%add3A_93] : memref<1000000xf32, #tpu.memory_space<vmem_shared>> -> memref<6248xf32, #tpu.memory_space<vmem_shared>>
      %dma_wait3A_546 = arith.constant 0 : i32
      %dma_wait3A_547 = tpu.memref_slice %arg23[%dma_wait3A_546] : memref<7808xf32, #tpu.memory_space<vmem>> -> memref<6248xf32, #tpu.memory_space<vmem>>
      tpu.wait_dma2 semaphore(%run_scoped3A_535 : memref<!tpu.dma_semaphore, #tpu.memory_space<semaphore_mem>>) src(%dma_wait3A_547 : memref<6248xf32, #tpu.memory_space<vmem>>) dst(%dma_wait3A_545 : memref<6248xf32, #tpu.memory_space<vmem_shared>>)
      tpu.yield
    }) : () -> ()
    %dma_start3A_198 = arith.constant 4 : i32
    %dma_start3A_199 = arith.constant 0 : i32
    %dma_start3A_200 = tpu.memref_slice %arg23[%dma_start3A_199] : memref<7808xf32, #tpu.memory_space<vmem>> -> memref<6248xf32, #tpu.memory_space<vmem>>
    %dma_start3A_201 = tpu.memref_slice %arg2[%dma_start3A_198, %mul3A_101] : memref<10x100000xf32, #tpu.memory_space<hbm>> -> memref<1x6248xf32, #tpu.memory_space<hbm>>
    %dma_start3A_202 = tpu.memref_squeeze %dma_start3A_201 : memref<1x6248xf32, #tpu.memory_space<hbm>> -> memref<6248xf32, #tpu.memory_space<hbm>>
    %dma_start3A_203 = arith.constant 0 : i32
    %dma_start3A_204 = tpu.memref_slice %arg23[%dma_start3A_203] : memref<7808xf32, #tpu.memory_space<vmem>> -> memref<6248xf32, #tpu.memory_space<vmem>>
    %dma_start3A_205 = tpu.memref_slice %arg2[%dma_start3A_198, %mul3A_101] : memref<10x100000xf32, #tpu.memory_space<hbm>> -> memref<1x6248xf32, #tpu.memory_space<hbm>>
    %dma_start3A_206 = tpu.memref_squeeze %dma_start3A_205 : memref<1x6248xf32, #tpu.memory_space<hbm>> -> memref<6248xf32, #tpu.memory_space<hbm>>
    tpu.enqueue_dma source(%dma_start3A_206 : memref<6248xf32, #tpu.memory_space<hbm>>) target(%dma_start3A_204 : memref<6248xf32, #tpu.memory_space<vmem>>) target_semaphore(%arg28 : memref<!tpu.dma_semaphore, #tpu.memory_space<semaphore_mem>>)
    %dma_wait3A_207 = arith.constant 3 : i32
    %dma_wait3A_208 = arith.constant 0 : i32
    %dma_wait3A_209 = tpu.memref_slice %arg24[%dma_wait3A_208] : memref<7808xf32, #tpu.memory_space<vmem>> -> memref<6248xf32, #tpu.memory_space<vmem>>
    %dma_wait3A_210 = tpu.memref_slice %arg2[%dma_wait3A_207, %mul3A_95] : memref<10x100000xf32, #tpu.memory_space<hbm>> -> memref<1x6248xf32, #tpu.memory_space<hbm>>
    %dma_wait3A_211 = tpu.memref_squeeze %dma_wait3A_210 : memref<1x6248xf32, #tpu.memory_space<hbm>> -> memref<6248xf32, #tpu.memory_space<hbm>>
    %dma_wait3A_212 = arith.constant 0 : i32
    %dma_wait3A_213 = tpu.memref_slice %arg24[%dma_wait3A_212] : memref<7808xf32, #tpu.memory_space<vmem>> -> memref<6248xf32, #tpu.memory_space<vmem>>
    %dma_wait3A_214 = tpu.memref_slice %arg2[%dma_wait3A_207, %mul3A_95] : memref<10x100000xf32, #tpu.memory_space<hbm>> -> memref<1x6248xf32, #tpu.memory_space<hbm>>
    %dma_wait3A_215 = tpu.memref_squeeze %dma_wait3A_214 : memref<1x6248xf32, #tpu.memory_space<hbm>> -> memref<6248xf32, #tpu.memory_space<hbm>>
    tpu.wait_dma2 semaphore(%arg29 : memref<!tpu.dma_semaphore, #tpu.memory_space<semaphore_mem>>) src(%dma_wait3A_215 : memref<6248xf32, #tpu.memory_space<hbm>>) dst(%dma_wait3A_213 : memref<6248xf32, #tpu.memory_space<vmem>>)
    "tpu.region"() ({
      %run_scoped3A_535 = tpu.sem_alloc : memref<!tpu.dma_semaphore, #tpu.memory_space<semaphore_mem>>
      %dma_start3A_536 = arith.constant 0 : i32
      %dma_start3A_537 = tpu.memref_slice %arg24[%dma_start3A_536] : memref<7808xf32, #tpu.memory_space<vmem>> -> memref<6248xf32, #tpu.memory_space<vmem>>
      %dma_start3A_538 = tpu.memref_slice %arg25[%add3A_99] : memref<1000000xf32, #tpu.memory_space<vmem_shared>> -> memref<6248xf32, #tpu.memory_space<vmem_shared>>
      %dma_start3A_539 = tpu.memref_slice %arg25[%add3A_99] : memref<1000000xf32, #tpu.memory_space<vmem_shared>> -> memref<6248xf32, #tpu.memory_space<vmem_shared>>
      %dma_start3A_540 = arith.constant 0 : i32
      %dma_start3A_541 = tpu.memref_slice %arg24[%dma_start3A_540] : memref<7808xf32, #tpu.memory_space<vmem>> -> memref<6248xf32, #tpu.memory_space<vmem>>
      tpu.enqueue_dma source(%dma_start3A_541 : memref<6248xf32, #tpu.memory_space<vmem>>) target(%dma_start3A_539 : memref<6248xf32, #tpu.memory_space<vmem_shared>>) target_semaphore(%run_scoped3A_535 : memref<!tpu.dma_semaphore, #tpu.memory_space<semaphore_mem>>)
      %dma_wait3A_542 = arith.constant 0 : i32
      %dma_wait3A_543 = tpu.memref_slice %arg24[%dma_wait3A_542] : memref<7808xf32, #tpu.memory_space<vmem>> -> memref<6248xf32, #tpu.memory_space<vmem>>
      %dma_wait3A_544 = tpu.memref_slice %arg25[%add3A_99] : memref<1000000xf32, #tpu.memory_space<vmem_shared>> -> memref<6248xf32, #tpu.memory_space<vmem_shared>>
      %dma_wait3A_545 = tpu.memref_slice %arg25[%add3A_99] : memref<1000000xf32, #tpu.memory_space<vmem_shared>> -> memref<6248xf32, #tpu.memory_space<vmem_shared>>
      %dma_wait3A_546 = arith.constant 0 : i32
      %dma_wait3A_547 = tpu.memref_slice %arg24[%dma_wait3A_546] : memref<7808xf32, #tpu.memory_space<vmem>> -> memref<6248xf32, #tpu.memory_space<vmem>>
      tpu.wait_dma2 semaphore(%run_scoped3A_535 : memref<!tpu.dma_semaphore, #tpu.memory_space<semaphore_mem>>) src(%dma_wait3A_547 : memref<6248xf32, #tpu.memory_space<vmem>>) dst(%dma_wait3A_545 : memref<6248xf32, #tpu.memory_space<vmem_shared>>)
      tpu.yield
    }) : () -> ()
    %dma_start3A_216 = arith.constant 5 : i32
    %dma_start3A_217 = arith.constant 0 : i32
    %dma_start3A_218 = tpu.memref_slice %arg24[%dma_start3A_217] : memref<7808xf32, #tpu.memory_space<vmem>> -> memref<6248xf32, #tpu.memory_space<vmem>>
    %dma_start3A_219 = tpu.memref_slice %arg2[%dma_start3A_216, %mul3A_107] : memref<10x100000xf32, #tpu.memory_space<hbm>> -> memref<1x6248xf32, #tpu.memory_space<hbm>>
    %dma_start3A_220 = tpu.memref_squeeze %dma_start3A_219 : memref<1x6248xf32, #tpu.memory_space<hbm>> -> memref<6248xf32, #tpu.memory_space<hbm>>
    %dma_start3A_221 = arith.constant 0 : i32
    %dma_start3A_222 = tpu.memref_slice %arg24[%dma_start3A_221] : memref<7808xf32, #tpu.memory_space<vmem>> -> memref<6248xf32, #tpu.memory_space<vmem>>
    %dma_start3A_223 = tpu.memref_slice %arg2[%dma_start3A_216, %mul3A_107] : memref<10x100000xf32, #tpu.memory_space<hbm>> -> memref<1x6248xf32, #tpu.memory_space<hbm>>
    %dma_start3A_224 = tpu.memref_squeeze %dma_start3A_223 : memref<1x6248xf32, #tpu.memory_space<hbm>> -> memref<6248xf32, #tpu.memory_space<hbm>>
    tpu.enqueue_dma source(%dma_start3A_224 : memref<6248xf32, #tpu.memory_space<hbm>>) target(%dma_start3A_222 : memref<6248xf32, #tpu.memory_space<vmem>>) target_semaphore(%arg29 : memref<!tpu.dma_semaphore, #tpu.memory_space<semaphore_mem>>)
    %dma_wait3A_225 = arith.constant 4 : i32
    %dma_wait3A_226 = arith.constant 0 : i32
    %dma_wait3A_227 = tpu.memref_slice %arg23[%dma_wait3A_226] : memref<7808xf32, #tpu.memory_space<vmem>> -> memref<6248xf32, #tpu.memory_space<vmem>>
    %dma_wait3A_228 = tpu.memref_slice %arg2[%dma_wait3A_225, %mul3A_101] : memref<10x100000xf32, #tpu.memory_space<hbm>> -> memref<1x6248xf32, #tpu.memory_space<hbm>>
    %dma_wait3A_229 = tpu.memref_squeeze %dma_wait3A_228 : memref<1x6248xf32, #tpu.memory_space<hbm>> -> memref<6248xf32, #tpu.memory_space<hbm>>
    %dma_wait3A_230 = arith.constant 0 : i32
    %dma_wait3A_231 = tpu.memref_slice %arg23[%dma_wait3A_230] : memref<7808xf32, #tpu.memory_space<vmem>> -> memref<6248xf32, #tpu.memory_space<vmem>>
    %dma_wait3A_232 = tpu.memref_slice %arg2[%dma_wait3A_225, %mul3A_101] : memref<10x100000xf32, #tpu.memory_space<hbm>> -> memref<1x6248xf32, #tpu.memory_space<hbm>>
    %dma_wait3A_233 = tpu.memref_squeeze %dma_wait3A_232 : memref<1x6248xf32, #tpu.memory_space<hbm>> -> memref<6248xf32, #tpu.memory_space<hbm>>
    tpu.wait_dma2 semaphore(%arg28 : memref<!tpu.dma_semaphore, #tpu.memory_space<semaphore_mem>>) src(%dma_wait3A_233 : memref<6248xf32, #tpu.memory_space<hbm>>) dst(%dma_wait3A_231 : memref<6248xf32, #tpu.memory_space<vmem>>)
    "tpu.region"() ({
      %run_scoped3A_535 = tpu.sem_alloc : memref<!tpu.dma_semaphore, #tpu.memory_space<semaphore_mem>>
      %dma_start3A_536 = arith.constant 0 : i32
      %dma_start3A_537 = tpu.memref_slice %arg23[%dma_start3A_536] : memref<7808xf32, #tpu.memory_space<vmem>> -> memref<6248xf32, #tpu.memory_space<vmem>>
      %dma_start3A_538 = tpu.memref_slice %arg25[%add3A_105] : memref<1000000xf32, #tpu.memory_space<vmem_shared>> -> memref<6248xf32, #tpu.memory_space<vmem_shared>>
      %dma_start3A_539 = tpu.memref_slice %arg25[%add3A_105] : memref<1000000xf32, #tpu.memory_space<vmem_shared>> -> memref<6248xf32, #tpu.memory_space<vmem_shared>>
      %dma_start3A_540 = arith.constant 0 : i32
      %dma_start3A_541 = tpu.memref_slice %arg23[%dma_start3A_540] : memref<7808xf32, #tpu.memory_space<vmem>> -> memref<6248xf32, #tpu.memory_space<vmem>>
      tpu.enqueue_dma source(%dma_start3A_541 : memref<6248xf32, #tpu.memory_space<vmem>>) target(%dma_start3A_539 : memref<6248xf32, #tpu.memory_space<vmem_shared>>) target_semaphore(%run_scoped3A_535 : memref<!tpu.dma_semaphore, #tpu.memory_space<semaphore_mem>>)
      %dma_wait3A_542 = arith.constant 0 : i32
      %dma_wait3A_543 = tpu.memref_slice %arg23[%dma_wait3A_542] : memref<7808xf32, #tpu.memory_space<vmem>> -> memref<6248xf32, #tpu.memory_space<vmem>>
      %dma_wait3A_544 = tpu.memref_slice %arg25[%add3A_105] : memref<1000000xf32, #tpu.memory_space<vmem_shared>> -> memref<6248xf32, #tpu.memory_space<vmem_shared>>
      %dma_wait3A_545 = tpu.memref_slice %arg25[%add3A_105] : memref<1000000xf32, #tpu.memory_space<vmem_shared>> -> memref<6248xf32, #tpu.memory_space<vmem_shared>>
      %dma_wait3A_546 = arith.constant 0 : i32
      %dma_wait3A_547 = tpu.memref_slice %arg23[%dma_wait3A_546] : memref<7808xf32, #tpu.memory_space<vmem>> -> memref<6248xf32, #tpu.memory_space<vmem>>
      tpu.wait_dma2 semaphore(%run_scoped3A_535 : memref<!tpu.dma_semaphore, #tpu.memory_space<semaphore_mem>>) src(%dma_wait3A_547 : memref<6248xf32, #tpu.memory_space<vmem>>) dst(%dma_wait3A_545 : memref<6248xf32, #tpu.memory_space<vmem_shared>>)
      tpu.yield
    }) : () -> ()
    %dma_start3A_234 = arith.constant 6 : i32
    %dma_start3A_235 = arith.constant 0 : i32
    %dma_start3A_236 = tpu.memref_slice %arg23[%dma_start3A_235] : memref<7808xf32, #tpu.memory_space<vmem>> -> memref<6248xf32, #tpu.memory_space<vmem>>
    %dma_start3A_237 = tpu.memref_slice %arg2[%dma_start3A_234, %mul3A_113] : memref<10x100000xf32, #tpu.memory_space<hbm>> -> memref<1x6248xf32, #tpu.memory_space<hbm>>
    %dma_start3A_238 = tpu.memref_squeeze %dma_start3A_237 : memref<1x6248xf32, #tpu.memory_space<hbm>> -> memref<6248xf32, #tpu.memory_space<hbm>>
    %dma_start3A_239 = arith.constant 0 : i32
    %dma_start3A_240 = tpu.memref_slice %arg23[%dma_start3A_239] : memref<7808xf32, #tpu.memory_space<vmem>> -> memref<6248xf32, #tpu.memory_space<vmem>>
    %dma_start3A_241 = tpu.memref_slice %arg2[%dma_start3A_234, %mul3A_113] : memref<10x100000xf32, #tpu.memory_space<hbm>> -> memref<1x6248xf32, #tpu.memory_space<hbm>>
    %dma_start3A_242 = tpu.memref_squeeze %dma_start3A_241 : memref<1x6248xf32, #tpu.memory_space<hbm>> -> memref<6248xf32, #tpu.memory_space<hbm>>
    tpu.enqueue_dma source(%dma_start3A_242 : memref<6248xf32, #tpu.memory_space<hbm>>) target(%dma_start3A_240 : memref<6248xf32, #tpu.memory_space<vmem>>) target_semaphore(%arg28 : memref<!tpu.dma_semaphore, #tpu.memory_space<semaphore_mem>>)
    %dma_wait3A_243 = arith.constant 5 : i32
    %dma_wait3A_244 = arith.constant 0 : i32
    %dma_wait3A_245 = tpu.memref_slice %arg24[%dma_wait3A_244] : memref<7808xf32, #tpu.memory_space<vmem>> -> memref<6248xf32, #tpu.memory_space<vmem>>
    %dma_wait3A_246 = tpu.memref_slice %arg2[%dma_wait3A_243, %mul3A_107] : memref<10x100000xf32, #tpu.memory_space<hbm>> -> memref<1x6248xf32, #tpu.memory_space<hbm>>
    %dma_wait3A_247 = tpu.memref_squeeze %dma_wait3A_246 : memref<1x6248xf32, #tpu.memory_space<hbm>> -> memref<6248xf32, #tpu.memory_space<hbm>>
    %dma_wait3A_248 = arith.constant 0 : i32
    %dma_wait3A_249 = tpu.memref_slice %arg24[%dma_wait3A_248] : memref<7808xf32, #tpu.memory_space<vmem>> -> memref<6248xf32, #tpu.memory_space<vmem>>
    %dma_wait3A_250 = tpu.memref_slice %arg2[%dma_wait3A_243, %mul3A_107] : memref<10x100000xf32, #tpu.memory_space<hbm>> -> memref<1x6248xf32, #tpu.memory_space<hbm>>
    %dma_wait3A_251 = tpu.memref_squeeze %dma_wait3A_250 : memref<1x6248xf32, #tpu.memory_space<hbm>> -> memref<6248xf32, #tpu.memory_space<hbm>>
    tpu.wait_dma2 semaphore(%arg29 : memref<!tpu.dma_semaphore, #tpu.memory_space<semaphore_mem>>) src(%dma_wait3A_251 : memref<6248xf32, #tpu.memory_space<hbm>>) dst(%dma_wait3A_249 : memref<6248xf32, #tpu.memory_space<vmem>>)
    "tpu.region"() ({
      %run_scoped3A_535 = tpu.sem_alloc : memref<!tpu.dma_semaphore, #tpu.memory_space<semaphore_mem>>
      %dma_start3A_536 = arith.constant 0 : i32
      %dma_start3A_537 = tpu.memref_slice %arg24[%dma_start3A_536] : memref<7808xf32, #tpu.memory_space<vmem>> -> memref<6248xf32, #tpu.memory_space<vmem>>
      %dma_start3A_538 = tpu.memref_slice %arg25[%add3A_111] : memref<1000000xf32, #tpu.memory_space<vmem_shared>> -> memref<6248xf32, #tpu.memory_space<vmem_shared>>
      %dma_start3A_539 = tpu.memref_slice %arg25[%add3A_111] : memref<1000000xf32, #tpu.memory_space<vmem_shared>> -> memref<6248xf32, #tpu.memory_space<vmem_shared>>
      %dma_start3A_540 = arith.constant 0 : i32
      %dma_start3A_541 = tpu.memref_slice %arg24[%dma_start3A_540] : memref<7808xf32, #tpu.memory_space<vmem>> -> memref<6248xf32, #tpu.memory_space<vmem>>
      tpu.enqueue_dma source(%dma_start3A_541 : memref<6248xf32, #tpu.memory_space<vmem>>) target(%dma_start3A_539 : memref<6248xf32, #tpu.memory_space<vmem_shared>>) target_semaphore(%run_scoped3A_535 : memref<!tpu.dma_semaphore, #tpu.memory_space<semaphore_mem>>)
      %dma_wait3A_542 = arith.constant 0 : i32
      %dma_wait3A_543 = tpu.memref_slice %arg24[%dma_wait3A_542] : memref<7808xf32, #tpu.memory_space<vmem>> -> memref<6248xf32, #tpu.memory_space<vmem>>
      %dma_wait3A_544 = tpu.memref_slice %arg25[%add3A_111] : memref<1000000xf32, #tpu.memory_space<vmem_shared>> -> memref<6248xf32, #tpu.memory_space<vmem_shared>>
      %dma_wait3A_545 = tpu.memref_slice %arg25[%add3A_111] : memref<1000000xf32, #tpu.memory_space<vmem_shared>> -> memref<6248xf32, #tpu.memory_space<vmem_shared>>
      %dma_wait3A_546 = arith.constant 0 : i32
      %dma_wait3A_547 = tpu.memref_slice %arg24[%dma_wait3A_546] : memref<7808xf32, #tpu.memory_space<vmem>> -> memref<6248xf32, #tpu.memory_space<vmem>>
      tpu.wait_dma2 semaphore(%run_scoped3A_535 : memref<!tpu.dma_semaphore, #tpu.memory_space<semaphore_mem>>) src(%dma_wait3A_547 : memref<6248xf32, #tpu.memory_space<vmem>>) dst(%dma_wait3A_545 : memref<6248xf32, #tpu.memory_space<vmem_shared>>)
      tpu.yield
    }) : () -> ()
    %dma_start3A_252 = arith.constant 7 : i32
    %dma_start3A_253 = arith.constant 0 : i32
    %dma_start3A_254 = tpu.memref_slice %arg24[%dma_start3A_253] : memref<7808xf32, #tpu.memory_space<vmem>> -> memref<6248xf32, #tpu.memory_space<vmem>>
    %dma_start3A_255 = tpu.memref_slice %arg2[%dma_start3A_252, %mul3A_119] : memref<10x100000xf32, #tpu.memory_space<hbm>> -> memref<1x6248xf32, #tpu.memory_space<hbm>>
    %dma_start3A_256 = tpu.memref_squeeze %dma_start3A_255 : memref<1x6248xf32, #tpu.memory_space<hbm>> -> memref<6248xf32, #tpu.memory_space<hbm>>
    %dma_start3A_257 = arith.constant 0 : i32
    %dma_start3A_258 = tpu.memref_slice %arg24[%dma_start3A_257] : memref<7808xf32, #tpu.memory_space<vmem>> -> memref<6248xf32, #tpu.memory_space<vmem>>
    %dma_start3A_259 = tpu.memref_slice %arg2[%dma_start3A_252, %mul3A_119] : memref<10x100000xf32, #tpu.memory_space<hbm>> -> memref<1x6248xf32, #tpu.memory_space<hbm>>
    %dma_start3A_260 = tpu.memref_squeeze %dma_start3A_259 : memref<1x6248xf32, #tpu.memory_space<hbm>> -> memref<6248xf32, #tpu.memory_space<hbm>>
    tpu.enqueue_dma source(%dma_start3A_260 : memref<6248xf32, #tpu.memory_space<hbm>>) target(%dma_start3A_258 : memref<6248xf32, #tpu.memory_space<vmem>>) target_semaphore(%arg29 : memref<!tpu.dma_semaphore, #tpu.memory_space<semaphore_mem>>)
    %dma_wait3A_261 = arith.constant 6 : i32
    %dma_wait3A_262 = arith.constant 0 : i32
    %dma_wait3A_263 = tpu.memref_slice %arg23[%dma_wait3A_262] : memref<7808xf32, #tpu.memory_space<vmem>> -> memref<6248xf32, #tpu.memory_space<vmem>>
    %dma_wait3A_264 = tpu.memref_slice %arg2[%dma_wait3A_261, %mul3A_113] : memref<10x100000xf32, #tpu.memory_space<hbm>> -> memref<1x6248xf32, #tpu.memory_space<hbm>>
    %dma_wait3A_265 = tpu.memref_squeeze %dma_wait3A_264 : memref<1x6248xf32, #tpu.memory_space<hbm>> -> memref<6248xf32, #tpu.memory_space<hbm>>
    %dma_wait3A_266 = arith.constant 0 : i32
    %dma_wait3A_267 = tpu.memref_slice %arg23[%dma_wait3A_266] : memref<7808xf32, #tpu.memory_space<vmem>> -> memref<6248xf32, #tpu.memory_space<vmem>>
    %dma_wait3A_268 = tpu.memref_slice %arg2[%dma_wait3A_261, %mul3A_113] : memref<10x100000xf32, #tpu.memory_space<hbm>> -> memref<1x6248xf32, #tpu.memory_space<hbm>>
    %dma_wait3A_269 = tpu.memref_squeeze %dma_wait3A_268 : memref<1x6248xf32, #tpu.memory_space<hbm>> -> memref<6248xf32, #tpu.memory_space<hbm>>
    tpu.wait_dma2 semaphore(%arg28 : memref<!tpu.dma_semaphore, #tpu.memory_space<semaphore_mem>>) src(%dma_wait3A_269 : memref<6248xf32, #tpu.memory_space<hbm>>) dst(%dma_wait3A_267 : memref<6248xf32, #tpu.memory_space<vmem>>)
    "tpu.region"() ({
      %run_scoped3A_535 = tpu.sem_alloc : memref<!tpu.dma_semaphore, #tpu.memory_space<semaphore_mem>>
      %dma_start3A_536 = arith.constant 0 : i32
      %dma_start3A_537 = tpu.memref_slice %arg23[%dma_start3A_536] : memref<7808xf32, #tpu.memory_space<vmem>> -> memref<6248xf32, #tpu.memory_space<vmem>>
      %dma_start3A_538 = tpu.memref_slice %arg25[%add3A_117] : memref<1000000xf32, #tpu.memory_space<vmem_shared>> -> memref<6248xf32, #tpu.memory_space<vmem_shared>>
      %dma_start3A_539 = tpu.memref_slice %arg25[%add3A_117] : memref<1000000xf32, #tpu.memory_space<vmem_shared>> -> memref<6248xf32, #tpu.memory_space<vmem_shared>>
      %dma_start3A_540 = arith.constant 0 : i32
      %dma_start3A_541 = tpu.memref_slice %arg23[%dma_start3A_540] : memref<7808xf32, #tpu.memory_space<vmem>> -> memref<6248xf32, #tpu.memory_space<vmem>>
      tpu.enqueue_dma source(%dma_start3A_541 : memref<6248xf32, #tpu.memory_space<vmem>>) target(%dma_start3A_539 : memref<6248xf32, #tpu.memory_space<vmem_shared>>) target_semaphore(%run_scoped3A_535 : memref<!tpu.dma_semaphore, #tpu.memory_space<semaphore_mem>>)
      %dma_wait3A_542 = arith.constant 0 : i32
      %dma_wait3A_543 = tpu.memref_slice %arg23[%dma_wait3A_542] : memref<7808xf32, #tpu.memory_space<vmem>> -> memref<6248xf32, #tpu.memory_space<vmem>>
      %dma_wait3A_544 = tpu.memref_slice %arg25[%add3A_117] : memref<1000000xf32, #tpu.memory_space<vmem_shared>> -> memref<6248xf32, #tpu.memory_space<vmem_shared>>
      %dma_wait3A_545 = tpu.memref_slice %arg25[%add3A_117] : memref<1000000xf32, #tpu.memory_space<vmem_shared>> -> memref<6248xf32, #tpu.memory_space<vmem_shared>>
      %dma_wait3A_546 = arith.constant 0 : i32
      %dma_wait3A_547 = tpu.memref_slice %arg23[%dma_wait3A_546] : memref<7808xf32, #tpu.memory_space<vmem>> -> memref<6248xf32, #tpu.memory_space<vmem>>
      tpu.wait_dma2 semaphore(%run_scoped3A_535 : memref<!tpu.dma_semaphore, #tpu.memory_space<semaphore_mem>>) src(%dma_wait3A_547 : memref<6248xf32, #tpu.memory_space<vmem>>) dst(%dma_wait3A_545 : memref<6248xf32, #tpu.memory_space<vmem_shared>>)
      tpu.yield
    }) : () -> ()
    %dma_start3A_270 = arith.constant 8 : i32
    %dma_start3A_271 = arith.constant 0 : i32
    %dma_start3A_272 = tpu.memref_slice %arg23[%dma_start3A_271] : memref<7808xf32, #tpu.memory_space<vmem>> -> memref<6248xf32, #tpu.memory_space<vmem>>
    %dma_start3A_273 = tpu.memref_slice %arg2[%dma_start3A_270, %mul3A_125] : memref<10x100000xf32, #tpu.memory_space<hbm>> -> memref<1x6248xf32, #tpu.memory_space<hbm>>
    %dma_start3A_274 = tpu.memref_squeeze %dma_start3A_273 : memref<1x6248xf32, #tpu.memory_space<hbm>> -> memref<6248xf32, #tpu.memory_space<hbm>>
    %dma_start3A_275 = arith.constant 0 : i32
    %dma_start3A_276 = tpu.memref_slice %arg23[%dma_start3A_275] : memref<7808xf32, #tpu.memory_space<vmem>> -> memref<6248xf32, #tpu.memory_space<vmem>>
    %dma_start3A_277 = tpu.memref_slice %arg2[%dma_start3A_270, %mul3A_125] : memref<10x100000xf32, #tpu.memory_space<hbm>> -> memref<1x6248xf32, #tpu.memory_space<hbm>>
    %dma_start3A_278 = tpu.memref_squeeze %dma_start3A_277 : memref<1x6248xf32, #tpu.memory_space<hbm>> -> memref<6248xf32, #tpu.memory_space<hbm>>
    tpu.enqueue_dma source(%dma_start3A_278 : memref<6248xf32, #tpu.memory_space<hbm>>) target(%dma_start3A_276 : memref<6248xf32, #tpu.memory_space<vmem>>) target_semaphore(%arg28 : memref<!tpu.dma_semaphore, #tpu.memory_space<semaphore_mem>>)
    %dma_wait3A_279 = arith.constant 7 : i32
    %dma_wait3A_280 = arith.constant 0 : i32
    %dma_wait3A_281 = tpu.memref_slice %arg24[%dma_wait3A_280] : memref<7808xf32, #tpu.memory_space<vmem>> -> memref<6248xf32, #tpu.memory_space<vmem>>
    %dma_wait3A_282 = tpu.memref_slice %arg2[%dma_wait3A_279, %mul3A_119] : memref<10x100000xf32, #tpu.memory_space<hbm>> -> memref<1x6248xf32, #tpu.memory_space<hbm>>
    %dma_wait3A_283 = tpu.memref_squeeze %dma_wait3A_282 : memref<1x6248xf32, #tpu.memory_space<hbm>> -> memref<6248xf32, #tpu.memory_space<hbm>>
    %dma_wait3A_284 = arith.constant 0 : i32
    %dma_wait3A_285 = tpu.memref_slice %arg24[%dma_wait3A_284] : memref<7808xf32, #tpu.memory_space<vmem>> -> memref<6248xf32, #tpu.memory_space<vmem>>
    %dma_wait3A_286 = tpu.memref_slice %arg2[%dma_wait3A_279, %mul3A_119] : memref<10x100000xf32, #tpu.memory_space<hbm>> -> memref<1x6248xf32, #tpu.memory_space<hbm>>
    %dma_wait3A_287 = tpu.memref_squeeze %dma_wait3A_286 : memref<1x6248xf32, #tpu.memory_space<hbm>> -> memref<6248xf32, #tpu.memory_space<hbm>>
    tpu.wait_dma2 semaphore(%arg29 : memref<!tpu.dma_semaphore, #tpu.memory_space<semaphore_mem>>) src(%dma_wait3A_287 : memref<6248xf32, #tpu.memory_space<hbm>>) dst(%dma_wait3A_285 : memref<6248xf32, #tpu.memory_space<vmem>>)
    "tpu.region"() ({
      %run_scoped3A_535 = tpu.sem_alloc : memref<!tpu.dma_semaphore, #tpu.memory_space<semaphore_mem>>
      %dma_start3A_536 = arith.constant 0 : i32
      %dma_start3A_537 = tpu.memref_slice %arg24[%dma_start3A_536] : memref<7808xf32, #tpu.memory_space<vmem>> -> memref<6248xf32, #tpu.memory_space<vmem>>
      %dma_start3A_538 = tpu.memref_slice %arg25[%add3A_123] : memref<1000000xf32, #tpu.memory_space<vmem_shared>> -> memref<6248xf32, #tpu.memory_space<vmem_shared>>
      %dma_start3A_539 = tpu.memref_slice %arg25[%add3A_123] : memref<1000000xf32, #tpu.memory_space<vmem_shared>> -> memref<6248xf32, #tpu.memory_space<vmem_shared>>
      %dma_start3A_540 = arith.constant 0 : i32
      %dma_start3A_541 = tpu.memref_slice %arg24[%dma_start3A_540] : memref<7808xf32, #tpu.memory_space<vmem>> -> memref<6248xf32, #tpu.memory_space<vmem>>
      tpu.enqueue_dma source(%dma_start3A_541 : memref<6248xf32, #tpu.memory_space<vmem>>) target(%dma_start3A_539 : memref<6248xf32, #tpu.memory_space<vmem_shared>>) target_semaphore(%run_scoped3A_535 : memref<!tpu.dma_semaphore, #tpu.memory_space<semaphore_mem>>)
      %dma_wait3A_542 = arith.constant 0 : i32
      %dma_wait3A_543 = tpu.memref_slice %arg24[%dma_wait3A_542] : memref<7808xf32, #tpu.memory_space<vmem>> -> memref<6248xf32, #tpu.memory_space<vmem>>
      %dma_wait3A_544 = tpu.memref_slice %arg25[%add3A_123] : memref<1000000xf32, #tpu.memory_space<vmem_shared>> -> memref<6248xf32, #tpu.memory_space<vmem_shared>>
      %dma_wait3A_545 = tpu.memref_slice %arg25[%add3A_123] : memref<1000000xf32, #tpu.memory_space<vmem_shared>> -> memref<6248xf32, #tpu.memory_space<vmem_shared>>
      %dma_wait3A_546 = arith.constant 0 : i32
      %dma_wait3A_547 = tpu.memref_slice %arg24[%dma_wait3A_546] : memref<7808xf32, #tpu.memory_space<vmem>> -> memref<6248xf32, #tpu.memory_space<vmem>>
      tpu.wait_dma2 semaphore(%run_scoped3A_535 : memref<!tpu.dma_semaphore, #tpu.memory_space<semaphore_mem>>) src(%dma_wait3A_547 : memref<6248xf32, #tpu.memory_space<vmem>>) dst(%dma_wait3A_545 : memref<6248xf32, #tpu.memory_space<vmem_shared>>)
      tpu.yield
    }) : () -> ()
    %dma_start3A_288 = arith.constant 9 : i32
    %dma_start3A_289 = arith.constant 0 : i32
    %dma_start3A_290 = tpu.memref_slice %arg24[%dma_start3A_289] : memref<7808xf32, #tpu.memory_space<vmem>> -> memref<6248xf32, #tpu.memory_space<vmem>>
    %dma_start3A_291 = tpu.memref_slice %arg2[%dma_start3A_288, %mul3A_131] : memref<10x100000xf32, #tpu.memory_space<hbm>> -> memref<1x6248xf32, #tpu.memory_space<hbm>>
    %dma_start3A_292 = tpu.memref_squeeze %dma_start3A_291 : memref<1x6248xf32, #tpu.memory_space<hbm>> -> memref<6248xf32, #tpu.memory_space<hbm>>
    %dma_start3A_293 = arith.constant 0 : i32
    %dma_start3A_294 = tpu.memref_slice %arg24[%dma_start3A_293] : memref<7808xf32, #tpu.memory_space<vmem>> -> memref<6248xf32, #tpu.memory_space<vmem>>
    %dma_start3A_295 = tpu.memref_slice %arg2[%dma_start3A_288, %mul3A_131] : memref<10x100000xf32, #tpu.memory_space<hbm>> -> memref<1x6248xf32, #tpu.memory_space<hbm>>
    %dma_start3A_296 = tpu.memref_squeeze %dma_start3A_295 : memref<1x6248xf32, #tpu.memory_space<hbm>> -> memref<6248xf32, #tpu.memory_space<hbm>>
    tpu.enqueue_dma source(%dma_start3A_296 : memref<6248xf32, #tpu.memory_space<hbm>>) target(%dma_start3A_294 : memref<6248xf32, #tpu.memory_space<vmem>>) target_semaphore(%arg29 : memref<!tpu.dma_semaphore, #tpu.memory_space<semaphore_mem>>)
    %dma_wait3A_297 = arith.constant 8 : i32
    %dma_wait3A_298 = arith.constant 0 : i32
    %dma_wait3A_299 = tpu.memref_slice %arg23[%dma_wait3A_298] : memref<7808xf32, #tpu.memory_space<vmem>> -> memref<6248xf32, #tpu.memory_space<vmem>>
    %dma_wait3A_300 = tpu.memref_slice %arg2[%dma_wait3A_297, %mul3A_125] : memref<10x100000xf32, #tpu.memory_space<hbm>> -> memref<1x6248xf32, #tpu.memory_space<hbm>>
    %dma_wait3A_301 = tpu.memref_squeeze %dma_wait3A_300 : memref<1x6248xf32, #tpu.memory_space<hbm>> -> memref<6248xf32, #tpu.memory_space<hbm>>
    %dma_wait3A_302 = arith.constant 0 : i32
    %dma_wait3A_303 = tpu.memref_slice %arg23[%dma_wait3A_302] : memref<7808xf32, #tpu.memory_space<vmem>> -> memref<6248xf32, #tpu.memory_space<vmem>>
    %dma_wait3A_304 = tpu.memref_slice %arg2[%dma_wait3A_297, %mul3A_125] : memref<10x100000xf32, #tpu.memory_space<hbm>> -> memref<1x6248xf32, #tpu.memory_space<hbm>>
    %dma_wait3A_305 = tpu.memref_squeeze %dma_wait3A_304 : memref<1x6248xf32, #tpu.memory_space<hbm>> -> memref<6248xf32, #tpu.memory_space<hbm>>
    tpu.wait_dma2 semaphore(%arg28 : memref<!tpu.dma_semaphore, #tpu.memory_space<semaphore_mem>>) src(%dma_wait3A_305 : memref<6248xf32, #tpu.memory_space<hbm>>) dst(%dma_wait3A_303 : memref<6248xf32, #tpu.memory_space<vmem>>)
    "tpu.region"() ({
      %run_scoped3A_535 = tpu.sem_alloc : memref<!tpu.dma_semaphore, #tpu.memory_space<semaphore_mem>>
      %dma_start3A_536 = arith.constant 0 : i32
      %dma_start3A_537 = tpu.memref_slice %arg23[%dma_start3A_536] : memref<7808xf32, #tpu.memory_space<vmem>> -> memref<6248xf32, #tpu.memory_space<vmem>>
      %dma_start3A_538 = tpu.memref_slice %arg25[%add3A_129] : memref<1000000xf32, #tpu.memory_space<vmem_shared>> -> memref<6248xf32, #tpu.memory_space<vmem_shared>>
      %dma_start3A_539 = tpu.memref_slice %arg25[%add3A_129] : memref<1000000xf32, #tpu.memory_space<vmem_shared>> -> memref<6248xf32, #tpu.memory_space<vmem_shared>>
      %dma_start3A_540 = arith.constant 0 : i32
      %dma_start3A_541 = tpu.memref_slice %arg23[%dma_start3A_540] : memref<7808xf32, #tpu.memory_space<vmem>> -> memref<6248xf32, #tpu.memory_space<vmem>>
      tpu.enqueue_dma source(%dma_start3A_541 : memref<6248xf32, #tpu.memory_space<vmem>>) target(%dma_start3A_539 : memref<6248xf32, #tpu.memory_space<vmem_shared>>) target_semaphore(%run_scoped3A_535 : memref<!tpu.dma_semaphore, #tpu.memory_space<semaphore_mem>>)
      %dma_wait3A_542 = arith.constant 0 : i32
      %dma_wait3A_543 = tpu.memref_slice %arg23[%dma_wait3A_542] : memref<7808xf32, #tpu.memory_space<vmem>> -> memref<6248xf32, #tpu.memory_space<vmem>>
      %dma_wait3A_544 = tpu.memref_slice %arg25[%add3A_129] : memref<1000000xf32, #tpu.memory_space<vmem_shared>> -> memref<6248xf32, #tpu.memory_space<vmem_shared>>
      %dma_wait3A_545 = tpu.memref_slice %arg25[%add3A_129] : memref<1000000xf32, #tpu.memory_space<vmem_shared>> -> memref<6248xf32, #tpu.memory_space<vmem_shared>>
      %dma_wait3A_546 = arith.constant 0 : i32
      %dma_wait3A_547 = tpu.memref_slice %arg23[%dma_wait3A_546] : memref<7808xf32, #tpu.memory_space<vmem>> -> memref<6248xf32, #tpu.memory_space<vmem>>
      tpu.wait_dma2 semaphore(%run_scoped3A_535 : memref<!tpu.dma_semaphore, #tpu.memory_space<semaphore_mem>>) src(%dma_wait3A_547 : memref<6248xf32, #tpu.memory_space<vmem>>) dst(%dma_wait3A_545 : memref<6248xf32, #tpu.memory_space<vmem_shared>>)
      tpu.yield
    }) : () -> ()
    %eq3A = arith.constant 0 : i32
    %eq3A_306 = arith.cmpi eq, %arg1, %eq3A : i32
    %convert_element_type3A = arith.extui %eq3A_306 : i1 to i32
    %cond3A = arith.constant 0 : i32
    %cond3A_307 = arith.cmpi ne, %convert_element_type3A, %cond3A : i32
    scf.if %cond3A_307 {
      %dma_start3A_535 = arith.constant 0 : i32
      %dma_start3A_536 = arith.constant 0 : i32
      %dma_start3A_537 = tpu.memref_slice %arg23[%dma_start3A_536] : memref<7808xf32, #tpu.memory_space<vmem>> -> memref<32xf32, #tpu.memory_space<vmem>>
      %dma_start3A_538 = arith.constant 99968 : i32
      %dma_start3A_539 = tpu.memref_slice %arg2[%dma_start3A_535, %dma_start3A_538] : memref<10x100000xf32, #tpu.memory_space<hbm>> -> memref<1x32xf32, #tpu.memory_space<hbm>>
      %dma_start3A_540 = tpu.memref_squeeze %dma_start3A_539 : memref<1x32xf32, #tpu.memory_space<hbm>> -> memref<32xf32, #tpu.memory_space<hbm>>
      %dma_start3A_541 = arith.constant 0 : i32
      %dma_start3A_542 = tpu.memref_slice %arg23[%dma_start3A_541] : memref<7808xf32, #tpu.memory_space<vmem>> -> memref<32xf32, #tpu.memory_space<vmem>>
      %dma_start3A_543 = arith.constant 99968 : i32
      %dma_start3A_544 = tpu.memref_slice %arg2[%dma_start3A_535, %dma_start3A_543] : memref<10x100000xf32, #tpu.memory_space<hbm>> -> memref<1x32xf32, #tpu.memory_space<hbm>>
      %dma_start3A_545 = tpu.memref_squeeze %dma_start3A_544 : memref<1x32xf32, #tpu.memory_space<hbm>> -> memref<32xf32, #tpu.memory_space<hbm>>
      tpu.enqueue_dma source(%dma_start3A_545 : memref<32xf32, #tpu.memory_space<hbm>>) target(%dma_start3A_542 : memref<32xf32, #tpu.memory_space<vmem>>) target_semaphore(%arg28 : memref<!tpu.dma_semaphore, #tpu.memory_space<semaphore_mem>>)
    } else {
    }
    %dma_wait3A_308 = arith.constant 9 : i32
    %dma_wait3A_309 = arith.constant 0 : i32
    %dma_wait3A_310 = tpu.memref_slice %arg24[%dma_wait3A_309] : memref<7808xf32, #tpu.memory_space<vmem>> -> memref<6248xf32, #tpu.memory_space<vmem>>
    %dma_wait3A_311 = tpu.memref_slice %arg2[%dma_wait3A_308, %mul3A_131] : memref<10x100000xf32, #tpu.memory_space<hbm>> -> memref<1x6248xf32, #tpu.memory_space<hbm>>
    %dma_wait3A_312 = tpu.memref_squeeze %dma_wait3A_311 : memref<1x6248xf32, #tpu.memory_space<hbm>> -> memref<6248xf32, #tpu.memory_space<hbm>>
    %dma_wait3A_313 = arith.constant 0 : i32
    %dma_wait3A_314 = tpu.memref_slice %arg24[%dma_wait3A_313] : memref<7808xf32, #tpu.memory_space<vmem>> -> memref<6248xf32, #tpu.memory_space<vmem>>
    %dma_wait3A_315 = tpu.memref_slice %arg2[%dma_wait3A_308, %mul3A_131] : memref<10x100000xf32, #tpu.memory_space<hbm>> -> memref<1x6248xf32, #tpu.memory_space<hbm>>
    %dma_wait3A_316 = tpu.memref_squeeze %dma_wait3A_315 : memref<1x6248xf32, #tpu.memory_space<hbm>> -> memref<6248xf32, #tpu.memory_space<hbm>>
    tpu.wait_dma2 semaphore(%arg29 : memref<!tpu.dma_semaphore, #tpu.memory_space<semaphore_mem>>) src(%dma_wait3A_316 : memref<6248xf32, #tpu.memory_space<hbm>>) dst(%dma_wait3A_314 : memref<6248xf32, #tpu.memory_space<vmem>>)
    "tpu.region"() ({
      %run_scoped3A_535 = tpu.sem_alloc : memref<!tpu.dma_semaphore, #tpu.memory_space<semaphore_mem>>
      %dma_start3A_536 = arith.constant 0 : i32
      %dma_start3A_537 = tpu.memref_slice %arg24[%dma_start3A_536] : memref<7808xf32, #tpu.memory_space<vmem>> -> memref<6248xf32, #tpu.memory_space<vmem>>
      %dma_start3A_538 = tpu.memref_slice %arg25[%add3A_135] : memref<1000000xf32, #tpu.memory_space<vmem_shared>> -> memref<6248xf32, #tpu.memory_space<vmem_shared>>
      %dma_start3A_539 = tpu.memref_slice %arg25[%add3A_135] : memref<1000000xf32, #tpu.memory_space<vmem_shared>> -> memref<6248xf32, #tpu.memory_space<vmem_shared>>
      %dma_start3A_540 = arith.constant 0 : i32
      %dma_start3A_541 = tpu.memref_slice %arg24[%dma_start3A_540] : memref<7808xf32, #tpu.memory_space<vmem>> -> memref<6248xf32, #tpu.memory_space<vmem>>
      tpu.enqueue_dma source(%dma_start3A_541 : memref<6248xf32, #tpu.memory_space<vmem>>) target(%dma_start3A_539 : memref<6248xf32, #tpu.memory_space<vmem_shared>>) target_semaphore(%run_scoped3A_535 : memref<!tpu.dma_semaphore, #tpu.memory_space<semaphore_mem>>)
      %dma_wait3A_542 = arith.constant 0 : i32
      %dma_wait3A_543 = tpu.memref_slice %arg24[%dma_wait3A_542] : memref<7808xf32, #tpu.memory_space<vmem>> -> memref<6248xf32, #tpu.memory_space<vmem>>
      %dma_wait3A_544 = tpu.memref_slice %arg25[%add3A_135] : memref<1000000xf32, #tpu.memory_space<vmem_shared>> -> memref<6248xf32, #tpu.memory_space<vmem_shared>>
      %dma_wait3A_545 = tpu.memref_slice %arg25[%add3A_135] : memref<1000000xf32, #tpu.memory_space<vmem_shared>> -> memref<6248xf32, #tpu.memory_space<vmem_shared>>
      %dma_wait3A_546 = arith.constant 0 : i32
      %dma_wait3A_547 = tpu.memref_slice %arg24[%dma_wait3A_546] : memref<7808xf32, #tpu.memory_space<vmem>> -> memref<6248xf32, #tpu.memory_space<vmem>>
      tpu.wait_dma2 semaphore(%run_scoped3A_535 : memref<!tpu.dma_semaphore, #tpu.memory_space<semaphore_mem>>) src(%dma_wait3A_547 : memref<6248xf32, #tpu.memory_space<vmem>>) dst(%dma_wait3A_545 : memref<6248xf32, #tpu.memory_space<vmem_shared>>)
      tpu.yield
    }) : () -> ()
    %eq3A_317 = arith.constant 0 : i32
    %eq3A_318 = arith.cmpi eq, %arg1, %eq3A_317 : i32
    %convert_element_type3A_319 = arith.extui %eq3A_318 : i1 to i32
    %cond3A_320 = arith.constant 0 : i32
    %cond3A_321 = arith.cmpi ne, %convert_element_type3A_319, %cond3A_320 : i32
    scf.if %cond3A_321 {
      %dma_start3A_535 = arith.constant 1 : i32
      %dma_start3A_536 = arith.constant 0 : i32
      %dma_start3A_537 = tpu.memref_slice %arg24[%dma_start3A_536] : memref<7808xf32, #tpu.memory_space<vmem>> -> memref<32xf32, #tpu.memory_space<vmem>>
      %dma_start3A_538 = arith.constant 99968 : i32
      %dma_start3A_539 = tpu.memref_slice %arg2[%dma_start3A_535, %dma_start3A_538] : memref<10x100000xf32, #tpu.memory_space<hbm>> -> memref<1x32xf32, #tpu.memory_space<hbm>>
      %dma_start3A_540 = tpu.memref_squeeze %dma_start3A_539 : memref<1x32xf32, #tpu.memory_space<hbm>> -> memref<32xf32, #tpu.memory_space<hbm>>
      %dma_start3A_541 = arith.constant 0 : i32
      %dma_start3A_542 = tpu.memref_slice %arg24[%dma_start3A_541] : memref<7808xf32, #tpu.memory_space<vmem>> -> memref<32xf32, #tpu.memory_space<vmem>>
      %dma_start3A_543 = arith.constant 99968 : i32
      %dma_start3A_544 = tpu.memref_slice %arg2[%dma_start3A_535, %dma_start3A_543] : memref<10x100000xf32, #tpu.memory_space<hbm>> -> memref<1x32xf32, #tpu.memory_space<hbm>>
      %dma_start3A_545 = tpu.memref_squeeze %dma_start3A_544 : memref<1x32xf32, #tpu.memory_space<hbm>> -> memref<32xf32, #tpu.memory_space<hbm>>
      tpu.enqueue_dma source(%dma_start3A_545 : memref<32xf32, #tpu.memory_space<hbm>>) target(%dma_start3A_542 : memref<32xf32, #tpu.memory_space<vmem>>) target_semaphore(%arg29 : memref<!tpu.dma_semaphore, #tpu.memory_space<semaphore_mem>>)
    } else {
    }
    %eq3A_322 = arith.constant 0 : i32
    %eq3A_323 = arith.cmpi eq, %arg1, %eq3A_322 : i32
    %convert_element_type3A_324 = arith.extui %eq3A_323 : i1 to i32
    %cond3A_325 = arith.constant 0 : i32
    %cond3A_326 = arith.cmpi ne, %convert_element_type3A_324, %cond3A_325 : i32
    scf.if %cond3A_326 {
      %dma_wait3A_535 = arith.constant 0 : i32
      %dma_wait3A_536 = tpu.memref_slice %arg23[%dma_wait3A_535] : memref<7808xf32, #tpu.memory_space<vmem>> -> memref<32xf32, #tpu.memory_space<vmem>>
      %dma_wait3A_537 = arith.constant 99968 : i32
      %dma_wait3A_538 = tpu.memref_slice %arg2[%squeeze3A, %dma_wait3A_537] : memref<10x100000xf32, #tpu.memory_space<hbm>> -> memref<1x32xf32, #tpu.memory_space<hbm>>
      %dma_wait3A_539 = tpu.memref_squeeze %dma_wait3A_538 : memref<1x32xf32, #tpu.memory_space<hbm>> -> memref<32xf32, #tpu.memory_space<hbm>>
      %dma_wait3A_540 = arith.constant 0 : i32
      %dma_wait3A_541 = tpu.memref_slice %arg23[%dma_wait3A_540] : memref<7808xf32, #tpu.memory_space<vmem>> -> memref<32xf32, #tpu.memory_space<vmem>>
      %dma_wait3A_542 = arith.constant 99968 : i32
      %dma_wait3A_543 = tpu.memref_slice %arg2[%squeeze3A, %dma_wait3A_542] : memref<10x100000xf32, #tpu.memory_space<hbm>> -> memref<1x32xf32, #tpu.memory_space<hbm>>
      %dma_wait3A_544 = tpu.memref_squeeze %dma_wait3A_543 : memref<1x32xf32, #tpu.memory_space<hbm>> -> memref<32xf32, #tpu.memory_space<hbm>>
      tpu.wait_dma2 semaphore(%arg28 : memref<!tpu.dma_semaphore, #tpu.memory_space<semaphore_mem>>) src(%dma_wait3A_544 : memref<32xf32, #tpu.memory_space<hbm>>) dst(%dma_wait3A_541 : memref<32xf32, #tpu.memory_space<vmem>>)
      "tpu.region"() ({
        %run_scoped3A_545 = tpu.sem_alloc : memref<!tpu.dma_semaphore, #tpu.memory_space<semaphore_mem>>
        %dma_start3A_546 = arith.constant 0 : i32
        %dma_start3A_547 = tpu.memref_slice %arg23[%dma_start3A_546] : memref<7808xf32, #tpu.memory_space<vmem>> -> memref<32xf32, #tpu.memory_space<vmem>>
        %dma_start3A_548 = arith.constant 99968 : i32
        %dma_start3A_549 = tpu.memref_slice %arg25[%dma_start3A_548] : memref<1000000xf32, #tpu.memory_space<vmem_shared>> -> memref<32xf32, #tpu.memory_space<vmem_shared>>
        %dma_start3A_550 = arith.constant 99968 : i32
        %dma_start3A_551 = tpu.memref_slice %arg25[%dma_start3A_550] : memref<1000000xf32, #tpu.memory_space<vmem_shared>> -> memref<32xf32, #tpu.memory_space<vmem_shared>>
        %dma_start3A_552 = arith.constant 0 : i32
        %dma_start3A_553 = tpu.memref_slice %arg23[%dma_start3A_552] : memref<7808xf32, #tpu.memory_space<vmem>> -> memref<32xf32, #tpu.memory_space<vmem>>
        tpu.enqueue_dma source(%dma_start3A_553 : memref<32xf32, #tpu.memory_space<vmem>>) target(%dma_start3A_551 : memref<32xf32, #tpu.memory_space<vmem_shared>>) target_semaphore(%run_scoped3A_545 : memref<!tpu.dma_semaphore, #tpu.memory_space<semaphore_mem>>)
        %dma_wait3A_554 = arith.constant 0 : i32
        %dma_wait3A_555 = tpu.memref_slice %arg23[%dma_wait3A_554] : memref<7808xf32, #tpu.memory_space<vmem>> -> memref<32xf32, #tpu.memory_space<vmem>>
        %dma_wait3A_556 = arith.constant 99968 : i32
        %dma_wait3A_557 = tpu.memref_slice %arg25[%dma_wait3A_556] : memref<1000000xf32, #tpu.memory_space<vmem_shared>> -> memref<32xf32, #tpu.memory_space<vmem_shared>>
        %dma_wait3A_558 = arith.constant 99968 : i32
        %dma_wait3A_559 = tpu.memref_slice %arg25[%dma_wait3A_558] : memref<1000000xf32, #tpu.memory_space<vmem_shared>> -> memref<32xf32, #tpu.memory_space<vmem_shared>>
        %dma_wait3A_560 = arith.constant 0 : i32
        %dma_wait3A_561 = tpu.memref_slice %arg23[%dma_wait3A_560] : memref<7808xf32, #tpu.memory_space<vmem>> -> memref<32xf32, #tpu.memory_space<vmem>>
        tpu.wait_dma2 semaphore(%run_scoped3A_545 : memref<!tpu.dma_semaphore, #tpu.memory_space<semaphore_mem>>) src(%dma_wait3A_561 : memref<32xf32, #tpu.memory_space<vmem>>) dst(%dma_wait3A_559 : memref<32xf32, #tpu.memory_space<vmem_shared>>)
        tpu.yield
      }) : () -> ()
    } else {
    }
    %eq3A_327 = arith.constant 0 : i32
    %eq3A_328 = arith.cmpi eq, %arg1, %eq3A_327 : i32
    %convert_element_type3A_329 = arith.extui %eq3A_328 : i1 to i32
    %cond3A_330 = arith.constant 0 : i32
    %cond3A_331 = arith.cmpi ne, %convert_element_type3A_329, %cond3A_330 : i32
    scf.if %cond3A_331 {
      %dma_start3A_535 = arith.constant 2 : i32
      %dma_start3A_536 = arith.constant 0 : i32
      %dma_start3A_537 = tpu.memref_slice %arg23[%dma_start3A_536] : memref<7808xf32, #tpu.memory_space<vmem>> -> memref<32xf32, #tpu.memory_space<vmem>>
      %dma_start3A_538 = arith.constant 99968 : i32
      %dma_start3A_539 = tpu.memref_slice %arg2[%dma_start3A_535, %dma_start3A_538] : memref<10x100000xf32, #tpu.memory_space<hbm>> -> memref<1x32xf32, #tpu.memory_space<hbm>>
      %dma_start3A_540 = tpu.memref_squeeze %dma_start3A_539 : memref<1x32xf32, #tpu.memory_space<hbm>> -> memref<32xf32, #tpu.memory_space<hbm>>
      %dma_start3A_541 = arith.constant 0 : i32
      %dma_start3A_542 = tpu.memref_slice %arg23[%dma_start3A_541] : memref<7808xf32, #tpu.memory_space<vmem>> -> memref<32xf32, #tpu.memory_space<vmem>>
      %dma_start3A_543 = arith.constant 99968 : i32
      %dma_start3A_544 = tpu.memref_slice %arg2[%dma_start3A_535, %dma_start3A_543] : memref<10x100000xf32, #tpu.memory_space<hbm>> -> memref<1x32xf32, #tpu.memory_space<hbm>>
      %dma_start3A_545 = tpu.memref_squeeze %dma_start3A_544 : memref<1x32xf32, #tpu.memory_space<hbm>> -> memref<32xf32, #tpu.memory_space<hbm>>
      tpu.enqueue_dma source(%dma_start3A_545 : memref<32xf32, #tpu.memory_space<hbm>>) target(%dma_start3A_542 : memref<32xf32, #tpu.memory_space<vmem>>) target_semaphore(%arg28 : memref<!tpu.dma_semaphore, #tpu.memory_space<semaphore_mem>>)
    } else {
    }
    %eq3A_332 = arith.constant 0 : i32
    %eq3A_333 = arith.cmpi eq, %arg1, %eq3A_332 : i32
    %convert_element_type3A_334 = arith.extui %eq3A_333 : i1 to i32
    %cond3A_335 = arith.constant 0 : i32
    %cond3A_336 = arith.cmpi ne, %convert_element_type3A_334, %cond3A_335 : i32
    scf.if %cond3A_336 {
      %dma_wait3A_535 = arith.constant 0 : i32
      %dma_wait3A_536 = tpu.memref_slice %arg24[%dma_wait3A_535] : memref<7808xf32, #tpu.memory_space<vmem>> -> memref<32xf32, #tpu.memory_space<vmem>>
      %dma_wait3A_537 = arith.constant 99968 : i32
      %dma_wait3A_538 = tpu.memref_slice %arg2[%squeeze3A_15, %dma_wait3A_537] : memref<10x100000xf32, #tpu.memory_space<hbm>> -> memref<1x32xf32, #tpu.memory_space<hbm>>
      %dma_wait3A_539 = tpu.memref_squeeze %dma_wait3A_538 : memref<1x32xf32, #tpu.memory_space<hbm>> -> memref<32xf32, #tpu.memory_space<hbm>>
      %dma_wait3A_540 = arith.constant 0 : i32
      %dma_wait3A_541 = tpu.memref_slice %arg24[%dma_wait3A_540] : memref<7808xf32, #tpu.memory_space<vmem>> -> memref<32xf32, #tpu.memory_space<vmem>>
      %dma_wait3A_542 = arith.constant 99968 : i32
      %dma_wait3A_543 = tpu.memref_slice %arg2[%squeeze3A_15, %dma_wait3A_542] : memref<10x100000xf32, #tpu.memory_space<hbm>> -> memref<1x32xf32, #tpu.memory_space<hbm>>
      %dma_wait3A_544 = tpu.memref_squeeze %dma_wait3A_543 : memref<1x32xf32, #tpu.memory_space<hbm>> -> memref<32xf32, #tpu.memory_space<hbm>>
      tpu.wait_dma2 semaphore(%arg29 : memref<!tpu.dma_semaphore, #tpu.memory_space<semaphore_mem>>) src(%dma_wait3A_544 : memref<32xf32, #tpu.memory_space<hbm>>) dst(%dma_wait3A_541 : memref<32xf32, #tpu.memory_space<vmem>>)
      "tpu.region"() ({
        %run_scoped3A_545 = tpu.sem_alloc : memref<!tpu.dma_semaphore, #tpu.memory_space<semaphore_mem>>
        %dma_start3A_546 = arith.constant 0 : i32
        %dma_start3A_547 = tpu.memref_slice %arg24[%dma_start3A_546] : memref<7808xf32, #tpu.memory_space<vmem>> -> memref<32xf32, #tpu.memory_space<vmem>>
        %dma_start3A_548 = arith.constant 199968 : i32
        %dma_start3A_549 = tpu.memref_slice %arg25[%dma_start3A_548] : memref<1000000xf32, #tpu.memory_space<vmem_shared>> -> memref<32xf32, #tpu.memory_space<vmem_shared>>
        %dma_start3A_550 = arith.constant 199968 : i32
        %dma_start3A_551 = tpu.memref_slice %arg25[%dma_start3A_550] : memref<1000000xf32, #tpu.memory_space<vmem_shared>> -> memref<32xf32, #tpu.memory_space<vmem_shared>>
        %dma_start3A_552 = arith.constant 0 : i32
        %dma_start3A_553 = tpu.memref_slice %arg24[%dma_start3A_552] : memref<7808xf32, #tpu.memory_space<vmem>> -> memref<32xf32, #tpu.memory_space<vmem>>
        tpu.enqueue_dma source(%dma_start3A_553 : memref<32xf32, #tpu.memory_space<vmem>>) target(%dma_start3A_551 : memref<32xf32, #tpu.memory_space<vmem_shared>>) target_semaphore(%run_scoped3A_545 : memref<!tpu.dma_semaphore, #tpu.memory_space<semaphore_mem>>)
        %dma_wait3A_554 = arith.constant 0 : i32
        %dma_wait3A_555 = tpu.memref_slice %arg24[%dma_wait3A_554] : memref<7808xf32, #tpu.memory_space<vmem>> -> memref<32xf32, #tpu.memory_space<vmem>>
        %dma_wait3A_556 = arith.constant 199968 : i32
        %dma_wait3A_557 = tpu.memref_slice %arg25[%dma_wait3A_556] : memref<1000000xf32, #tpu.memory_space<vmem_shared>> -> memref<32xf32, #tpu.memory_space<vmem_shared>>
        %dma_wait3A_558 = arith.constant 199968 : i32
        %dma_wait3A_559 = tpu.memref_slice %arg25[%dma_wait3A_558] : memref<1000000xf32, #tpu.memory_space<vmem_shared>> -> memref<32xf32, #tpu.memory_space<vmem_shared>>
        %dma_wait3A_560 = arith.constant 0 : i32
        %dma_wait3A_561 = tpu.memref_slice %arg24[%dma_wait3A_560] : memref<7808xf32, #tpu.memory_space<vmem>> -> memref<32xf32, #tpu.memory_space<vmem>>
        tpu.wait_dma2 semaphore(%run_scoped3A_545 : memref<!tpu.dma_semaphore, #tpu.memory_space<semaphore_mem>>) src(%dma_wait3A_561 : memref<32xf32, #tpu.memory_space<vmem>>) dst(%dma_wait3A_559 : memref<32xf32, #tpu.memory_space<vmem_shared>>)
        tpu.yield
      }) : () -> ()
    } else {
    }
    %eq3A_337 = arith.constant 0 : i32
    %eq3A_338 = arith.cmpi eq, %arg1, %eq3A_337 : i32
    %convert_element_type3A_339 = arith.extui %eq3A_338 : i1 to i32
    %cond3A_340 = arith.constant 0 : i32
    %cond3A_341 = arith.cmpi ne, %convert_element_type3A_339, %cond3A_340 : i32
    scf.if %cond3A_341 {
      %dma_start3A_535 = arith.constant 3 : i32
      %dma_start3A_536 = arith.constant 0 : i32
      %dma_start3A_537 = tpu.memref_slice %arg24[%dma_start3A_536] : memref<7808xf32, #tpu.memory_space<vmem>> -> memref<32xf32, #tpu.memory_space<vmem>>
      %dma_start3A_538 = arith.constant 99968 : i32
      %dma_start3A_539 = tpu.memref_slice %arg2[%dma_start3A_535, %dma_start3A_538] : memref<10x100000xf32, #tpu.memory_space<hbm>> -> memref<1x32xf32, #tpu.memory_space<hbm>>
      %dma_start3A_540 = tpu.memref_squeeze %dma_start3A_539 : memref<1x32xf32, #tpu.memory_space<hbm>> -> memref<32xf32, #tpu.memory_space<hbm>>
      %dma_start3A_541 = arith.constant 0 : i32
      %dma_start3A_542 = tpu.memref_slice %arg24[%dma_start3A_541] : memref<7808xf32, #tpu.memory_space<vmem>> -> memref<32xf32, #tpu.memory_space<vmem>>
      %dma_start3A_543 = arith.constant 99968 : i32
      %dma_start3A_544 = tpu.memref_slice %arg2[%dma_start3A_535, %dma_start3A_543] : memref<10x100000xf32, #tpu.memory_space<hbm>> -> memref<1x32xf32, #tpu.memory_space<hbm>>
      %dma_start3A_545 = tpu.memref_squeeze %dma_start3A_544 : memref<1x32xf32, #tpu.memory_space<hbm>> -> memref<32xf32, #tpu.memory_space<hbm>>
      tpu.enqueue_dma source(%dma_start3A_545 : memref<32xf32, #tpu.memory_space<hbm>>) target(%dma_start3A_542 : memref<32xf32, #tpu.memory_space<vmem>>) target_semaphore(%arg29 : memref<!tpu.dma_semaphore, #tpu.memory_space<semaphore_mem>>)
    } else {
    }
    %eq3A_342 = arith.constant 0 : i32
    %eq3A_343 = arith.cmpi eq, %arg1, %eq3A_342 : i32
    %convert_element_type3A_344 = arith.extui %eq3A_343 : i1 to i32
    %cond3A_345 = arith.constant 0 : i32
    %cond3A_346 = arith.cmpi ne, %convert_element_type3A_344, %cond3A_345 : i32
    scf.if %cond3A_346 {
      %dma_wait3A_535 = arith.constant 0 : i32
      %dma_wait3A_536 = tpu.memref_slice %arg23[%dma_wait3A_535] : memref<7808xf32, #tpu.memory_space<vmem>> -> memref<32xf32, #tpu.memory_space<vmem>>
      %dma_wait3A_537 = arith.constant 99968 : i32
      %dma_wait3A_538 = tpu.memref_slice %arg2[%squeeze3A_20, %dma_wait3A_537] : memref<10x100000xf32, #tpu.memory_space<hbm>> -> memref<1x32xf32, #tpu.memory_space<hbm>>
      %dma_wait3A_539 = tpu.memref_squeeze %dma_wait3A_538 : memref<1x32xf32, #tpu.memory_space<hbm>> -> memref<32xf32, #tpu.memory_space<hbm>>
      %dma_wait3A_540 = arith.constant 0 : i32
      %dma_wait3A_541 = tpu.memref_slice %arg23[%dma_wait3A_540] : memref<7808xf32, #tpu.memory_space<vmem>> -> memref<32xf32, #tpu.memory_space<vmem>>
      %dma_wait3A_542 = arith.constant 99968 : i32
      %dma_wait3A_543 = tpu.memref_slice %arg2[%squeeze3A_20, %dma_wait3A_542] : memref<10x100000xf32, #tpu.memory_space<hbm>> -> memref<1x32xf32, #tpu.memory_space<hbm>>
      %dma_wait3A_544 = tpu.memref_squeeze %dma_wait3A_543 : memref<1x32xf32, #tpu.memory_space<hbm>> -> memref<32xf32, #tpu.memory_space<hbm>>
      tpu.wait_dma2 semaphore(%arg28 : memref<!tpu.dma_semaphore, #tpu.memory_space<semaphore_mem>>) src(%dma_wait3A_544 : memref<32xf32, #tpu.memory_space<hbm>>) dst(%dma_wait3A_541 : memref<32xf32, #tpu.memory_space<vmem>>)
      "tpu.region"() ({
        %run_scoped3A_545 = tpu.sem_alloc : memref<!tpu.dma_semaphore, #tpu.memory_space<semaphore_mem>>
        %dma_start3A_546 = arith.constant 0 : i32
        %dma_start3A_547 = tpu.memref_slice %arg23[%dma_start3A_546] : memref<7808xf32, #tpu.memory_space<vmem>> -> memref<32xf32, #tpu.memory_space<vmem>>
        %dma_start3A_548 = arith.constant 299968 : i32
        %dma_start3A_549 = tpu.memref_slice %arg25[%dma_start3A_548] : memref<1000000xf32, #tpu.memory_space<vmem_shared>> -> memref<32xf32, #tpu.memory_space<vmem_shared>>
        %dma_start3A_550 = arith.constant 299968 : i32
        %dma_start3A_551 = tpu.memref_slice %arg25[%dma_start3A_550] : memref<1000000xf32, #tpu.memory_space<vmem_shared>> -> memref<32xf32, #tpu.memory_space<vmem_shared>>
        %dma_start3A_552 = arith.constant 0 : i32
        %dma_start3A_553 = tpu.memref_slice %arg23[%dma_start3A_552] : memref<7808xf32, #tpu.memory_space<vmem>> -> memref<32xf32, #tpu.memory_space<vmem>>
        tpu.enqueue_dma source(%dma_start3A_553 : memref<32xf32, #tpu.memory_space<vmem>>) target(%dma_start3A_551 : memref<32xf32, #tpu.memory_space<vmem_shared>>) target_semaphore(%run_scoped3A_545 : memref<!tpu.dma_semaphore, #tpu.memory_space<semaphore_mem>>)
        %dma_wait3A_554 = arith.constant 0 : i32
        %dma_wait3A_555 = tpu.memref_slice %arg23[%dma_wait3A_554] : memref<7808xf32, #tpu.memory_space<vmem>> -> memref<32xf32, #tpu.memory_space<vmem>>
        %dma_wait3A_556 = arith.constant 299968 : i32
        %dma_wait3A_557 = tpu.memref_slice %arg25[%dma_wait3A_556] : memref<1000000xf32, #tpu.memory_space<vmem_shared>> -> memref<32xf32, #tpu.memory_space<vmem_shared>>
        %dma_wait3A_558 = arith.constant 299968 : i32
        %dma_wait3A_559 = tpu.memref_slice %arg25[%dma_wait3A_558] : memref<1000000xf32, #tpu.memory_space<vmem_shared>> -> memref<32xf32, #tpu.memory_space<vmem_shared>>
        %dma_wait3A_560 = arith.constant 0 : i32
        %dma_wait3A_561 = tpu.memref_slice %arg23[%dma_wait3A_560] : memref<7808xf32, #tpu.memory_space<vmem>> -> memref<32xf32, #tpu.memory_space<vmem>>
        tpu.wait_dma2 semaphore(%run_scoped3A_545 : memref<!tpu.dma_semaphore, #tpu.memory_space<semaphore_mem>>) src(%dma_wait3A_561 : memref<32xf32, #tpu.memory_space<vmem>>) dst(%dma_wait3A_559 : memref<32xf32, #tpu.memory_space<vmem_shared>>)
        tpu.yield
      }) : () -> ()
    } else {
    }
    %eq3A_347 = arith.constant 0 : i32
    %eq3A_348 = arith.cmpi eq, %arg1, %eq3A_347 : i32
    %convert_element_type3A_349 = arith.extui %eq3A_348 : i1 to i32
    %cond3A_350 = arith.constant 0 : i32
    %cond3A_351 = arith.cmpi ne, %convert_element_type3A_349, %cond3A_350 : i32
    scf.if %cond3A_351 {
      %dma_start3A_535 = arith.constant 4 : i32
      %dma_start3A_536 = arith.constant 0 : i32
      %dma_start3A_537 = tpu.memref_slice %arg23[%dma_start3A_536] : memref<7808xf32, #tpu.memory_space<vmem>> -> memref<32xf32, #tpu.memory_space<vmem>>
      %dma_start3A_538 = arith.constant 99968 : i32
      %dma_start3A_539 = tpu.memref_slice %arg2[%dma_start3A_535, %dma_start3A_538] : memref<10x100000xf32, #tpu.memory_space<hbm>> -> memref<1x32xf32, #tpu.memory_space<hbm>>
      %dma_start3A_540 = tpu.memref_squeeze %dma_start3A_539 : memref<1x32xf32, #tpu.memory_space<hbm>> -> memref<32xf32, #tpu.memory_space<hbm>>
      %dma_start3A_541 = arith.constant 0 : i32
      %dma_start3A_542 = tpu.memref_slice %arg23[%dma_start3A_541] : memref<7808xf32, #tpu.memory_space<vmem>> -> memref<32xf32, #tpu.memory_space<vmem>>
      %dma_start3A_543 = arith.constant 99968 : i32
      %dma_start3A_544 = tpu.memref_slice %arg2[%dma_start3A_535, %dma_start3A_543] : memref<10x100000xf32, #tpu.memory_space<hbm>> -> memref<1x32xf32, #tpu.memory_space<hbm>>
      %dma_start3A_545 = tpu.memref_squeeze %dma_start3A_544 : memref<1x32xf32, #tpu.memory_space<hbm>> -> memref<32xf32, #tpu.memory_space<hbm>>
      tpu.enqueue_dma source(%dma_start3A_545 : memref<32xf32, #tpu.memory_space<hbm>>) target(%dma_start3A_542 : memref<32xf32, #tpu.memory_space<vmem>>) target_semaphore(%arg28 : memref<!tpu.dma_semaphore, #tpu.memory_space<semaphore_mem>>)
    } else {
    }
    %eq3A_352 = arith.constant 0 : i32
    %eq3A_353 = arith.cmpi eq, %arg1, %eq3A_352 : i32
    %convert_element_type3A_354 = arith.extui %eq3A_353 : i1 to i32
    %cond3A_355 = arith.constant 0 : i32
    %cond3A_356 = arith.cmpi ne, %convert_element_type3A_354, %cond3A_355 : i32
    scf.if %cond3A_356 {
      %dma_wait3A_535 = arith.constant 0 : i32
      %dma_wait3A_536 = tpu.memref_slice %arg24[%dma_wait3A_535] : memref<7808xf32, #tpu.memory_space<vmem>> -> memref<32xf32, #tpu.memory_space<vmem>>
      %dma_wait3A_537 = arith.constant 99968 : i32
      %dma_wait3A_538 = tpu.memref_slice %arg2[%squeeze3A_25, %dma_wait3A_537] : memref<10x100000xf32, #tpu.memory_space<hbm>> -> memref<1x32xf32, #tpu.memory_space<hbm>>
      %dma_wait3A_539 = tpu.memref_squeeze %dma_wait3A_538 : memref<1x32xf32, #tpu.memory_space<hbm>> -> memref<32xf32, #tpu.memory_space<hbm>>
      %dma_wait3A_540 = arith.constant 0 : i32
      %dma_wait3A_541 = tpu.memref_slice %arg24[%dma_wait3A_540] : memref<7808xf32, #tpu.memory_space<vmem>> -> memref<32xf32, #tpu.memory_space<vmem>>
      %dma_wait3A_542 = arith.constant 99968 : i32
      %dma_wait3A_543 = tpu.memref_slice %arg2[%squeeze3A_25, %dma_wait3A_542] : memref<10x100000xf32, #tpu.memory_space<hbm>> -> memref<1x32xf32, #tpu.memory_space<hbm>>
      %dma_wait3A_544 = tpu.memref_squeeze %dma_wait3A_543 : memref<1x32xf32, #tpu.memory_space<hbm>> -> memref<32xf32, #tpu.memory_space<hbm>>
      tpu.wait_dma2 semaphore(%arg29 : memref<!tpu.dma_semaphore, #tpu.memory_space<semaphore_mem>>) src(%dma_wait3A_544 : memref<32xf32, #tpu.memory_space<hbm>>) dst(%dma_wait3A_541 : memref<32xf32, #tpu.memory_space<vmem>>)
      "tpu.region"() ({
        %run_scoped3A_545 = tpu.sem_alloc : memref<!tpu.dma_semaphore, #tpu.memory_space<semaphore_mem>>
        %dma_start3A_546 = arith.constant 0 : i32
        %dma_start3A_547 = tpu.memref_slice %arg24[%dma_start3A_546] : memref<7808xf32, #tpu.memory_space<vmem>> -> memref<32xf32, #tpu.memory_space<vmem>>
        %dma_start3A_548 = arith.constant 399968 : i32
        %dma_start3A_549 = tpu.memref_slice %arg25[%dma_start3A_548] : memref<1000000xf32, #tpu.memory_space<vmem_shared>> -> memref<32xf32, #tpu.memory_space<vmem_shared>>
        %dma_start3A_550 = arith.constant 399968 : i32
        %dma_start3A_551 = tpu.memref_slice %arg25[%dma_start3A_550] : memref<1000000xf32, #tpu.memory_space<vmem_shared>> -> memref<32xf32, #tpu.memory_space<vmem_shared>>
        %dma_start3A_552 = arith.constant 0 : i32
        %dma_start3A_553 = tpu.memref_slice %arg24[%dma_start3A_552] : memref<7808xf32, #tpu.memory_space<vmem>> -> memref<32xf32, #tpu.memory_space<vmem>>
        tpu.enqueue_dma source(%dma_start3A_553 : memref<32xf32, #tpu.memory_space<vmem>>) target(%dma_start3A_551 : memref<32xf32, #tpu.memory_space<vmem_shared>>) target_semaphore(%run_scoped3A_545 : memref<!tpu.dma_semaphore, #tpu.memory_space<semaphore_mem>>)
        %dma_wait3A_554 = arith.constant 0 : i32
        %dma_wait3A_555 = tpu.memref_slice %arg24[%dma_wait3A_554] : memref<7808xf32, #tpu.memory_space<vmem>> -> memref<32xf32, #tpu.memory_space<vmem>>
        %dma_wait3A_556 = arith.constant 399968 : i32
        %dma_wait3A_557 = tpu.memref_slice %arg25[%dma_wait3A_556] : memref<1000000xf32, #tpu.memory_space<vmem_shared>> -> memref<32xf32, #tpu.memory_space<vmem_shared>>
        %dma_wait3A_558 = arith.constant 399968 : i32
        %dma_wait3A_559 = tpu.memref_slice %arg25[%dma_wait3A_558] : memref<1000000xf32, #tpu.memory_space<vmem_shared>> -> memref<32xf32, #tpu.memory_space<vmem_shared>>
        %dma_wait3A_560 = arith.constant 0 : i32
        %dma_wait3A_561 = tpu.memref_slice %arg24[%dma_wait3A_560] : memref<7808xf32, #tpu.memory_space<vmem>> -> memref<32xf32, #tpu.memory_space<vmem>>
        tpu.wait_dma2 semaphore(%run_scoped3A_545 : memref<!tpu.dma_semaphore, #tpu.memory_space<semaphore_mem>>) src(%dma_wait3A_561 : memref<32xf32, #tpu.memory_space<vmem>>) dst(%dma_wait3A_559 : memref<32xf32, #tpu.memory_space<vmem_shared>>)
        tpu.yield
      }) : () -> ()
    } else {
    }
    %eq3A_357 = arith.constant 0 : i32
    %eq3A_358 = arith.cmpi eq, %arg1, %eq3A_357 : i32
    %convert_element_type3A_359 = arith.extui %eq3A_358 : i1 to i32
    %cond3A_360 = arith.constant 0 : i32
    %cond3A_361 = arith.cmpi ne, %convert_element_type3A_359, %cond3A_360 : i32
    scf.if %cond3A_361 {
      %dma_start3A_535 = arith.constant 5 : i32
      %dma_start3A_536 = arith.constant 0 : i32
      %dma_start3A_537 = tpu.memref_slice %arg24[%dma_start3A_536] : memref<7808xf32, #tpu.memory_space<vmem>> -> memref<32xf32, #tpu.memory_space<vmem>>
      %dma_start3A_538 = arith.constant 99968 : i32
      %dma_start3A_539 = tpu.memref_slice %arg2[%dma_start3A_535, %dma_start3A_538] : memref<10x100000xf32, #tpu.memory_space<hbm>> -> memref<1x32xf32, #tpu.memory_space<hbm>>
      %dma_start3A_540 = tpu.memref_squeeze %dma_start3A_539 : memref<1x32xf32, #tpu.memory_space<hbm>> -> memref<32xf32, #tpu.memory_space<hbm>>
      %dma_start3A_541 = arith.constant 0 : i32
      %dma_start3A_542 = tpu.memref_slice %arg24[%dma_start3A_541] : memref<7808xf32, #tpu.memory_space<vmem>> -> memref<32xf32, #tpu.memory_space<vmem>>
      %dma_start3A_543 = arith.constant 99968 : i32
      %dma_start3A_544 = tpu.memref_slice %arg2[%dma_start3A_535, %dma_start3A_543] : memref<10x100000xf32, #tpu.memory_space<hbm>> -> memref<1x32xf32, #tpu.memory_space<hbm>>
      %dma_start3A_545 = tpu.memref_squeeze %dma_start3A_544 : memref<1x32xf32, #tpu.memory_space<hbm>> -> memref<32xf32, #tpu.memory_space<hbm>>
      tpu.enqueue_dma source(%dma_start3A_545 : memref<32xf32, #tpu.memory_space<hbm>>) target(%dma_start3A_542 : memref<32xf32, #tpu.memory_space<vmem>>) target_semaphore(%arg29 : memref<!tpu.dma_semaphore, #tpu.memory_space<semaphore_mem>>)
    } else {
    }
    %eq3A_362 = arith.constant 0 : i32
    %eq3A_363 = arith.cmpi eq, %arg1, %eq3A_362 : i32
    %convert_element_type3A_364 = arith.extui %eq3A_363 : i1 to i32
    %cond3A_365 = arith.constant 0 : i32
    %cond3A_366 = arith.cmpi ne, %convert_element_type3A_364, %cond3A_365 : i32
    scf.if %cond3A_366 {
      %dma_wait3A_535 = arith.constant 0 : i32
      %dma_wait3A_536 = tpu.memref_slice %arg23[%dma_wait3A_535] : memref<7808xf32, #tpu.memory_space<vmem>> -> memref<32xf32, #tpu.memory_space<vmem>>
      %dma_wait3A_537 = arith.constant 99968 : i32
      %dma_wait3A_538 = tpu.memref_slice %arg2[%squeeze3A_30, %dma_wait3A_537] : memref<10x100000xf32, #tpu.memory_space<hbm>> -> memref<1x32xf32, #tpu.memory_space<hbm>>
      %dma_wait3A_539 = tpu.memref_squeeze %dma_wait3A_538 : memref<1x32xf32, #tpu.memory_space<hbm>> -> memref<32xf32, #tpu.memory_space<hbm>>
      %dma_wait3A_540 = arith.constant 0 : i32
      %dma_wait3A_541 = tpu.memref_slice %arg23[%dma_wait3A_540] : memref<7808xf32, #tpu.memory_space<vmem>> -> memref<32xf32, #tpu.memory_space<vmem>>
      %dma_wait3A_542 = arith.constant 99968 : i32
      %dma_wait3A_543 = tpu.memref_slice %arg2[%squeeze3A_30, %dma_wait3A_542] : memref<10x100000xf32, #tpu.memory_space<hbm>> -> memref<1x32xf32, #tpu.memory_space<hbm>>
      %dma_wait3A_544 = tpu.memref_squeeze %dma_wait3A_543 : memref<1x32xf32, #tpu.memory_space<hbm>> -> memref<32xf32, #tpu.memory_space<hbm>>
      tpu.wait_dma2 semaphore(%arg28 : memref<!tpu.dma_semaphore, #tpu.memory_space<semaphore_mem>>) src(%dma_wait3A_544 : memref<32xf32, #tpu.memory_space<hbm>>) dst(%dma_wait3A_541 : memref<32xf32, #tpu.memory_space<vmem>>)
      "tpu.region"() ({
        %run_scoped3A_545 = tpu.sem_alloc : memref<!tpu.dma_semaphore, #tpu.memory_space<semaphore_mem>>
        %dma_start3A_546 = arith.constant 0 : i32
        %dma_start3A_547 = tpu.memref_slice %arg23[%dma_start3A_546] : memref<7808xf32, #tpu.memory_space<vmem>> -> memref<32xf32, #tpu.memory_space<vmem>>
        %dma_start3A_548 = arith.constant 499968 : i32
        %dma_start3A_549 = tpu.memref_slice %arg25[%dma_start3A_548] : memref<1000000xf32, #tpu.memory_space<vmem_shared>> -> memref<32xf32, #tpu.memory_space<vmem_shared>>
        %dma_start3A_550 = arith.constant 499968 : i32
        %dma_start3A_551 = tpu.memref_slice %arg25[%dma_start3A_550] : memref<1000000xf32, #tpu.memory_space<vmem_shared>> -> memref<32xf32, #tpu.memory_space<vmem_shared>>
        %dma_start3A_552 = arith.constant 0 : i32
        %dma_start3A_553 = tpu.memref_slice %arg23[%dma_start3A_552] : memref<7808xf32, #tpu.memory_space<vmem>> -> memref<32xf32, #tpu.memory_space<vmem>>
        tpu.enqueue_dma source(%dma_start3A_553 : memref<32xf32, #tpu.memory_space<vmem>>) target(%dma_start3A_551 : memref<32xf32, #tpu.memory_space<vmem_shared>>) target_semaphore(%run_scoped3A_545 : memref<!tpu.dma_semaphore, #tpu.memory_space<semaphore_mem>>)
        %dma_wait3A_554 = arith.constant 0 : i32
        %dma_wait3A_555 = tpu.memref_slice %arg23[%dma_wait3A_554] : memref<7808xf32, #tpu.memory_space<vmem>> -> memref<32xf32, #tpu.memory_space<vmem>>
        %dma_wait3A_556 = arith.constant 499968 : i32
        %dma_wait3A_557 = tpu.memref_slice %arg25[%dma_wait3A_556] : memref<1000000xf32, #tpu.memory_space<vmem_shared>> -> memref<32xf32, #tpu.memory_space<vmem_shared>>
        %dma_wait3A_558 = arith.constant 499968 : i32
        %dma_wait3A_559 = tpu.memref_slice %arg25[%dma_wait3A_558] : memref<1000000xf32, #tpu.memory_space<vmem_shared>> -> memref<32xf32, #tpu.memory_space<vmem_shared>>
        %dma_wait3A_560 = arith.constant 0 : i32
        %dma_wait3A_561 = tpu.memref_slice %arg23[%dma_wait3A_560] : memref<7808xf32, #tpu.memory_space<vmem>> -> memref<32xf32, #tpu.memory_space<vmem>>
        tpu.wait_dma2 semaphore(%run_scoped3A_545 : memref<!tpu.dma_semaphore, #tpu.memory_space<semaphore_mem>>) src(%dma_wait3A_561 : memref<32xf32, #tpu.memory_space<vmem>>) dst(%dma_wait3A_559 : memref<32xf32, #tpu.memory_space<vmem_shared>>)
        tpu.yield
      }) : () -> ()
    } else {
    }
    %eq3A_367 = arith.constant 0 : i32
    %eq3A_368 = arith.cmpi eq, %arg1, %eq3A_367 : i32
    %convert_element_type3A_369 = arith.extui %eq3A_368 : i1 to i32
    %cond3A_370 = arith.constant 0 : i32
    %cond3A_371 = arith.cmpi ne, %convert_element_type3A_369, %cond3A_370 : i32
    scf.if %cond3A_371 {
      %dma_start3A_535 = arith.constant 6 : i32
      %dma_start3A_536 = arith.constant 0 : i32
      %dma_start3A_537 = tpu.memref_slice %arg23[%dma_start3A_536] : memref<7808xf32, #tpu.memory_space<vmem>> -> memref<32xf32, #tpu.memory_space<vmem>>
      %dma_start3A_538 = arith.constant 99968 : i32
      %dma_start3A_539 = tpu.memref_slice %arg2[%dma_start3A_535, %dma_start3A_538] : memref<10x100000xf32, #tpu.memory_space<hbm>> -> memref<1x32xf32, #tpu.memory_space<hbm>>
      %dma_start3A_540 = tpu.memref_squeeze %dma_start3A_539 : memref<1x32xf32, #tpu.memory_space<hbm>> -> memref<32xf32, #tpu.memory_space<hbm>>
      %dma_start3A_541 = arith.constant 0 : i32
      %dma_start3A_542 = tpu.memref_slice %arg23[%dma_start3A_541] : memref<7808xf32, #tpu.memory_space<vmem>> -> memref<32xf32, #tpu.memory_space<vmem>>
      %dma_start3A_543 = arith.constant 99968 : i32
      %dma_start3A_544 = tpu.memref_slice %arg2[%dma_start3A_535, %dma_start3A_543] : memref<10x100000xf32, #tpu.memory_space<hbm>> -> memref<1x32xf32, #tpu.memory_space<hbm>>
      %dma_start3A_545 = tpu.memref_squeeze %dma_start3A_544 : memref<1x32xf32, #tpu.memory_space<hbm>> -> memref<32xf32, #tpu.memory_space<hbm>>
      tpu.enqueue_dma source(%dma_start3A_545 : memref<32xf32, #tpu.memory_space<hbm>>) target(%dma_start3A_542 : memref<32xf32, #tpu.memory_space<vmem>>) target_semaphore(%arg28 : memref<!tpu.dma_semaphore, #tpu.memory_space<semaphore_mem>>)
    } else {
    }
    %eq3A_372 = arith.constant 0 : i32
    %eq3A_373 = arith.cmpi eq, %arg1, %eq3A_372 : i32
    %convert_element_type3A_374 = arith.extui %eq3A_373 : i1 to i32
    %cond3A_375 = arith.constant 0 : i32
    %cond3A_376 = arith.cmpi ne, %convert_element_type3A_374, %cond3A_375 : i32
    scf.if %cond3A_376 {
      %dma_wait3A_535 = arith.constant 0 : i32
      %dma_wait3A_536 = tpu.memref_slice %arg24[%dma_wait3A_535] : memref<7808xf32, #tpu.memory_space<vmem>> -> memref<32xf32, #tpu.memory_space<vmem>>
      %dma_wait3A_537 = arith.constant 99968 : i32
      %dma_wait3A_538 = tpu.memref_slice %arg2[%squeeze3A_35, %dma_wait3A_537] : memref<10x100000xf32, #tpu.memory_space<hbm>> -> memref<1x32xf32, #tpu.memory_space<hbm>>
      %dma_wait3A_539 = tpu.memref_squeeze %dma_wait3A_538 : memref<1x32xf32, #tpu.memory_space<hbm>> -> memref<32xf32, #tpu.memory_space<hbm>>
      %dma_wait3A_540 = arith.constant 0 : i32
      %dma_wait3A_541 = tpu.memref_slice %arg24[%dma_wait3A_540] : memref<7808xf32, #tpu.memory_space<vmem>> -> memref<32xf32, #tpu.memory_space<vmem>>
      %dma_wait3A_542 = arith.constant 99968 : i32
      %dma_wait3A_543 = tpu.memref_slice %arg2[%squeeze3A_35, %dma_wait3A_542] : memref<10x100000xf32, #tpu.memory_space<hbm>> -> memref<1x32xf32, #tpu.memory_space<hbm>>
      %dma_wait3A_544 = tpu.memref_squeeze %dma_wait3A_543 : memref<1x32xf32, #tpu.memory_space<hbm>> -> memref<32xf32, #tpu.memory_space<hbm>>
      tpu.wait_dma2 semaphore(%arg29 : memref<!tpu.dma_semaphore, #tpu.memory_space<semaphore_mem>>) src(%dma_wait3A_544 : memref<32xf32, #tpu.memory_space<hbm>>) dst(%dma_wait3A_541 : memref<32xf32, #tpu.memory_space<vmem>>)
      "tpu.region"() ({
        %run_scoped3A_545 = tpu.sem_alloc : memref<!tpu.dma_semaphore, #tpu.memory_space<semaphore_mem>>
        %dma_start3A_546 = arith.constant 0 : i32
        %dma_start3A_547 = tpu.memref_slice %arg24[%dma_start3A_546] : memref<7808xf32, #tpu.memory_space<vmem>> -> memref<32xf32, #tpu.memory_space<vmem>>
        %dma_start3A_548 = arith.constant 599968 : i32
        %dma_start3A_549 = tpu.memref_slice %arg25[%dma_start3A_548] : memref<1000000xf32, #tpu.memory_space<vmem_shared>> -> memref<32xf32, #tpu.memory_space<vmem_shared>>
        %dma_start3A_550 = arith.constant 599968 : i32
        %dma_start3A_551 = tpu.memref_slice %arg25[%dma_start3A_550] : memref<1000000xf32, #tpu.memory_space<vmem_shared>> -> memref<32xf32, #tpu.memory_space<vmem_shared>>
        %dma_start3A_552 = arith.constant 0 : i32
        %dma_start3A_553 = tpu.memref_slice %arg24[%dma_start3A_552] : memref<7808xf32, #tpu.memory_space<vmem>> -> memref<32xf32, #tpu.memory_space<vmem>>
        tpu.enqueue_dma source(%dma_start3A_553 : memref<32xf32, #tpu.memory_space<vmem>>) target(%dma_start3A_551 : memref<32xf32, #tpu.memory_space<vmem_shared>>) target_semaphore(%run_scoped3A_545 : memref<!tpu.dma_semaphore, #tpu.memory_space<semaphore_mem>>)
        %dma_wait3A_554 = arith.constant 0 : i32
        %dma_wait3A_555 = tpu.memref_slice %arg24[%dma_wait3A_554] : memref<7808xf32, #tpu.memory_space<vmem>> -> memref<32xf32, #tpu.memory_space<vmem>>
        %dma_wait3A_556 = arith.constant 599968 : i32
        %dma_wait3A_557 = tpu.memref_slice %arg25[%dma_wait3A_556] : memref<1000000xf32, #tpu.memory_space<vmem_shared>> -> memref<32xf32, #tpu.memory_space<vmem_shared>>
        %dma_wait3A_558 = arith.constant 599968 : i32
        %dma_wait3A_559 = tpu.memref_slice %arg25[%dma_wait3A_558] : memref<1000000xf32, #tpu.memory_space<vmem_shared>> -> memref<32xf32, #tpu.memory_space<vmem_shared>>
        %dma_wait3A_560 = arith.constant 0 : i32
        %dma_wait3A_561 = tpu.memref_slice %arg24[%dma_wait3A_560] : memref<7808xf32, #tpu.memory_space<vmem>> -> memref<32xf32, #tpu.memory_space<vmem>>
        tpu.wait_dma2 semaphore(%run_scoped3A_545 : memref<!tpu.dma_semaphore, #tpu.memory_space<semaphore_mem>>) src(%dma_wait3A_561 : memref<32xf32, #tpu.memory_space<vmem>>) dst(%dma_wait3A_559 : memref<32xf32, #tpu.memory_space<vmem_shared>>)
        tpu.yield
      }) : () -> ()
    } else {
    }
    %eq3A_377 = arith.constant 0 : i32
    %eq3A_378 = arith.cmpi eq, %arg1, %eq3A_377 : i32
    %convert_element_type3A_379 = arith.extui %eq3A_378 : i1 to i32
    %cond3A_380 = arith.constant 0 : i32
    %cond3A_381 = arith.cmpi ne, %convert_element_type3A_379, %cond3A_380 : i32
    scf.if %cond3A_381 {
      %dma_start3A_535 = arith.constant 7 : i32
      %dma_start3A_536 = arith.constant 0 : i32
      %dma_start3A_537 = tpu.memref_slice %arg24[%dma_start3A_536] : memref<7808xf32, #tpu.memory_space<vmem>> -> memref<32xf32, #tpu.memory_space<vmem>>
      %dma_start3A_538 = arith.constant 99968 : i32
      %dma_start3A_539 = tpu.memref_slice %arg2[%dma_start3A_535, %dma_start3A_538] : memref<10x100000xf32, #tpu.memory_space<hbm>> -> memref<1x32xf32, #tpu.memory_space<hbm>>
      %dma_start3A_540 = tpu.memref_squeeze %dma_start3A_539 : memref<1x32xf32, #tpu.memory_space<hbm>> -> memref<32xf32, #tpu.memory_space<hbm>>
      %dma_start3A_541 = arith.constant 0 : i32
      %dma_start3A_542 = tpu.memref_slice %arg24[%dma_start3A_541] : memref<7808xf32, #tpu.memory_space<vmem>> -> memref<32xf32, #tpu.memory_space<vmem>>
      %dma_start3A_543 = arith.constant 99968 : i32
      %dma_start3A_544 = tpu.memref_slice %arg2[%dma_start3A_535, %dma_start3A_543] : memref<10x100000xf32, #tpu.memory_space<hbm>> -> memref<1x32xf32, #tpu.memory_space<hbm>>
      %dma_start3A_545 = tpu.memref_squeeze %dma_start3A_544 : memref<1x32xf32, #tpu.memory_space<hbm>> -> memref<32xf32, #tpu.memory_space<hbm>>
      tpu.enqueue_dma source(%dma_start3A_545 : memref<32xf32, #tpu.memory_space<hbm>>) target(%dma_start3A_542 : memref<32xf32, #tpu.memory_space<vmem>>) target_semaphore(%arg29 : memref<!tpu.dma_semaphore, #tpu.memory_space<semaphore_mem>>)
    } else {
    }
    %eq3A_382 = arith.constant 0 : i32
    %eq3A_383 = arith.cmpi eq, %arg1, %eq3A_382 : i32
    %convert_element_type3A_384 = arith.extui %eq3A_383 : i1 to i32
    %cond3A_385 = arith.constant 0 : i32
    %cond3A_386 = arith.cmpi ne, %convert_element_type3A_384, %cond3A_385 : i32
    scf.if %cond3A_386 {
      %dma_wait3A_535 = arith.constant 0 : i32
      %dma_wait3A_536 = tpu.memref_slice %arg23[%dma_wait3A_535] : memref<7808xf32, #tpu.memory_space<vmem>> -> memref<32xf32, #tpu.memory_space<vmem>>
      %dma_wait3A_537 = arith.constant 99968 : i32
      %dma_wait3A_538 = tpu.memref_slice %arg2[%squeeze3A_40, %dma_wait3A_537] : memref<10x100000xf32, #tpu.memory_space<hbm>> -> memref<1x32xf32, #tpu.memory_space<hbm>>
      %dma_wait3A_539 = tpu.memref_squeeze %dma_wait3A_538 : memref<1x32xf32, #tpu.memory_space<hbm>> -> memref<32xf32, #tpu.memory_space<hbm>>
      %dma_wait3A_540 = arith.constant 0 : i32
      %dma_wait3A_541 = tpu.memref_slice %arg23[%dma_wait3A_540] : memref<7808xf32, #tpu.memory_space<vmem>> -> memref<32xf32, #tpu.memory_space<vmem>>
      %dma_wait3A_542 = arith.constant 99968 : i32
      %dma_wait3A_543 = tpu.memref_slice %arg2[%squeeze3A_40, %dma_wait3A_542] : memref<10x100000xf32, #tpu.memory_space<hbm>> -> memref<1x32xf32, #tpu.memory_space<hbm>>
      %dma_wait3A_544 = tpu.memref_squeeze %dma_wait3A_543 : memref<1x32xf32, #tpu.memory_space<hbm>> -> memref<32xf32, #tpu.memory_space<hbm>>
      tpu.wait_dma2 semaphore(%arg28 : memref<!tpu.dma_semaphore, #tpu.memory_space<semaphore_mem>>) src(%dma_wait3A_544 : memref<32xf32, #tpu.memory_space<hbm>>) dst(%dma_wait3A_541 : memref<32xf32, #tpu.memory_space<vmem>>)
      "tpu.region"() ({
        %run_scoped3A_545 = tpu.sem_alloc : memref<!tpu.dma_semaphore, #tpu.memory_space<semaphore_mem>>
        %dma_start3A_546 = arith.constant 0 : i32
        %dma_start3A_547 = tpu.memref_slice %arg23[%dma_start3A_546] : memref<7808xf32, #tpu.memory_space<vmem>> -> memref<32xf32, #tpu.memory_space<vmem>>
        %dma_start3A_548 = arith.constant 699968 : i32
        %dma_start3A_549 = tpu.memref_slice %arg25[%dma_start3A_548] : memref<1000000xf32, #tpu.memory_space<vmem_shared>> -> memref<32xf32, #tpu.memory_space<vmem_shared>>
        %dma_start3A_550 = arith.constant 699968 : i32
        %dma_start3A_551 = tpu.memref_slice %arg25[%dma_start3A_550] : memref<1000000xf32, #tpu.memory_space<vmem_shared>> -> memref<32xf32, #tpu.memory_space<vmem_shared>>
        %dma_start3A_552 = arith.constant 0 : i32
        %dma_start3A_553 = tpu.memref_slice %arg23[%dma_start3A_552] : memref<7808xf32, #tpu.memory_space<vmem>> -> memref<32xf32, #tpu.memory_space<vmem>>
        tpu.enqueue_dma source(%dma_start3A_553 : memref<32xf32, #tpu.memory_space<vmem>>) target(%dma_start3A_551 : memref<32xf32, #tpu.memory_space<vmem_shared>>) target_semaphore(%run_scoped3A_545 : memref<!tpu.dma_semaphore, #tpu.memory_space<semaphore_mem>>)
        %dma_wait3A_554 = arith.constant 0 : i32
        %dma_wait3A_555 = tpu.memref_slice %arg23[%dma_wait3A_554] : memref<7808xf32, #tpu.memory_space<vmem>> -> memref<32xf32, #tpu.memory_space<vmem>>
        %dma_wait3A_556 = arith.constant 699968 : i32
        %dma_wait3A_557 = tpu.memref_slice %arg25[%dma_wait3A_556] : memref<1000000xf32, #tpu.memory_space<vmem_shared>> -> memref<32xf32, #tpu.memory_space<vmem_shared>>
        %dma_wait3A_558 = arith.constant 699968 : i32
        %dma_wait3A_559 = tpu.memref_slice %arg25[%dma_wait3A_558] : memref<1000000xf32, #tpu.memory_space<vmem_shared>> -> memref<32xf32, #tpu.memory_space<vmem_shared>>
        %dma_wait3A_560 = arith.constant 0 : i32
        %dma_wait3A_561 = tpu.memref_slice %arg23[%dma_wait3A_560] : memref<7808xf32, #tpu.memory_space<vmem>> -> memref<32xf32, #tpu.memory_space<vmem>>
        tpu.wait_dma2 semaphore(%run_scoped3A_545 : memref<!tpu.dma_semaphore, #tpu.memory_space<semaphore_mem>>) src(%dma_wait3A_561 : memref<32xf32, #tpu.memory_space<vmem>>) dst(%dma_wait3A_559 : memref<32xf32, #tpu.memory_space<vmem_shared>>)
        tpu.yield
      }) : () -> ()
    } else {
    }
    %eq3A_387 = arith.constant 0 : i32
    %eq3A_388 = arith.cmpi eq, %arg1, %eq3A_387 : i32
    %convert_element_type3A_389 = arith.extui %eq3A_388 : i1 to i32
    %cond3A_390 = arith.constant 0 : i32
    %cond3A_391 = arith.cmpi ne, %convert_element_type3A_389, %cond3A_390 : i32
    scf.if %cond3A_391 {
      %dma_start3A_535 = arith.constant 8 : i32
      %dma_start3A_536 = arith.constant 0 : i32
      %dma_start3A_537 = tpu.memref_slice %arg23[%dma_start3A_536] : memref<7808xf32, #tpu.memory_space<vmem>> -> memref<32xf32, #tpu.memory_space<vmem>>
      %dma_start3A_538 = arith.constant 99968 : i32
      %dma_start3A_539 = tpu.memref_slice %arg2[%dma_start3A_535, %dma_start3A_538] : memref<10x100000xf32, #tpu.memory_space<hbm>> -> memref<1x32xf32, #tpu.memory_space<hbm>>
      %dma_start3A_540 = tpu.memref_squeeze %dma_start3A_539 : memref<1x32xf32, #tpu.memory_space<hbm>> -> memref<32xf32, #tpu.memory_space<hbm>>
      %dma_start3A_541 = arith.constant 0 : i32
      %dma_start3A_542 = tpu.memref_slice %arg23[%dma_start3A_541] : memref<7808xf32, #tpu.memory_space<vmem>> -> memref<32xf32, #tpu.memory_space<vmem>>
      %dma_start3A_543 = arith.constant 99968 : i32
      %dma_start3A_544 = tpu.memref_slice %arg2[%dma_start3A_535, %dma_start3A_543] : memref<10x100000xf32, #tpu.memory_space<hbm>> -> memref<1x32xf32, #tpu.memory_space<hbm>>
      %dma_start3A_545 = tpu.memref_squeeze %dma_start3A_544 : memref<1x32xf32, #tpu.memory_space<hbm>> -> memref<32xf32, #tpu.memory_space<hbm>>
      tpu.enqueue_dma source(%dma_start3A_545 : memref<32xf32, #tpu.memory_space<hbm>>) target(%dma_start3A_542 : memref<32xf32, #tpu.memory_space<vmem>>) target_semaphore(%arg28 : memref<!tpu.dma_semaphore, #tpu.memory_space<semaphore_mem>>)
    } else {
    }
    %eq3A_392 = arith.constant 0 : i32
    %eq3A_393 = arith.cmpi eq, %arg1, %eq3A_392 : i32
    %convert_element_type3A_394 = arith.extui %eq3A_393 : i1 to i32
    %cond3A_395 = arith.constant 0 : i32
    %cond3A_396 = arith.cmpi ne, %convert_element_type3A_394, %cond3A_395 : i32
    scf.if %cond3A_396 {
      %dma_wait3A_535 = arith.constant 0 : i32
      %dma_wait3A_536 = tpu.memref_slice %arg24[%dma_wait3A_535] : memref<7808xf32, #tpu.memory_space<vmem>> -> memref<32xf32, #tpu.memory_space<vmem>>
      %dma_wait3A_537 = arith.constant 99968 : i32
      %dma_wait3A_538 = tpu.memref_slice %arg2[%squeeze3A_45, %dma_wait3A_537] : memref<10x100000xf32, #tpu.memory_space<hbm>> -> memref<1x32xf32, #tpu.memory_space<hbm>>
      %dma_wait3A_539 = tpu.memref_squeeze %dma_wait3A_538 : memref<1x32xf32, #tpu.memory_space<hbm>> -> memref<32xf32, #tpu.memory_space<hbm>>
      %dma_wait3A_540 = arith.constant 0 : i32
      %dma_wait3A_541 = tpu.memref_slice %arg24[%dma_wait3A_540] : memref<7808xf32, #tpu.memory_space<vmem>> -> memref<32xf32, #tpu.memory_space<vmem>>
      %dma_wait3A_542 = arith.constant 99968 : i32
      %dma_wait3A_543 = tpu.memref_slice %arg2[%squeeze3A_45, %dma_wait3A_542] : memref<10x100000xf32, #tpu.memory_space<hbm>> -> memref<1x32xf32, #tpu.memory_space<hbm>>
      %dma_wait3A_544 = tpu.memref_squeeze %dma_wait3A_543 : memref<1x32xf32, #tpu.memory_space<hbm>> -> memref<32xf32, #tpu.memory_space<hbm>>
      tpu.wait_dma2 semaphore(%arg29 : memref<!tpu.dma_semaphore, #tpu.memory_space<semaphore_mem>>) src(%dma_wait3A_544 : memref<32xf32, #tpu.memory_space<hbm>>) dst(%dma_wait3A_541 : memref<32xf32, #tpu.memory_space<vmem>>)
      "tpu.region"() ({
        %run_scoped3A_545 = tpu.sem_alloc : memref<!tpu.dma_semaphore, #tpu.memory_space<semaphore_mem>>
        %dma_start3A_546 = arith.constant 0 : i32
        %dma_start3A_547 = tpu.memref_slice %arg24[%dma_start3A_546] : memref<7808xf32, #tpu.memory_space<vmem>> -> memref<32xf32, #tpu.memory_space<vmem>>
        %dma_start3A_548 = arith.constant 799968 : i32
        %dma_start3A_549 = tpu.memref_slice %arg25[%dma_start3A_548] : memref<1000000xf32, #tpu.memory_space<vmem_shared>> -> memref<32xf32, #tpu.memory_space<vmem_shared>>
        %dma_start3A_550 = arith.constant 799968 : i32
        %dma_start3A_551 = tpu.memref_slice %arg25[%dma_start3A_550] : memref<1000000xf32, #tpu.memory_space<vmem_shared>> -> memref<32xf32, #tpu.memory_space<vmem_shared>>
        %dma_start3A_552 = arith.constant 0 : i32
        %dma_start3A_553 = tpu.memref_slice %arg24[%dma_start3A_552] : memref<7808xf32, #tpu.memory_space<vmem>> -> memref<32xf32, #tpu.memory_space<vmem>>
        tpu.enqueue_dma source(%dma_start3A_553 : memref<32xf32, #tpu.memory_space<vmem>>) target(%dma_start3A_551 : memref<32xf32, #tpu.memory_space<vmem_shared>>) target_semaphore(%run_scoped3A_545 : memref<!tpu.dma_semaphore, #tpu.memory_space<semaphore_mem>>)
        %dma_wait3A_554 = arith.constant 0 : i32
        %dma_wait3A_555 = tpu.memref_slice %arg24[%dma_wait3A_554] : memref<7808xf32, #tpu.memory_space<vmem>> -> memref<32xf32, #tpu.memory_space<vmem>>
        %dma_wait3A_556 = arith.constant 799968 : i32
        %dma_wait3A_557 = tpu.memref_slice %arg25[%dma_wait3A_556] : memref<1000000xf32, #tpu.memory_space<vmem_shared>> -> memref<32xf32, #tpu.memory_space<vmem_shared>>
        %dma_wait3A_558 = arith.constant 799968 : i32
        %dma_wait3A_559 = tpu.memref_slice %arg25[%dma_wait3A_558] : memref<1000000xf32, #tpu.memory_space<vmem_shared>> -> memref<32xf32, #tpu.memory_space<vmem_shared>>
        %dma_wait3A_560 = arith.constant 0 : i32
        %dma_wait3A_561 = tpu.memref_slice %arg24[%dma_wait3A_560] : memref<7808xf32, #tpu.memory_space<vmem>> -> memref<32xf32, #tpu.memory_space<vmem>>
        tpu.wait_dma2 semaphore(%run_scoped3A_545 : memref<!tpu.dma_semaphore, #tpu.memory_space<semaphore_mem>>) src(%dma_wait3A_561 : memref<32xf32, #tpu.memory_space<vmem>>) dst(%dma_wait3A_559 : memref<32xf32, #tpu.memory_space<vmem_shared>>)
        tpu.yield
      }) : () -> ()
    } else {
    }
    %eq3A_397 = arith.constant 0 : i32
    %eq3A_398 = arith.cmpi eq, %arg1, %eq3A_397 : i32
    %convert_element_type3A_399 = arith.extui %eq3A_398 : i1 to i32
    %cond3A_400 = arith.constant 0 : i32
    %cond3A_401 = arith.cmpi ne, %convert_element_type3A_399, %cond3A_400 : i32
    scf.if %cond3A_401 {
      %dma_start3A_535 = arith.constant 9 : i32
      %dma_start3A_536 = arith.constant 0 : i32
      %dma_start3A_537 = tpu.memref_slice %arg24[%dma_start3A_536] : memref<7808xf32, #tpu.memory_space<vmem>> -> memref<32xf32, #tpu.memory_space<vmem>>
      %dma_start3A_538 = arith.constant 99968 : i32
      %dma_start3A_539 = tpu.memref_slice %arg2[%dma_start3A_535, %dma_start3A_538] : memref<10x100000xf32, #tpu.memory_space<hbm>> -> memref<1x32xf32, #tpu.memory_space<hbm>>
      %dma_start3A_540 = tpu.memref_squeeze %dma_start3A_539 : memref<1x32xf32, #tpu.memory_space<hbm>> -> memref<32xf32, #tpu.memory_space<hbm>>
      %dma_start3A_541 = arith.constant 0 : i32
      %dma_start3A_542 = tpu.memref_slice %arg24[%dma_start3A_541] : memref<7808xf32, #tpu.memory_space<vmem>> -> memref<32xf32, #tpu.memory_space<vmem>>
      %dma_start3A_543 = arith.constant 99968 : i32
      %dma_start3A_544 = tpu.memref_slice %arg2[%dma_start3A_535, %dma_start3A_543] : memref<10x100000xf32, #tpu.memory_space<hbm>> -> memref<1x32xf32, #tpu.memory_space<hbm>>
      %dma_start3A_545 = tpu.memref_squeeze %dma_start3A_544 : memref<1x32xf32, #tpu.memory_space<hbm>> -> memref<32xf32, #tpu.memory_space<hbm>>
      tpu.enqueue_dma source(%dma_start3A_545 : memref<32xf32, #tpu.memory_space<hbm>>) target(%dma_start3A_542 : memref<32xf32, #tpu.memory_space<vmem>>) target_semaphore(%arg29 : memref<!tpu.dma_semaphore, #tpu.memory_space<semaphore_mem>>)
    } else {
    }
    %eq3A_402 = arith.constant 0 : i32
    %eq3A_403 = arith.cmpi eq, %arg1, %eq3A_402 : i32
    %convert_element_type3A_404 = arith.extui %eq3A_403 : i1 to i32
    %cond3A_405 = arith.constant 0 : i32
    %cond3A_406 = arith.cmpi ne, %convert_element_type3A_404, %cond3A_405 : i32
    scf.if %cond3A_406 {
      %dma_wait3A_535 = arith.constant 0 : i32
      %dma_wait3A_536 = tpu.memref_slice %arg23[%dma_wait3A_535] : memref<7808xf32, #tpu.memory_space<vmem>> -> memref<32xf32, #tpu.memory_space<vmem>>
      %dma_wait3A_537 = arith.constant 99968 : i32
      %dma_wait3A_538 = tpu.memref_slice %arg2[%squeeze3A_50, %dma_wait3A_537] : memref<10x100000xf32, #tpu.memory_space<hbm>> -> memref<1x32xf32, #tpu.memory_space<hbm>>
      %dma_wait3A_539 = tpu.memref_squeeze %dma_wait3A_538 : memref<1x32xf32, #tpu.memory_space<hbm>> -> memref<32xf32, #tpu.memory_space<hbm>>
      %dma_wait3A_540 = arith.constant 0 : i32
      %dma_wait3A_541 = tpu.memref_slice %arg23[%dma_wait3A_540] : memref<7808xf32, #tpu.memory_space<vmem>> -> memref<32xf32, #tpu.memory_space<vmem>>
      %dma_wait3A_542 = arith.constant 99968 : i32
      %dma_wait3A_543 = tpu.memref_slice %arg2[%squeeze3A_50, %dma_wait3A_542] : memref<10x100000xf32, #tpu.memory_space<hbm>> -> memref<1x32xf32, #tpu.memory_space<hbm>>
      %dma_wait3A_544 = tpu.memref_squeeze %dma_wait3A_543 : memref<1x32xf32, #tpu.memory_space<hbm>> -> memref<32xf32, #tpu.memory_space<hbm>>
      tpu.wait_dma2 semaphore(%arg28 : memref<!tpu.dma_semaphore, #tpu.memory_space<semaphore_mem>>) src(%dma_wait3A_544 : memref<32xf32, #tpu.memory_space<hbm>>) dst(%dma_wait3A_541 : memref<32xf32, #tpu.memory_space<vmem>>)
      "tpu.region"() ({
        %run_scoped3A_545 = tpu.sem_alloc : memref<!tpu.dma_semaphore, #tpu.memory_space<semaphore_mem>>
        %dma_start3A_546 = arith.constant 0 : i32
        %dma_start3A_547 = tpu.memref_slice %arg23[%dma_start3A_546] : memref<7808xf32, #tpu.memory_space<vmem>> -> memref<32xf32, #tpu.memory_space<vmem>>
        %dma_start3A_548 = arith.constant 899968 : i32
        %dma_start3A_549 = tpu.memref_slice %arg25[%dma_start3A_548] : memref<1000000xf32, #tpu.memory_space<vmem_shared>> -> memref<32xf32, #tpu.memory_space<vmem_shared>>
        %dma_start3A_550 = arith.constant 899968 : i32
        %dma_start3A_551 = tpu.memref_slice %arg25[%dma_start3A_550] : memref<1000000xf32, #tpu.memory_space<vmem_shared>> -> memref<32xf32, #tpu.memory_space<vmem_shared>>
        %dma_start3A_552 = arith.constant 0 : i32
        %dma_start3A_553 = tpu.memref_slice %arg23[%dma_start3A_552] : memref<7808xf32, #tpu.memory_space<vmem>> -> memref<32xf32, #tpu.memory_space<vmem>>
        tpu.enqueue_dma source(%dma_start3A_553 : memref<32xf32, #tpu.memory_space<vmem>>) target(%dma_start3A_551 : memref<32xf32, #tpu.memory_space<vmem_shared>>) target_semaphore(%run_scoped3A_545 : memref<!tpu.dma_semaphore, #tpu.memory_space<semaphore_mem>>)
        %dma_wait3A_554 = arith.constant 0 : i32
        %dma_wait3A_555 = tpu.memref_slice %arg23[%dma_wait3A_554] : memref<7808xf32, #tpu.memory_space<vmem>> -> memref<32xf32, #tpu.memory_space<vmem>>
        %dma_wait3A_556 = arith.constant 899968 : i32
        %dma_wait3A_557 = tpu.memref_slice %arg25[%dma_wait3A_556] : memref<1000000xf32, #tpu.memory_space<vmem_shared>> -> memref<32xf32, #tpu.memory_space<vmem_shared>>
        %dma_wait3A_558 = arith.constant 899968 : i32
        %dma_wait3A_559 = tpu.memref_slice %arg25[%dma_wait3A_558] : memref<1000000xf32, #tpu.memory_space<vmem_shared>> -> memref<32xf32, #tpu.memory_space<vmem_shared>>
        %dma_wait3A_560 = arith.constant 0 : i32
        %dma_wait3A_561 = tpu.memref_slice %arg23[%dma_wait3A_560] : memref<7808xf32, #tpu.memory_space<vmem>> -> memref<32xf32, #tpu.memory_space<vmem>>
        tpu.wait_dma2 semaphore(%run_scoped3A_545 : memref<!tpu.dma_semaphore, #tpu.memory_space<semaphore_mem>>) src(%dma_wait3A_561 : memref<32xf32, #tpu.memory_space<vmem>>) dst(%dma_wait3A_559 : memref<32xf32, #tpu.memory_space<vmem_shared>>)
        tpu.yield
      }) : () -> ()
    } else {
    }
    %eq3A_407 = arith.constant 0 : i32
    %eq3A_408 = arith.cmpi eq, %arg1, %eq3A_407 : i32
    %convert_element_type3A_409 = arith.extui %eq3A_408 : i1 to i32
    %cond3A_410 = arith.constant 0 : i32
    %cond3A_411 = arith.cmpi ne, %convert_element_type3A_409, %cond3A_410 : i32
    scf.if %cond3A_411 {
      %dma_wait3A_535 = arith.constant 0 : i32
      %dma_wait3A_536 = tpu.memref_slice %arg24[%dma_wait3A_535] : memref<7808xf32, #tpu.memory_space<vmem>> -> memref<32xf32, #tpu.memory_space<vmem>>
      %dma_wait3A_537 = arith.constant 99968 : i32
      %dma_wait3A_538 = tpu.memref_slice %arg2[%squeeze3A_55, %dma_wait3A_537] : memref<10x100000xf32, #tpu.memory_space<hbm>> -> memref<1x32xf32, #tpu.memory_space<hbm>>
      %dma_wait3A_539 = tpu.memref_squeeze %dma_wait3A_538 : memref<1x32xf32, #tpu.memory_space<hbm>> -> memref<32xf32, #tpu.memory_space<hbm>>
      %dma_wait3A_540 = arith.constant 0 : i32
      %dma_wait3A_541 = tpu.memref_slice %arg24[%dma_wait3A_540] : memref<7808xf32, #tpu.memory_space<vmem>> -> memref<32xf32, #tpu.memory_space<vmem>>
      %dma_wait3A_542 = arith.constant 99968 : i32
      %dma_wait3A_543 = tpu.memref_slice %arg2[%squeeze3A_55, %dma_wait3A_542] : memref<10x100000xf32, #tpu.memory_space<hbm>> -> memref<1x32xf32, #tpu.memory_space<hbm>>
      %dma_wait3A_544 = tpu.memref_squeeze %dma_wait3A_543 : memref<1x32xf32, #tpu.memory_space<hbm>> -> memref<32xf32, #tpu.memory_space<hbm>>
      tpu.wait_dma2 semaphore(%arg29 : memref<!tpu.dma_semaphore, #tpu.memory_space<semaphore_mem>>) src(%dma_wait3A_544 : memref<32xf32, #tpu.memory_space<hbm>>) dst(%dma_wait3A_541 : memref<32xf32, #tpu.memory_space<vmem>>)
      "tpu.region"() ({
        %run_scoped3A_545 = tpu.sem_alloc : memref<!tpu.dma_semaphore, #tpu.memory_space<semaphore_mem>>
        %dma_start3A_546 = arith.constant 0 : i32
        %dma_start3A_547 = tpu.memref_slice %arg24[%dma_start3A_546] : memref<7808xf32, #tpu.memory_space<vmem>> -> memref<32xf32, #tpu.memory_space<vmem>>
        %dma_start3A_548 = arith.constant 999968 : i32
        %dma_start3A_549 = tpu.memref_slice %arg25[%dma_start3A_548] : memref<1000000xf32, #tpu.memory_space<vmem_shared>> -> memref<32xf32, #tpu.memory_space<vmem_shared>>
        %dma_start3A_550 = arith.constant 999968 : i32
        %dma_start3A_551 = tpu.memref_slice %arg25[%dma_start3A_550] : memref<1000000xf32, #tpu.memory_space<vmem_shared>> -> memref<32xf32, #tpu.memory_space<vmem_shared>>
        %dma_start3A_552 = arith.constant 0 : i32
        %dma_start3A_553 = tpu.memref_slice %arg24[%dma_start3A_552] : memref<7808xf32, #tpu.memory_space<vmem>> -> memref<32xf32, #tpu.memory_space<vmem>>
        tpu.enqueue_dma source(%dma_start3A_553 : memref<32xf32, #tpu.memory_space<vmem>>) target(%dma_start3A_551 : memref<32xf32, #tpu.memory_space<vmem_shared>>) target_semaphore(%run_scoped3A_545 : memref<!tpu.dma_semaphore, #tpu.memory_space<semaphore_mem>>)
        %dma_wait3A_554 = arith.constant 0 : i32
        %dma_wait3A_555 = tpu.memref_slice %arg24[%dma_wait3A_554] : memref<7808xf32, #tpu.memory_space<vmem>> -> memref<32xf32, #tpu.memory_space<vmem>>
        %dma_wait3A_556 = arith.constant 999968 : i32
        %dma_wait3A_557 = tpu.memref_slice %arg25[%dma_wait3A_556] : memref<1000000xf32, #tpu.memory_space<vmem_shared>> -> memref<32xf32, #tpu.memory_space<vmem_shared>>
        %dma_wait3A_558 = arith.constant 999968 : i32
        %dma_wait3A_559 = tpu.memref_slice %arg25[%dma_wait3A_558] : memref<1000000xf32, #tpu.memory_space<vmem_shared>> -> memref<32xf32, #tpu.memory_space<vmem_shared>>
        %dma_wait3A_560 = arith.constant 0 : i32
        %dma_wait3A_561 = tpu.memref_slice %arg24[%dma_wait3A_560] : memref<7808xf32, #tpu.memory_space<vmem>> -> memref<32xf32, #tpu.memory_space<vmem>>
        tpu.wait_dma2 semaphore(%run_scoped3A_545 : memref<!tpu.dma_semaphore, #tpu.memory_space<semaphore_mem>>) src(%dma_wait3A_561 : memref<32xf32, #tpu.memory_space<vmem>>) dst(%dma_wait3A_559 : memref<32xf32, #tpu.memory_space<vmem_shared>>)
        tpu.yield
      }) : () -> ()
    } else {
    }
    %dma_wait3A_412 = tpu.memref_slice %arg4[%add3A_60] : memref<1000000xi32, #tpu.memory_space<hbm>> -> memref<7808xi32, #tpu.memory_space<hbm>>
    %dma_wait3A_413 = tpu.memref_slice %arg4[%add3A_60] : memref<1000000xi32, #tpu.memory_space<hbm>> -> memref<7808xi32, #tpu.memory_space<hbm>>
    tpu.wait_dma2 semaphore(%arg26 : memref<!tpu.dma_semaphore, #tpu.memory_space<semaphore_mem>>) src(%dma_wait3A_413 : memref<7808xi32, #tpu.memory_space<hbm>>) dst(%arg17 : memref<7808xi32, #tpu.memory_space<vmem>>)
    %dma_wait3A_414 = tpu.memref_slice %arg5[%add3A_60] : memref<1000000xi32, #tpu.memory_space<hbm>> -> memref<7808xi32, #tpu.memory_space<hbm>>
    %dma_wait3A_415 = tpu.memref_slice %arg5[%add3A_60] : memref<1000000xi32, #tpu.memory_space<hbm>> -> memref<7808xi32, #tpu.memory_space<hbm>>
    tpu.wait_dma2 semaphore(%arg26 : memref<!tpu.dma_semaphore, #tpu.memory_space<semaphore_mem>>) src(%dma_wait3A_415 : memref<7808xi32, #tpu.memory_space<hbm>>) dst(%arg19 : memref<7808xi32, #tpu.memory_space<vmem>>)
    %dma_wait3A_416 = tpu.memref_slice %arg3[%add3A_60] : memref<1000000xf32, #tpu.memory_space<hbm>> -> memref<7808xf32, #tpu.memory_space<hbm>>
    %dma_wait3A_417 = tpu.memref_slice %arg3[%add3A_60] : memref<1000000xf32, #tpu.memory_space<hbm>> -> memref<7808xf32, #tpu.memory_space<hbm>>
    tpu.wait_dma2 semaphore(%arg26 : memref<!tpu.dma_semaphore, #tpu.memory_space<semaphore_mem>>) src(%dma_wait3A_417 : memref<7808xf32, #tpu.memory_space<hbm>>) dst(%arg21 : memref<7808xf32, #tpu.memory_space<vmem>>)
    %parallel_loop3A = arith.constant 0 : i32
    %parallel_loop3A_418 = arith.constant 7808 : i32
    %parallel_loop3A_419 = arith.constant 16 : i32
    scf.for %parallel_loop3A_535 = %parallel_loop3A to %parallel_loop3A_418 step %parallel_loop3A_419  : i32 {
      %parallel_loop3A_536 = tpu.assume_multiple %parallel_loop3A_535, 16 : i32
      %parallel_loop3A_537 = arith.index_cast %parallel_loop3A_536 : i32 to index
      %parallel_loop3A_538 = tpu.vector_load %arg19[%parallel_loop3A_537] {strides = array<i32>} : memref<7808xi32, #tpu.memory_space<vmem>>, vector<16xi32>,
      %parallel_loop3A_539 = vector.shape_cast %parallel_loop3A_538 : vector<16xi32> to vector<16xi32>
      %parallel_loop3A_540 = arith.constant 100000 : i32
      %parallel_loop3A_541 = vector.broadcast %parallel_loop3A_540 : i32 to vector<16xi32>
      %parallel_loop3A_542 = arith.muli %parallel_loop3A_539, %parallel_loop3A_541 : vector<16xi32>
      %parallel_loop3A_543 = arith.index_cast %parallel_loop3A_536 : i32 to index
      %parallel_loop3A_544 = tpu.vector_load %arg17[%parallel_loop3A_543] {strides = array<i32>} : memref<7808xi32, #tpu.memory_space<vmem>>, vector<16xi32>,
      %parallel_loop3A_545 = vector.shape_cast %parallel_loop3A_544 : vector<16xi32> to vector<16xi32>
      %parallel_loop3A_546 = arith.addi %parallel_loop3A_542, %parallel_loop3A_545 : vector<16xi32>
      %parallel_loop3A_547 = arith.index_cast %parallel_loop3A_536 : i32 to index
      %parallel_loop3A_548 = tpu.vector_load %arg19[%parallel_loop3A_547] {strides = array<i32>} : memref<7808xi32, #tpu.memory_space<vmem>>, vector<16xi32>,
      %parallel_loop3A_549 = vector.shape_cast %parallel_loop3A_548 : vector<16xi32> to vector<16xi32>
      %parallel_loop3A_550 = vector.shape_cast %parallel_loop3A_546 : vector<16xi32> to vector<16xi32>
      tpu.vector_store %arg19[%parallel_loop3A_547], %parallel_loop3A_550 {strides = array<i32>} : memref<7808xi32, #tpu.memory_space<vmem>>, vector<16xi32>,
    } {sc.loop_unroll_factor = 8 : i64, sc.parallel_access}
    %barrier3A = arith.constant 0 : index
    tpu.barrier barrier_id(%barrier3A)
    %dma_start3A_420 = arith.constant 0 : i32
    %dma_start3A_421 = tpu.memref_slice %arg25[%dma_start3A_420] : memref<1000000xf32, #tpu.memory_space<vmem_shared>> -> memref<1000000xf32, #tpu.memory_space<vmem_shared>>
    tpu.enqueue_indirect_dma source(%dma_start3A_421 : memref<1000000xf32, #tpu.memory_space<vmem_shared>>) target(%arg23 : memref<7808xf32, #tpu.memory_space<vmem>>) offsets(%arg19 : memref<7808xi32, #tpu.memory_space<vmem>>) semaphore(%arg30 : memref<!tpu.dma_semaphore, #tpu.memory_space<semaphore_mem>>)
    %dma_wait3A_422 = tpu.memref_slice %arg4[%add3A_69] : memref<1000000xi32, #tpu.memory_space<hbm>> -> memref<7808xi32, #tpu.memory_space<hbm>>
    %dma_wait3A_423 = tpu.memref_slice %arg4[%add3A_69] : memref<1000000xi32, #tpu.memory_space<hbm>> -> memref<7808xi32, #tpu.memory_space<hbm>>
    tpu.wait_dma2 semaphore(%arg27 : memref<!tpu.dma_semaphore, #tpu.memory_space<semaphore_mem>>) src(%dma_wait3A_423 : memref<7808xi32, #tpu.memory_space<hbm>>) dst(%arg18 : memref<7808xi32, #tpu.memory_space<vmem>>)
    %dma_wait3A_424 = tpu.memref_slice %arg5[%add3A_69] : memref<1000000xi32, #tpu.memory_space<hbm>> -> memref<7808xi32, #tpu.memory_space<hbm>>
    %dma_wait3A_425 = tpu.memref_slice %arg5[%add3A_69] : memref<1000000xi32, #tpu.memory_space<hbm>> -> memref<7808xi32, #tpu.memory_space<hbm>>
    tpu.wait_dma2 semaphore(%arg27 : memref<!tpu.dma_semaphore, #tpu.memory_space<semaphore_mem>>) src(%dma_wait3A_425 : memref<7808xi32, #tpu.memory_space<hbm>>) dst(%arg20 : memref<7808xi32, #tpu.memory_space<vmem>>)
    %dma_wait3A_426 = tpu.memref_slice %arg3[%add3A_69] : memref<1000000xf32, #tpu.memory_space<hbm>> -> memref<7808xf32, #tpu.memory_space<hbm>>
    %dma_wait3A_427 = tpu.memref_slice %arg3[%add3A_69] : memref<1000000xf32, #tpu.memory_space<hbm>> -> memref<7808xf32, #tpu.memory_space<hbm>>
    tpu.wait_dma2 semaphore(%arg27 : memref<!tpu.dma_semaphore, #tpu.memory_space<semaphore_mem>>) src(%dma_wait3A_427 : memref<7808xf32, #tpu.memory_space<hbm>>) dst(%arg22 : memref<7808xf32, #tpu.memory_space<vmem>>)
    %parallel_loop3A_428 = arith.constant 0 : i32
    %parallel_loop3A_429 = arith.constant 7808 : i32
    %parallel_loop3A_430 = arith.constant 16 : i32
    scf.for %parallel_loop3A_535 = %parallel_loop3A_428 to %parallel_loop3A_429 step %parallel_loop3A_430  : i32 {
      %parallel_loop3A_536 = tpu.assume_multiple %parallel_loop3A_535, 16 : i32
      %parallel_loop3A_537 = arith.index_cast %parallel_loop3A_536 : i32 to index
      %parallel_loop3A_538 = tpu.vector_load %arg20[%parallel_loop3A_537] {strides = array<i32>} : memref<7808xi32, #tpu.memory_space<vmem>>, vector<16xi32>,
      %parallel_loop3A_539 = vector.shape_cast %parallel_loop3A_538 : vector<16xi32> to vector<16xi32>
      %parallel_loop3A_540 = arith.constant 100000 : i32
      %parallel_loop3A_541 = vector.broadcast %parallel_loop3A_540 : i32 to vector<16xi32>
      %parallel_loop3A_542 = arith.muli %parallel_loop3A_539, %parallel_loop3A_541 : vector<16xi32>
      %parallel_loop3A_543 = arith.index_cast %parallel_loop3A_536 : i32 to index
      %parallel_loop3A_544 = tpu.vector_load %arg18[%parallel_loop3A_543] {strides = array<i32>} : memref<7808xi32, #tpu.memory_space<vmem>>, vector<16xi32>,
      %parallel_loop3A_545 = vector.shape_cast %parallel_loop3A_544 : vector<16xi32> to vector<16xi32>
      %parallel_loop3A_546 = arith.addi %parallel_loop3A_542, %parallel_loop3A_545 : vector<16xi32>
      %parallel_loop3A_547 = arith.index_cast %parallel_loop3A_536 : i32 to index
      %parallel_loop3A_548 = tpu.vector_load %arg20[%parallel_loop3A_547] {strides = array<i32>} : memref<7808xi32, #tpu.memory_space<vmem>>, vector<16xi32>,
      %parallel_loop3A_549 = vector.shape_cast %parallel_loop3A_548 : vector<16xi32> to vector<16xi32>
      %parallel_loop3A_550 = vector.shape_cast %parallel_loop3A_546 : vector<16xi32> to vector<16xi32>
      tpu.vector_store %arg20[%parallel_loop3A_547], %parallel_loop3A_550 {strides = array<i32>} : memref<7808xi32, #tpu.memory_space<vmem>>, vector<16xi32>,
    } {sc.loop_unroll_factor = 8 : i64, sc.parallel_access}
    %dma_start3A_431 = arith.constant 0 : i32
    %dma_start3A_432 = tpu.memref_slice %arg25[%dma_start3A_431] : memref<1000000xf32, #tpu.memory_space<vmem_shared>> -> memref<1000000xf32, #tpu.memory_space<vmem_shared>>
    tpu.enqueue_indirect_dma source(%dma_start3A_432 : memref<1000000xf32, #tpu.memory_space<vmem_shared>>) target(%arg24 : memref<7808xf32, #tpu.memory_space<vmem>>) offsets(%arg20 : memref<7808xi32, #tpu.memory_space<vmem>>) semaphore(%arg31 : memref<!tpu.dma_semaphore, #tpu.memory_space<semaphore_mem>>)
    %dma_wait3A_433 = arith.constant 0 : i32
    %dma_wait3A_434 = tpu.memref_slice %arg25[%dma_wait3A_433] : memref<1000000xf32, #tpu.memory_space<vmem_shared>> -> memref<1000000xf32, #tpu.memory_space<vmem_shared>>
    tpu.wait_indirect_dma semaphore(%arg30 : memref<!tpu.dma_semaphore, #tpu.memory_space<semaphore_mem>>) src(%dma_wait3A_434 : memref<1000000xf32, #tpu.memory_space<vmem_shared>>) dst(%arg23 : memref<7808xf32, #tpu.memory_space<vmem>>)
    %mul3A_435 = arith.constant 7808 : i32
    %mul3A_436 = arith.muli %add3A, %mul3A_435 : i32
    %add3A_437 = arith.constant 499712 : i32
    %add3A_438 = arith.addi %add3A_437, %mul3A_436 : i32
    %dma_start3A_439 = tpu.memref_slice %arg4[%add3A_438] : memref<1000000xi32, #tpu.memory_space<hbm>> -> memref<7808xi32, #tpu.memory_space<hbm>>
    %dma_start3A_440 = tpu.memref_slice %arg4[%add3A_438] : memref<1000000xi32, #tpu.memory_space<hbm>> -> memref<7808xi32, #tpu.memory_space<hbm>>
    tpu.enqueue_dma source(%dma_start3A_440 : memref<7808xi32, #tpu.memory_space<hbm>>) target(%arg17 : memref<7808xi32, #tpu.memory_space<vmem>>) target_semaphore(%arg26 : memref<!tpu.dma_semaphore, #tpu.memory_space<semaphore_mem>>)
    %dma_start3A_441 = tpu.memref_slice %arg5[%add3A_438] : memref<1000000xi32, #tpu.memory_space<hbm>> -> memref<7808xi32, #tpu.memory_space<hbm>>
    %dma_start3A_442 = tpu.memref_slice %arg5[%add3A_438] : memref<1000000xi32, #tpu.memory_space<hbm>> -> memref<7808xi32, #tpu.memory_space<hbm>>
    tpu.enqueue_dma source(%dma_start3A_442 : memref<7808xi32, #tpu.memory_space<hbm>>) target(%arg19 : memref<7808xi32, #tpu.memory_space<vmem>>) target_semaphore(%arg26 : memref<!tpu.dma_semaphore, #tpu.memory_space<semaphore_mem>>)
    %dma_start3A_443 = tpu.memref_slice %arg3[%add3A_438] : memref<1000000xf32, #tpu.memory_space<hbm>> -> memref<7808xf32, #tpu.memory_space<hbm>>
    %dma_start3A_444 = tpu.memref_slice %arg3[%add3A_438] : memref<1000000xf32, #tpu.memory_space<hbm>> -> memref<7808xf32, #tpu.memory_space<hbm>>
    tpu.enqueue_dma source(%dma_start3A_444 : memref<7808xf32, #tpu.memory_space<hbm>>) target(%arg21 : memref<7808xf32, #tpu.memory_space<vmem>>) target_semaphore(%arg26 : memref<!tpu.dma_semaphore, #tpu.memory_space<semaphore_mem>>)
    %parallel_loop3A_445 = arith.constant 0 : i32
    %parallel_loop3A_446 = arith.constant 7808 : i32
    %parallel_loop3A_447 = arith.constant 16 : i32
    scf.for %parallel_loop3A_535 = %parallel_loop3A_445 to %parallel_loop3A_446 step %parallel_loop3A_447  : i32 {
      %parallel_loop3A_536 = tpu.assume_multiple %parallel_loop3A_535, 16 : i32
      %parallel_loop3A_537 = arith.index_cast %parallel_loop3A_536 : i32 to index
      %parallel_loop3A_538 = tpu.vector_load %arg21[%parallel_loop3A_537] {strides = array<i32>} : memref<7808xf32, #tpu.memory_space<vmem>>, vector<16xf32>,
      %parallel_loop3A_539 = vector.shape_cast %parallel_loop3A_538 : vector<16xf32> to vector<16xf32>
      %parallel_loop3A_540 = arith.index_cast %parallel_loop3A_536 : i32 to index
      %parallel_loop3A_541 = tpu.vector_load %arg23[%parallel_loop3A_540] {strides = array<i32>} : memref<7808xf32, #tpu.memory_space<vmem>>, vector<16xf32>,
      %parallel_loop3A_542 = vector.shape_cast %parallel_loop3A_541 : vector<16xf32> to vector<16xf32>
      %parallel_loop3A_543 = arith.constant 1.000000e+00 : f32
      %parallel_loop3A_544 = vector.broadcast %parallel_loop3A_543 : f32 to vector<16xf32>
      %parallel_loop3A_545 = arith.subf %parallel_loop3A_544, %parallel_loop3A_539 : vector<16xf32>
      %parallel_loop3A_546 = arith.constant 0.111111112 : f32
      %parallel_loop3A_547 = vector.broadcast %parallel_loop3A_546 : f32 to vector<16xf32>
      %parallel_loop3A_548 = arith.mulf %parallel_loop3A_545, %parallel_loop3A_547 : vector<16xf32>
      %parallel_loop3A_549 = arith.mulf %parallel_loop3A_539, %parallel_loop3A_542 : vector<16xf32>
      %parallel_loop3A_550 = arith.constant 1.000000e+00 : f32
      %parallel_loop3A_551 = vector.broadcast %parallel_loop3A_550 : f32 to vector<16xf32>
      %parallel_loop3A_552 = arith.subf %parallel_loop3A_551, %parallel_loop3A_542 : vector<16xf32>
      %parallel_loop3A_553 = arith.mulf %parallel_loop3A_548, %parallel_loop3A_552 : vector<16xf32>
      %parallel_loop3A_554 = arith.addf %parallel_loop3A_549, %parallel_loop3A_553 : vector<16xf32>
      %parallel_loop3A_555 = arith.index_cast %parallel_loop3A_536 : i32 to index
      %parallel_loop3A_556 = tpu.vector_load %arg21[%parallel_loop3A_555] {strides = array<i32>} : memref<7808xf32, #tpu.memory_space<vmem>>, vector<16xf32>,
      %parallel_loop3A_557 = vector.shape_cast %parallel_loop3A_556 : vector<16xf32> to vector<16xf32>
      %parallel_loop3A_558 = vector.shape_cast %parallel_loop3A_554 : vector<16xf32> to vector<16xf32>
      tpu.vector_store %arg21[%parallel_loop3A_555], %parallel_loop3A_558 {strides = array<i32>} : memref<7808xf32, #tpu.memory_space<vmem>>, vector<16xf32>,
    } {sc.loop_unroll_factor = 8 : i64, sc.parallel_access}
    %mul3A_448 = arith.constant 7808 : i32
    %mul3A_449 = arith.muli %add3A, %mul3A_448 : i32
    %add3A_450 = arith.constant 0 : i32
    %add3A_451 = arith.addi %add3A_450, %mul3A_449 : i32
    %dma_start3A_452 = arith.constant 0 : i32
    %dma_start3A_453 = tpu.memref_slice %arg16[%dma_start3A_452, %add3A_451] : memref<1x1000000xf32, #tpu.memory_space<hbm>> -> memref<1x7808xf32, #tpu.memory_space<hbm>>
    %dma_start3A_454 = tpu.memref_squeeze %dma_start3A_453 : memref<1x7808xf32, #tpu.memory_space<hbm>> -> memref<7808xf32, #tpu.memory_space<hbm>>
    %dma_start3A_455 = tpu.memref_slice %arg16[%dma_start3A_452, %add3A_451] : memref<1x1000000xf32, #tpu.memory_space<hbm>> -> memref<1x7808xf32, #tpu.memory_space<hbm>>
    %dma_start3A_456 = tpu.memref_squeeze %dma_start3A_455 : memref<1x7808xf32, #tpu.memory_space<hbm>> -> memref<7808xf32, #tpu.memory_space<hbm>>
    tpu.enqueue_dma source(%arg21 : memref<7808xf32, #tpu.memory_space<vmem>>) target(%dma_start3A_456 : memref<7808xf32, #tpu.memory_space<hbm>>) target_semaphore(%arg32 : memref<!tpu.dma_semaphore, #tpu.memory_space<semaphore_mem>>)
    %dma_wait3A_457 = tpu.memref_slice %arg4[%add3A_438] : memref<1000000xi32, #tpu.memory_space<hbm>> -> memref<7808xi32, #tpu.memory_space<hbm>>
    %dma_wait3A_458 = tpu.memref_slice %arg4[%add3A_438] : memref<1000000xi32, #tpu.memory_space<hbm>> -> memref<7808xi32, #tpu.memory_space<hbm>>
    tpu.wait_dma2 semaphore(%arg26 : memref<!tpu.dma_semaphore, #tpu.memory_space<semaphore_mem>>) src(%dma_wait3A_458 : memref<7808xi32, #tpu.memory_space<hbm>>) dst(%arg17 : memref<7808xi32, #tpu.memory_space<vmem>>)
    %dma_wait3A_459 = tpu.memref_slice %arg5[%add3A_438] : memref<1000000xi32, #tpu.memory_space<hbm>> -> memref<7808xi32, #tpu.memory_space<hbm>>
    %dma_wait3A_460 = tpu.memref_slice %arg5[%add3A_438] : memref<1000000xi32, #tpu.memory_space<hbm>> -> memref<7808xi32, #tpu.memory_space<hbm>>
    tpu.wait_dma2 semaphore(%arg26 : memref<!tpu.dma_semaphore, #tpu.memory_space<semaphore_mem>>) src(%dma_wait3A_460 : memref<7808xi32, #tpu.memory_space<hbm>>) dst(%arg19 : memref<7808xi32, #tpu.memory_space<vmem>>)
    %dma_wait3A_461 = tpu.memref_slice %arg3[%add3A_438] : memref<1000000xf32, #tpu.memory_space<hbm>> -> memref<7808xf32, #tpu.memory_space<hbm>>
    %dma_wait3A_462 = tpu.memref_slice %arg3[%add3A_438] : memref<1000000xf32, #tpu.memory_space<hbm>> -> memref<7808xf32, #tpu.memory_space<hbm>>
    tpu.wait_dma2 semaphore(%arg26 : memref<!tpu.dma_semaphore, #tpu.memory_space<semaphore_mem>>) src(%dma_wait3A_462 : memref<7808xf32, #tpu.memory_space<hbm>>) dst(%arg21 : memref<7808xf32, #tpu.memory_space<vmem>>)
    %parallel_loop3A_463 = arith.constant 0 : i32
    %parallel_loop3A_464 = arith.constant 7808 : i32
    %parallel_loop3A_465 = arith.constant 16 : i32
    scf.for %parallel_loop3A_535 = %parallel_loop3A_463 to %parallel_loop3A_464 step %parallel_loop3A_465  : i32 {
      %parallel_loop3A_536 = tpu.assume_multiple %parallel_loop3A_535, 16 : i32
      %parallel_loop3A_537 = arith.index_cast %parallel_loop3A_536 : i32 to index
      %parallel_loop3A_538 = tpu.vector_load %arg19[%parallel_loop3A_537] {strides = array<i32>} : memref<7808xi32, #tpu.memory_space<vmem>>, vector<16xi32>,
      %parallel_loop3A_539 = vector.shape_cast %parallel_loop3A_538 : vector<16xi32> to vector<16xi32>
      %parallel_loop3A_540 = arith.constant 100000 : i32
      %parallel_loop3A_541 = vector.broadcast %parallel_loop3A_540 : i32 to vector<16xi32>
      %parallel_loop3A_542 = arith.muli %parallel_loop3A_539, %parallel_loop3A_541 : vector<16xi32>
      %parallel_loop3A_543 = arith.index_cast %parallel_loop3A_536 : i32 to index
      %parallel_loop3A_544 = tpu.vector_load %arg17[%parallel_loop3A_543] {strides = array<i32>} : memref<7808xi32, #tpu.memory_space<vmem>>, vector<16xi32>,
      %parallel_loop3A_545 = vector.shape_cast %parallel_loop3A_544 : vector<16xi32> to vector<16xi32>
      %parallel_loop3A_546 = arith.addi %parallel_loop3A_542, %parallel_loop3A_545 : vector<16xi32>
      %parallel_loop3A_547 = arith.index_cast %parallel_loop3A_536 : i32 to index
      %parallel_loop3A_548 = tpu.vector_load %arg19[%parallel_loop3A_547] {strides = array<i32>} : memref<7808xi32, #tpu.memory_space<vmem>>, vector<16xi32>,
      %parallel_loop3A_549 = vector.shape_cast %parallel_loop3A_548 : vector<16xi32> to vector<16xi32>
      %parallel_loop3A_550 = vector.shape_cast %parallel_loop3A_546 : vector<16xi32> to vector<16xi32>
      tpu.vector_store %arg19[%parallel_loop3A_547], %parallel_loop3A_550 {strides = array<i32>} : memref<7808xi32, #tpu.memory_space<vmem>>, vector<16xi32>,
    } {sc.loop_unroll_factor = 8 : i64, sc.parallel_access}
    %dma_start3A_466 = arith.constant 0 : i32
    %dma_start3A_467 = tpu.memref_slice %arg25[%dma_start3A_466] : memref<1000000xf32, #tpu.memory_space<vmem_shared>> -> memref<1000000xf32, #tpu.memory_space<vmem_shared>>
    tpu.enqueue_indirect_dma source(%dma_start3A_467 : memref<1000000xf32, #tpu.memory_space<vmem_shared>>) target(%arg23 : memref<7808xf32, #tpu.memory_space<vmem>>) offsets(%arg19 : memref<7808xi32, #tpu.memory_space<vmem>>) semaphore(%arg30 : memref<!tpu.dma_semaphore, #tpu.memory_space<semaphore_mem>>)
    %dma_wait3A_468 = arith.constant 0 : i32
    %dma_wait3A_469 = tpu.memref_slice %arg25[%dma_wait3A_468] : memref<1000000xf32, #tpu.memory_space<vmem_shared>> -> memref<1000000xf32, #tpu.memory_space<vmem_shared>>
    tpu.wait_indirect_dma semaphore(%arg31 : memref<!tpu.dma_semaphore, #tpu.memory_space<semaphore_mem>>) src(%dma_wait3A_469 : memref<1000000xf32, #tpu.memory_space<vmem_shared>>) dst(%arg24 : memref<7808xf32, #tpu.memory_space<vmem>>)
    %mul3A_470 = arith.constant 7808 : i32
    %mul3A_471 = arith.muli %add3A, %mul3A_470 : i32
    %add3A_472 = arith.constant 749568 : i32
    %add3A_473 = arith.addi %add3A_472, %mul3A_471 : i32
    %dma_start3A_474 = tpu.memref_slice %arg4[%add3A_473] : memref<1000000xi32, #tpu.memory_space<hbm>> -> memref<7808xi32, #tpu.memory_space<hbm>>
    %dma_start3A_475 = tpu.memref_slice %arg4[%add3A_473] : memref<1000000xi32, #tpu.memory_space<hbm>> -> memref<7808xi32, #tpu.memory_space<hbm>>
    tpu.enqueue_dma source(%dma_start3A_475 : memref<7808xi32, #tpu.memory_space<hbm>>) target(%arg18 : memref<7808xi32, #tpu.memory_space<vmem>>) target_semaphore(%arg27 : memref<!tpu.dma_semaphore, #tpu.memory_space<semaphore_mem>>)
    %dma_start3A_476 = tpu.memref_slice %arg5[%add3A_473] : memref<1000000xi32, #tpu.memory_space<hbm>> -> memref<7808xi32, #tpu.memory_space<hbm>>
    %dma_start3A_477 = tpu.memref_slice %arg5[%add3A_473] : memref<1000000xi32, #tpu.memory_space<hbm>> -> memref<7808xi32, #tpu.memory_space<hbm>>
    tpu.enqueue_dma source(%dma_start3A_477 : memref<7808xi32, #tpu.memory_space<hbm>>) target(%arg20 : memref<7808xi32, #tpu.memory_space<vmem>>) target_semaphore(%arg27 : memref<!tpu.dma_semaphore, #tpu.memory_space<semaphore_mem>>)
    %dma_start3A_478 = tpu.memref_slice %arg3[%add3A_473] : memref<1000000xf32, #tpu.memory_space<hbm>> -> memref<7808xf32, #tpu.memory_space<hbm>>
    %dma_start3A_479 = tpu.memref_slice %arg3[%add3A_473] : memref<1000000xf32, #tpu.memory_space<hbm>> -> memref<7808xf32, #tpu.memory_space<hbm>>
    tpu.enqueue_dma source(%dma_start3A_479 : memref<7808xf32, #tpu.memory_space<hbm>>) target(%arg22 : memref<7808xf32, #tpu.memory_space<vmem>>) target_semaphore(%arg27 : memref<!tpu.dma_semaphore, #tpu.memory_space<semaphore_mem>>)
    %parallel_loop3A_480 = arith.constant 0 : i32
    %parallel_loop3A_481 = arith.constant 7808 : i32
    %parallel_loop3A_482 = arith.constant 16 : i32
    scf.for %parallel_loop3A_535 = %parallel_loop3A_480 to %parallel_loop3A_481 step %parallel_loop3A_482  : i32 {
      %parallel_loop3A_536 = tpu.assume_multiple %parallel_loop3A_535, 16 : i32
      %parallel_loop3A_537 = arith.index_cast %parallel_loop3A_536 : i32 to index
      %parallel_loop3A_538 = tpu.vector_load %arg22[%parallel_loop3A_537] {strides = array<i32>} : memref<7808xf32, #tpu.memory_space<vmem>>, vector<16xf32>,
      %parallel_loop3A_539 = vector.shape_cast %parallel_loop3A_538 : vector<16xf32> to vector<16xf32>
      %parallel_loop3A_540 = arith.index_cast %parallel_loop3A_536 : i32 to index
      %parallel_loop3A_541 = tpu.vector_load %arg24[%parallel_loop3A_540] {strides = array<i32>} : memref<7808xf32, #tpu.memory_space<vmem>>, vector<16xf32>,
      %parallel_loop3A_542 = vector.shape_cast %parallel_loop3A_541 : vector<16xf32> to vector<16xf32>
      %parallel_loop3A_543 = arith.constant 1.000000e+00 : f32
      %parallel_loop3A_544 = vector.broadcast %parallel_loop3A_543 : f32 to vector<16xf32>
      %parallel_loop3A_545 = arith.subf %parallel_loop3A_544, %parallel_loop3A_539 : vector<16xf32>
      %parallel_loop3A_546 = arith.constant 0.111111112 : f32
      %parallel_loop3A_547 = vector.broadcast %parallel_loop3A_546 : f32 to vector<16xf32>
      %parallel_loop3A_548 = arith.mulf %parallel_loop3A_545, %parallel_loop3A_547 : vector<16xf32>
      %parallel_loop3A_549 = arith.mulf %parallel_loop3A_539, %parallel_loop3A_542 : vector<16xf32>
      %parallel_loop3A_550 = arith.constant 1.000000e+00 : f32
      %parallel_loop3A_551 = vector.broadcast %parallel_loop3A_550 : f32 to vector<16xf32>
      %parallel_loop3A_552 = arith.subf %parallel_loop3A_551, %parallel_loop3A_542 : vector<16xf32>
      %parallel_loop3A_553 = arith.mulf %parallel_loop3A_548, %parallel_loop3A_552 : vector<16xf32>
      %parallel_loop3A_554 = arith.addf %parallel_loop3A_549, %parallel_loop3A_553 : vector<16xf32>
      %parallel_loop3A_555 = arith.index_cast %parallel_loop3A_536 : i32 to index
      %parallel_loop3A_556 = tpu.vector_load %arg22[%parallel_loop3A_555] {strides = array<i32>} : memref<7808xf32, #tpu.memory_space<vmem>>, vector<16xf32>,
      %parallel_loop3A_557 = vector.shape_cast %parallel_loop3A_556 : vector<16xf32> to vector<16xf32>
      %parallel_loop3A_558 = vector.shape_cast %parallel_loop3A_554 : vector<16xf32> to vector<16xf32>
      tpu.vector_store %arg22[%parallel_loop3A_555], %parallel_loop3A_558 {strides = array<i32>} : memref<7808xf32, #tpu.memory_space<vmem>>, vector<16xf32>,
    } {sc.loop_unroll_factor = 8 : i64, sc.parallel_access}
    %mul3A_483 = arith.constant 7808 : i32
    %mul3A_484 = arith.muli %add3A, %mul3A_483 : i32
    %add3A_485 = arith.constant 249856 : i32
    %add3A_486 = arith.addi %add3A_485, %mul3A_484 : i32
    %dma_start3A_487 = arith.constant 0 : i32
    %dma_start3A_488 = tpu.memref_slice %arg16[%dma_start3A_487, %add3A_486] : memref<1x1000000xf32, #tpu.memory_space<hbm>> -> memref<1x7808xf32, #tpu.memory_space<hbm>>
    %dma_start3A_489 = tpu.memref_squeeze %dma_start3A_488 : memref<1x7808xf32, #tpu.memory_space<hbm>> -> memref<7808xf32, #tpu.memory_space<hbm>>
    %dma_start3A_490 = tpu.memref_slice %arg16[%dma_start3A_487, %add3A_486] : memref<1x1000000xf32, #tpu.memory_space<hbm>> -> memref<1x7808xf32, #tpu.memory_space<hbm>>
    %dma_start3A_491 = tpu.memref_squeeze %dma_start3A_490 : memref<1x7808xf32, #tpu.memory_space<hbm>> -> memref<7808xf32, #tpu.memory_space<hbm>>
    tpu.enqueue_dma source(%arg22 : memref<7808xf32, #tpu.memory_space<vmem>>) target(%dma_start3A_491 : memref<7808xf32, #tpu.memory_space<hbm>>) target_semaphore(%arg33 : memref<!tpu.dma_semaphore, #tpu.memory_space<semaphore_mem>>)
    %dma_wait3A_492 = tpu.memref_slice %arg4[%add3A_473] : memref<1000000xi32, #tpu.memory_space<hbm>> -> memref<7808xi32, #tpu.memory_space<hbm>>
    %dma_wait3A_493 = tpu.memref_slice %arg4[%add3A_473] : memref<1000000xi32, #tpu.memory_space<hbm>> -> memref<7808xi32, #tpu.memory_space<hbm>>
    tpu.wait_dma2 semaphore(%arg27 : memref<!tpu.dma_semaphore, #tpu.memory_space<semaphore_mem>>) src(%dma_wait3A_493 : memref<7808xi32, #tpu.memory_space<hbm>>) dst(%arg18 : memref<7808xi32, #tpu.memory_space<vmem>>)
    %dma_wait3A_494 = tpu.memref_slice %arg5[%add3A_473] : memref<1000000xi32, #tpu.memory_space<hbm>> -> memref<7808xi32, #tpu.memory_space<hbm>>
    %dma_wait3A_495 = tpu.memref_slice %arg5[%add3A_473] : memref<1000000xi32, #tpu.memory_space<hbm>> -> memref<7808xi32, #tpu.memory_space<hbm>>
    tpu.wait_dma2 semaphore(%arg27 : memref<!tpu.dma_semaphore, #tpu.memory_space<semaphore_mem>>) src(%dma_wait3A_495 : memref<7808xi32, #tpu.memory_space<hbm>>) dst(%arg20 : memref<7808xi32, #tpu.memory_space<vmem>>)
    %dma_wait3A_496 = tpu.memref_slice %arg3[%add3A_473] : memref<1000000xf32, #tpu.memory_space<hbm>> -> memref<7808xf32, #tpu.memory_space<hbm>>
    %dma_wait3A_497 = tpu.memref_slice %arg3[%add3A_473] : memref<1000000xf32, #tpu.memory_space<hbm>> -> memref<7808xf32, #tpu.memory_space<hbm>>
    tpu.wait_dma2 semaphore(%arg27 : memref<!tpu.dma_semaphore, #tpu.memory_space<semaphore_mem>>) src(%dma_wait3A_497 : memref<7808xf32, #tpu.memory_space<hbm>>) dst(%arg22 : memref<7808xf32, #tpu.memory_space<vmem>>)
    %parallel_loop3A_498 = arith.constant 0 : i32
    %parallel_loop3A_499 = arith.constant 7808 : i32
    %parallel_loop3A_500 = arith.constant 16 : i32
    scf.for %parallel_loop3A_535 = %parallel_loop3A_498 to %parallel_loop3A_499 step %parallel_loop3A_500  : i32 {
      %parallel_loop3A_536 = tpu.assume_multiple %parallel_loop3A_535, 16 : i32
      %parallel_loop3A_537 = arith.index_cast %parallel_loop3A_536 : i32 to index
      %parallel_loop3A_538 = tpu.vector_load %arg20[%parallel_loop3A_537] {strides = array<i32>} : memref<7808xi32, #tpu.memory_space<vmem>>, vector<16xi32>,
      %parallel_loop3A_539 = vector.shape_cast %parallel_loop3A_538 : vector<16xi32> to vector<16xi32>
      %parallel_loop3A_540 = arith.constant 100000 : i32
      %parallel_loop3A_541 = vector.broadcast %parallel_loop3A_540 : i32 to vector<16xi32>
      %parallel_loop3A_542 = arith.muli %parallel_loop3A_539, %parallel_loop3A_541 : vector<16xi32>
      %parallel_loop3A_543 = arith.index_cast %parallel_loop3A_536 : i32 to index
      %parallel_loop3A_544 = tpu.vector_load %arg18[%parallel_loop3A_543] {strides = array<i32>} : memref<7808xi32, #tpu.memory_space<vmem>>, vector<16xi32>,
      %parallel_loop3A_545 = vector.shape_cast %parallel_loop3A_544 : vector<16xi32> to vector<16xi32>
      %parallel_loop3A_546 = arith.addi %parallel_loop3A_542, %parallel_loop3A_545 : vector<16xi32>
      %parallel_loop3A_547 = arith.index_cast %parallel_loop3A_536 : i32 to index
      %parallel_loop3A_548 = tpu.vector_load %arg20[%parallel_loop3A_547] {strides = array<i32>} : memref<7808xi32, #tpu.memory_space<vmem>>, vector<16xi32>,
      %parallel_loop3A_549 = vector.shape_cast %parallel_loop3A_548 : vector<16xi32> to vector<16xi32>
      %parallel_loop3A_550 = vector.shape_cast %parallel_loop3A_546 : vector<16xi32> to vector<16xi32>
      tpu.vector_store %arg20[%parallel_loop3A_547], %parallel_loop3A_550 {strides = array<i32>} : memref<7808xi32, #tpu.memory_space<vmem>>, vector<16xi32>,
    } {sc.loop_unroll_factor = 8 : i64, sc.parallel_access}
    %dma_start3A_501 = arith.constant 0 : i32
    %dma_start3A_502 = tpu.memref_slice %arg25[%dma_start3A_501] : memref<1000000xf32, #tpu.memory_space<vmem_shared>> -> memref<1000000xf32, #tpu.memory_space<vmem_shared>>
    tpu.enqueue_indirect_dma source(%dma_start3A_502 : memref<1000000xf32, #tpu.memory_space<vmem_shared>>) target(%arg24 : memref<7808xf32, #tpu.memory_space<vmem>>) offsets(%arg20 : memref<7808xi32, #tpu.memory_space<vmem>>) semaphore(%arg31 : memref<!tpu.dma_semaphore, #tpu.memory_space<semaphore_mem>>)
    %dma_wait3A_503 = arith.constant 0 : i32
    %dma_wait3A_504 = tpu.memref_slice %arg25[%dma_wait3A_503] : memref<1000000xf32, #tpu.memory_space<vmem_shared>> -> memref<1000000xf32, #tpu.memory_space<vmem_shared>>
    tpu.wait_indirect_dma semaphore(%arg30 : memref<!tpu.dma_semaphore, #tpu.memory_space<semaphore_mem>>) src(%dma_wait3A_504 : memref<1000000xf32, #tpu.memory_space<vmem_shared>>) dst(%arg23 : memref<7808xf32, #tpu.memory_space<vmem>>)
    %parallel_loop3A_505 = arith.constant 0 : i32
    %parallel_loop3A_506 = arith.constant 7808 : i32
    %parallel_loop3A_507 = arith.constant 16 : i32
    scf.for %parallel_loop3A_535 = %parallel_loop3A_505 to %parallel_loop3A_506 step %parallel_loop3A_507  : i32 {
      %parallel_loop3A_536 = tpu.assume_multiple %parallel_loop3A_535, 16 : i32
      %parallel_loop3A_537 = arith.index_cast %parallel_loop3A_536 : i32 to index
      %parallel_loop3A_538 = tpu.vector_load %arg21[%parallel_loop3A_537] {strides = array<i32>} : memref<7808xf32, #tpu.memory_space<vmem>>, vector<16xf32>,
      %parallel_loop3A_539 = vector.shape_cast %parallel_loop3A_538 : vector<16xf32> to vector<16xf32>
      %parallel_loop3A_540 = arith.index_cast %parallel_loop3A_536 : i32 to index
      %parallel_loop3A_541 = tpu.vector_load %arg23[%parallel_loop3A_540] {strides = array<i32>} : memref<7808xf32, #tpu.memory_space<vmem>>, vector<16xf32>,
      %parallel_loop3A_542 = vector.shape_cast %parallel_loop3A_541 : vector<16xf32> to vector<16xf32>
      %parallel_loop3A_543 = arith.constant 1.000000e+00 : f32
      %parallel_loop3A_544 = vector.broadcast %parallel_loop3A_543 : f32 to vector<16xf32>
      %parallel_loop3A_545 = arith.subf %parallel_loop3A_544, %parallel_loop3A_539 : vector<16xf32>
      %parallel_loop3A_546 = arith.constant 0.111111112 : f32
      %parallel_loop3A_547 = vector.broadcast %parallel_loop3A_546 : f32 to vector<16xf32>
      %parallel_loop3A_548 = arith.mulf %parallel_loop3A_545, %parallel_loop3A_547 : vector<16xf32>
      %parallel_loop3A_549 = arith.mulf %parallel_loop3A_539, %parallel_loop3A_542 : vector<16xf32>
      %parallel_loop3A_550 = arith.constant 1.000000e+00 : f32
      %parallel_loop3A_551 = vector.broadcast %parallel_loop3A_550 : f32 to vector<16xf32>
      %parallel_loop3A_552 = arith.subf %parallel_loop3A_551, %parallel_loop3A_542 : vector<16xf32>
      %parallel_loop3A_553 = arith.mulf %parallel_loop3A_548, %parallel_loop3A_552 : vector<16xf32>
      %parallel_loop3A_554 = arith.addf %parallel_loop3A_549, %parallel_loop3A_553 : vector<16xf32>
      %parallel_loop3A_555 = arith.index_cast %parallel_loop3A_536 : i32 to index
      %parallel_loop3A_556 = tpu.vector_load %arg21[%parallel_loop3A_555] {strides = array<i32>} : memref<7808xf32, #tpu.memory_space<vmem>>, vector<16xf32>,
      %parallel_loop3A_557 = vector.shape_cast %parallel_loop3A_556 : vector<16xf32> to vector<16xf32>
      %parallel_loop3A_558 = vector.shape_cast %parallel_loop3A_554 : vector<16xf32> to vector<16xf32>
      tpu.vector_store %arg21[%parallel_loop3A_555], %parallel_loop3A_558 {strides = array<i32>} : memref<7808xf32, #tpu.memory_space<vmem>>, vector<16xf32>,
    } {sc.loop_unroll_factor = 8 : i64, sc.parallel_access}
    %mul3A_508 = arith.constant 7808 : i32
    %mul3A_509 = arith.muli %add3A, %mul3A_508 : i32
    %add3A_510 = arith.constant 499712 : i32
    %add3A_511 = arith.addi %add3A_510, %mul3A_509 : i32
    %dma_start3A_512 = arith.constant 0 : i32
    %dma_start3A_513 = tpu.memref_slice %arg16[%dma_start3A_512, %add3A_511] : memref<1x1000000xf32, #tpu.memory_space<hbm>> -> memref<1x7808xf32, #tpu.memory_space<hbm>>
    %dma_start3A_514 = tpu.memref_squeeze %dma_start3A_513 : memref<1x7808xf32, #tpu.memory_space<hbm>> -> memref<7808xf32, #tpu.memory_space<hbm>>
    %dma_start3A_515 = tpu.memref_slice %arg16[%dma_start3A_512, %add3A_511] : memref<1x1000000xf32, #tpu.memory_space<hbm>> -> memref<1x7808xf32, #tpu.memory_space<hbm>>
    %dma_start3A_516 = tpu.memref_squeeze %dma_start3A_515 : memref<1x7808xf32, #tpu.memory_space<hbm>> -> memref<7808xf32, #tpu.memory_space<hbm>>
    tpu.enqueue_dma source(%arg21 : memref<7808xf32, #tpu.memory_space<vmem>>) target(%dma_start3A_516 : memref<7808xf32, #tpu.memory_space<hbm>>) target_semaphore(%arg32 : memref<!tpu.dma_semaphore, #tpu.memory_space<semaphore_mem>>)
    %dma_wait3A_517 = arith.constant 0 : i32
    %dma_wait3A_518 = tpu.memref_slice %arg25[%dma_wait3A_517] : memref<1000000xf32, #tpu.memory_space<vmem_shared>> -> memref<1000000xf32, #tpu.memory_space<vmem_shared>>
    tpu.wait_indirect_dma semaphore(%arg31 : memref<!tpu.dma_semaphore, #tpu.memory_space<semaphore_mem>>) src(%dma_wait3A_518 : memref<1000000xf32, #tpu.memory_space<vmem_shared>>) dst(%arg24 : memref<7808xf32, #tpu.memory_space<vmem>>)
    %dma_wait3A_519 = arith.constant 0 : i32
    %dma_wait3A_520 = tpu.memref_slice %arg16[%dma_wait3A_519, %add3A_511] : memref<1x1000000xf32, #tpu.memory_space<hbm>> -> memref<1x7808xf32, #tpu.memory_space<hbm>>
    %dma_wait3A_521 = tpu.memref_squeeze %dma_wait3A_520 : memref<1x7808xf32, #tpu.memory_space<hbm>> -> memref<7808xf32, #tpu.memory_space<hbm>>
    %dma_wait3A_522 = tpu.memref_slice %arg16[%dma_wait3A_519, %add3A_511] : memref<1x1000000xf32, #tpu.memory_space<hbm>> -> memref<1x7808xf32, #tpu.memory_space<hbm>>
    %dma_wait3A_523 = tpu.memref_squeeze %dma_wait3A_522 : memref<1x7808xf32, #tpu.memory_space<hbm>> -> memref<7808xf32, #tpu.memory_space<hbm>>
    tpu.wait_dma2 semaphore(%arg32 : memref<!tpu.dma_semaphore, #tpu.memory_space<semaphore_mem>>) src(%arg21 : memref<7808xf32, #tpu.memory_space<vmem>>) dst(%dma_wait3A_523 : memref<7808xf32, #tpu.memory_space<hbm>>)
    %parallel_loop3A_524 = arith.constant 0 : i32
    %parallel_loop3A_525 = arith.constant 7808 : i32
    %parallel_loop3A_526 = arith.constant 16 : i32
    scf.for %parallel_loop3A_535 = %parallel_loop3A_524 to %parallel_loop3A_525 step %parallel_loop3A_526  : i32 {
      %parallel_loop3A_536 = tpu.assume_multiple %parallel_loop3A_535, 16 : i32
      %parallel_loop3A_537 = arith.index_cast %parallel_loop3A_536 : i32 to index
      %parallel_loop3A_538 = tpu.vector_load %arg22[%parallel_loop3A_537] {strides = array<i32>} : memref<7808xf32, #tpu.memory_space<vmem>>, vector<16xf32>,
      %parallel_loop3A_539 = vector.shape_cast %parallel_loop3A_538 : vector<16xf32> to vector<16xf32>
      %parallel_loop3A_540 = arith.index_cast %parallel_loop3A_536 : i32 to index
      %parallel_loop3A_541 = tpu.vector_load %arg24[%parallel_loop3A_540] {strides = array<i32>} : memref<7808xf32, #tpu.memory_space<vmem>>, vector<16xf32>,
      %parallel_loop3A_542 = vector.shape_cast %parallel_loop3A_541 : vector<16xf32> to vector<16xf32>
      %parallel_loop3A_543 = arith.constant 1.000000e+00 : f32
      %parallel_loop3A_544 = vector.broadcast %parallel_loop3A_543 : f32 to vector<16xf32>
      %parallel_loop3A_545 = arith.subf %parallel_loop3A_544, %parallel_loop3A_539 : vector<16xf32>
      %parallel_loop3A_546 = arith.constant 0.111111112 : f32
      %parallel_loop3A_547 = vector.broadcast %parallel_loop3A_546 : f32 to vector<16xf32>
      %parallel_loop3A_548 = arith.mulf %parallel_loop3A_545, %parallel_loop3A_547 : vector<16xf32>
      %parallel_loop3A_549 = arith.mulf %parallel_loop3A_539, %parallel_loop3A_542 : vector<16xf32>
      %parallel_loop3A_550 = arith.constant 1.000000e+00 : f32
      %parallel_loop3A_551 = vector.broadcast %parallel_loop3A_550 : f32 to vector<16xf32>
      %parallel_loop3A_552 = arith.subf %parallel_loop3A_551, %parallel_loop3A_542 : vector<16xf32>
      %parallel_loop3A_553 = arith.mulf %parallel_loop3A_548, %parallel_loop3A_552 : vector<16xf32>
      %parallel_loop3A_554 = arith.addf %parallel_loop3A_549, %parallel_loop3A_553 : vector<16xf32>
      %parallel_loop3A_555 = arith.index_cast %parallel_loop3A_536 : i32 to index
      %parallel_loop3A_556 = tpu.vector_load %arg22[%parallel_loop3A_555] {strides = array<i32>} : memref<7808xf32, #tpu.memory_space<vmem>>, vector<16xf32>,
      %parallel_loop3A_557 = vector.shape_cast %parallel_loop3A_556 : vector<16xf32> to vector<16xf32>
      %parallel_loop3A_558 = vector.shape_cast %parallel_loop3A_554 : vector<16xf32> to vector<16xf32>
      tpu.vector_store %arg22[%parallel_loop3A_555], %parallel_loop3A_558 {strides = array<i32>} : memref<7808xf32, #tpu.memory_space<vmem>>, vector<16xf32>,
    } {sc.loop_unroll_factor = 8 : i64, sc.parallel_access}
    %mul3A_527 = arith.constant 7808 : i32
    %mul3A_528 = arith.muli %add3A, %mul3A_527 : i32
    %add3A_529 = arith.constant 749568 : i32
    %add3A_530 = arith.addi %add3A_529, %mul3A_528 : i32
    %run_scoped3A = arith.constant 0 : i32
    "tpu.region"() ({
      %run_scoped3A_535 = tpu.sem_alloc : memref<!tpu.dma_semaphore, #tpu.memory_space<semaphore_mem>>
      %dma_start3A_536 = tpu.memref_slice %arg16[%run_scoped3A, %add3A_530] : memref<1x1000000xf32, #tpu.memory_space<hbm>> -> memref<1x7808xf32, #tpu.memory_space<hbm>>
      %dma_start3A_537 = tpu.memref_squeeze %dma_start3A_536 : memref<1x7808xf32, #tpu.memory_space<hbm>> -> memref<7808xf32, #tpu.memory_space<hbm>>
      %dma_start3A_538 = tpu.memref_slice %arg16[%run_scoped3A, %add3A_530] : memref<1x1000000xf32, #tpu.memory_space<hbm>> -> memref<1x7808xf32, #tpu.memory_space<hbm>>
      %dma_start3A_539 = tpu.memref_squeeze %dma_start3A_538 : memref<1x7808xf32, #tpu.memory_space<hbm>> -> memref<7808xf32, #tpu.memory_space<hbm>>
      tpu.enqueue_dma source(%arg22 : memref<7808xf32, #tpu.memory_space<vmem>>) target(%dma_start3A_539 : memref<7808xf32, #tpu.memory_space<hbm>>) target_semaphore(%run_scoped3A_535 : memref<!tpu.dma_semaphore, #tpu.memory_space<semaphore_mem>>)
      %dma_wait3A_540 = tpu.memref_slice %arg16[%run_scoped3A, %add3A_530] : memref<1x1000000xf32, #tpu.memory_space<hbm>> -> memref<1x7808xf32, #tpu.memory_space<hbm>>
      %dma_wait3A_541 = tpu.memref_squeeze %dma_wait3A_540 : memref<1x7808xf32, #tpu.memory_space<hbm>> -> memref<7808xf32, #tpu.memory_space<hbm>>
      %dma_wait3A_542 = tpu.memref_slice %arg16[%run_scoped3A, %add3A_530] : memref<1x1000000xf32, #tpu.memory_space<hbm>> -> memref<1x7808xf32, #tpu.memory_space<hbm>>
      %dma_wait3A_543 = tpu.memref_squeeze %dma_wait3A_542 : memref<1x7808xf32, #tpu.memory_space<hbm>> -> memref<7808xf32, #tpu.memory_space<hbm>>
      tpu.wait_dma2 semaphore(%run_scoped3A_535 : memref<!tpu.dma_semaphore, #tpu.memory_space<semaphore_mem>>) src(%arg22 : memref<7808xf32, #tpu.memory_space<vmem>>) dst(%dma_wait3A_543 : memref<7808xf32, #tpu.memory_space<hbm>>)
      tpu.yield
    }) : () -> ()
    %lt3A = arith.constant 18 : i32
    %lt3A_531 = arith.cmpi slt, %add3A, %lt3A : i32
    %convert_element_type3A_532 = arith.extui %lt3A_531 : i1 to i32
    %cond3A_533 = arith.constant 0 : i32
    %cond3A_534 = arith.cmpi ne, %convert_element_type3A_532, %cond3A_533 : i32
    scf.if %cond3A_534 {
      %mul3A_535 = arith.constant 32 : i32
      %mul3A_536 = arith.muli %add3A, %mul3A_535 : i32
      %add3A_537 = arith.constant 999424 : i32
      %add3A_538 = arith.addi %add3A_537, %mul3A_536 : i32
      "tpu.region"() ({
        %run_scoped3A_558 = tpu.sem_alloc : memref<!tpu.dma_semaphore, #tpu.memory_space<semaphore_mem>>
        %dma_start3A_559 = arith.constant 0 : i32
        %dma_start3A_560 = tpu.memref_slice %arg17[%dma_start3A_559] : memref<7808xi32, #tpu.memory_space<vmem>> -> memref<32xi32, #tpu.memory_space<vmem>>
        %dma_start3A_561 = tpu.memref_slice %arg4[%add3A_538] : memref<1000000xi32, #tpu.memory_space<hbm>> -> memref<32xi32, #tpu.memory_space<hbm>>
        %dma_start3A_562 = arith.constant 0 : i32
        %dma_start3A_563 = tpu.memref_slice %arg17[%dma_start3A_562] : memref<7808xi32, #tpu.memory_space<vmem>> -> memref<32xi32, #tpu.memory_space<vmem>>
        %dma_start3A_564 = tpu.memref_slice %arg4[%add3A_538] : memref<1000000xi32, #tpu.memory_space<hbm>> -> memref<32xi32, #tpu.memory_space<hbm>>
        tpu.enqueue_dma source(%dma_start3A_564 : memref<32xi32, #tpu.memory_space<hbm>>) target(%dma_start3A_563 : memref<32xi32, #tpu.memory_space<vmem>>) target_semaphore(%run_scoped3A_558 : memref<!tpu.dma_semaphore, #tpu.memory_space<semaphore_mem>>)
        %dma_wait3A_565 = arith.constant 0 : i32
        %dma_wait3A_566 = tpu.memref_slice %arg17[%dma_wait3A_565] : memref<7808xi32, #tpu.memory_space<vmem>> -> memref<32xi32, #tpu.memory_space<vmem>>
        %dma_wait3A_567 = tpu.memref_slice %arg4[%add3A_538] : memref<1000000xi32, #tpu.memory_space<hbm>> -> memref<32xi32, #tpu.memory_space<hbm>>
        %dma_wait3A_568 = arith.constant 0 : i32
        %dma_wait3A_569 = tpu.memref_slice %arg17[%dma_wait3A_568] : memref<7808xi32, #tpu.memory_space<vmem>> -> memref<32xi32, #tpu.memory_space<vmem>>
        %dma_wait3A_570 = tpu.memref_slice %arg4[%add3A_538] : memref<1000000xi32, #tpu.memory_space<hbm>> -> memref<32xi32, #tpu.memory_space<hbm>>
        tpu.wait_dma2 semaphore(%run_scoped3A_558 : memref<!tpu.dma_semaphore, #tpu.memory_space<semaphore_mem>>) src(%dma_wait3A_570 : memref<32xi32, #tpu.memory_space<hbm>>) dst(%dma_wait3A_569 : memref<32xi32, #tpu.memory_space<vmem>>)
        tpu.yield
      }) : () -> ()
      "tpu.region"() ({
        %run_scoped3A_558 = tpu.sem_alloc : memref<!tpu.dma_semaphore, #tpu.memory_space<semaphore_mem>>
        %dma_start3A_559 = arith.constant 0 : i32
        %dma_start3A_560 = tpu.memref_slice %arg19[%dma_start3A_559] : memref<7808xi32, #tpu.memory_space<vmem>> -> memref<32xi32, #tpu.memory_space<vmem>>
        %dma_start3A_561 = tpu.memref_slice %arg5[%add3A_538] : memref<1000000xi32, #tpu.memory_space<hbm>> -> memref<32xi32, #tpu.memory_space<hbm>>
        %dma_start3A_562 = arith.constant 0 : i32
        %dma_start3A_563 = tpu.memref_slice %arg19[%dma_start3A_562] : memref<7808xi32, #tpu.memory_space<vmem>> -> memref<32xi32, #tpu.memory_space<vmem>>
        %dma_start3A_564 = tpu.memref_slice %arg5[%add3A_538] : memref<1000000xi32, #tpu.memory_space<hbm>> -> memref<32xi32, #tpu.memory_space<hbm>>
        tpu.enqueue_dma source(%dma_start3A_564 : memref<32xi32, #tpu.memory_space<hbm>>) target(%dma_start3A_563 : memref<32xi32, #tpu.memory_space<vmem>>) target_semaphore(%run_scoped3A_558 : memref<!tpu.dma_semaphore, #tpu.memory_space<semaphore_mem>>)
        %dma_wait3A_565 = arith.constant 0 : i32
        %dma_wait3A_566 = tpu.memref_slice %arg19[%dma_wait3A_565] : memref<7808xi32, #tpu.memory_space<vmem>> -> memref<32xi32, #tpu.memory_space<vmem>>
        %dma_wait3A_567 = tpu.memref_slice %arg5[%add3A_538] : memref<1000000xi32, #tpu.memory_space<hbm>> -> memref<32xi32, #tpu.memory_space<hbm>>
        %dma_wait3A_568 = arith.constant 0 : i32
        %dma_wait3A_569 = tpu.memref_slice %arg19[%dma_wait3A_568] : memref<7808xi32, #tpu.memory_space<vmem>> -> memref<32xi32, #tpu.memory_space<vmem>>
        %dma_wait3A_570 = tpu.memref_slice %arg5[%add3A_538] : memref<1000000xi32, #tpu.memory_space<hbm>> -> memref<32xi32, #tpu.memory_space<hbm>>
        tpu.wait_dma2 semaphore(%run_scoped3A_558 : memref<!tpu.dma_semaphore, #tpu.memory_space<semaphore_mem>>) src(%dma_wait3A_570 : memref<32xi32, #tpu.memory_space<hbm>>) dst(%dma_wait3A_569 : memref<32xi32, #tpu.memory_space<vmem>>)
        tpu.yield
      }) : () -> ()
      "tpu.region"() ({
        %run_scoped3A_558 = tpu.sem_alloc : memref<!tpu.dma_semaphore, #tpu.memory_space<semaphore_mem>>
        %dma_start3A_559 = arith.constant 0 : i32
        %dma_start3A_560 = tpu.memref_slice %arg21[%dma_start3A_559] : memref<7808xf32, #tpu.memory_space<vmem>> -> memref<32xf32, #tpu.memory_space<vmem>>
        %dma_start3A_561 = tpu.memref_slice %arg3[%add3A_538] : memref<1000000xf32, #tpu.memory_space<hbm>> -> memref<32xf32, #tpu.memory_space<hbm>>
        %dma_start3A_562 = arith.constant 0 : i32
        %dma_start3A_563 = tpu.memref_slice %arg21[%dma_start3A_562] : memref<7808xf32, #tpu.memory_space<vmem>> -> memref<32xf32, #tpu.memory_space<vmem>>
        %dma_start3A_564 = tpu.memref_slice %arg3[%add3A_538] : memref<1000000xf32, #tpu.memory_space<hbm>> -> memref<32xf32, #tpu.memory_space<hbm>>
        tpu.enqueue_dma source(%dma_start3A_564 : memref<32xf32, #tpu.memory_space<hbm>>) target(%dma_start3A_563 : memref<32xf32, #tpu.memory_space<vmem>>) target_semaphore(%run_scoped3A_558 : memref<!tpu.dma_semaphore, #tpu.memory_space<semaphore_mem>>)
        %dma_wait3A_565 = arith.constant 0 : i32
        %dma_wait3A_566 = tpu.memref_slice %arg21[%dma_wait3A_565] : memref<7808xf32, #tpu.memory_space<vmem>> -> memref<32xf32, #tpu.memory_space<vmem>>
        %dma_wait3A_567 = tpu.memref_slice %arg3[%add3A_538] : memref<1000000xf32, #tpu.memory_space<hbm>> -> memref<32xf32, #tpu.memory_space<hbm>>
        %dma_wait3A_568 = arith.constant 0 : i32
        %dma_wait3A_569 = tpu.memref_slice %arg21[%dma_wait3A_568] : memref<7808xf32, #tpu.memory_space<vmem>> -> memref<32xf32, #tpu.memory_space<vmem>>
        %dma_wait3A_570 = tpu.memref_slice %arg3[%add3A_538] : memref<1000000xf32, #tpu.memory_space<hbm>> -> memref<32xf32, #tpu.memory_space<hbm>>
        tpu.wait_dma2 semaphore(%run_scoped3A_558 : memref<!tpu.dma_semaphore, #tpu.memory_space<semaphore_mem>>) src(%dma_wait3A_570 : memref<32xf32, #tpu.memory_space<hbm>>) dst(%dma_wait3A_569 : memref<32xf32, #tpu.memory_space<vmem>>)
        tpu.yield
      }) : () -> ()
      %parallel_loop3A_539 = arith.constant 0 : i32
      %parallel_loop3A_540 = arith.constant 32 : i32
      %parallel_loop3A_541 = arith.constant 16 : i32
      scf.for %parallel_loop3A_558 = %parallel_loop3A_539 to %parallel_loop3A_540 step %parallel_loop3A_541  : i32 {
        %parallel_loop3A_559 = tpu.assume_multiple %parallel_loop3A_558, 16 : i32
        %parallel_loop3A_560 = arith.index_cast %parallel_loop3A_559 : i32 to index
        %parallel_loop3A_561 = tpu.vector_load %arg19[%parallel_loop3A_560] {strides = array<i32>} : memref<7808xi32, #tpu.memory_space<vmem>>, vector<16xi32>,
        %parallel_loop3A_562 = vector.shape_cast %parallel_loop3A_561 : vector<16xi32> to vector<16xi32>
        %parallel_loop3A_563 = arith.constant 100000 : i32
        %parallel_loop3A_564 = vector.broadcast %parallel_loop3A_563 : i32 to vector<16xi32>
        %parallel_loop3A_565 = arith.muli %parallel_loop3A_562, %parallel_loop3A_564 : vector<16xi32>
        %parallel_loop3A_566 = arith.index_cast %parallel_loop3A_559 : i32 to index
        %parallel_loop3A_567 = tpu.vector_load %arg17[%parallel_loop3A_566] {strides = array<i32>} : memref<7808xi32, #tpu.memory_space<vmem>>, vector<16xi32>,
        %parallel_loop3A_568 = vector.shape_cast %parallel_loop3A_567 : vector<16xi32> to vector<16xi32>
        %parallel_loop3A_569 = arith.addi %parallel_loop3A_565, %parallel_loop3A_568 : vector<16xi32>
        %parallel_loop3A_570 = arith.index_cast %parallel_loop3A_559 : i32 to index
        %parallel_loop3A_571 = tpu.vector_load %arg19[%parallel_loop3A_570] {strides = array<i32>} : memref<7808xi32, #tpu.memory_space<vmem>>, vector<16xi32>,
        %parallel_loop3A_572 = vector.shape_cast %parallel_loop3A_571 : vector<16xi32> to vector<16xi32>
        %parallel_loop3A_573 = vector.shape_cast %parallel_loop3A_569 : vector<16xi32> to vector<16xi32>
        tpu.vector_store %arg19[%parallel_loop3A_570], %parallel_loop3A_573 {strides = array<i32>} : memref<7808xi32, #tpu.memory_space<vmem>>, vector<16xi32>,
      } {sc.loop_unroll_factor = 1 : i64, sc.parallel_access}
      %dma_start3A_542 = arith.constant 0 : i32
      %dma_start3A_543 = tpu.memref_slice %arg23[%dma_start3A_542] : memref<7808xf32, #tpu.memory_space<vmem>> -> memref<32xf32, #tpu.memory_space<vmem>>
      %dma_start3A_544 = arith.constant 0 : i32
      %dma_start3A_545 = tpu.memref_slice %arg19[%dma_start3A_544] : memref<7808xi32, #tpu.memory_space<vmem>> -> memref<32xi32, #tpu.memory_space<vmem>>
      %dma_start3A_546 = arith.constant 0 : i32
      %dma_start3A_547 = tpu.memref_slice %arg25[%dma_start3A_546] : memref<1000000xf32, #tpu.memory_space<vmem_shared>> -> memref<1000000xf32, #tpu.memory_space<vmem_shared>>
      tpu.enqueue_indirect_dma source(%dma_start3A_547 : memref<1000000xf32, #tpu.memory_space<vmem_shared>>) target(%dma_start3A_543 : memref<32xf32, #tpu.memory_space<vmem>>) offsets(%dma_start3A_545 : memref<32xi32, #tpu.memory_space<vmem>>) semaphore(%arg30 : memref<!tpu.dma_semaphore, #tpu.memory_space<semaphore_mem>>)
      %dma_wait3A_548 = arith.constant 0 : i32
      %dma_wait3A_549 = tpu.memref_slice %arg23[%dma_wait3A_548] : memref<7808xf32, #tpu.memory_space<vmem>> -> memref<32xf32, #tpu.memory_space<vmem>>
      %dma_wait3A_550 = arith.constant 0 : i32
      %dma_wait3A_551 = tpu.memref_slice %arg19[%dma_wait3A_550] : memref<7808xi32, #tpu.memory_space<vmem>> -> memref<32xi32, #tpu.memory_space<vmem>>
      %dma_wait3A_552 = arith.constant 0 : i32
      %dma_wait3A_553 = tpu.memref_slice %arg25[%dma_wait3A_552] : memref<1000000xf32, #tpu.memory_space<vmem_shared>> -> memref<1000000xf32, #tpu.memory_space<vmem_shared>>
      tpu.wait_indirect_dma semaphore(%arg30 : memref<!tpu.dma_semaphore, #tpu.memory_space<semaphore_mem>>) src(%dma_wait3A_553 : memref<1000000xf32, #tpu.memory_space<vmem_shared>>) dst(%dma_wait3A_549 : memref<32xf32, #tpu.memory_space<vmem>>)
      %parallel_loop3A_554 = arith.constant 0 : i32
      %parallel_loop3A_555 = arith.constant 32 : i32
      %parallel_loop3A_556 = arith.constant 16 : i32
      scf.for %parallel_loop3A_558 = %parallel_loop3A_554 to %parallel_loop3A_555 step %parallel_loop3A_556  : i32 {
        %parallel_loop3A_559 = tpu.assume_multiple %parallel_loop3A_558, 16 : i32
        %parallel_loop3A_560 = arith.index_cast %parallel_loop3A_559 : i32 to index
        %parallel_loop3A_561 = tpu.vector_load %arg21[%parallel_loop3A_560] {strides = array<i32>} : memref<7808xf32, #tpu.memory_space<vmem>>, vector<16xf32>,
        %parallel_loop3A_562 = vector.shape_cast %parallel_loop3A_561 : vector<16xf32> to vector<16xf32>
        %parallel_loop3A_563 = arith.index_cast %parallel_loop3A_559 : i32 to index
        %parallel_loop3A_564 = tpu.vector_load %arg23[%parallel_loop3A_563] {strides = array<i32>} : memref<7808xf32, #tpu.memory_space<vmem>>, vector<16xf32>,
        %parallel_loop3A_565 = vector.shape_cast %parallel_loop3A_564 : vector<16xf32> to vector<16xf32>
        %parallel_loop3A_566 = arith.constant 1.000000e+00 : f32
        %parallel_loop3A_567 = vector.broadcast %parallel_loop3A_566 : f32 to vector<16xf32>
        %parallel_loop3A_568 = arith.subf %parallel_loop3A_567, %parallel_loop3A_562 : vector<16xf32>
        %parallel_loop3A_569 = arith.constant 0.111111112 : f32
        %parallel_loop3A_570 = vector.broadcast %parallel_loop3A_569 : f32 to vector<16xf32>
        %parallel_loop3A_571 = arith.mulf %parallel_loop3A_568, %parallel_loop3A_570 : vector<16xf32>
        %parallel_loop3A_572 = arith.mulf %parallel_loop3A_562, %parallel_loop3A_565 : vector<16xf32>
        %parallel_loop3A_573 = arith.constant 1.000000e+00 : f32
        %parallel_loop3A_574 = vector.broadcast %parallel_loop3A_573 : f32 to vector<16xf32>
        %parallel_loop3A_575 = arith.subf %parallel_loop3A_574, %parallel_loop3A_565 : vector<16xf32>
        %parallel_loop3A_576 = arith.mulf %parallel_loop3A_571, %parallel_loop3A_575 : vector<16xf32>
        %parallel_loop3A_577 = arith.addf %parallel_loop3A_572, %parallel_loop3A_576 : vector<16xf32>
        %parallel_loop3A_578 = arith.index_cast %parallel_loop3A_559 : i32 to index
        %parallel_loop3A_579 = tpu.vector_load %arg21[%parallel_loop3A_578] {strides = array<i32>} : memref<7808xf32, #tpu.memory_space<vmem>>, vector<16xf32>,
        %parallel_loop3A_580 = vector.shape_cast %parallel_loop3A_579 : vector<16xf32> to vector<16xf32>
        %parallel_loop3A_581 = vector.shape_cast %parallel_loop3A_577 : vector<16xf32> to vector<16xf32>
        tpu.vector_store %arg21[%parallel_loop3A_578], %parallel_loop3A_581 {strides = array<i32>} : memref<7808xf32, #tpu.memory_space<vmem>>, vector<16xf32>,
      } {sc.loop_unroll_factor = 1 : i64, sc.parallel_access}
      %run_scoped3A_557 = arith.constant 0 : i32
      "tpu.region"() ({
        %run_scoped3A_558 = tpu.sem_alloc : memref<!tpu.dma_semaphore, #tpu.memory_space<semaphore_mem>>
        %dma_start3A_559 = arith.constant 0 : i32
        %dma_start3A_560 = tpu.memref_slice %arg21[%dma_start3A_559] : memref<7808xf32, #tpu.memory_space<vmem>> -> memref<32xf32, #tpu.memory_space<vmem>>
        %dma_start3A_561 = tpu.memref_slice %arg16[%run_scoped3A_557, %add3A_538] : memref<1x1000000xf32, #tpu.memory_space<hbm>> -> memref<1x32xf32, #tpu.memory_space<hbm>>
        %dma_start3A_562 = tpu.memref_squeeze %dma_start3A_561 : memref<1x32xf32, #tpu.memory_space<hbm>> -> memref<32xf32, #tpu.memory_space<hbm>>
        %dma_start3A_563 = tpu.memref_slice %arg16[%run_scoped3A_557, %add3A_538] : memref<1x1000000xf32, #tpu.memory_space<hbm>> -> memref<1x32xf32, #tpu.memory_space<hbm>>
        %dma_start3A_564 = tpu.memref_squeeze %dma_start3A_563 : memref<1x32xf32, #tpu.memory_space<hbm>> -> memref<32xf32, #tpu.memory_space<hbm>>
        %dma_start3A_565 = arith.constant 0 : i32
        %dma_start3A_566 = tpu.memref_slice %arg21[%dma_start3A_565] : memref<7808xf32, #tpu.memory_space<vmem>> -> memref<32xf32, #tpu.memory_space<vmem>>
        tpu.enqueue_dma source(%dma_start3A_566 : memref<32xf32, #tpu.memory_space<vmem>>) target(%dma_start3A_564 : memref<32xf32, #tpu.memory_space<hbm>>) target_semaphore(%run_scoped3A_558 : memref<!tpu.dma_semaphore, #tpu.memory_space<semaphore_mem>>)
        %dma_wait3A_567 = arith.constant 0 : i32
        %dma_wait3A_568 = tpu.memref_slice %arg21[%dma_wait3A_567] : memref<7808xf32, #tpu.memory_space<vmem>> -> memref<32xf32, #tpu.memory_space<vmem>>
        %dma_wait3A_569 = tpu.memref_slice %arg16[%run_scoped3A_557, %add3A_538] : memref<1x1000000xf32, #tpu.memory_space<hbm>> -> memref<1x32xf32, #tpu.memory_space<hbm>>
        %dma_wait3A_570 = tpu.memref_squeeze %dma_wait3A_569 : memref<1x32xf32, #tpu.memory_space<hbm>> -> memref<32xf32, #tpu.memory_space<hbm>>
        %dma_wait3A_571 = tpu.memref_slice %arg16[%run_scoped3A_557, %add3A_538] : memref<1x1000000xf32, #tpu.memory_space<hbm>> -> memref<1x32xf32, #tpu.memory_space<hbm>>
        %dma_wait3A_572 = tpu.memref_squeeze %dma_wait3A_571 : memref<1x32xf32, #tpu.memory_space<hbm>> -> memref<32xf32, #tpu.memory_space<hbm>>
        %dma_wait3A_573 = arith.constant 0 : i32
        %dma_wait3A_574 = tpu.memref_slice %arg21[%dma_wait3A_573] : memref<7808xf32, #tpu.memory_space<vmem>> -> memref<32xf32, #tpu.memory_space<vmem>>
        tpu.wait_dma2 semaphore(%run_scoped3A_558 : memref<!tpu.dma_semaphore, #tpu.memory_space<semaphore_mem>>) src(%dma_wait3A_574 : memref<32xf32, #tpu.memory_space<vmem>>) dst(%dma_wait3A_572 : memref<32xf32, #tpu.memory_space<hbm>>)
        tpu.yield
      }) : () -> ()
    } else {
    }
    return
  }
}

module attributes {stable_mosaic.version = 14 : i64} {
  func.func @body(%arg0: i32, %arg1: memref<64x8192xf32, #tpu.memory_space<vmem>>, %arg2: memref<64x1xf32, #tpu.memory_space<vmem>>, %arg3: memref<1xf32, #tpu.memory_space<smem>>, %arg4: memref<8192xf32, #tpu.memory_space<vmem>>) attributes {dimension_semantics = [#tpu.dimension_semantics<arbitrary>], iteration_bounds = array<i64: 13>, scalar_prefetch = 0 : i64, scratch_operands = 0 : i64, tpu.core_type = #tpu.core_type<tc>, window_params = [{transform_indices = @transform_0, window_bounds = array<i64: 64, 8192>}, {pipeline_mode = #tpu.pipeline_mode<synchronous>, transform_indices = @transform_1, window_bounds = array<i64: 64, 1>}, {transform_indices = @transform_2, window_bounds = array<i64: 1>}, {transform_indices = @transform_3, window_bounds = array<i64: 8192>}]} {
    %get3A = arith.constant 0 : index
    %get3A_0 = arith.constant 0 : index
    %get3A_1 = vector.load %arg1[%get3A, %get3A_0] : memref<64x8192xf32, #tpu.memory_space<vmem>>, vector<64x8192xf32>
    %get3A_2 = arith.constant 0 : index
    %get3A_3 = arith.constant 0 : index
    %get3A_4 = vector.load %arg2[%get3A_2, %get3A_3] : memref<64x1xf32, #tpu.memory_space<vmem>>, vector<64x1xf32>
    %mul3A = vector.broadcast %get3A_4 : vector<64x1xf32> to vector<64x8192xf32>
    %mul3A_5 = arith.mulf %get3A_1, %mul3A : vector<64x8192xf32>
    %reduce_sum3A = arith.constant dense<0.000000e+00> : vector<8192xf32>
    %reduce_sum3A_6 = vector.multi_reduction <add>, %mul3A_5, %reduce_sum3A [0] : vector<64x8192xf32> to vector<8192xf32>
    %get3A_7 = arith.constant 0 : index
    %get3A_8 = memref.load %arg3[%get3A_7] : memref<1xf32, #tpu.memory_space<smem>>
    %add3A = vector.broadcast %get3A_8 : f32 to vector<8192xf32>
    %add3A_9 = arith.addf %reduce_sum3A_6, %add3A : vector<8192xf32>
    %logistic3A = arith.negf %add3A_9 : vector<8192xf32>
    %logistic3A_10 = math.exp %logistic3A : vector<8192xf32>
    %logistic3A_11 = arith.constant 1.000000e+00 : f32
    %logistic3A_12 = vector.broadcast %logistic3A_11 : f32 to vector<8192xf32>
    %logistic3A_13 = arith.addf %logistic3A_12, %logistic3A_10 : vector<8192xf32>
    %logistic3A_14 = arith.divf %logistic3A_12, %logistic3A_13 : vector<8192xf32>
    %swap3A = arith.constant 0 : index
    %swap3A_15 = vector.load %arg4[%swap3A] : memref<8192xf32, #tpu.memory_space<vmem>>, vector<8192xf32>
    tpu.vector_store %arg4[%swap3A], %logistic3A_14 {strides = array<i32>} : memref<8192xf32, #tpu.memory_space<vmem>>, vector<8192xf32>,
    return
  }
  func.func @transform_0(%arg0: i32) -> (i32, i32) {
    %c0_i32 = arith.constant 0 : i32
    %c0_i32_0 = arith.constant 0 : i32
    return %c0_i32, %arg0 : i32, i32
  }
  func.func @transform_1(%arg0: i32) -> (i32, i32) {
    %c0_i32 = arith.constant 0 : i32
    %c0_i32_0 = arith.constant 0 : i32
    %c0_i32_1 = arith.constant 0 : i32
    return %c0_i32, %c0_i32_0 : i32, i32
  }
  func.func @transform_2(%arg0: i32) -> i32 {
    %c0_i32 = arith.constant 0 : i32
    %c0_i32_0 = arith.constant 0 : i32
    return %c0_i32 : i32
  }
  func.func @transform_3(%arg0: i32) -> i32 {
    %c0_i32 = arith.constant 0 : i32
    return %arg0 : i32
  }
}

</mosaic_0001>

<sc_bundles>
// kernel: kernel.5.cloned.1.call-start
scs
__scs_entry_jumppad:
0x0: {  	(pc) =	sbr.rel $0x88, $3  }
0x1: {  	(tag) =	ssettag $0x0;
	lr =	simm.s32 $0x1  }
0x2: {  	[smem:$0x3F90] =	sst lr;
	_ =	strace $0xD0000000  }
0x3: {  	_ = 	snop  }
0x4: {  	_ = 	snop  }
0x5: {  	_ = 	snop  }
0x6: {  	_ = 	snop  }
0x7: {  	_ = 	snop  }
__scs_overlays_trampoline_lowered:
0x8: {  	[smem:$0x3F9F] =	sst s0  }
0x9: {  	[smem:$0x3FA0] =	sst s1  }
0xa: {  	[smem:$0x3FA1] =	sst s2  }
0xb: {  	[smem:$0x3FA2] =	sst s3  }
0xc: {  	[smem:$0x3FA3] =	sst s4  }
0xd: {  	[smem:$0x3FA4] =	sst s5  }
0xe: {  	[smem:$0x3FA5] =	sst s6  }
0xf: {  	[smem:$0x3FA6] =	sst s7  }
0x10: {  	[smem:$0x3FA7] =	sst s8  }
0x11: {  	[smem:$0x3FA8] =	sst s9;
	s0 =	simm.s32 @!p0 $0x0  }
0x12: {  	s1 =	sld [smem:$0x3F8E];
	s0 =	simm.s32 @p0 $0x1  }
0x13: {  	[smem:$0x3FA9] =	sst s0;
	s0 =	simm.s32 @!p1 $0x0  }
0x14: {  	s2 =	sld [smem:$0x3F8D];
	s0 =	simm.s32 @p1 $0x1  }
0x15: {  	[smem:$0x3FAA] =	sst s0;
	s0 =	simm.s32 @!p2 $0x0  }
0x16: {  	s3 =	sld [smem:$0x3FDB];
	s0 =	simm.s32 @p2 $0x1  }
0x17: {  	s4 =	simm.s32 $0x1BF5;
	[smem:$0x3FAC] =	sst s0  }
0x18: {  	s0 =	sld [smem:$0x3F8F];
	_ =	swait.ge [sflag:s4], $0x0  }
0x19: {  	s7 =	sld [smem:$0x3F90]  }
0x1a: {  	s8 =	sadd.s32 $0xFFFFE003, lr  }
0x1b: {  	s9 =	sadd.s32 $0xFFFFFEF7, lr;
	s5 =	simm.s32 $0xFFFFFFFF;
	p2 =	slt.u32 s8, $0xFFFFF086  }
0x1c: {  	p1 =	slt.u32 s9, $0xF7A;
	s5 =	simm.s32 @!p2 $0x0  }
0x1d: {  	s5 =	simm.s32 @p1 $0x1;
	p0 =	seq.s32 s7, s2  }
0x1e: {  	s7 =	smul.u32 @!p0 $0xF7A, s2;
	p2 =	seq.s32 @!p0 s5, $0x0  }
0x1f: {  	s9 =	smul.u32 $0xF7A, s1;
	s8 =	simm.s32 @!p0 $0x1BF5;
	p2 =	por !p2, p0  }
0x20: {  	[sflag:s8] =	ssyncset.s32 @!p0 $0xFFFFF086;
	s6 =	sadd.s32 @!p0 s3, s7;
	s7 =	simm.s32 @!p0 $0x108  }
0x21: {  	s3 =	sadd.s32 s3, s9;
	s6 =	sadd.s32 @!p0 $0x88, s6;
	s7 =	simm.s32 @p2 $0x1082  }
0x22: {  	[simem:s7], [sflag:s8] =	dma.local @!p0 [hbm:s6], $0xF7A  }
0x23: {  	s9 =	sor.u32 $0xD0000000, s2;
	s6 =	simm.s32 $0x108;
	_ =	swait.ge @!p0 [sflag:s8], $0x0  }
0x24: {  	s3 =	sadd.s32 $0x88, s3;
	s6 =	simm.s32 @!p1 $0x1082;
	[sflag:s4] =	ssyncset.s32 $0xFFFFF086  }
0x25: {  	[simem:s6], [sflag:s4] =	dma.local [hbm:s3], $0xF7A  }
0x26: {  	[smem:$0x3F90] =	sst s1;
	(tag) =	ssettag s2;
	_ =	strace s9  }
0x27: {  	s1 =	sld [smem:$0x3FA0]  }
0x28: {  	s2 =	sld [smem:$0x3FA1]  }
0x29: {  	s4 =	sld [smem:$0x3FA3]  }
0x2a: {  	p0 =	seq.s32 s5, $0x0;
	s5 =	sld [smem:$0x3FA4]  }
0x2b: {  	s6 =	sld [smem:$0x3FA5]  }
0x2c: {  	s7 =	sld [smem:$0x3FA6]  }
0x2d: {  	s3 =	simm.s32 $0x108;
	s8 =	sld [smem:$0x3FA7]  }
0x2e: {  	s3 =	simm.s32 @!p0 $0x1082;
	s9 =	sld [smem:$0x3FA8]  }
0x2f: {  	lr =	sadd.s32 s0, s3;
	s0 =	sld [smem:$0x3F9F]  }
0x30: {  	s3 =	sld [smem:$0x3FA2]  }
0x31: {  	[smem:$0x3FAB] =	sst s10  }
0x32: {  	s10 =	sld [smem:$0x3FA9];
	_ =	sdelay $0x3  }
0x33: {  	p0 =	seq.s32 s10, $0x1;
	s10 =	sld [smem:$0x3FAB];
	_ =	sdelay $0x3  }
0x34: {  	[smem:$0x3FAB] =	sst s10  }
0x35: {  	s10 =	sld [smem:$0x3FAA];
	_ =	sdelay $0x3  }
0x36: {  	p1 =	seq.s32 s10, $0x1;
	s10 =	sld [smem:$0x3FAB];
	_ =	sdelay $0x3  }
0x37: {  	[smem:$0x3FAB] =	sst s10  }
0x38: {  	s10 =	sld [smem:$0x3FAC]  }
0x39: {  	_ = 	snop;
	(pc) =	sbr.ind lr, $3  }
0x3a: {  	_ = 	snop  }
0x3b: {  	_ = 	snop  }
0x3c: {  	p2 =	seq.s32 s10, $0x1;
	s10 =	sld [smem:$0x3FAB]  }
0x3d: {  	_ =	shalt  }
0x3e: {  	_ =	shalt  }
0x3f: {  	_ =	shalt  }
0x40: {  	_ =	shalt  }
0x41: {  	_ =	shalt  }
0x42: {  	_ =	shalt  }
0x43: {  	_ =	shalt  }
0x44: {  	_ =	shalt  }
0x45: {  	_ =	shalt  }
0x46: {  	_ =	shalt  }
0x47: {  	_ =	shalt  }
0x48: {  	_ =	shalt  }
0x49: {  	_ =	shalt  }
0x4a: {  	_ =	shalt  }
0x4b: {  	_ =	shalt  }
0x4c: {  	_ =	shalt  }
0x4d: {  	_ =	shalt  }
0x4e: {  	_ =	shalt  }
0x4f: {  	_ =	shalt  }
0x50: {  	_ =	shalt  }
0x51: {  	_ =	shalt  }
0x52: {  	_ =	shalt  }
0x53: {  	_ =	shalt  }
0x54: {  	_ =	shalt  }
0x55: {  	_ =	shalt  }
0x56: {  	_ =	shalt  }
0x57: {  	_ =	shalt  }
0x58: {  	_ =	shalt  }
0x59: {  	_ =	shalt  }
0x5a: {  	_ =	shalt  }
0x5b: {  	_ =	shalt  }
0x5c: {  	_ =	shalt  }
0x5d: {  	_ =	shalt  }
0x5e: {  	_ =	shalt  }
0x5f: {  	_ =	shalt  }
0x60: {  	_ =	shalt  }
0x61: {  	_ =	shalt  }
0x62: {  	_ =	shalt  }
0x63: {  	_ =	shalt  }
0x64: {  	_ =	shalt  }
0x65: {  	_ =	shalt  }
0x66: {  	_ =	shalt  }
0x67: {  	_ =	shalt  }
0x68: {  	_ =	shalt  }
0x69: {  	_ =	shalt  }
0x6a: {  	_ =	shalt  }
0x6b: {  	_ =	shalt  }
0x6c: {  	_ =	shalt  }
0x6d: {  	_ =	shalt  }
0x6e: {  	_ =	shalt  }
0x6f: {  	_ =	shalt  }
0x70: {  	_ =	shalt  }
0x71: {  	_ =	shalt  }
0x72: {  	_ =	shalt  }
0x73: {  	_ =	shalt  }
0x74: {  	_ =	shalt  }
0x75: {  	_ =	shalt  }
0x76: {  	_ =	shalt  }
0x77: {  	_ =	shalt  }
0x78: {  	_ =	shalt  }
0x79: {  	_ =	shalt  }
0x7a: {  	_ =	shalt  }
0x7b: {  	_ =	shalt  }
0x7c: {  	_ =	shalt  }
0x7d: {  	_ =	shalt  }
0x7e: {  	_ =	shalt  }
0x7f: {  	_ =	shalt  }
0x80: {  	_ =	shalt  }
0x81: {  	_ =	shalt  }
0x82: {  	_ =	shalt  }
0x83: {  	_ =	shalt  }
0x84: {  	_ =	shalt  }
0x85: {  	_ =	shalt  }
0x86: {  	_ =	shalt  }
0x87: {  	_ =	shalt  }
.Lfunc_end0:
.L_simem_size_0:
called_computation_lowered:
.L_overlay_start_0:
0x88: {  	s2 =	sld [smem:$0x3FD9]  }
0x89: {  	s3 =	sld [smem:$0x3FFE];
	_ =	sdelay $0x1  }
0x8a: {  	s1 =	srdreg.scid  }
0x8b: {  	s0 =	sand.u32 $0x1, s1  }
0x8c: {  	s17 =	sshll.u32 s0, $0xA;
	s2 =	sadd.s32 s3, s2  }
0x8d: {  	s2 =	sadd.s32 s2, s17  }
0x8e: {  	[smem:$0x3FB7] =	sst s2  }
0x8f: {  	_ = 	snop  }
0x90: {  	s2 =	sld [smem:$0x3FBD]  }
0x91: {  	s18 =	sld [smem:$0x3FD0];
	(tm) =	ssettm $0x1  }
0x92: {  	s4 =	sld [smem:$0x3FFB];
	_ =	sdelay $0x3  }
0x93: {  	_ =	strace s4  }
0x94: {  	s4 =	sld [smem:$0x3FFC];
	_ =	sdelay $0x3  }
0x95: {  	_ =	strace s4  }
0x96: {  	s4 =	sld [smem:$0x3FFD];
	_ =	sdelay $0x3  }
0x97: {  	_ =	strace s4  }
0x98: {  	_ =	strace $0x8FFFFFFF  }
0x99: {  	s19 =	sld [smem:$0x3FDB];
	_ =	sdelay $0x1  }
0x9a: {  	s5 =	simm.s32 $_scs_section_size  }
0x9b: {  	s6 =	simm.s32 $_size__tile_overlayer_lowered;
	s7 =	simm.s32 $_tile_overlayer_lowered  }
0x9c: {  	s22 =	simm.s32 $0x1BFF;
	s21 =	sshll.u32 s7, $0x1;
	s4 =	sadd.s32 s5, s19  }
0x9d: {  	s8 =	simm.s32 $0x0;
	s20 =	sshll.u32 s6, $0x1;
	s6 =	sadd.s32 s21, s4  }
0x9e: {  	[timem:s8], [sflag:s22] =	dma.local [hbm:s6], s20  }
0x9f: {  	_ =	swait.ge [sflag:s22], s20  }
0xa0: {  	s5 =	ssub.s32 $0x0, s20;
	[sflag:s22] =	ssyncset.done $0x0  }
0xa1: {  	[sflag:s22] =	ssyncadd.s32 s5;
	_ =	sdelay $0x1  }
0xa2: {  	s23 =	simm.s32 $0x1B8B  }
0xa3: {  	_ =	swait.ge [sflag:s23], $0x1  }
0xa4: {  	[sflag:s23] =	ssyncset.done $0x0  }
0xa5: {  	s25 =	simm.s32 $0x1B8E;
	s24 =	sld [smem:$0x3FFE];
	[sflag:s23] =	ssyncadd.s32 $0xFFFFFFFF  }
0xa6: {  	s26 =	simm.s32 $execute0_lowered;
	[smem:$0x3FD2] =	sst s25  }
0xa7: {  	s6 =	sshll.u32 s26, $0x1;
	_ =	strace $0x80000046;
	[dreg:$0x1] =	wrdreg $0xFFFFFFFF  }
0xa8: {  	s28 =	simm.s32 $_size_execute0_lowered;
	s4 =	sadd.s32 s4, s6;
	[dreg:$0x0] =	wrdreg $0x0  }
0xa9: {  	s6 =	sshll.u32 s28, $0x1;
	[dreg:$0x2] =	wrdreg s4  }
0xaa: {  	[dreg:$0x3] =	wrdreg s6  }
0xab: {  	[dreg:$0x4] =	wrdreg $0xC0  }
0xac: {  	_ =	task [dreg:s8], $0x5FFFF  }
0xad: {  	[dreg:$0x1] =	wrdreg $0xFFFFFFFF  }
0xae: {  	[dreg:$0x0] =	wrdreg $0x60  }
0xaf: {  	[dreg:$0x2] =	wrdreg s18  }
0xb0: {  	[dreg:$0x3] =	wrdreg s2  }
0xb1: {  	[dreg:$0x4] =	wrdreg s24  }
0xb2: {  	[dreg:$0x5] =	wrdreg $0xF4000  }
0xb3: {  	[dreg:$0x6] =	wrdreg $0x9  }
0xb4: {  	_ =	task.clear_ibuf [dreg:s8], $0x7FFFF;
	_ =	strace $0x90000046  }
0xb5: {  	s29 =	simm.s32 $0x9;
	_ =	strace $0x80000048  }
0xb6: {  	_ =	swait.ge [sflag:s29], $0x1  }
0xb7: {  	[sflag:s29] =	ssyncadd.s32 $0xFFFFFFFF  }
0xb8: {  	_ =	strace $0x90000048  }
0xb9: {  	_ =	sfence  }
0xba: {  	s30 =	sld [smem:$0x0];
	_ =	sdelay $0x2  }
0xbb: {  	s31 =	sshll.u32 s1, $0xD;
	s1 =	sshrl.u32 s1, $0x2  }
0xbc: {  	s3 =	sand.u32 $0x4000, s31;
	s1 =	sadd.s32 s1, s30  }
0xbd: {  	s0 =	sor.u32 s3, s0;
	s1 =	sshll.u32 s1, $0x11  }
0xbe: {  	s0 =	sor.u32 s1, s0  }
0xbf: {  	s0 =	sadd.s32 $0x8F2B, s0  }
0xc0: {  	[sflag:s0] =	ssyncadd.remote.s32 $0x1  }
0xc1: {  	_ =	sfence.sel $0xFFFF  }
0xc2: {  	[dreg:$0x0] =	wrdreg $0xFFFFFFFF;
	(pc) =	sbr.abs _section_cstart, $3  }
0xc3: {  	[dreg:$0x1] =	wrdreg $0xFFFFFFFF  }
0xc4: {  	_ =	task.clear_ibuf [dreg:s8], $0x2FFFF;
	_ =	strace $0x9FFFFFFF  }
0xc5: {  	(tm) =	ssettm $0x7FFFFFFF  }
tec
execute0_lowered:
.L_overlay_start_1:
0x0: {  	(tag) =	ssettag $0x1  }
0x1: {  	s0 =	srdreg.scid;
	s25 =	stileid.u32  }
0x2: {  	s11 =	rddreg [dreg:$0x0];
	s28 =	sand.u32 $0x1, s0;
	s2 =	sshll.u32 s25, $0x1  }
0x3: {  	s24 =	rddreg [dreg:$0x1];
	s26 =	sor.u32 s28, s2  }
0x4: {  	s20 =	rddreg [dreg:$0x2];
	s3 =	smul.u32 $0x3D00, s26  }
0x5: {  	s1 =	rddreg [dreg:$0x3];
	s2 =	simm.s32 $0x0  }
0x6: {  	s9 =	smul.u32 $0x1868, s25;
	[smem:$0x7FF] =	sst s2;
	s21 =	sshrl.u32 s3, $0x3  }
0x7: {  	_ =	strace $0x80000047;
	s3 =	sadd.s32 s24, s21;
	s23 =	sadd.s32 $0xF400, s21  }
0x8: {  	[tilespmem:s2], [sflag:$0x1] =	stream.linear.gather [hbm4b:s3+s2], $0x3D00, $0x38;
	[tilespmem:$0x10C70] =	vst v63  }
0x9: {  	s5 =	simm.s32 $0x3D00;
	s6 =	sshrl.u32 s9, $0x3;
	s4 =	sadd.s32 s24, s23  }
0xa: {  	[tilespmem:s5], [sflag:$0x2] =	stream.linear.gather [hbm4b:s4+s2], $0x3D00, $0x38;
	[tilespmem:$0x10C70] =	vst v63  }
0xb: {  	s7 =	simm.s32 $0x7A00;
	s8 =	simm.s32 $0x3;
	s6 =	sadd.s32 s11, s6  }
0xc: {  	[tilespmem:s7], [sflag:$0x3] =	stream.linear.gather [hbm4b:s6+s2], $0x1868, $0x38;
	[tilespmem:$0x10C70] =	vst v63  }
0xd: {  	_ =	swait.ge [sflag:s8], $0x1868  }
0xe: {  	[sflag:s8] =	ssyncset.done $0x0  }
0xf: {  	s10 =	simm.s32 $0x6;
	s9 =	sadd.s32 s9, s1;
	[sflag:s8] =	ssyncadd.s32 $0xFFFFE798  }
0x10: {  	[spmem:s9] =	stream.linear.scatter [tilespmem:s7], [sflag:$0x6], $0x1868, $0x38;
	[tilespmem:$0x10C70] =	vst v63  }
0x11: {  	p0 =	sne.s32 s25, $0x0;
	_ =	swait.ge [sflag:s10], $0x1868  }
0x12: {  	s12 =	simm.s32 @!p0 $0x3;
	s13 =	simm.s32 @!p0 $0x0;
	[sflag:s10] =	ssyncset.done $0x0  }
0x13: {  	s14 =	simm.s32 @!p0 $0x7A00;
	s11 =	sadd.s32 $0x30D0, s11;
	[sflag:s10] =	ssyncadd.s32 $0xFFFFE798  }
0x14: {  	[tilespmem:s14], [sflag:$0x3] =	stream.linear.gather @!p0 [hbm4b:s11+s13], $0x20, $0x38;
	[tilespmem:$0x10C70] =	vst v63  }
0x15: {  	_ =	swait.ge @!p0 [sflag:s12], $0x20  }
0x16: {  	[sflag:s12] =	ssyncset.done @!p0 $0x0  }
0x17: {  	s15 =	sadd.s32 $0x18680, s1;
	s16 =	simm.s32 @!p0 $0x6;
	[sflag:s12] =	ssyncadd.s32 @!p0 $0xFFFFFFE0  }
0x18: {  	[spmem:s15] =	stream.linear.scatter @!p0 [tilespmem:s14], [sflag:$0x6], $0x20, $0x38;
	[tilespmem:$0x10C70] =	vst v63  }
0x19: {  	_ =	swait.ge @!p0 [sflag:s16], $0x20  }
0x1a: {  	[sflag:s16] =	ssyncset.done @!p0 $0x0  }
0x1b: {  	s17 =	simm.s32 $0x1;
	[sflag:s16] =	ssyncadd.s32 @!p0 $0xFFFFFFE0  }
0x1c: {  	_ =	swait.ge [sflag:s17], $0x3D00  }
0x1d: {  	[sflag:s17] =	ssyncset.done $0x0  }
0x1e: {  	[sflag:s17] =	ssyncadd.s32 $0xFFFFC300  }
0x1f: {  	s18 =	simm.s32 $0x2;
	[bflag:$0x0] =	sbarrier.arrive $0xFFFF  }
0x20: {  	[tilespmem:s7], [sflag:$0x3] =	stream.indirect.gather [spmem:s1], $0x1, s2, s5, $0xb8;
	[tilespmem:$0x10C70] =	vst v63  }
0x21: {  	_ =	swait.ge [sflag:s18], $0x3D00  }
0x22: {  	[sflag:s18] =	ssyncset.done $0x0  }
0x23: {  	s19 =	simm.s32 $0xB700;
	[sflag:s18] =	ssyncadd.s32 $0xFFFFC300  }
0x24: {  	[tilespmem:s19], [sflag:$0x4] =	stream.indirect.gather [spmem:s1], $0x1, s5, s5, $0xb8;
	[tilespmem:$0x10C70] =	vst v63  }
0x25: {  	s0 =	sadd.s32 $0xC00, s20;
	_ =	swait.ge [sflag:s8], $0x3D00  }
0x26: {  	s20 =	sadd.s32 s0, s21;
	[sflag:s8] =	ssyncset.done $0x0  }
0x27: {  	s21 =	simm.s32 $0x4;
	[dreg:$0x5] =	wrdreg s0;
	[sflag:s8] =	ssyncadd.s32 $0xFFFFC300  }
0x28: {  	[hbm4b:s20+s2] =	stream.linear.scatter [tilespmem:s7], [sflag:$0x5], $0x3D00, $0x38;
	[tilespmem:$0x10C70] =	vst v63  }
0x29: {  	_ =	swait.ge [sflag:s21], $0x3D00  }
0x2a: {  	[sflag:s21] =	ssyncset.done $0x0  }
0x2b: {  	s22 =	simm.s32 $0x5;
	[sflag:s21] =	ssyncadd.s32 $0xFFFFC300  }
0x2c: {  	_ =	swait.ge [sflag:s22], $0x3D00  }
0x2d: {  	s26 =	sshll.u32 s26, $0x2;
	[sflag:s22] =	ssyncset.done $0x0  }
0x2e: {  	s26 =	sor.u32 $0x1E800, s26;
	s23 =	sadd.s32 s0, s23;
	[sflag:s22] =	ssyncadd.s32 $0xFFFFC300  }
0x2f: {  	[hbm4b:s23+s2] =	stream.linear.scatter [tilespmem:s19], [sflag:$0x6], $0x3D00, $0x38;
	[tilespmem:$0x10C70] =	vst v63  }
0x30: {  	p1 =	sgt.u32 s25, $0x8;
	s25 =	sadd.s32 s24, s26;
	_ =	swait.ge [sflag:s10], $0x3D00  }
0x31: {  	s24 =	simm.s32 @!p1 $0x6;
	s0 =	ssub.s32 $0x2, s28;
	[sflag:s10] =	ssyncset.done $0x0  }
0x32: {  	[dreg:$0x6] =	wrdreg s26;
	s26 =	simm.s32 @!p1 $0x0;
	[sflag:s10] =	ssyncadd.s32 $0xFFFFC300  }
0x33: {  	[tilespmem:s26], [sflag:$0x6] =	stream.linear.gather @!p1 [hbm4b:s25+s26], $0x20, $0x38;
	[tilespmem:$0x10C70] =	vst v63  }
0x34: {  	s29 =	simm.s32 @!p1 $0x7A00;
	s31 =	sshrl.u32 s0, $0x1;
	_ =	swait.ge @!p1 [sflag:s24], $0x20  }
0x35: {  	s30 =	simm.s32 @!p1 $0x3;
	s0 =	ssub.s32 s0, s31;
	[sflag:s24] =	ssyncset.done @!p1 $0x0  }
0x36: {  	s28 =	simm.s32 @!p1 $0x20;
	s0 =	smax.u32 s0, $0x1;
	[sflag:s24] =	ssyncadd.s32 @!p1 $0xFFFFFFE0  }
0x37: {  	[tilespmem:s29], [sflag:$0x3] =	stream.indirect.gather @!p1 [spmem:s1], $0x1, s26, s28, $0xb8;
	[tilespmem:$0x10C70] =	vst v63  }
0x38: {  	_ =	swait.ge @!p1 [sflag:s30], $0x20;
	[dreg:$0x7] =	wrdreg s0  }
0x39: {  	s31 =	rddreg [dreg:$0x5]  }
0x3a: {  	s0 =	rddreg [dreg:$0x6]  }
0x3b: {  	s31 =	sadd.s32 s31, s0;
	s0 =	rddreg [dreg:$0x7]  }
0x3c: {  	s0 =	sadd.s32 $0xFFFFFFFF, s0  }
0x3d: {  	p2 =	sne.s32 s0, $0x0  }
.Ltmp0:
0x3e: {  	[sflag:s30] =	ssyncset.done @!p1 $0x0;
	(pc) =	sbr.rel @!p2 .LBB2_2-.Ltmp0, $4  }
0x3f: {  	[sflag:s30] =	ssyncadd.s32 @!p1 $0xFFFFFFE0  }
0x40: {  	[hbm4b:s31+s26] =	stream.linear.scatter @!p1 [tilespmem:s29], [sflag:$0x6], $0x20, $0x38;
	[tilespmem:$0x10C70] =	vst v63  }
0x41: {  	_ =	swait.ge @!p1 [sflag:s24], $0x20  }
0x42: {  	[sflag:s24] =	ssyncset.done @!p1 $0x0  }
.LBB2_1:
0x43: {  	s0 =	sadd.s32 $0xFFFFFFFF, s0;
	[sflag:s24] =	ssyncadd.s32 @!p1 $0xFFFFFFE0  }
0x44: {  	[tilespmem:s2], [sflag:$0x1] =	stream.linear.gather [hbm4b:s3+s2], $0x3D00, $0x38;
	[tilespmem:$0x10C70] =	vst v63  }
0x45: {  	p2 =	sne.s32 s0, $0x0  }
0x46: {  	[tilespmem:s5], [sflag:$0x2] =	stream.linear.gather [hbm4b:s4+s2], $0x3D00, $0x38;
	[tilespmem:$0x10C70] =	vst v63  }
0x47: {  	_ = 	snop  }
0x48: {  	[tilespmem:s7], [sflag:$0x3] =	stream.linear.gather [hbm4b:s6+s2], $0x1868, $0x38;
	[tilespmem:$0x10C70] =	vst v63  }
0x49: {  	_ =	swait.ge [sflag:s8], $0x1868  }
0x4a: {  	[sflag:s8] =	ssyncset.done $0x0  }
0x4b: {  	[sflag:s8] =	ssyncadd.s32 $0xFFFFE798  }
0x4c: {  	[spmem:s9] =	stream.linear.scatter [tilespmem:s7], [sflag:$0x6], $0x1868, $0x38;
	[tilespmem:$0x10C70] =	vst v63  }
0x4d: {  	_ =	swait.ge [sflag:s10], $0x1868  }
0x4e: {  	[sflag:s10] =	ssyncset.done $0x0  }
0x4f: {  	[sflag:s10] =	ssyncadd.s32 $0xFFFFE798  }
0x50: {  	[tilespmem:s14], [sflag:$0x3] =	stream.linear.gather @!p0 [hbm4b:s11+s13], $0x20, $0x38;
	[tilespmem:$0x10C70] =	vst v63  }
0x51: {  	_ =	swait.ge @!p0 [sflag:s12], $0x20  }
0x52: {  	[sflag:s12] =	ssyncset.done @!p0 $0x0  }
0x53: {  	[sflag:s12] =	ssyncadd.s32 @!p0 $0xFFFFFFE0  }
0x54: {  	[spmem:s15] =	stream.linear.scatter @!p0 [tilespmem:s14], [sflag:$0x6], $0x20, $0x38;
	[tilespmem:$0x10C70] =	vst v63  }
0x55: {  	_ =	swait.ge @!p0 [sflag:s16], $0x20  }
0x56: {  	[sflag:s16] =	ssyncset.done @!p0 $0x0  }
0x57: {  	[sflag:s16] =	ssyncadd.s32 @!p0 $0xFFFFFFE0  }
0x58: {  	_ =	swait.ge [sflag:s17], $0x3D00  }
0x59: {  	[sflag:s17] =	ssyncset.done $0x0  }
0x5a: {  	[sflag:s17] =	ssyncadd.s32 $0xFFFFC300  }
0x5b: {  	[bflag:$0x0] =	sbarrier.arrive $0xFFFF  }
0x5c: {  	[tilespmem:s7], [sflag:$0x3] =	stream.indirect.gather [spmem:s1], $0x1, s2, s5, $0xb8;
	[tilespmem:$0x10C70] =	vst v63  }
0x5d: {  	_ =	swait.ge [sflag:s18], $0x3D00  }
0x5e: {  	[sflag:s18] =	ssyncset.done $0x0  }
0x5f: {  	[sflag:s18] =	ssyncadd.s32 $0xFFFFC300  }
0x60: {  	[tilespmem:s19], [sflag:$0x4] =	stream.indirect.gather [spmem:s1], $0x1, s5, s5, $0xb8;
	[tilespmem:$0x10C70] =	vst v63  }
0x61: {  	_ =	swait.ge [sflag:s8], $0x3D00  }
0x62: {  	[sflag:s8] =	ssyncset.done $0x0  }
0x63: {  	[sflag:s8] =	ssyncadd.s32 $0xFFFFC300  }
0x64: {  	[hbm4b:s20+s2] =	stream.linear.scatter [tilespmem:s7], [sflag:$0x5], $0x3D00, $0x38;
	[tilespmem:$0x10C70] =	vst v63  }
0x65: {  	_ =	swait.ge [sflag:s21], $0x3D00  }
0x66: {  	[sflag:s21] =	ssyncset.done $0x0  }
0x67: {  	[sflag:s21] =	ssyncadd.s32 $0xFFFFC300  }
0x68: {  	_ =	swait.ge [sflag:s22], $0x3D00  }
0x69: {  	[sflag:s22] =	ssyncset.done $0x0  }
0x6a: {  	[sflag:s22] =	ssyncadd.s32 $0xFFFFC300  }
0x6b: {  	[hbm4b:s23+s2] =	stream.linear.scatter [tilespmem:s19], [sflag:$0x6], $0x3D00, $0x38;
	[tilespmem:$0x10C70] =	vst v63  }
0x6c: {  	_ =	swait.ge [sflag:s10], $0x3D00  }
0x6d: {  	[sflag:s10] =	ssyncset.done $0x0  }
0x6e: {  	[sflag:s10] =	ssyncadd.s32 $0xFFFFC300  }
0x6f: {  	[tilespmem:s26], [sflag:$0x6] =	stream.linear.gather @!p1 [hbm4b:s25+s26], $0x20, $0x38;
	[tilespmem:$0x10C70] =	vst v63  }
0x70: {  	_ =	swait.ge @!p1 [sflag:s24], $0x20  }
0x71: {  	[sflag:s24] =	ssyncset.done @!p1 $0x0  }
0x72: {  	[sflag:s24] =	ssyncadd.s32 @!p1 $0xFFFFFFE0  }
0x73: {  	[tilespmem:s29], [sflag:$0x3] =	stream.indirect.gather @!p1 [spmem:s1], $0x1, s26, s28, $0xb8;
	[tilespmem:$0x10C70] =	vst v63  }
0x74: {  	_ =	swait.ge @!p1 [sflag:s30], $0x20  }
.Ltmp1:
0x75: {  	[sflag:s30] =	ssyncset.done @!p1 $0x0;
	(pc) =	sbr.rel @p2 .LBB2_1-.Ltmp1, $4  }
0x76: {  	[sflag:s30] =	ssyncadd.s32 @!p1 $0xFFFFFFE0  }
0x77: {  	[hbm4b:s31+s26] =	stream.linear.scatter @!p1 [tilespmem:s29], [sflag:$0x6], $0x20, $0x38;
	[tilespmem:$0x10C70] =	vst v63  }
0x78: {  	_ =	swait.ge @!p1 [sflag:s24], $0x20  }
0x79: {  	[sflag:s24] =	ssyncset.done @!p1 $0x0  }
.LBB2_2:
0x7a: {  	[sflag:s24] =	ssyncadd.s32 @!p1 $0xFFFFFFE0  }
0x7b: {  	_ =	sfence.sel $0x180000  }
0x7c: {  	[bflag:$0x0] =	sbarrier.arrive $0xFFFF  }
0x7d: {  	_ =	strace $0x90000047  }
0x7e: {  	[bflag:$0x2] =	sbarrier.arrive $0xFFFF  }
0x7f: {  	s0 =	rddreg [dreg:$0x4]  }
0x80: {  	s0 =	sadd.s32 @!p0 $0x100000, s0  }
0x81: {  	[sflag:s0] =	ssyncadd.tile.s32 @!p0 $0x1;
	_ =	shalt  }
.Lfunc_end2:
_tile_overlayer_lowered:
.L_overlay_start_2:
0x82: {  	(tag) =	ssettag $0x2  }
0x83: {  	s0 =	rddreg [dreg:$0x0];
	s2 =	stileid.u32  }
0x84: {  	s1 =	rddreg [dreg:$0x1];
	p0 =	sne.s32 s2, $0x0  }
0x85: {  	s3 =	rddreg [dreg:$0x2];
	[bflag:$0x3] =	sbarrier.arrive $0xFFFF;
	s2 =	simm.s32 @!p0 $0x1C06  }
0x86: {  	[timem:s3], [sflag:s2] =	dma.local @!p0 [hbm:s0], s1  }
0x87: {  	s0 =	simm.s32 @!p0 $0x6  }
0x88: {  	_ =	swait.ge @!p0 [sflag:s0], s1  }
0x89: {  	s1 =	ssub.s32 @!p0 $0x0, s1;
	[sflag:s0] =	ssyncset.done @!p0 $0x0  }
0x8a: {  	[sflag:s0] =	ssyncadd.s32 @!p0 s1  }
0x8b: {  	[bflag:$0x3] =	sbarrier.arrive $0xFFFF  }
0x8c: {  	_ =	shalt  }

// kernel: kernel.8.cloned.1.call-start
scs
__scs_entry_jumppad:
0x0: {  	(pc) =	sbr.rel $0x88, $3  }
0x1: {  	(tag) =	ssettag $0x0;
	lr =	simm.s32 $0x1  }
0x2: {  	[smem:$0x3F90] =	sst lr;
	_ =	strace $0xD0000000  }
0x3: {  	_ = 	snop  }
0x4: {  	_ = 	snop  }
0x5: {  	_ = 	snop  }
0x6: {  	_ = 	snop  }
0x7: {  	_ = 	snop  }
__scs_overlays_trampoline_lowered:
0x8: {  	[smem:$0x3F9F] =	sst s0  }
0x9: {  	[smem:$0x3FA0] =	sst s1  }
0xa: {  	[smem:$0x3FA1] =	sst s2  }
0xb: {  	[smem:$0x3FA2] =	sst s3  }
0xc: {  	[smem:$0x3FA3] =	sst s4  }
0xd: {  	[smem:$0x3FA4] =	sst s5  }
0xe: {  	[smem:$0x3FA5] =	sst s6  }
0xf: {  	[smem:$0x3FA6] =	sst s7  }
0x10: {  	[smem:$0x3FA7] =	sst s8  }
0x11: {  	[smem:$0x3FA8] =	sst s9;
	s0 =	simm.s32 @!p0 $0x0  }
0x12: {  	s1 =	sld [smem:$0x3F8E];
	s0 =	simm.s32 @p0 $0x1  }
0x13: {  	[smem:$0x3FA9] =	sst s0;
	s0 =	simm.s32 @!p1 $0x0  }
0x14: {  	s2 =	sld [smem:$0x3F8D];
	s0 =	simm.s32 @p1 $0x1  }
0x15: {  	[smem:$0x3FAA] =	sst s0;
	s0 =	simm.s32 @!p2 $0x0  }
0x16: {  	s3 =	sld [smem:$0x3FDB];
	s0 =	simm.s32 @p2 $0x1  }
0x17: {  	s4 =	simm.s32 $0x1BF5;
	[smem:$0x3FAC] =	sst s0  }
0x18: {  	s0 =	sld [smem:$0x3F8F];
	_ =	swait.ge [sflag:s4], $0x0  }
0x19: {  	s7 =	sld [smem:$0x3F90]  }
0x1a: {  	s8 =	sadd.s32 $0xFFFFE003, lr  }
0x1b: {  	s9 =	sadd.s32 $0xFFFFFEF7, lr;
	s5 =	simm.s32 $0xFFFFFFFF;
	p2 =	slt.u32 s8, $0xFFFFF086  }
0x1c: {  	p1 =	slt.u32 s9, $0xF7A;
	s5 =	simm.s32 @!p2 $0x0  }
0x1d: {  	s5 =	simm.s32 @p1 $0x1;
	p0 =	seq.s32 s7, s2  }
0x1e: {  	s7 =	smul.u32 @!p0 $0xF7A, s2;
	p2 =	seq.s32 @!p0 s5, $0x0  }
0x1f: {  	s9 =	smul.u32 $0xF7A, s1;
	s8 =	simm.s32 @!p0 $0x1BF5;
	p2 =	por !p2, p0  }
0x20: {  	[sflag:s8] =	ssyncset.s32 @!p0 $0xFFFFF086;
	s6 =	sadd.s32 @!p0 s3, s7;
	s7 =	simm.s32 @!p0 $0x108  }
0x21: {  	s3 =	sadd.s32 s3, s9;
	s6 =	sadd.s32 @!p0 $0x88, s6;
	s7 =	simm.s32 @p2 $0x1082  }
0x22: {  	[simem:s7], [sflag:s8] =	dma.local @!p0 [hbm:s6], $0xF7A  }
0x23: {  	s9 =	sor.u32 $0xD0000000, s2;
	s6 =	simm.s32 $0x108;
	_ =	swait.ge @!p0 [sflag:s8], $0x0  }
0x24: {  	s3 =	sadd.s32 $0x88, s3;
	s6 =	simm.s32 @!p1 $0x1082;
	[sflag:s4] =	ssyncset.s32 $0xFFFFF086  }
0x25: {  	[simem:s6], [sflag:s4] =	dma.local [hbm:s3], $0xF7A  }
0x26: {  	[smem:$0x3F90] =	sst s1;
	(tag) =	ssettag s2;
	_ =	strace s9  }
0x27: {  	s1 =	sld [smem:$0x3FA0]  }
0x28: {  	s2 =	sld [smem:$0x3FA1]  }
0x29: {  	s4 =	sld [smem:$0x3FA3]  }
0x2a: {  	p0 =	seq.s32 s5, $0x0;
	s5 =	sld [smem:$0x3FA4]  }
0x2b: {  	s6 =	sld [smem:$0x3FA5]  }
0x2c: {  	s7 =	sld [smem:$0x3FA6]  }
0x2d: {  	s3 =	simm.s32 $0x108;
	s8 =	sld [smem:$0x3FA7]  }
0x2e: {  	s3 =	simm.s32 @!p0 $0x1082;
	s9 =	sld [smem:$0x3FA8]  }
0x2f: {  	lr =	sadd.s32 s0, s3;
	s0 =	sld [smem:$0x3F9F]  }
0x30: {  	s3 =	sld [smem:$0x3FA2]  }
0x31: {  	[smem:$0x3FAB] =	sst s10  }
0x32: {  	s10 =	sld [smem:$0x3FA9];
	_ =	sdelay $0x3  }
0x33: {  	p0 =	seq.s32 s10, $0x1;
	s10 =	sld [smem:$0x3FAB];
	_ =	sdelay $0x3  }
0x34: {  	[smem:$0x3FAB] =	sst s10  }
0x35: {  	s10 =	sld [smem:$0x3FAA];
	_ =	sdelay $0x3  }
0x36: {  	p1 =	seq.s32 s10, $0x1;
	s10 =	sld [smem:$0x3FAB];
	_ =	sdelay $0x3  }
0x37: {  	[smem:$0x3FAB] =	sst s10  }
0x38: {  	s10 =	sld [smem:$0x3FAC]  }
0x39: {  	_ = 	snop;
	(pc) =	sbr.ind lr, $3  }
0x3a: {  	_ = 	snop  }
0x3b: {  	_ = 	snop  }
0x3c: {  	p2 =	seq.s32 s10, $0x1;
	s10 =	sld [smem:$0x3FAB]  }
0x3d: {  	_ =	shalt  }
0x3e: {  	_ =	shalt  }
0x3f: {  	_ =	shalt  }
0x40: {  	_ =	shalt  }
0x41: {  	_ =	shalt  }
0x42: {  	_ =	shalt  }
0x43: {  	_ =	shalt  }
0x44: {  	_ =	shalt  }
0x45: {  	_ =	shalt  }
0x46: {  	_ =	shalt  }
0x47: {  	_ =	shalt  }
0x48: {  	_ =	shalt  }
0x49: {  	_ =	shalt  }
0x4a: {  	_ =	shalt  }
0x4b: {  	_ =	shalt  }
0x4c: {  	_ =	shalt  }
0x4d: {  	_ =	shalt  }
0x4e: {  	_ =	shalt  }
0x4f: {  	_ =	shalt  }
0x50: {  	_ =	shalt  }
0x51: {  	_ =	shalt  }
0x52: {  	_ =	shalt  }
0x53: {  	_ =	shalt  }
0x54: {  	_ =	shalt  }
0x55: {  	_ =	shalt  }
0x56: {  	_ =	shalt  }
0x57: {  	_ =	shalt  }
0x58: {  	_ =	shalt  }
0x59: {  	_ =	shalt  }
0x5a: {  	_ =	shalt  }
0x5b: {  	_ =	shalt  }
0x5c: {  	_ =	shalt  }
0x5d: {  	_ =	shalt  }
0x5e: {  	_ =	shalt  }
0x5f: {  	_ =	shalt  }
0x60: {  	_ =	shalt  }
0x61: {  	_ =	shalt  }
0x62: {  	_ =	shalt  }
0x63: {  	_ =	shalt  }
0x64: {  	_ =	shalt  }
0x65: {  	_ =	shalt  }
0x66: {  	_ =	shalt  }
0x67: {  	_ =	shalt  }
0x68: {  	_ =	shalt  }
0x69: {  	_ =	shalt  }
0x6a: {  	_ =	shalt  }
0x6b: {  	_ =	shalt  }
0x6c: {  	_ =	shalt  }
0x6d: {  	_ =	shalt  }
0x6e: {  	_ =	shalt  }
0x6f: {  	_ =	shalt  }
0x70: {  	_ =	shalt  }
0x71: {  	_ =	shalt  }
0x72: {  	_ =	shalt  }
0x73: {  	_ =	shalt  }
0x74: {  	_ =	shalt  }
0x75: {  	_ =	shalt  }
0x76: {  	_ =	shalt  }
0x77: {  	_ =	shalt  }
0x78: {  	_ =	shalt  }
0x79: {  	_ =	shalt  }
0x7a: {  	_ =	shalt  }
0x7b: {  	_ =	shalt  }
0x7c: {  	_ =	shalt  }
0x7d: {  	_ =	shalt  }
0x7e: {  	_ =	shalt  }
0x7f: {  	_ =	shalt  }
0x80: {  	_ =	shalt  }
0x81: {  	_ =	shalt  }
0x82: {  	_ =	shalt  }
0x83: {  	_ =	shalt  }
0x84: {  	_ =	shalt  }
0x85: {  	_ =	shalt  }
0x86: {  	_ =	shalt  }
0x87: {  	_ =	shalt  }
.Lfunc_end0:
.L_simem_size_0:
called_computation.1_lowered:
.L_overlay_start_0:
0x88: {  	s2 =	sld [smem:$0x3FD9]  }
0x89: {  	s3 =	sld [smem:$0x3FFE];
	_ =	sdelay $0x1  }
0x8a: {  	s1 =	srdreg.scid  }
0x8b: {  	s0 =	sand.u32 $0x1, s1  }
0x8c: {  	s26 =	sshll.u32 s0, $0xA;
	s2 =	sadd.s32 s3, s2  }
0x8d: {  	s2 =	sadd.s32 s2, s26  }
0x8e: {  	[smem:$0x3FB7] =	sst s2  }
0x8f: {  	_ = 	snop  }
0x90: {  	s2 =	sld [smem:$0x3FC9]  }
0x91: {  	s3 =	sld [smem:$0x3FC8]  }
0x92: {  	s4 =	sld [smem:$0x3FC7]  }
0x93: {  	s5 =	sld [smem:$0x3FC6]  }
0x94: {  	s6 =	sld [smem:$0x3FC5]  }
0x95: {  	s7 =	sld [smem:$0x3FC4]  }
0x96: {  	s8 =	sld [smem:$0x3FC3]  }
0x97: {  	s9 =	sld [smem:$0x3FC2]  }
0x98: {  	s10 =	sld [smem:$0x3FC1]  }
0x99: {  	s11 =	sld [smem:$0x3FC0]  }
0x9a: {  	s13 =	sld [smem:$0x3FBC]  }
0x9b: {  	s14 =	sld [smem:$0x3FBB];
	(tm) =	ssettm $0x1  }
0x9c: {  	s12 =	sld [smem:$0x3FFB];
	_ =	sdelay $0x3  }
0x9d: {  	_ =	strace s12  }
0x9e: {  	s12 =	sld [smem:$0x3FFC];
	_ =	sdelay $0x3  }
0x9f: {  	_ =	strace s12  }
0xa0: {  	s12 =	sld [smem:$0x3FFD];
	_ =	sdelay $0x3  }
0xa1: {  	_ =	strace s12  }
0xa2: {  	_ =	strace $0x8FFFFFFF  }
0xa3: {  	s28 =	sld [smem:$0x3FDB];
	_ =	sdelay $0x1  }
0xa4: {  	s15 =	simm.s32 $_scs_section_size  }
0xa5: {  	s16 =	simm.s32 $_size__tile_task_arg_handler_lowered;
	s17 =	simm.s32 $_tile_task_arg_handler_lowered  }
0xa6: {  	s31 =	simm.s32 $0x1BFF;
	s30 =	sshll.u32 s17, $0x1;
	s15 =	sadd.s32 s15, s28  }
0xa7: {  	s18 =	simm.s32 $0x60;
	s29 =	sshll.u32 s16, $0x1;
	s16 =	sadd.s32 s30, s15  }
0xa8: {  	[timem:s18], [sflag:s31] =	dma.local [hbm:s16], s29  }
0xa9: {  	_ =	swait.ge [sflag:s31], s29  }
0xaa: {  	s12 =	ssub.s32 $0x0, s29;
	s18 =	simm.s32 $_tile_overlayer_lowered;
	[sflag:s31] =	ssyncset.done $0x0  }
0xab: {  	s19 =	simm.s32 $_size__tile_overlayer_lowered;
	s16 =	sshll.u32 s18, $0x1;
	[sflag:s31] =	ssyncadd.s32 s12  }
0xac: {  	s21 =	simm.s32 $0x0;
	s20 =	sshll.u32 s19, $0x1;
	s16 =	sadd.s32 s16, s15  }
0xad: {  	[timem:s21], [sflag:s31] =	dma.local [hbm:s16], s20  }
0xae: {  	_ =	swait.ge [sflag:s31], s20  }
0xaf: {  	s22 =	ssub.s32 $0x0, s20;
	[sflag:s31] =	ssyncset.done $0x0  }
0xb0: {  	[sflag:s31] =	ssyncadd.s32 s22;
	_ =	sdelay $0x1  }
0xb1: {  	s23 =	simm.s32 $0x1B8B  }
0xb2: {  	_ =	swait.ge [sflag:s23], $0x1  }
0xb3: {  	[sflag:s23] =	ssyncset.done $0x0  }
0xb4: {  	s25 =	simm.s32 $0x1B8E;
	s24 =	sld [smem:$0x3FFE];
	[sflag:s23] =	ssyncadd.s32 $0xFFFFFFFF  }
0xb5: {  	s26 =	simm.s32 $execute0_lowered;
	[smem:$0x3FD2] =	sst s25  }
0xb6: {  	s17 =	sshll.u32 s26, $0x1;
	_ =	strace $0x80000049;
	[dreg:$0x1] =	wrdreg $0xFFFFFFFF  }
0xb7: {  	s28 =	simm.s32 $_size_execute0_lowered;
	s15 =	sadd.s32 s15, s17;
	[dreg:$0x0] =	wrdreg $0x0  }
0xb8: {  	s17 =	sshll.u32 s28, $0x1;
	[dreg:$0x2] =	wrdreg s15  }
0xb9: {  	[dreg:$0x3] =	wrdreg s17  }
0xba: {  	[dreg:$0x4] =	wrdreg $0xC0  }
0xbb: {  	_ =	task [dreg:s21], $0x5FFFF  }
0xbc: {  	[dreg:$0x1] =	wrdreg $0xFFFFFFFF  }
0xbd: {  	[dreg:$0x0] =	wrdreg $0x30  }
0xbe: {  	[dreg:$0x2] =	wrdreg $0x0  }
0xbf: {  	[dreg:$0x3] =	wrdreg $0x9  }
0xc0: {  	_ =	task [dreg:s21], $0x4FFFF  }
0xc1: {  	[dreg:$0x1] =	wrdreg $0xFFFFFFFF  }
0xc2: {  	[dreg:$0x0] =	wrdreg $0x60  }
0xc3: {  	[dreg:$0x2] =	wrdreg s24  }
0xc4: {  	[dreg:$0x3] =	wrdreg s14  }
0xc5: {  	[dreg:$0x4] =	wrdreg s13  }
0xc6: {  	[dreg:$0x5] =	wrdreg s2  }
0xc7: {  	[dreg:$0x6] =	wrdreg s3  }
0xc8: {  	[dreg:$0x7] =	wrdreg s4  }
0xc9: {  	[dreg:$0x8] =	wrdreg s5  }
0xca: {  	[dreg:$0x9] =	wrdreg s6  }
0xcb: {  	[dreg:$0xa] =	wrdreg s7  }
0xcc: {  	[dreg:$0xb] =	wrdreg s8  }
0xcd: {  	[dreg:$0xc] =	wrdreg s9  }
0xce: {  	[dreg:$0xd] =	wrdreg s10  }
0xcf: {  	[dreg:$0xe] =	wrdreg s11  }
0xd0: {  	[dreg:$0xf] =	wrdreg $0xF4000  }
0xd1: {  	_ =	task.clear_ibuf [dreg:s21], $0x10FFFF;
	_ =	strace $0x90000049  }
0xd2: {  	s29 =	simm.s32 $0x9;
	_ =	strace $0x8000004B  }
0xd3: {  	_ =	swait.ge [sflag:s29], $0x1  }
0xd4: {  	[sflag:s29] =	ssyncadd.s32 $0xFFFFFFFF  }
0xd5: {  	_ =	strace $0x9000004B  }
0xd6: {  	_ =	sfence  }
0xd7: {  	s30 =	sld [smem:$0x0];
	_ =	sdelay $0x2  }
0xd8: {  	s31 =	sshll.u32 s1, $0xD;
	s1 =	sshrl.u32 s1, $0x2  }
0xd9: {  	s3 =	sand.u32 $0x4000, s31;
	s1 =	sadd.s32 s1, s30  }
0xda: {  	s0 =	sor.u32 s3, s0;
	s1 =	sshll.u32 s1, $0x11  }
0xdb: {  	s0 =	sor.u32 s1, s0  }
0xdc: {  	s0 =	sadd.s32 $0x8F2B, s0  }
0xdd: {  	[sflag:s0] =	ssyncadd.remote.s32 $0x1  }
0xde: {  	_ =	sfence.sel $0xFFFF  }
0xdf: {  	[dreg:$0x0] =	wrdreg $0xFFFFFFFF;
	(pc) =	sbr.abs _section_cstart, $3  }
0xe0: {  	[dreg:$0x1] =	wrdreg $0xFFFFFFFF  }
0xe1: {  	_ =	task.clear_ibuf [dreg:s21], $0x2FFFF;
	_ =	strace $0x9FFFFFFF  }
0xe2: {  	(tm) =	ssettm $0x7FFFFFFF  }
0xe3: {  	_ =	shalt  }
tec
_tile_task_arg_handler_lowered:
.L_overlay_start_1:
0x0: {  	(tag) =	ssettag $0x1  }
0x1: {  	s0 =	rddreg [dreg:$0x0]  }
0x2: {  	s1 =	rddreg [dreg:$0x1]  }
0x3: {  	s2 =	rddreg [dreg:$0x2]  }
0x4: {  	s3 =	rddreg [dreg:$0x3]  }
0x5: {  	s4 =	rddreg [dreg:$0x4]  }
0x6: {  	s5 =	rddreg [dreg:$0x5]  }
0x7: {  	s6 =	rddreg [dreg:$0x6]  }
0x8: {  	s7 =	rddreg [dreg:$0x7]  }
0x9: {  	s8 =	rddreg [dreg:$0x8]  }
0xa: {  	s9 =	rddreg [dreg:$0x9]  }
0xb: {  	s10 =	rddreg [dreg:$0xa]  }
0xc: {  	s11 =	rddreg [dreg:$0xb]  }
0xd: {  	s12 =	rddreg [dreg:$0xc]  }
0xe: {  	s13 =	rddreg [dreg:$0xd]  }
0xf: {  	[smem:s0] =	sst s1  }
0x10: {  	[smem:s0+$0x1] =	sst s2  }
0x11: {  	[smem:s0+$0x2] =	sst s3  }
0x12: {  	[smem:s0+$0x3] =	sst s4  }
0x13: {  	[smem:s0+$0x4] =	sst s5  }
0x14: {  	[smem:s0+$0x5] =	sst s6  }
0x15: {  	[smem:s0+$0x6] =	sst s7  }
0x16: {  	[smem:s0+$0x7] =	sst s8  }
0x17: {  	[smem:s0+$0x8] =	sst s9  }
0x18: {  	[smem:s0+$0x9] =	sst s10  }
0x19: {  	[smem:s0+$0xA] =	sst s11  }
0x1a: {  	[smem:s0+$0xB] =	sst s12  }
0x1b: {  	[smem:s0+$0xC] =	sst s13;
	_ =	shalt  }
.Lfunc_end2:
execute0_lowered:
.L_overlay_start_2:
0x1c: {  	(tag) =	ssettag $0x2  }
0x1d: {  	s3 =	stileid.u32;
	s4 =	srdreg.scid  }
0x1e: {  	s4 =	sand.u32 $0x1, s4;
	s5 =	sshll.u32 s3, $0x1  }
0x1f: {  	s2 =	rddreg [dreg:$0x0];
	s5 =	sor.u32 s4, s5  }
0x20: {  	s0 =	rddreg [dreg:$0x1];
	s7 =	smul.u32 $0x1E80, s5;
	s5 =	sshll.u32 s5, $0x2  }
0x21: {  	s1 =	rddreg [dreg:$0x2];
	s6 =	simm.s32 $0x0;
	s5 =	sor.u32 $0x1E800, s5  }
0x22: {  	[smem:$0x7FF] =	sst s6;
	s8 =	sadd.s32 $0xC00, s2;
	s13 =	sadd.s32 s1, s5  }
0x23: {  	s10 =	sadd.s32 $0x3E000, s2;
	s15 =	sadd.s32 s8, s5;
	[dreg:$0x1f] =	wrdreg s13  }
0x24: {  	s7 =	sshrl.u32 s7, $0x3;
	s16 =	sadd.s32 s10, s5;
	[smem:$0x7DA] =	sst s15  }
0x25: {  	s4 =	ssub.s32 $0x2, s4;
	s17 =	sadd.s32 s0, s7;
	[smem:$0x7DB] =	sst s16  }
0x26: {  	s9 =	sshrl.u32 s4, $0x1;
	s18 =	sadd.s32 s1, s7;
	[dreg:$0xe] =	wrdreg s17  }
0x27: {  	s4 =	ssub.s32 s4, s9;
	s11 =	sadd.s32 s8, s7;
	[dreg:$0xf] =	wrdreg s18  }
0x28: {  	s19 =	sadd.s32 $0x7A00, s7;
	s24 =	sadd.s32 s10, s7;
	[dreg:$0x10] =	wrdreg s11  }
0x29: {  	s20 =	sadd.s32 s0, s19;
	s12 =	sadd.s32 s1, s19;
	[dreg:$0x15] =	wrdreg s24  }
0x2a: {  	s22 =	sadd.s32 s8, s19;
	s9 =	sadd.s32 s10, s19;
	s19 =	sld [smem:$0x0]  }
0x2b: {  	[dreg:$0x11] =	wrdreg s20  }
0x2c: {  	s21 =	sadd.s32 $0xF400, s7;
	[dreg:$0x12] =	wrdreg s12  }
0x2d: {  	s23 =	sadd.s32 s0, s21;
	[dreg:$0x13] =	wrdreg s22  }
0x2e: {  	[dreg:$0x14] =	wrdreg s23  }
0x2f: {  	s25 =	sadd.s32 s1, s21;
	[dreg:$0x16] =	wrdreg s9  }
0x30: {  	s26 =	sadd.s32 s8, s21;
	[dreg:$0x17] =	wrdreg s25  }
0x31: {  	s7 =	sadd.s32 $0x16E00, s7;
	s29 =	sadd.s32 s10, s21;
	[dreg:$0x18] =	wrdreg s26  }
0x32: {  	s30 =	sadd.s32 s0, s7;
	[dreg:$0x19] =	wrdreg s29  }
0x33: {  	s11 =	sadd.s32 s1, s7;
	[dreg:$0x1a] =	wrdreg s30  }
0x34: {  	s0 =	sadd.s32 s0, s5;
	[dreg:$0x1b] =	wrdreg s11  }
0x35: {  	s14 =	smul.u32 $0x1868, s3;
	[dreg:$0x1e] =	wrdreg s0  }
0x36: {  	s12 =	sadd.s32 s8, s7;
	s0 =	rddreg [dreg:$0xd]  }
0x37: {  	s17 =	sshrl.u32 s14, $0x3;
	s7 =	sadd.s32 s10, s7;
	[dreg:$0x1c] =	wrdreg s12  }
0x38: {  	s18 =	sadd.s32 s17, s2;
	[dreg:$0x1d] =	wrdreg s7  }
0x39: {  	s20 =	sadd.s32 $0x1F600, s18;
	[smem:$0x7DC] =	sst s19  }
0x3a: {  	s21 =	sadd.s32 $0x226D4, s18;
	_ =	strace $0x8000004A;
	[smem:$0x7DD] =	sst s20  }
0x3b: {  	s22 =	sadd.s32 $0x257A8, s18;
	[smem:$0x7DE] =	sst s21  }
0x3c: {  	s23 =	sadd.s32 $0x2887C, s18;
	[smem:$0x7DF] =	sst s22  }
0x3d: {  	s24 =	sadd.s32 $0x2B950, s18;
	[smem:$0x7E0] =	sst s23  }
0x3e: {  	s25 =	sadd.s32 $0x2EA24, s18;
	[smem:$0x7E1] =	sst s24  }
0x3f: {  	s26 =	sadd.s32 $0x31AF8, s18;
	[smem:$0x7E2] =	sst s25  }
0x40: {  	s29 =	sadd.s32 $0x34BCC, s18;
	[smem:$0x7E3] =	sst s26  }
0x41: {  	p0 =	sne.s32 s3, $0x0;
	s30 =	sadd.s32 $0x37CA0, s18;
	[smem:$0x7E4] =	sst s29  }
0x42: {  	p1 =	sgt.u32 s3, $0x8;
	s3 =	sadd.s32 $0x3AD74, s18;
	[smem:$0x7E5] =	sst s30  }
0x43: {  	s7 =	sadd.s32 $0x226D0, s2;
	[smem:$0x7E6] =	sst s3  }
0x44: {  	s8 =	sadd.s32 $0x257A4, s2;
	[smem:$0x7E7] =	sst s7  }
0x45: {  	s9 =	sadd.s32 $0x28878, s2;
	[smem:$0x7E8] =	sst s8  }
0x46: {  	s10 =	sadd.s32 $0x2B94C, s2;
	[smem:$0x7E9] =	sst s9  }
0x47: {  	s11 =	sadd.s32 $0x2EA20, s2;
	[smem:$0x7EA] =	sst s10  }
0x48: {  	s12 =	sadd.s32 $0x31AF4, s2;
	[smem:$0x7EB] =	sst s11  }
0x49: {  	s13 =	sadd.s32 $0x34BC8, s2;
	[smem:$0x7EC] =	sst s12  }
0x4a: {  	s1 =	sadd.s32 s14, s0;
	s14 =	sadd.s32 $0x37C9C, s2;
	[smem:$0x7ED] =	sst s13  }
0x4b: {  	s15 =	sadd.s32 $0x3AD70, s2;
	[smem:$0x7EE] =	sst s14  }
0x4c: {  	s2 =	sadd.s32 $0x3DE44, s2;
	[smem:$0x7EF] =	sst s15  }
0x4d: {  	s28 =	simm.s32 $0x7;
	s16 =	smax.u32 s4, $0x1;
	[smem:$0x7F0] =	sst s2  }
0x4e: {  	s31 =	simm.s32 $0x0;
	s17 =	sadd.s32 $0x186A0, s1;
	[smem:$0x7F1] =	sst s16  }
0x4f: {  	s4 =	simm.s32 $0x1;
	s18 =	sadd.s32 $0x30D40, s1;
	[smem:$0x7F2] =	sst s17  }
0x50: {  	s5 =	simm.s32 $0x2;
	s19 =	sadd.s32 $0x18680, s0;
	[smem:$0x7F3] =	sst s18  }
0x51: {  	s8 =	sadd.s32 $0x493E0, s1;
	s9 =	sadd.s32 $0x61A80, s1;
	s10 =	sadd.s32 $0x7A120, s1  }
0x52: {  	s11 =	sadd.s32 $0x927C0, s1;
	s12 =	sadd.s32 $0xAAE60, s1;
	s13 =	sadd.s32 $0xC3500, s1  }
0x53: {  	s14 =	sadd.s32 $0xDBBA0, s1;
	[smem:$0x7F4] =	sst s19;
	s20 =	sadd.s32 $0x30D20, s0  }
0x54: {  	s21 =	sadd.s32 $0x493C0, s0;
	s22 =	sadd.s32 $0x61A60, s0;
	[smem:$0x7F5] =	sst s20  }
0x55: {  	s23 =	sadd.s32 $0x7A100, s0;
	s24 =	sadd.s32 $0x927A0, s0;
	[smem:$0x7F6] =	sst s21  }
0x56: {  	s25 =	sadd.s32 $0xAAE40, s0;
	s26 =	sadd.s32 $0xC34E0, s0;
	[smem:$0x7F7] =	sst s22  }
0x57: {  	s29 =	sadd.s32 $0xDBB80, s0;
	s30 =	sadd.s32 $0xF4220, s0;
	[smem:$0x7F8] =	sst s23  }
0x58: {  	s15 =	simm.s32 $0x9;
	s16 =	simm.s32 $0x3D00;
	[smem:$0x7F9] =	sst s24  }
.Ltmp0:
0x59: {  	s17 =	simm.s32 $0x7A00;
	[smem:$0x7FA] =	sst s25;
	(pc) =	sbr.rel .LBB3_1-.Ltmp0, $4  }
0x5a: {  	s18 =	simm.s32 $0x1E80;
	s2 =	simm.s32 $0x3;
	[smem:$0x7FB] =	sst s26  }
0x5b: {  	s3 =	simm.s32 $0x4;
	s19 =	simm.s32 $0x5;
	[smem:$0x7FC] =	sst s29  }
0x5c: {  	[smem:$0x7FD] =	sst s30;
	s20 =	simm.s32 $0x5B80;
	s21 =	simm.s32 $0x9880  }
0x5d: {  	s22 =	simm.s32 $0xB700;
	s23 =	simm.s32 $0xD580;
	s25 =	simm.s32 $0x6  }
.LBB3_24:
0x5e: {  	s7 =	sld [smem:$0x7F1];
	_ =	sdelay $0x1  }
0x5f: {  	s31 =	sadd.s32 $0x1, s31  }
0x60: {  	p2 =	sne.s32 s31, s7  }
.Ltmp1:
0x61: {  	_ = 	snop;
	(pc) =	sbr.rel @!p2 .LBB3_25-.Ltmp1, $1  }
0x62: {  	_ =	sdelay $0x3  }
.LBB3_1:
0x63: {  	s7 =	rddreg [dreg:$0x3];
	s24 =	simm.s32 $0x1E828  }
0x64: {  	[tilespmem:s24], [sflag:$0x9] =	stream.linear.gather [hbm4b:s7+s6], $0x1, $0x38;
	[tilespmem:$0x1E8C8] =	vst v63  }
0x65: {  	s26 =	simm.s32 $0x1E838;
	s24 =	rddreg [dreg:$0x4]  }
0x66: {  	[tilespmem:s26], [sflag:$0x9] =	stream.linear.gather [hbm4b:s24+s6], $0x1, $0x38;
	[tilespmem:$0x1E8C8] =	vst v63  }
0x67: {  	s29 =	rddreg [dreg:$0x5];
	s30 =	simm.s32 $0x1E848  }
0x68: {  	[tilespmem:s30], [sflag:$0x9] =	stream.linear.gather [hbm4b:s29+s6], $0x1, $0x38;
	[tilespmem:$0x1E8C8] =	vst v63  }
0x69: {  	s24 =	rddreg [dreg:$0x6];
	s26 =	simm.s32 $0x1E858  }
0x6a: {  	[tilespmem:s26], [sflag:$0x9] =	stream.linear.gather [hbm4b:s24+s6], $0x1, $0x38;
	[tilespmem:$0x1E8C8] =	vst v63  }
0x6b: {  	s29 =	rddreg [dreg:$0x7];
	s30 =	simm.s32 $0x1E868  }
0x6c: {  	[tilespmem:s30], [sflag:$0x9] =	stream.linear.gather [hbm4b:s29+s6], $0x1, $0x38;
	[tilespmem:$0x1E8C8] =	vst v63  }
0x6d: {  	s24 =	rddreg [dreg:$0x8];
	s26 =	simm.s32 $0x1E878  }
0x6e: {  	[tilespmem:s26], [sflag:$0x9] =	stream.linear.gather [hbm4b:s24+s6], $0x1, $0x38;
	[tilespmem:$0x1E8C8] =	vst v63  }
0x6f: {  	s29 =	rddreg [dreg:$0x9];
	s30 =	simm.s32 $0x1E888  }
0x70: {  	[tilespmem:s30], [sflag:$0x9] =	stream.linear.gather [hbm4b:s29+s6], $0x1, $0x38;
	[tilespmem:$0x1E8C8] =	vst v63  }
0x71: {  	s24 =	rddreg [dreg:$0xa];
	s26 =	simm.s32 $0x1E898  }
0x72: {  	[tilespmem:s26], [sflag:$0x9] =	stream.linear.gather [hbm4b:s24+s6], $0x1, $0x38;
	[tilespmem:$0x1E8C8] =	vst v63  }
0x73: {  	s29 =	rddreg [dreg:$0xb];
	s30 =	simm.s32 $0x1E8A8  }
0x74: {  	[tilespmem:s30], [sflag:$0x9] =	stream.linear.gather [hbm4b:s29+s6], $0x1, $0x38;
	[tilespmem:$0x1E8C8] =	vst v63  }
0x75: {  	s24 =	rddreg [dreg:$0xc];
	s26 =	simm.s32 $0x1E8B8  }
0x76: {  	[tilespmem:s26], [sflag:$0x9] =	stream.linear.gather [hbm4b:s24+s6], $0x1, $0x38;
	[tilespmem:$0x1E8C8] =	vst v63  }
0x77: {  	_ =	swait.ge [sflag:s15], $0x1  }
0x78: {  	[sflag:s15] =	ssyncset.done $0x0  }
0x79: {  	[sflag:s15] =	ssyncadd.s32 $0xFFFFFFFF  }
0x7a: {  	_ =	swait.ge [sflag:s15], $0x1  }
0x7b: {  	[sflag:s15] =	ssyncset.done $0x0  }
0x7c: {  	[sflag:s15] =	ssyncadd.s32 $0xFFFFFFFF  }
0x7d: {  	_ =	swait.ge [sflag:s15], $0x1  }
0x7e: {  	[sflag:s15] =	ssyncset.done $0x0  }
0x7f: {  	[sflag:s15] =	ssyncadd.s32 $0xFFFFFFFF  }
0x80: {  	_ =	swait.ge [sflag:s15], $0x1  }
0x81: {  	[sflag:s15] =	ssyncset.done $0x0  }
0x82: {  	[sflag:s15] =	ssyncadd.s32 $0xFFFFFFFF  }
0x83: {  	_ =	swait.ge [sflag:s15], $0x1  }
0x84: {  	[sflag:s15] =	ssyncset.done $0x0  }
0x85: {  	[sflag:s15] =	ssyncadd.s32 $0xFFFFFFFF  }
0x86: {  	_ =	swait.ge [sflag:s15], $0x1  }
0x87: {  	[sflag:s15] =	ssyncset.done $0x0  }
0x88: {  	[sflag:s15] =	ssyncadd.s32 $0xFFFFFFFF  }
0x89: {  	_ =	swait.ge [sflag:s15], $0x1  }
0x8a: {  	[sflag:s15] =	ssyncset.done $0x0  }
0x8b: {  	[sflag:s15] =	ssyncadd.s32 $0xFFFFFFFF  }
0x8c: {  	_ =	swait.ge [sflag:s15], $0x1  }
0x8d: {  	[sflag:s15] =	ssyncset.done $0x0  }
0x8e: {  	[sflag:s15] =	ssyncadd.s32 $0xFFFFFFFF  }
0x8f: {  	_ =	swait.ge [sflag:s15], $0x1  }
0x90: {  	[sflag:s15] =	ssyncset.done $0x0  }
0x91: {  	[sflag:s15] =	ssyncadd.s32 $0xFFFFFFFF  }
0x92: {  	_ =	swait.ge [sflag:s15], $0x1  }
0x93: {  	[sflag:s15] =	ssyncset.done $0x0;
	s29 =	rddreg [dreg:$0xe]  }
0x94: {  	s30 =	rddreg [dreg:$0xf];
	[sflag:s15] =	ssyncadd.s32 $0xFFFFFFFF  }
0x95: {  	[tilespmem:s6], [sflag:$0x1] =	stream.linear.gather [hbm4b:s29+s6], $0x1E80, $0x38;
	[tilespmem:$0x1E8C8] =	vst v63  }
0x96: {  	s24 =	rddreg [dreg:$0x10]  }
0x97: {  	[tilespmem:s16], [sflag:$0x1] =	stream.linear.gather [hbm4b:s30+s6], $0x1E80, $0x38;
	[tilespmem:$0x1E8C8] =	vst v63  }
0x98: {  	s26 =	rddreg [dreg:$0x11]  }
0x99: {  	[tilespmem:s17], [sflag:$0x1] =	stream.linear.gather [hbm4b:s24+s6], $0x1E80, $0x38;
	[tilespmem:$0x1E8C8] =	vst v63  }
0x9a: {  	s29 =	rddreg [dreg:$0x12]  }
0x9b: {  	[tilespmem:s18], [sflag:$0x2] =	stream.linear.gather [hbm4b:s26+s6], $0x1E80, $0x38;
	[tilespmem:$0x1E8C8] =	vst v63  }
0x9c: {  	s30 =	rddreg [dreg:$0x13]  }
0x9d: {  	[tilespmem:s20], [sflag:$0x2] =	stream.linear.gather [hbm4b:s29+s6], $0x1E80, $0x38;
	[tilespmem:$0x1E8C8] =	vst v63  }
0x9e: {  	s24 =	sld [smem:$0x7DD]  }
0x9f: {  	[tilespmem:s21], [sflag:$0x2] =	stream.linear.gather [hbm4b:s30+s6], $0x1E80, $0x38;
	[tilespmem:$0x1E8C8] =	vst v63  }
0xa0: {  	s26 =	sld [smem:$0x7DE]  }
0xa1: {  	[tilespmem:s22], [sflag:$0x3] =	stream.linear.gather [hbm4b:s24+s6], $0x1868, $0x38;
	[tilespmem:$0x1E8C8] =	vst v63  }
0xa2: {  	_ = 	snop  }
0xa3: {  	[tilespmem:s23], [sflag:$0x4] =	stream.linear.gather [hbm4b:s26+s6], $0x1868, $0x38;
	[tilespmem:$0x1E8C8] =	vst v63  }
0xa4: {  	_ =	swait.ge [sflag:s2], $0x1868  }
0xa5: {  	[sflag:s2] =	ssyncset.done $0x0  }
0xa6: {  	[sflag:s2] =	ssyncadd.s32 $0xFFFFE798  }
0xa7: {  	[spmem:s1] =	stream.linear.scatter [tilespmem:s22], [sflag:$0x9], $0x1868, $0x38;
	[tilespmem:$0x1E8C8] =	vst v63  }
0xa8: {  	_ =	swait.ge [sflag:s15], $0x1868  }
0xa9: {  	s29 =	sld [smem:$0x7DF]  }
0xaa: {  	[sflag:s15] =	ssyncset.done $0x0  }
0xab: {  	[sflag:s15] =	ssyncadd.s32 $0xFFFFE798  }
0xac: {  	[tilespmem:s22], [sflag:$0x3] =	stream.linear.gather [hbm4b:s29+s6], $0x1868, $0x38;
	[tilespmem:$0x1E8C8] =	vst v63  }
0xad: {  	_ =	swait.ge [sflag:s3], $0x1868  }
0xae: {  	s30 =	sld [smem:$0x7F2]  }
0xaf: {  	[sflag:s3] =	ssyncset.done $0x0  }
0xb0: {  	[sflag:s3] =	ssyncadd.s32 $0xFFFFE798  }
0xb1: {  	[spmem:s30] =	stream.linear.scatter [tilespmem:s23], [sflag:$0x9], $0x1868, $0x38;
	[tilespmem:$0x1E8C8] =	vst v63  }
0xb2: {  	_ =	swait.ge [sflag:s15], $0x1868  }
0xb3: {  	s24 =	sld [smem:$0x7E0]  }
0xb4: {  	[sflag:s15] =	ssyncset.done $0x0  }
0xb5: {  	[sflag:s15] =	ssyncadd.s32 $0xFFFFE798  }
0xb6: {  	[tilespmem:s23], [sflag:$0x4] =	stream.linear.gather [hbm4b:s24+s6], $0x1868, $0x38;
	[tilespmem:$0x1E8C8] =	vst v63  }
0xb7: {  	_ =	swait.ge [sflag:s2], $0x1868  }
0xb8: {  	s26 =	sld [smem:$0x7F3]  }
0xb9: {  	[sflag:s2] =	ssyncset.done $0x0  }
0xba: {  	[sflag:s2] =	ssyncadd.s32 $0xFFFFE798  }
0xbb: {  	[spmem:s26] =	stream.linear.scatter [tilespmem:s22], [sflag:$0x9], $0x1868, $0x38;
	[tilespmem:$0x1E8C8] =	vst v63  }
0xbc: {  	_ =	swait.ge [sflag:s15], $0x1868  }
0xbd: {  	s29 =	sld [smem:$0x7E1]  }
0xbe: {  	[sflag:s15] =	ssyncset.done $0x0  }
0xbf: {  	[sflag:s15] =	ssyncadd.s32 $0xFFFFE798  }
0xc0: {  	[tilespmem:s22], [sflag:$0x3] =	stream.linear.gather [hbm4b:s29+s6], $0x1868, $0x38;
	[tilespmem:$0x1E8C8] =	vst v63  }
0xc1: {  	_ =	swait.ge [sflag:s3], $0x1868  }
0xc2: {  	[sflag:s3] =	ssyncset.done $0x0  }
0xc3: {  	[sflag:s3] =	ssyncadd.s32 $0xFFFFE798  }
0xc4: {  	[spmem:s8] =	stream.linear.scatter [tilespmem:s23], [sflag:$0x9], $0x1868, $0x38;
	[tilespmem:$0x1E8C8] =	vst v63  }
0xc5: {  	_ =	swait.ge [sflag:s15], $0x1868  }
0xc6: {  	s30 =	sld [smem:$0x7E2]  }
0xc7: {  	[sflag:s15] =	ssyncset.done $0x0  }
0xc8: {  	[sflag:s15] =	ssyncadd.s32 $0xFFFFE798  }
0xc9: {  	[tilespmem:s23], [sflag:$0x4] =	stream.linear.gather [hbm4b:s30+s6], $0x1868, $0x38;
	[tilespmem:$0x1E8C8] =	vst v63  }
0xca: {  	_ =	swait.ge [sflag:s2], $0x1868  }
0xcb: {  	[sflag:s2] =	ssyncset.done $0x0  }
0xcc: {  	[sflag:s2] =	ssyncadd.s32 $0xFFFFE798  }
0xcd: {  	[spmem:s9] =	stream.linear.scatter [tilespmem:s22], [sflag:$0x9], $0x1868, $0x38;
	[tilespmem:$0x1E8C8] =	vst v63  }
0xce: {  	_ =	swait.ge [sflag:s15], $0x1868  }
0xcf: {  	s24 =	sld [smem:$0x7E3]  }
0xd0: {  	[sflag:s15] =	ssyncset.done $0x0  }
0xd1: {  	[sflag:s15] =	ssyncadd.s32 $0xFFFFE798  }
0xd2: {  	[tilespmem:s22], [sflag:$0x3] =	stream.linear.gather [hbm4b:s24+s6], $0x1868, $0x38;
	[tilespmem:$0x1E8C8] =	vst v63  }
0xd3: {  	_ =	swait.ge [sflag:s3], $0x1868  }
0xd4: {  	[sflag:s3] =	ssyncset.done $0x0  }
0xd5: {  	[sflag:s3] =	ssyncadd.s32 $0xFFFFE798  }
0xd6: {  	[spmem:s10] =	stream.linear.scatter [tilespmem:s23], [sflag:$0x9], $0x1868, $0x38;
	[tilespmem:$0x1E8C8] =	vst v63  }
0xd7: {  	_ =	swait.ge [sflag:s15], $0x1868  }
0xd8: {  	s26 =	sld [smem:$0x7E4]  }
0xd9: {  	[sflag:s15] =	ssyncset.done $0x0  }
0xda: {  	[sflag:s15] =	ssyncadd.s32 $0xFFFFE798  }
0xdb: {  	[tilespmem:s23], [sflag:$0x4] =	stream.linear.gather [hbm4b:s26+s6], $0x1868, $0x38;
	[tilespmem:$0x1E8C8] =	vst v63  }
0xdc: {  	_ =	swait.ge [sflag:s2], $0x1868  }
0xdd: {  	[sflag:s2] =	ssyncset.done $0x0  }
0xde: {  	[sflag:s2] =	ssyncadd.s32 $0xFFFFE798  }
0xdf: {  	[spmem:s11] =	stream.linear.scatter [tilespmem:s22], [sflag:$0x9], $0x1868, $0x38;
	[tilespmem:$0x1E8C8] =	vst v63  }
0xe0: {  	_ =	swait.ge [sflag:s15], $0x1868  }
0xe1: {  	s29 =	sld [smem:$0x7E5]  }
0xe2: {  	[sflag:s15] =	ssyncset.done $0x0  }
0xe3: {  	[sflag:s15] =	ssyncadd.s32 $0xFFFFE798  }
0xe4: {  	[tilespmem:s22], [sflag:$0x3] =	stream.linear.gather [hbm4b:s29+s6], $0x1868, $0x38;
	[tilespmem:$0x1E8C8] =	vst v63  }
0xe5: {  	_ =	swait.ge [sflag:s3], $0x1868  }
0xe6: {  	[sflag:s3] =	ssyncset.done $0x0  }
0xe7: {  	[sflag:s3] =	ssyncadd.s32 $0xFFFFE798  }
0xe8: {  	[spmem:s12] =	stream.linear.scatter [tilespmem:s23], [sflag:$0x9], $0x1868, $0x38;
	[tilespmem:$0x1E8C8] =	vst v63  }
0xe9: {  	_ =	swait.ge [sflag:s15], $0x1868  }
0xea: {  	s30 =	sld [smem:$0x7E6]  }
0xeb: {  	[sflag:s15] =	ssyncset.done $0x0  }
0xec: {  	[sflag:s15] =	ssyncadd.s32 $0xFFFFE798  }
0xed: {  	[tilespmem:s23], [sflag:$0x4] =	stream.linear.gather [hbm4b:s30+s6], $0x1868, $0x38;
	[tilespmem:$0x1E8C8] =	vst v63  }
0xee: {  	_ =	swait.ge [sflag:s2], $0x1868  }
0xef: {  	[sflag:s2] =	ssyncset.done $0x0  }
.Ltmp2:
0xf0: {  	[sflag:s2] =	ssyncadd.s32 $0xFFFFE798;
	(pc) =	sbr.rel @!p0 .LBB3_2-.Ltmp2, $4  }
0xf1: {  	[spmem:s13] =	stream.linear.scatter [tilespmem:s22], [sflag:$0x9], $0x1868, $0x38;
	[tilespmem:$0x1E8C8] =	vst v63  }
0xf2: {  	_ =	swait.ge [sflag:s15], $0x1868  }
0xf3: {  	[sflag:s15] =	ssyncset.done $0x0  }
0xf4: {  	[sflag:s15] =	ssyncadd.s32 $0xFFFFE798  }
0xf5: {  	_ =	swait.ge [sflag:s3], $0x1868  }
0xf6: {  	[sflag:s3] =	ssyncset.done $0x0  }
.Ltmp3:
0xf7: {  	[sflag:s3] =	ssyncadd.s32 $0xFFFFE798;
	(pc) =	sbr.rel .LBB3_4-.Ltmp3, $4  }
0xf8: {  	[spmem:s14] =	stream.linear.scatter [tilespmem:s23], [sflag:$0x9], $0x1868, $0x38;
	[tilespmem:$0x1E8C8] =	vst v63  }
0xf9: {  	_ =	swait.ge [sflag:s15], $0x1868  }
0xfa: {  	[sflag:s15] =	ssyncset.done $0x0  }
0xfb: {  	[sflag:s15] =	ssyncadd.s32 $0xFFFFE798  }
.LBB3_2:
0xfc: {  	s7 =	sld [smem:$0x7E7];
	_ =	sdelay $0x2  }
0xfd: {  	[tilespmem:s22], [sflag:$0x3] =	stream.linear.gather [hbm4b:s7+s6], $0x20, $0x38;
	[tilespmem:$0x1E8C8] =	vst v63  }
0xfe: {  	_ =	swait.ge [sflag:s3], $0x1868  }
0xff: {  	[sflag:s3] =	ssyncset.done $0x0  }
0x100: {  	[sflag:s3] =	ssyncadd.s32 $0xFFFFE798  }
0x101: {  	[spmem:s14] =	stream.linear.scatter [tilespmem:s23], [sflag:$0x9], $0x1868, $0x38;
	[tilespmem:$0x1E8C8] =	vst v63  }
0x102: {  	_ =	swait.ge [sflag:s15], $0x1868  }
0x103: {  	s26 =	sld [smem:$0x7E8]  }
0x104: {  	[sflag:s15] =	ssyncset.done $0x0  }
0x105: {  	[sflag:s15] =	ssyncadd.s32 $0xFFFFE798  }
0x106: {  	[tilespmem:s23], [sflag:$0x4] =	stream.linear.gather [hbm4b:s26+s6], $0x20, $0x38;
	[tilespmem:$0x1E8C8] =	vst v63  }
0x107: {  	_ =	swait.ge [sflag:s2], $0x20  }
0x108: {  	s29 =	sld [smem:$0x7F4]  }
0x109: {  	[sflag:s2] =	ssyncset.done $0x0  }
0x10a: {  	[sflag:s2] =	ssyncadd.s32 $0xFFFFFFE0  }
0x10b: {  	[spmem:s29] =	stream.linear.scatter [tilespmem:s22], [sflag:$0x9], $0x20, $0x38;
	[tilespmem:$0x1E8C8] =	vst v63  }
0x10c: {  	_ =	swait.ge [sflag:s15], $0x20  }
0x10d: {  	s30 =	sld [smem:$0x7E9]  }
0x10e: {  	[sflag:s15] =	ssyncset.done $0x0  }
0x10f: {  	[sflag:s15] =	ssyncadd.s32 $0xFFFFFFE0  }
0x110: {  	[tilespmem:s22], [sflag:$0x3] =	stream.linear.gather [hbm4b:s30+s6], $0x20, $0x38;
	[tilespmem:$0x1E8C8] =	vst v63  }
0x111: {  	_ =	swait.ge [sflag:s3], $0x20  }
0x112: {  	s24 =	sld [smem:$0x7F5]  }
0x113: {  	[sflag:s3] =	ssyncset.done $0x0  }
0x114: {  	[sflag:s3] =	ssyncadd.s32 $0xFFFFFFE0  }
0x115: {  	[spmem:s24] =	stream.linear.scatter [tilespmem:s23], [sflag:$0x9], $0x20, $0x38;
	[tilespmem:$0x1E8C8] =	vst v63  }
0x116: {  	_ =	swait.ge [sflag:s15], $0x20  }
0x117: {  	s26 =	sld [smem:$0x7EA]  }
0x118: {  	[sflag:s15] =	ssyncset.done $0x0  }
0x119: {  	[sflag:s15] =	ssyncadd.s32 $0xFFFFFFE0  }
0x11a: {  	[tilespmem:s23], [sflag:$0x4] =	stream.linear.gather [hbm4b:s26+s6], $0x20, $0x38;
	[tilespmem:$0x1E8C8] =	vst v63  }
0x11b: {  	_ =	swait.ge [sflag:s2], $0x20  }
0x11c: {  	s29 =	sld [smem:$0x7F6]  }
0x11d: {  	[sflag:s2] =	ssyncset.done $0x0  }
0x11e: {  	[sflag:s2] =	ssyncadd.s32 $0xFFFFFFE0  }
0x11f: {  	[spmem:s29] =	stream.linear.scatter [tilespmem:s22], [sflag:$0x9], $0x20, $0x38;
	[tilespmem:$0x1E8C8] =	vst v63  }
0x120: {  	_ =	swait.ge [sflag:s15], $0x20  }
0x121: {  	s30 =	sld [smem:$0x7EB]  }
0x122: {  	[sflag:s15] =	ssyncset.done $0x0  }
0x123: {  	[sflag:s15] =	ssyncadd.s32 $0xFFFFFFE0  }
0x124: {  	[tilespmem:s22], [sflag:$0x3] =	stream.linear.gather [hbm4b:s30+s6], $0x20, $0x38;
	[tilespmem:$0x1E8C8] =	vst v63  }
0x125: {  	_ =	swait.ge [sflag:s3], $0x20  }
0x126: {  	s24 =	sld [smem:$0x7F7]  }
0x127: {  	[sflag:s3] =	ssyncset.done $0x0  }
0x128: {  	[sflag:s3] =	ssyncadd.s32 $0xFFFFFFE0  }
0x129: {  	[spmem:s24] =	stream.linear.scatter [tilespmem:s23], [sflag:$0x9], $0x20, $0x38;
	[tilespmem:$0x1E8C8] =	vst v63  }
0x12a: {  	_ =	swait.ge [sflag:s15], $0x20  }
0x12b: {  	s26 =	sld [smem:$0x7EC]  }
0x12c: {  	[sflag:s15] =	ssyncset.done $0x0  }
0x12d: {  	[sflag:s15] =	ssyncadd.s32 $0xFFFFFFE0  }
0x12e: {  	[tilespmem:s23], [sflag:$0x4] =	stream.linear.gather [hbm4b:s26+s6], $0x20, $0x38;
	[tilespmem:$0x1E8C8] =	vst v63  }
0x12f: {  	_ =	swait.ge [sflag:s2], $0x20  }
0x130: {  	s29 =	sld [smem:$0x7F8]  }
0x131: {  	[sflag:s2] =	ssyncset.done $0x0  }
0x132: {  	[sflag:s2] =	ssyncadd.s32 $0xFFFFFFE0  }
0x133: {  	[spmem:s29] =	stream.linear.scatter [tilespmem:s22], [sflag:$0x9], $0x20, $0x38;
	[tilespmem:$0x1E8C8] =	vst v63  }
0x134: {  	_ =	swait.ge [sflag:s15], $0x20  }
0x135: {  	s30 =	sld [smem:$0x7ED]  }
0x136: {  	[sflag:s15] =	ssyncset.done $0x0  }
0x137: {  	[sflag:s15] =	ssyncadd.s32 $0xFFFFFFE0  }
0x138: {  	[tilespmem:s22], [sflag:$0x3] =	stream.linear.gather [hbm4b:s30+s6], $0x20, $0x38;
	[tilespmem:$0x1E8C8] =	vst v63  }
0x139: {  	_ =	swait.ge [sflag:s3], $0x20  }
0x13a: {  	s24 =	sld [smem:$0x7F9]  }
0x13b: {  	[sflag:s3] =	ssyncset.done $0x0  }
0x13c: {  	[sflag:s3] =	ssyncadd.s32 $0xFFFFFFE0  }
0x13d: {  	[spmem:s24] =	stream.linear.scatter [tilespmem:s23], [sflag:$0x9], $0x20, $0x38;
	[tilespmem:$0x1E8C8] =	vst v63  }
0x13e: {  	_ =	swait.ge [sflag:s15], $0x20  }
0x13f: {  	s26 =	sld [smem:$0x7EE]  }
0x140: {  	[sflag:s15] =	ssyncset.done $0x0  }
0x141: {  	[sflag:s15] =	ssyncadd.s32 $0xFFFFFFE0  }
0x142: {  	[tilespmem:s23], [sflag:$0x4] =	stream.linear.gather [hbm4b:s26+s6], $0x20, $0x38;
	[tilespmem:$0x1E8C8] =	vst v63  }
0x143: {  	_ =	swait.ge [sflag:s2], $0x20  }
0x144: {  	s29 =	sld [smem:$0x7FA]  }
0x145: {  	[sflag:s2] =	ssyncset.done $0x0  }
0x146: {  	[sflag:s2] =	ssyncadd.s32 $0xFFFFFFE0  }
0x147: {  	[spmem:s29] =	stream.linear.scatter [tilespmem:s22], [sflag:$0x9], $0x20, $0x38;
	[tilespmem:$0x1E8C8] =	vst v63  }
0x148: {  	_ =	swait.ge [sflag:s15], $0x20  }
0x149: {  	s30 =	sld [smem:$0x7EF]  }
0x14a: {  	[sflag:s15] =	ssyncset.done $0x0  }
0x14b: {  	[sflag:s15] =	ssyncadd.s32 $0xFFFFFFE0  }
0x14c: {  	[tilespmem:s22], [sflag:$0x3] =	stream.linear.gather [hbm4b:s30+s6], $0x20, $0x38;
	[tilespmem:$0x1E8C8] =	vst v63  }
0x14d: {  	_ =	swait.ge [sflag:s3], $0x20  }
0x14e: {  	s24 =	sld [smem:$0x7FB]  }
0x14f: {  	[sflag:s3] =	ssyncset.done $0x0  }
0x150: {  	[sflag:s3] =	ssyncadd.s32 $0xFFFFFFE0  }
0x151: {  	[spmem:s24] =	stream.linear.scatter [tilespmem:s23], [sflag:$0x9], $0x20, $0x38;
	[tilespmem:$0x1E8C8] =	vst v63  }
0x152: {  	_ =	swait.ge [sflag:s15], $0x20  }
0x153: {  	s26 =	sld [smem:$0x7F0]  }
0x154: {  	[sflag:s15] =	ssyncset.done $0x0  }
0x155: {  	[sflag:s15] =	ssyncadd.s32 $0xFFFFFFE0  }
0x156: {  	[tilespmem:s23], [sflag:$0x4] =	stream.linear.gather [hbm4b:s26+s6], $0x20, $0x38;
	[tilespmem:$0x1E8C8] =	vst v63  }
0x157: {  	_ =	swait.ge [sflag:s2], $0x20  }
0x158: {  	s29 =	sld [smem:$0x7FC]  }
0x159: {  	[sflag:s2] =	ssyncset.done $0x0  }
0x15a: {  	[sflag:s2] =	ssyncadd.s32 $0xFFFFFFE0  }
0x15b: {  	[spmem:s29] =	stream.linear.scatter [tilespmem:s22], [sflag:$0x9], $0x20, $0x38;
	[tilespmem:$0x1E8C8] =	vst v63  }
0x15c: {  	_ =	swait.ge [sflag:s15], $0x20  }
0x15d: {  	[sflag:s15] =	ssyncset.done $0x0  }
0x15e: {  	[sflag:s15] =	ssyncadd.s32 $0xFFFFFFE0  }
0x15f: {  	_ =	swait.ge [sflag:s3], $0x20  }
0x160: {  	s30 =	sld [smem:$0x7FD]  }
0x161: {  	[sflag:s3] =	ssyncset.done $0x0  }
0x162: {  	[sflag:s3] =	ssyncadd.s32 $0xFFFFFFE0  }
0x163: {  	[spmem:s30] =	stream.linear.scatter [tilespmem:s23], [sflag:$0x9], $0x20, $0x38;
	[tilespmem:$0x1E8C8] =	vst v63  }
0x164: {  	_ =	swait.ge [sflag:s15], $0x20  }
0x165: {  	[sflag:s15] =	ssyncset.done $0x0  }
0x166: {  	[sflag:s15] =	ssyncadd.s32 $0xFFFFFFE0  }
.LBB3_4:
0x167: {  	_ =	swait.ge [sflag:s4], $0x1E80  }
0x168: {  	[sflag:s4] =	ssyncset.done $0x0  }
0x169: {  	[sflag:s4] =	ssyncadd.s32 $0xFFFFE180  }
0x16a: {  	_ =	swait.ge [sflag:s4], $0x1E80  }
0x16b: {  	[sflag:s4] =	ssyncset.done $0x0  }
0x16c: {  	[sflag:s4] =	ssyncadd.s32 $0xFFFFE180  }
0x16d: {  	_ =	swait.ge [sflag:s4], $0x1E80  }
0x16e: {  	[sflag:s4] =	ssyncset.done $0x0  }
0x16f: {  	s24 =	simm.s32 $0x3D40;
	[sflag:s4] =	ssyncadd.s32 $0xFFFFE180  }
0x170: {  	v0 =	vld [tilespmem:s24+$0x30]  }
0x171: {  	s7 =	simm.s32 $0x40;
	v1 =	vld [tilespmem:s24+$0xFFFFFFD0]  }
0x172: {  	v2 =	vld [tilespmem:s7+$0x30]  }
0x173: {  	v3 =	vld [tilespmem:s24+$0xFFFFFFE0]  }
0x174: {  	v4 =	vld [tilespmem:s24+$0xFFFFFFF0]  }
0x175: {  	v7 =	vld [tilespmem:s24+$0x0]  }
0x176: {  	v9 =	vld [tilespmem:s24+$0x10]  }
0x177: {  	v10 =	vld [tilespmem:s24+$0x20]  }
0x178: {  	v6 =	vld [tilespmem:s24+$0xFFFFFFC0]  }
0x179: {  	v11 =	vld [tilespmem:s7+$0xFFFFFFC0]  }
0x17a: {  	v12 =	vld [tilespmem:s7+$0xFFFFFFD0]  }
0x17b: {  	v8 =	vld [tilespmem:s7+$0xFFFFFFE0]  }
0x17c: {  	v5 =	vld [tilespmem:s7+$0xFFFFFFF0];
	v0 =	vmul.u32 $0x186A0, v0;
	v13 =	vmul.u32 $0x186A0, v1  }
0x17d: {  	v3 =	vmul.u32 $0x186A0, v3;
	v14 =	vmul.u32 $0x186A0, v6;
	v6 =	vld [tilespmem:s7+$0x0];
	v4 =	vmul.u32 $0x186A0, v4  }
0x17e: {  	v1 =	vadd.s32 v2, v0;
	v2 =	vmul.u32 $0x186A0, v7;
	v0 =	vmul.u32 $0x186A0, v9;
	v7 =	vld [tilespmem:s7+$0x10]  }
0x17f: {  	s26 =	simm.s32 $0x0;
	s29 =	simm.s32 $0x3DC0;
	v11 =	vadd.s32 v11, v14;
	v9 =	vld [tilespmem:s7+$0x20];
	[tilespmem:s24+$0x30] =	vst v1;
	v1 =	vmul.u32 $0x186A0, v10;
	v10 =	vadd.s32 v12, v13  }
.LBB3_5:
0x180: {  	v12 =	vld [tilespmem:s29+$0x30];
	s26 =	sadd.s32 $0x80, s26;
	[tilespmem:s24+$0xFFFFFFC0] =	vst v11;
	v3 =	vadd.s32 v8, v3  }
0x181: {  	s7 =	sadd.s32 $0x80, s7;
	v8 =	vld [tilespmem:s29+$0xFFFFFFD0];
	p2 =	slt.u32 s26, $0x1E00;
	[tilespmem:s24+$0xFFFFFFD0] =	vst v10;
	v4 =	vadd.s32 v5, v4  }
0x182: {  	v5 =	vld [tilespmem:s7+$0x30];
	[tilespmem:s24+$0xFFFFFFE0] =	vst v3;
	v2 =	vadd.s32 v6, v2  }
0x183: {  	v3 =	vld [tilespmem:s29+$0xFFFFFFE0];
	[tilespmem:s24+$0xFFFFFFF0] =	vst v4;
	v0 =	vadd.s32 v7, v0  }
0x184: {  	v4 =	vld [tilespmem:s29+$0xFFFFFFF0];
	[tilespmem:s24+$0x0] =	vst v2;
	v1 =	vadd.s32 v9, v1  }
0x185: {  	v2 =	vld [tilespmem:s29+$0x0];
	v6 =	vmul.u32 $0x186A0, v12;
	[tilespmem:s24+$0x10] =	vst v0  }
0x186: {  	v9 =	vmul.u32 $0x186A0, v8;
	v0 =	vld [tilespmem:s29+$0x10];
	[tilespmem:s24+$0x20] =	vst v1;
	s24 =	smov.u32 s29  }
0x187: {  	v1 =	vld [tilespmem:s29+$0x20];
	v5 =	vadd.s32 v5, v6  }
0x188: {  	v6 =	vld [tilespmem:s29+$0xFFFFFFC0];
	v3 =	vmul.u32 $0x186A0, v3;
	[tilespmem:s29+$0x30] =	vst v5  }
0x189: {  	v10 =	vld [tilespmem:s7+$0xFFFFFFC0];
	v4 =	vmul.u32 $0x186A0, v4  }
0x18a: {  	v12 =	vld [tilespmem:s7+$0xFFFFFFD0];
	v2 =	vmul.u32 $0x186A0, v2  }
.Ltmp4:
0x18b: {  	v8 =	vld [tilespmem:s7+$0xFFFFFFE0];
	v0 =	vmul.u32 $0x186A0, v0;
	(pc) =	sbr.rel @p2 .LBB3_5-.Ltmp4, $4  }
0x18c: {  	v5 =	vld [tilespmem:s7+$0xFFFFFFF0];
	v1 =	vmul.u32 $0x186A0, v1  }
0x18d: {  	v11 =	vmul.u32 $0x186A0, v6;
	v6 =	vld [tilespmem:s7+$0x0]  }
0x18e: {  	v7 =	vld [tilespmem:s7+$0x10]  }
0x18f: {  	s29 =	sadd.s32 $0x80, s29;
	v11 =	vadd.s32 v10, v11;
	v10 =	vadd.s32 v12, v9;
	v9 =	vld [tilespmem:s7+$0x20]  }
0x190: {  	[tilespmem:s24+$0xFFFFFFC0] =	vst v11  }
0x191: {  	v3 =	vadd.s32 v8, v3;
	[tilespmem:s24+$0xFFFFFFD0] =	vst v10  }
0x192: {  	v4 =	vadd.s32 v5, v4;
	[tilespmem:s24+$0xFFFFFFE0] =	vst v3  }
0x193: {  	v2 =	vadd.s32 v6, v2;
	[tilespmem:s24+$0xFFFFFFF0] =	vst v4  }
0x194: {  	v0 =	vadd.s32 v7, v0;
	[tilespmem:s24+$0x0] =	vst v2  }
0x195: {  	v1 =	vadd.s32 v9, v1;
	[tilespmem:s24+$0x10] =	vst v0  }
0x196: {  	[tilespmem:s24+$0x20] =	vst v1  }
0x197: {  	[bflag:$0x0] =	sbarrier.arrive $0xFFFF  }
0x198: {  	[tilespmem:s22], [sflag:$0x5] =	stream.indirect.gather [spmem:s0], $0x1, s16, s18, $0xb8;
	[tilespmem:$0x1E8C8] =	vst v63  }
0x199: {  	_ =	swait.ge [sflag:s5], $0x1E80  }
0x19a: {  	[sflag:s5] =	ssyncset.done $0x0  }
0x19b: {  	[sflag:s5] =	ssyncadd.s32 $0xFFFFE180  }
0x19c: {  	_ =	swait.ge [sflag:s5], $0x1E80  }
0x19d: {  	[sflag:s5] =	ssyncset.done $0x0  }
0x19e: {  	[sflag:s5] =	ssyncadd.s32 $0xFFFFE180  }
0x19f: {  	_ =	swait.ge [sflag:s5], $0x1E80  }
0x1a0: {  	[sflag:s5] =	ssyncset.done $0x0  }
0x1a1: {  	s24 =	simm.s32 $0x5BC0;
	[sflag:s5] =	ssyncadd.s32 $0xFFFFE180  }
0x1a2: {  	v0 =	vld [tilespmem:s24+$0x30]  }
0x1a3: {  	s7 =	simm.s32 $0x1EC0;
	v1 =	vld [tilespmem:s24+$0xFFFFFFD0]  }
0x1a4: {  	v2 =	vld [tilespmem:s7+$0x30]  }
0x1a5: {  	v3 =	vld [tilespmem:s24+$0xFFFFFFE0]  }
0x1a6: {  	v4 =	vld [tilespmem:s24+$0xFFFFFFF0]  }
0x1a7: {  	v7 =	vld [tilespmem:s24+$0x0]  }
0x1a8: {  	v9 =	vld [tilespmem:s24+$0x10]  }
0x1a9: {  	v10 =	vld [tilespmem:s24+$0x20]  }
0x1aa: {  	v6 =	vld [tilespmem:s24+$0xFFFFFFC0]  }
0x1ab: {  	v11 =	vld [tilespmem:s7+$0xFFFFFFC0]  }
0x1ac: {  	v12 =	vld [tilespmem:s7+$0xFFFFFFD0]  }
0x1ad: {  	v8 =	vld [tilespmem:s7+$0xFFFFFFE0]  }
0x1ae: {  	v5 =	vld [tilespmem:s7+$0xFFFFFFF0];
	v0 =	vmul.u32 $0x186A0, v0;
	v13 =	vmul.u32 $0x186A0, v1  }
0x1af: {  	v3 =	vmul.u32 $0x186A0, v3;
	v14 =	vmul.u32 $0x186A0, v6;
	v6 =	vld [tilespmem:s7+$0x0];
	v4 =	vmul.u32 $0x186A0, v4  }
0x1b0: {  	v1 =	vadd.s32 v2, v0;
	v2 =	vmul.u32 $0x186A0, v7;
	v0 =	vmul.u32 $0x186A0, v9;
	v7 =	vld [tilespmem:s7+$0x10]  }
0x1b1: {  	s26 =	simm.s32 $0x0;
	s29 =	simm.s32 $0x5C40;
	v11 =	vadd.s32 v11, v14;
	v9 =	vld [tilespmem:s7+$0x20];
	[tilespmem:s24+$0x30] =	vst v1;
	v1 =	vmul.u32 $0x186A0, v10;
	v10 =	vadd.s32 v12, v13  }
.LBB3_7:
0x1b2: {  	v12 =	vld [tilespmem:s29+$0x30];
	s26 =	sadd.s32 $0x80, s26;
	[tilespmem:s24+$0xFFFFFFC0] =	vst v11;
	v3 =	vadd.s32 v8, v3  }
0x1b3: {  	s7 =	sadd.s32 $0x80, s7;
	v8 =	vld [tilespmem:s29+$0xFFFFFFD0];
	p2 =	slt.u32 s26, $0x1E00;
	[tilespmem:s24+$0xFFFFFFD0] =	vst v10;
	v4 =	vadd.s32 v5, v4  }
0x1b4: {  	v5 =	vld [tilespmem:s7+$0x30];
	[tilespmem:s24+$0xFFFFFFE0] =	vst v3;
	v2 =	vadd.s32 v6, v2  }
0x1b5: {  	v3 =	vld [tilespmem:s29+$0xFFFFFFE0];
	[tilespmem:s24+$0xFFFFFFF0] =	vst v4;
	v0 =	vadd.s32 v7, v0  }
0x1b6: {  	v4 =	vld [tilespmem:s29+$0xFFFFFFF0];
	[tilespmem:s24+$0x0] =	vst v2;
	v1 =	vadd.s32 v9, v1  }
0x1b7: {  	v2 =	vld [tilespmem:s29+$0x0];
	v6 =	vmul.u32 $0x186A0, v12;
	[tilespmem:s24+$0x10] =	vst v0  }
0x1b8: {  	v9 =	vmul.u32 $0x186A0, v8;
	v0 =	vld [tilespmem:s29+$0x10];
	[tilespmem:s24+$0x20] =	vst v1;
	s24 =	smov.u32 s29  }
0x1b9: {  	v1 =	vld [tilespmem:s29+$0x20];
	v5 =	vadd.s32 v5, v6  }
0x1ba: {  	v6 =	vld [tilespmem:s29+$0xFFFFFFC0];
	v3 =	vmul.u32 $0x186A0, v3;
	[tilespmem:s29+$0x30] =	vst v5  }
0x1bb: {  	v10 =	vld [tilespmem:s7+$0xFFFFFFC0];
	v4 =	vmul.u32 $0x186A0, v4  }
0x1bc: {  	v12 =	vld [tilespmem:s7+$0xFFFFFFD0];
	v2 =	vmul.u32 $0x186A0, v2  }
.Ltmp5:
0x1bd: {  	v8 =	vld [tilespmem:s7+$0xFFFFFFE0];
	v0 =	vmul.u32 $0x186A0, v0;
	(pc) =	sbr.rel @p2 .LBB3_7-.Ltmp5, $4  }
0x1be: {  	v5 =	vld [tilespmem:s7+$0xFFFFFFF0];
	v1 =	vmul.u32 $0x186A0, v1  }
0x1bf: {  	v11 =	vmul.u32 $0x186A0, v6;
	v6 =	vld [tilespmem:s7+$0x0]  }
0x1c0: {  	v7 =	vld [tilespmem:s7+$0x10]  }
0x1c1: {  	s29 =	sadd.s32 $0x80, s29;
	v11 =	vadd.s32 v10, v11;
	v10 =	vadd.s32 v12, v9;
	v9 =	vld [tilespmem:s7+$0x20]  }
0x1c2: {  	[tilespmem:s24+$0xFFFFFFC0] =	vst v11  }
0x1c3: {  	v3 =	vadd.s32 v8, v3;
	[tilespmem:s24+$0xFFFFFFD0] =	vst v10  }
0x1c4: {  	v4 =	vadd.s32 v5, v4;
	[tilespmem:s24+$0xFFFFFFE0] =	vst v3  }
0x1c5: {  	v2 =	vadd.s32 v6, v2;
	[tilespmem:s24+$0xFFFFFFF0] =	vst v4  }
0x1c6: {  	v0 =	vadd.s32 v7, v0;
	[tilespmem:s24+$0x0] =	vst v2  }
0x1c7: {  	v1 =	vadd.s32 v9, v1;
	[tilespmem:s24+$0x10] =	vst v0  }
0x1c8: {  	[tilespmem:s24+$0x20] =	vst v1  }
0x1c9: {  	[tilespmem:s23], [sflag:$0x6] =	stream.indirect.gather [spmem:s0], $0x1, s20, s18, $0xb8;
	[tilespmem:$0x1E8C8] =	vst v63  }
0x1ca: {  	_ =	swait.ge [sflag:s19], $0x1E80  }
0x1cb: {  	[sflag:s19] =	ssyncset.done $0x0  }
0x1cc: {  	s7 =	rddreg [dreg:$0x14];
	[sflag:s19] =	ssyncadd.s32 $0xFFFFE180  }
0x1cd: {  	[tilespmem:s6], [sflag:$0x1] =	stream.linear.gather [hbm4b:s7+s6], $0x1E80, $0x38;
	[tilespmem:$0x1E8C8] =	vst v63  }
0x1ce: {  	s26 =	rddreg [dreg:$0x17]  }
0x1cf: {  	[tilespmem:s16], [sflag:$0x1] =	stream.linear.gather [hbm4b:s26+s6], $0x1E80, $0x38;
	[tilespmem:$0x1E8C8] =	vst v63  }
0x1d0: {  	s24 =	rddreg [dreg:$0x18]  }
0x1d1: {  	[tilespmem:s17], [sflag:$0x1] =	stream.linear.gather [hbm4b:s24+s6], $0x1E80, $0x38;
	[tilespmem:$0x1E8C8] =	vst v63  }
0x1d2: {  	s24 =	simm.s32 $0x7A40  }
0x1d3: {  	v0 =	vld [tilespmem:s24+$0x30]  }
0x1d4: {  	s26 =	simm.s32 $0xB740;
	v1 =	vld [tilespmem:s24+$0xFFFFFFD0]  }
0x1d5: {  	v2 =	vld [tilespmem:s26+$0x30]  }
0x1d6: {  	v3 =	vld [tilespmem:s24+$0xFFFFFFE0]  }
0x1d7: {  	v4 =	vld [tilespmem:s24+$0xFFFFFFF0]  }
0x1d8: {  	v5 =	vld [tilespmem:s24+$0x0]  }
0x1d9: {  	v7 =	vld [tilespmem:s24+$0x10]  }
0x1da: {  	v10 =	vld [tilespmem:s24+$0xFFFFFFC0]  }
0x1db: {  	v13 =	vld [tilespmem:s26+$0xFFFFFFC0];
	v6 =	vsub.f32 $1.000000000e+00, v0  }
0x1dc: {  	v15 =	vld [tilespmem:s26+$0xFFFFFFE0]  }
0x1dd: {  	v8 =	vld [tilespmem:s24+$0x20];
	v9 =	vsub.f32 $1.000000000e+00, v2;
	v6 =	vmul.f32 $1.111111120e-01, v6  }
0x1de: {  	v19 =	vld [tilespmem:s26+$0x0];
	v11 =	vsub.f32 $1.000000000e+00, v1;
	v12 =	vsub.f32 $1.000000000e+00, v3  }
0x1df: {  	v14 =	vsub.f32 $1.000000000e+00, v4;
	v0 =	vmul.f32 v2, v0;
	v2 =	vmul.f32 v9, v6;
	v6 =	vld [tilespmem:s26+$0xFFFFFFD0]  }
0x1e0: {  	v22 =	vld [tilespmem:s26+$0x20];
	v16 =	vsub.f32 $1.000000000e+00, v7;
	v18 =	vsub.f32 $1.000000000e+00, v10;
	v10 =	vmul.f32 v13, v10  }
0x1e1: {  	v25 =	vmul.f32 v15, v3;
	v14 =	vmul.f32 $1.111111120e-01, v14;
	v17 =	vadd.f32 v2, v0;
	v0 =	vld [tilespmem:s26+$0xFFFFFFF0]  }
0x1e2: {  	v20 =	vld [tilespmem:s26+$0x10];
	v9 =	vmul.f32 $1.111111120e-01, v11;
	v11 =	vmul.f32 $1.111111120e-01, v12;
	v12 =	vsub.f32 $1.000000000e+00, v5;
	s26 =	simm.s32 $0x7AC0  }
0x1e3: {  	v13 =	vsub.f32 $1.000000000e+00, v13;
	v16 =	vmul.f32 $1.111111120e-01, v16;
	v18 =	vmul.f32 $1.111111120e-01, v18;
	v24 =	vld [tilespmem:s26+$0x30]  }
0x1e4: {  	v2 =	vmul.f32 $1.111111120e-01, v12;
	v12 =	vsub.f32 $1.000000000e+00, v8;
	v26 =	vld [tilespmem:s26+$0xFFFFFFD0];
	v21 =	vsub.f32 $1.000000000e+00, v6  }
0x1e5: {  	s29 =	simm.s32 $0xB7C0;
	[tilespmem:s24+$0x30] =	vst v17;
	v17 =	vld [tilespmem:s26+$0xFFFFFFC0];
	v23 =	vmul.f32 v6, v1;
	v1 =	vsub.f32 $1.000000000e+00, v15;
	v6 =	vmul.f32 v13, v18  }
0x1e6: {  	v13 =	vld [tilespmem:s29+$0x30];
	v18 =	vmul.f32 v19, v5;
	v5 =	vmul.f32 v22, v8;
	v3 =	vsub.f32 $1.000000000e+00, v0  }
0x1e7: {  	v9 =	vmul.f32 v21, v9;
	v15 =	vmul.f32 v0, v4;
	v0 =	vsub.f32 $1.000000000e+00, v19;
	v4 =	vld [tilespmem:s26+$0xFFFFFFE0]  }
0x1e8: {  	v11 =	vmul.f32 v1, v11;
	v1 =	vsub.f32 $1.000000000e+00, v20;
	v14 =	vmul.f32 v3, v14;
	v3 =	vld [tilespmem:s26+$0xFFFFFFF0]  }
0x1e9: {  	v20 =	vmul.f32 v20, v7;
	v10 =	vadd.f32 v6, v10;
	v21 =	vmul.f32 v0, v2;
	v2 =	vld [tilespmem:s26+$0x0]  }
0x1ea: {  	v7 =	vsub.f32 $1.000000000e+00, v24;
	v8 =	vsub.f32 $1.000000000e+00, v26;
	v16 =	vmul.f32 v1, v16;
	v1 =	vld [tilespmem:s26+$0x10]  }
0x1eb: {  	v12 =	vmul.f32 $1.111111120e-01, v12;
	v0 =	vsub.f32 $1.000000000e+00, v22;
	v9 =	vadd.f32 v9, v23;
	v22 =	vld [tilespmem:s29+$0xFFFFFFC0]  }
0x1ec: {  	v11 =	vadd.f32 v11, v25;
	v23 =	vld [tilespmem:s29+$0xFFFFFFD0];
	v19 =	vsub.f32 $1.000000000e+00, v13;
	v13 =	vmul.f32 v13, v24  }
0x1ed: {  	v6 =	vmul.f32 v0, v12;
	v0 =	vld [tilespmem:s26+$0x20];
	v12 =	vmul.f32 $1.111111120e-01, v7;
	v18 =	vadd.f32 v21, v18  }
0x1ee: {  	[tilespmem:s24+$0xFFFFFFC0] =	vst v10;
	v7 =	vmul.f32 $1.111111120e-01, v8;
	v21 =	vsub.f32 $1.000000000e+00, v17;
	v8 =	vsub.f32 $1.000000000e+00, v4  }
0x1ef: {  	[tilespmem:s24+$0xFFFFFFD0] =	vst v9;
	v15 =	vadd.f32 v14, v15;
	v63 =	vadd.f32 v16, v20;
	v12 =	vmul.f32 v19, v12  }
0x1f0: {  	[tilespmem:s24+$0xFFFFFFE0] =	vst v11;
	v19 =	vld [tilespmem:s29+$0xFFFFFFE0];
	v21 =	vmul.f32 $1.111111120e-01, v21;
	v10 =	vsub.f32 $1.000000000e+00, v3;
	v9 =	vmul.f32 $1.111111120e-01, v8  }
0x1f1: {  	v14 =	vld [tilespmem:s29+$0xFFFFFFF0];
	[tilespmem:s24+$0xFFFFFFF0] =	vst v15;
	v8 =	vsub.f32 $1.000000000e+00, v2;
	v11 =	vsub.f32 $1.000000000e+00, v1;
	v16 =	vmul.f32 v23, v26  }
0x1f2: {  	v15 =	vld [tilespmem:s29+$0x0];
	[tilespmem:s24+$0x0] =	vst v18;
	v12 =	vadd.f32 v12, v13;
	v13 =	vmul.f32 v22, v17;
	v62 =	vsub.f32 $1.000000000e+00, v0  }
0x1f3: {  	[tilespmem:s24+$0x10] =	vst v63;
	v20 =	vsub.f32 $1.000000000e+00, v22;
	v17 =	vld [tilespmem:s29+$0x10];
	v10 =	vmul.f32 $1.111111120e-01, v10;
	v8 =	vmul.f32 $1.111111120e-01, v8  }
0x1f4: {  	s30 =	simm.s32 $0x80;
	s7 =	simm.s32 $0x7B40;
	v18 =	vld [tilespmem:s29+$0x20];
	v22 =	vsub.f32 $1.000000000e+00, v23;
	v11 =	vmul.f32 $1.111111120e-01, v11;
	[tilespmem:s26+$0x30] =	vst v12;
	v12 =	vmul.f32 $1.111111120e-01, v62  }
.LBB3_9:
0x1f5: {  	v23 =	vld [tilespmem:s7+$0x30];
	s30 =	sadd.s32 $0x80, s30;
	v24 =	vmul.f32 v19, v4;
	v4 =	vsub.f32 $1.000000000e+00, v19;
	v5 =	vadd.f32 v6, v5  }
0x1f6: {  	s29 =	sadd.s32 $0x80, s29;
	v25 =	vld [tilespmem:s7+$0xFFFFFFD0];
	p2 =	slt.u32 s30, $0x1E00;
	v6 =	vmul.f32 v20, v21;
	v7 =	vmul.f32 v22, v7;
	v19 =	vsub.f32 $1.000000000e+00, v14  }
0x1f7: {  	v14 =	vmul.f32 v14, v3;
	v20 =	vld [tilespmem:s29+$0x30];
	v9 =	vmul.f32 v4, v9;
	v21 =	vsub.f32 $1.000000000e+00, v15;
	[tilespmem:s24+$0x20] =	vst v5;
	s24 =	smov.u32 s26;
	s26 =	smov.u32 s7  }
0x1f8: {  	v15 =	vmul.f32 v15, v2;
	v4 =	vld [tilespmem:s7+$0xFFFFFFE0];
	v10 =	vmul.f32 v19, v10;
	v5 =	vsub.f32 $1.000000000e+00, v17  }
0x1f9: {  	v17 =	vmul.f32 v17, v1;
	v3 =	vld [tilespmem:s7+$0xFFFFFFF0];
	v21 =	vmul.f32 v21, v8;
	v8 =	vsub.f32 $1.000000000e+00, v18  }
0x1fa: {  	v2 =	vld [tilespmem:s7+$0x0];
	v19 =	vsub.f32 $1.000000000e+00, v23;
	v22 =	vmul.f32 v5, v11;
	v5 =	vmul.f32 v18, v0  }
0x1fb: {  	v13 =	vadd.f32 v6, v13;
	v11 =	vsub.f32 $1.000000000e+00, v25;
	v1 =	vld [tilespmem:s7+$0x10];
	v6 =	vmul.f32 v8, v12  }
0x1fc: {  	v16 =	vadd.f32 v7, v16;
	v0 =	vld [tilespmem:s7+$0x20];
	v8 =	vmul.f32 $1.111111120e-01, v19;
	v12 =	vsub.f32 $1.000000000e+00, v20  }
0x1fd: {  	v18 =	vld [tilespmem:s7+$0xFFFFFFC0];
	v7 =	vmul.f32 $1.111111120e-01, v11;
	v11 =	vsub.f32 $1.000000000e+00, v4;
	[tilespmem:s24+$0xFFFFFFC0] =	vst v13;
	v13 =	vadd.f32 v9, v24  }
0x1fe: {  	v20 =	vmul.f32 v20, v23;
	v24 =	vld [tilespmem:s29+$0xFFFFFFC0];
	v26 =	vsub.f32 $1.000000000e+00, v3;
	v8 =	vmul.f32 v12, v8;
	[tilespmem:s24+$0xFFFFFFD0] =	vst v16  }
0x1ff: {  	v12 =	vadd.f32 v10, v14;
	v23 =	vld [tilespmem:s29+$0xFFFFFFD0];
	v9 =	vmul.f32 $1.111111120e-01, v11;
	v11 =	vsub.f32 $1.000000000e+00, v2;
	[tilespmem:s24+$0xFFFFFFE0] =	vst v13  }
.Ltmp6:
0x200: {  	v19 =	vld [tilespmem:s29+$0xFFFFFFE0];
	v10 =	vmul.f32 $1.111111120e-01, v26;
	v13 =	vsub.f32 $1.000000000e+00, v1;
	v16 =	vadd.f32 v8, v20;
	(pc) =	sbr.rel @p2 .LBB3_9-.Ltmp6, $4  }
0x201: {  	v21 =	vadd.f32 v21, v15;
	v14 =	vld [tilespmem:s29+$0xFFFFFFF0];
	v8 =	vmul.f32 $1.111111120e-01, v11;
	v26 =	vsub.f32 $1.000000000e+00, v0;
	[tilespmem:s24+$0xFFFFFFF0] =	vst v12  }
0x202: {  	v28 =	vadd.f32 v22, v17;
	v27 =	vsub.f32 $1.000000000e+00, v18;
	v15 =	vld [tilespmem:s29+$0x0];
	v11 =	vmul.f32 $1.111111120e-01, v13;
	[tilespmem:s7+$0x30] =	vst v16  }
0x203: {  	v13 =	vmul.f32 v24, v18;
	v20 =	vsub.f32 $1.000000000e+00, v24;
	v17 =	vld [tilespmem:s29+$0x10];
	v12 =	vmul.f32 $1.111111120e-01, v26;
	[tilespmem:s24+$0x0] =	vst v21  }
0x204: {  	s7 =	sadd.s32 $0x80, s7;
	v21 =	vmul.f32 $1.111111120e-01, v27;
	v16 =	vmul.f32 v23, v25;
	v22 =	vsub.f32 $1.000000000e+00, v23;
	v18 =	vld [tilespmem:s29+$0x20];
	[tilespmem:s24+$0x10] =	vst v28  }
0x205: {  	v4 =	vmul.f32 v19, v4;
	v59 =	vsub.f32 $1.000000000e+00, v19  }
0x206: {  	v5 =	vadd.f32 v6, v5;
	v20 =	vmul.f32 v20, v21;
	v7 =	vmul.f32 v22, v7  }
0x207: {  	v60 =	vsub.f32 $1.000000000e+00, v14;
	v3 =	vmul.f32 v14, v3;
	v6 =	vmul.f32 v59, v9  }
0x208: {  	v9 =	vsub.f32 $1.000000000e+00, v15;
	v2 =	vmul.f32 v15, v2;
	v13 =	vadd.f32 v20, v13  }
0x209: {  	[tilespmem:s24+$0x20] =	vst v5;
	v10 =	vmul.f32 v60, v10;
	v5 =	vsub.f32 $1.000000000e+00, v17;
	v7 =	vadd.f32 v7, v16  }
0x20a: {  	v8 =	vmul.f32 v9, v8;
	v9 =	vsub.f32 $1.000000000e+00, v18;
	v4 =	vadd.f32 v6, v4;
	[tilespmem:s26+$0xFFFFFFC0] =	vst v13  }
0x20b: {  	v1 =	vmul.f32 v17, v1;
	v5 =	vmul.f32 v5, v11;
	[tilespmem:s26+$0xFFFFFFD0] =	vst v7;
	v3 =	vadd.f32 v10, v3  }
0x20c: {  	v0 =	vmul.f32 v18, v0;
	v6 =	vmul.f32 v9, v12;
	[tilespmem:s26+$0xFFFFFFE0] =	vst v4;
	v2 =	vadd.f32 v8, v2  }
0x20d: {  	[tilespmem:s26+$0xFFFFFFF0] =	vst v3;
	v1 =	vadd.f32 v5, v1  }
0x20e: {  	[tilespmem:s26+$0x0] =	vst v2;
	v0 =	vadd.f32 v6, v0  }
0x20f: {  	[tilespmem:s26+$0x10] =	vst v1  }
0x210: {  	[tilespmem:s26+$0x20] =	vst v0  }
0x211: {  	s7 =	rddreg [dreg:$0x15]  }
0x212: {  	[hbm4b:s7+s6] =	stream.linear.scatter [tilespmem:s17], [sflag:$0x7], $0x1E80, $0x38;
	[tilespmem:$0x1E8C8] =	vst v63  }
0x213: {  	_ =	swait.ge [sflag:s4], $0x1E80  }
0x214: {  	[sflag:s4] =	ssyncset.done $0x0  }
0x215: {  	[sflag:s4] =	ssyncadd.s32 $0xFFFFE180  }
0x216: {  	_ =	swait.ge [sflag:s4], $0x1E80  }
0x217: {  	[sflag:s4] =	ssyncset.done $0x0  }
0x218: {  	[sflag:s4] =	ssyncadd.s32 $0xFFFFE180  }
0x219: {  	_ =	swait.ge [sflag:s4], $0x1E80  }
0x21a: {  	[sflag:s4] =	ssyncset.done $0x0  }
0x21b: {  	s24 =	simm.s32 $0x3D40;
	[sflag:s4] =	ssyncadd.s32 $0xFFFFE180  }
0x21c: {  	v0 =	vld [tilespmem:s24+$0x30]  }
0x21d: {  	s7 =	simm.s32 $0x40;
	v1 =	vld [tilespmem:s24+$0xFFFFFFD0]  }
0x21e: {  	v2 =	vld [tilespmem:s7+$0x30]  }
0x21f: {  	v3 =	vld [tilespmem:s24+$0xFFFFFFE0]  }
0x220: {  	v4 =	vld [tilespmem:s24+$0xFFFFFFF0]  }
0x221: {  	v7 =	vld [tilespmem:s24+$0x0]  }
0x222: {  	v9 =	vld [tilespmem:s24+$0x10]  }
0x223: {  	v10 =	vld [tilespmem:s24+$0x20]  }
0x224: {  	v6 =	vld [tilespmem:s24+$0xFFFFFFC0]  }
0x225: {  	v11 =	vld [tilespmem:s7+$0xFFFFFFC0]  }
0x226: {  	v61 =	vld [tilespmem:s7+$0xFFFFFFD0]  }
0x227: {  	v8 =	vld [tilespmem:s7+$0xFFFFFFE0]  }
0x228: {  	v5 =	vld [tilespmem:s7+$0xFFFFFFF0];
	v0 =	vmul.u32 $0x186A0, v0;
	v62 =	vmul.u32 $0x186A0, v1  }
0x229: {  	v3 =	vmul.u32 $0x186A0, v3;
	v63 =	vmul.u32 $0x186A0, v6;
	v6 =	vld [tilespmem:s7+$0x0];
	v4 =	vmul.u32 $0x186A0, v4  }
0x22a: {  	v1 =	vadd.s32 v2, v0;
	v2 =	vmul.u32 $0x186A0, v7;
	v0 =	vmul.u32 $0x186A0, v9;
	v7 =	vld [tilespmem:s7+$0x10]  }
0x22b: {  	s29 =	simm.s32 $0x3DC0;
	s26 =	simm.s32 $0x0;
	v11 =	vadd.s32 v11, v63;
	v9 =	vld [tilespmem:s7+$0x20];
	[tilespmem:s24+$0x30] =	vst v1;
	v1 =	vmul.u32 $0x186A0, v10;
	v10 =	vadd.s32 v61, v62  }
.LBB3_11:
0x22c: {  	v12 =	vld [tilespmem:s29+$0x30];
	s26 =	sadd.s32 $0x80, s26;
	[tilespmem:s24+$0xFFFFFFC0] =	vst v11;
	v3 =	vadd.s32 v8, v3  }
0x22d: {  	s7 =	sadd.s32 $0x80, s7;
	v8 =	vld [tilespmem:s29+$0xFFFFFFD0];
	p2 =	slt.u32 s26, $0x1E00;
	[tilespmem:s24+$0xFFFFFFD0] =	vst v10;
	v4 =	vadd.s32 v5, v4  }
0x22e: {  	v5 =	vld [tilespmem:s7+$0x30];
	[tilespmem:s24+$0xFFFFFFE0] =	vst v3;
	v2 =	vadd.s32 v6, v2  }
0x22f: {  	v3 =	vld [tilespmem:s29+$0xFFFFFFE0];
	[tilespmem:s24+$0xFFFFFFF0] =	vst v4;
	v0 =	vadd.s32 v7, v0  }
0x230: {  	v4 =	vld [tilespmem:s29+$0xFFFFFFF0];
	[tilespmem:s24+$0x0] =	vst v2;
	v1 =	vadd.s32 v9, v1  }
0x231: {  	v2 =	vld [tilespmem:s29+$0x0];
	v6 =	vmul.u32 $0x186A0, v12;
	[tilespmem:s24+$0x10] =	vst v0  }
0x232: {  	v9 =	vmul.u32 $0x186A0, v8;
	v0 =	vld [tilespmem:s29+$0x10];
	[tilespmem:s24+$0x20] =	vst v1;
	s24 =	smov.u32 s29  }
0x233: {  	v1 =	vld [tilespmem:s29+$0x20];
	v5 =	vadd.s32 v5, v6  }
0x234: {  	v6 =	vld [tilespmem:s29+$0xFFFFFFC0];
	v3 =	vmul.u32 $0x186A0, v3;
	[tilespmem:s29+$0x30] =	vst v5  }
0x235: {  	v10 =	vld [tilespmem:s7+$0xFFFFFFC0];
	v4 =	vmul.u32 $0x186A0, v4  }
0x236: {  	v12 =	vld [tilespmem:s7+$0xFFFFFFD0];
	v2 =	vmul.u32 $0x186A0, v2  }
.Ltmp7:
0x237: {  	v8 =	vld [tilespmem:s7+$0xFFFFFFE0];
	v0 =	vmul.u32 $0x186A0, v0;
	(pc) =	sbr.rel @p2 .LBB3_11-.Ltmp7, $4  }
0x238: {  	v5 =	vld [tilespmem:s7+$0xFFFFFFF0];
	v1 =	vmul.u32 $0x186A0, v1  }
0x239: {  	v11 =	vmul.u32 $0x186A0, v6;
	v6 =	vld [tilespmem:s7+$0x0]  }
0x23a: {  	v7 =	vld [tilespmem:s7+$0x10]  }
0x23b: {  	s29 =	sadd.s32 $0x80, s29;
	v11 =	vadd.s32 v10, v11;
	v10 =	vadd.s32 v12, v9;
	v9 =	vld [tilespmem:s7+$0x20]  }
0x23c: {  	[tilespmem:s24+$0xFFFFFFC0] =	vst v11  }
0x23d: {  	v3 =	vadd.s32 v8, v3;
	[tilespmem:s24+$0xFFFFFFD0] =	vst v10  }
0x23e: {  	v4 =	vadd.s32 v5, v4;
	[tilespmem:s24+$0xFFFFFFE0] =	vst v3  }
0x23f: {  	v2 =	vadd.s32 v6, v2;
	[tilespmem:s24+$0xFFFFFFF0] =	vst v4  }
0x240: {  	v0 =	vadd.s32 v7, v0;
	[tilespmem:s24+$0x0] =	vst v2  }
0x241: {  	v1 =	vadd.s32 v9, v1;
	[tilespmem:s24+$0x10] =	vst v0  }
0x242: {  	[tilespmem:s24+$0x20] =	vst v1  }
0x243: {  	[tilespmem:s22], [sflag:$0x5] =	stream.indirect.gather [spmem:s0], $0x1, s16, s18, $0xb8;
	[tilespmem:$0x1E8C8] =	vst v63  }
0x244: {  	_ =	swait.ge [sflag:s25], $0x1E80  }
0x245: {  	[sflag:s25] =	ssyncset.done $0x0  }
0x246: {  	s7 =	rddreg [dreg:$0x1a];
	[sflag:s25] =	ssyncadd.s32 $0xFFFFE180  }
0x247: {  	[tilespmem:s18], [sflag:$0x2] =	stream.linear.gather [hbm4b:s7+s6], $0x1E80, $0x38;
	[tilespmem:$0x1E8C8] =	vst v63  }
0x248: {  	s26 =	rddreg [dreg:$0x1b]  }
0x249: {  	[tilespmem:s20], [sflag:$0x2] =	stream.linear.gather [hbm4b:s26+s6], $0x1E80, $0x38;
	[tilespmem:$0x1E8C8] =	vst v63  }
0x24a: {  	s24 =	rddreg [dreg:$0x1c]  }
0x24b: {  	[tilespmem:s21], [sflag:$0x2] =	stream.linear.gather [hbm4b:s24+s6], $0x1E80, $0x38;
	[tilespmem:$0x1E8C8] =	vst v63  }
0x24c: {  	s24 =	simm.s32 $0x98C0  }
0x24d: {  	v0 =	vld [tilespmem:s24+$0x30]  }
0x24e: {  	s26 =	simm.s32 $0xD5C0;
	v1 =	vld [tilespmem:s24+$0xFFFFFFD0]  }
0x24f: {  	v2 =	vld [tilespmem:s26+$0x30]  }
0x250: {  	v3 =	vld [tilespmem:s24+$0xFFFFFFE0]  }
0x251: {  	v4 =	vld [tilespmem:s24+$0xFFFFFFF0]  }
0x252: {  	v5 =	vld [tilespmem:s24+$0x0]  }
0x253: {  	v7 =	vld [tilespmem:s24+$0x10]  }
0x254: {  	v10 =	vld [tilespmem:s24+$0xFFFFFFC0]  }
0x255: {  	v13 =	vld [tilespmem:s26+$0xFFFFFFC0];
	v6 =	vsub.f32 $1.000000000e+00, v0  }
0x256: {  	v15 =	vld [tilespmem:s26+$0xFFFFFFE0]  }
0x257: {  	v8 =	vld [tilespmem:s24+$0x20];
	v9 =	vsub.f32 $1.000000000e+00, v2;
	v6 =	vmul.f32 $1.111111120e-01, v6  }
0x258: {  	v19 =	vld [tilespmem:s26+$0x0];
	v11 =	vsub.f32 $1.000000000e+00, v1;
	v12 =	vsub.f32 $1.000000000e+00, v3  }
0x259: {  	v14 =	vsub.f32 $1.000000000e+00, v4;
	v0 =	vmul.f32 v2, v0;
	v2 =	vmul.f32 v9, v6;
	v6 =	vld [tilespmem:s26+$0xFFFFFFD0]  }
0x25a: {  	v22 =	vld [tilespmem:s26+$0x20];
	v16 =	vsub.f32 $1.000000000e+00, v7;
	v18 =	vsub.f32 $1.000000000e+00, v10;
	v10 =	vmul.f32 v13, v10  }
0x25b: {  	v25 =	vmul.f32 v15, v3;
	v14 =	vmul.f32 $1.111111120e-01, v14;
	v17 =	vadd.f32 v2, v0;
	v0 =	vld [tilespmem:s26+$0xFFFFFFF0]  }
0x25c: {  	v20 =	vld [tilespmem:s26+$0x10];
	v9 =	vmul.f32 $1.111111120e-01, v11;
	v11 =	vmul.f32 $1.111111120e-01, v12;
	v12 =	vsub.f32 $1.000000000e+00, v5;
	s26 =	simm.s32 $0x9940  }
0x25d: {  	v13 =	vsub.f32 $1.000000000e+00, v13;
	v16 =	vmul.f32 $1.111111120e-01, v16;
	v18 =	vmul.f32 $1.111111120e-01, v18;
	v24 =	vld [tilespmem:s26+$0x30]  }
0x25e: {  	v2 =	vmul.f32 $1.111111120e-01, v12;
	v12 =	vsub.f32 $1.000000000e+00, v8;
	v26 =	vld [tilespmem:s26+$0xFFFFFFD0];
	v21 =	vsub.f32 $1.000000000e+00, v6  }
0x25f: {  	s29 =	simm.s32 $0xD640;
	[tilespmem:s24+$0x30] =	vst v17;
	v17 =	vld [tilespmem:s26+$0xFFFFFFC0];
	v23 =	vmul.f32 v6, v1;
	v1 =	vsub.f32 $1.000000000e+00, v15;
	v6 =	vmul.f32 v13, v18  }
0x260: {  	v13 =	vld [tilespmem:s29+$0x30];
	v18 =	vmul.f32 v19, v5;
	v5 =	vmul.f32 v22, v8;
	v3 =	vsub.f32 $1.000000000e+00, v0  }
0x261: {  	v9 =	vmul.f32 v21, v9;
	v15 =	vmul.f32 v0, v4;
	v0 =	vsub.f32 $1.000000000e+00, v19;
	v4 =	vld [tilespmem:s26+$0xFFFFFFE0]  }
0x262: {  	v11 =	vmul.f32 v1, v11;
	v1 =	vsub.f32 $1.000000000e+00, v20;
	v14 =	vmul.f32 v3, v14;
	v3 =	vld [tilespmem:s26+$0xFFFFFFF0]  }
0x263: {  	v20 =	vmul.f32 v20, v7;
	v10 =	vadd.f32 v6, v10;
	v21 =	vmul.f32 v0, v2;
	v2 =	vld [tilespmem:s26+$0x0]  }
0x264: {  	v7 =	vsub.f32 $1.000000000e+00, v24;
	v8 =	vsub.f32 $1.000000000e+00, v26;
	v16 =	vmul.f32 v1, v16;
	v1 =	vld [tilespmem:s26+$0x10]  }
0x265: {  	v12 =	vmul.f32 $1.111111120e-01, v12;
	v0 =	vsub.f32 $1.000000000e+00, v22;
	v9 =	vadd.f32 v9, v23;
	v22 =	vld [tilespmem:s29+$0xFFFFFFC0]  }
0x266: {  	v11 =	vadd.f32 v11, v25;
	v23 =	vld [tilespmem:s29+$0xFFFFFFD0];
	v19 =	vsub.f32 $1.000000000e+00, v13;
	v13 =	vmul.f32 v13, v24  }
0x267: {  	v6 =	vmul.f32 v0, v12;
	v0 =	vld [tilespmem:s26+$0x20];
	v12 =	vmul.f32 $1.111111120e-01, v7;
	v18 =	vadd.f32 v21, v18  }
0x268: {  	[tilespmem:s24+$0xFFFFFFC0] =	vst v10;
	v7 =	vmul.f32 $1.111111120e-01, v8;
	v21 =	vsub.f32 $1.000000000e+00, v17;
	v8 =	vsub.f32 $1.000000000e+00, v4  }
0x269: {  	[tilespmem:s24+$0xFFFFFFD0] =	vst v9;
	v15 =	vadd.f32 v14, v15;
	v63 =	vadd.f32 v16, v20;
	v12 =	vmul.f32 v19, v12  }
0x26a: {  	[tilespmem:s24+$0xFFFFFFE0] =	vst v11;
	v19 =	vld [tilespmem:s29+$0xFFFFFFE0];
	v21 =	vmul.f32 $1.111111120e-01, v21;
	v10 =	vsub.f32 $1.000000000e+00, v3;
	v9 =	vmul.f32 $1.111111120e-01, v8  }
0x26b: {  	v14 =	vld [tilespmem:s29+$0xFFFFFFF0];
	[tilespmem:s24+$0xFFFFFFF0] =	vst v15;
	v8 =	vsub.f32 $1.000000000e+00, v2;
	v11 =	vsub.f32 $1.000000000e+00, v1;
	v16 =	vmul.f32 v23, v26  }
0x26c: {  	v15 =	vld [tilespmem:s29+$0x0];
	[tilespmem:s24+$0x0] =	vst v18;
	v12 =	vadd.f32 v12, v13;
	v13 =	vmul.f32 v22, v17;
	v62 =	vsub.f32 $1.000000000e+00, v0  }
0x26d: {  	[tilespmem:s24+$0x10] =	vst v63;
	v20 =	vsub.f32 $1.000000000e+00, v22;
	v17 =	vld [tilespmem:s29+$0x10];
	v10 =	vmul.f32 $1.111111120e-01, v10;
	v8 =	vmul.f32 $1.111111120e-01, v8  }
0x26e: {  	s30 =	simm.s32 $0x80;
	s7 =	simm.s32 $0x99C0;
	v18 =	vld [tilespmem:s29+$0x20];
	v22 =	vsub.f32 $1.000000000e+00, v23;
	v11 =	vmul.f32 $1.111111120e-01, v11;
	[tilespmem:s26+$0x30] =	vst v12;
	v12 =	vmul.f32 $1.111111120e-01, v62  }
.LBB3_13:
0x26f: {  	v23 =	vld [tilespmem:s7+$0x30];
	s30 =	sadd.s32 $0x80, s30;
	v24 =	vmul.f32 v19, v4;
	v4 =	vsub.f32 $1.000000000e+00, v19;
	v5 =	vadd.f32 v6, v5  }
0x270: {  	s29 =	sadd.s32 $0x80, s29;
	v25 =	vld [tilespmem:s7+$0xFFFFFFD0];
	p2 =	slt.u32 s30, $0x1E00;
	v6 =	vmul.f32 v20, v21;
	v7 =	vmul.f32 v22, v7;
	v19 =	vsub.f32 $1.000000000e+00, v14  }
0x271: {  	v14 =	vmul.f32 v14, v3;
	v20 =	vld [tilespmem:s29+$0x30];
	v9 =	vmul.f32 v4, v9;
	v21 =	vsub.f32 $1.000000000e+00, v15;
	[tilespmem:s24+$0x20] =	vst v5;
	s24 =	smov.u32 s26;
	s26 =	smov.u32 s7  }
0x272: {  	v15 =	vmul.f32 v15, v2;
	v4 =	vld [tilespmem:s7+$0xFFFFFFE0];
	v10 =	vmul.f32 v19, v10;
	v5 =	vsub.f32 $1.000000000e+00, v17  }
0x273: {  	v17 =	vmul.f32 v17, v1;
	v3 =	vld [tilespmem:s7+$0xFFFFFFF0];
	v21 =	vmul.f32 v21, v8;
	v8 =	vsub.f32 $1.000000000e+00, v18  }
0x274: {  	v2 =	vld [tilespmem:s7+$0x0];
	v19 =	vsub.f32 $1.000000000e+00, v23;
	v22 =	vmul.f32 v5, v11;
	v5 =	vmul.f32 v18, v0  }
0x275: {  	v13 =	vadd.f32 v6, v13;
	v11 =	vsub.f32 $1.000000000e+00, v25;
	v1 =	vld [tilespmem:s7+$0x10];
	v6 =	vmul.f32 v8, v12  }
0x276: {  	v16 =	vadd.f32 v7, v16;
	v0 =	vld [tilespmem:s7+$0x20];
	v8 =	vmul.f32 $1.111111120e-01, v19;
	v12 =	vsub.f32 $1.000000000e+00, v20  }
0x277: {  	v18 =	vld [tilespmem:s7+$0xFFFFFFC0];
	v7 =	vmul.f32 $1.111111120e-01, v11;
	v11 =	vsub.f32 $1.000000000e+00, v4;
	[tilespmem:s24+$0xFFFFFFC0] =	vst v13;
	v13 =	vadd.f32 v9, v24  }
0x278: {  	v20 =	vmul.f32 v20, v23;
	v24 =	vld [tilespmem:s29+$0xFFFFFFC0];
	v26 =	vsub.f32 $1.000000000e+00, v3;
	v8 =	vmul.f32 v12, v8;
	[tilespmem:s24+$0xFFFFFFD0] =	vst v16  }
0x279: {  	v12 =	vadd.f32 v10, v14;
	v23 =	vld [tilespmem:s29+$0xFFFFFFD0];
	v9 =	vmul.f32 $1.111111120e-01, v11;
	v11 =	vsub.f32 $1.000000000e+00, v2;
	[tilespmem:s24+$0xFFFFFFE0] =	vst v13  }
.Ltmp8:
0x27a: {  	v19 =	vld [tilespmem:s29+$0xFFFFFFE0];
	v10 =	vmul.f32 $1.111111120e-01, v26;
	v13 =	vsub.f32 $1.000000000e+00, v1;
	v16 =	vadd.f32 v8, v20;
	(pc) =	sbr.rel @p2 .LBB3_13-.Ltmp8, $4  }
0x27b: {  	v21 =	vadd.f32 v21, v15;
	v14 =	vld [tilespmem:s29+$0xFFFFFFF0];
	v8 =	vmul.f32 $1.111111120e-01, v11;
	v26 =	vsub.f32 $1.000000000e+00, v0;
	[tilespmem:s24+$0xFFFFFFF0] =	vst v12  }
0x27c: {  	v28 =	vadd.f32 v22, v17;
	v27 =	vsub.f32 $1.000000000e+00, v18;
	v15 =	vld [tilespmem:s29+$0x0];
	v11 =	vmul.f32 $1.111111120e-01, v13;
	[tilespmem:s7+$0x30] =	vst v16  }
0x27d: {  	v13 =	vmul.f32 v24, v18;
	v20 =	vsub.f32 $1.000000000e+00, v24;
	v17 =	vld [tilespmem:s29+$0x10];
	v12 =	vmul.f32 $1.111111120e-01, v26;
	[tilespmem:s24+$0x0] =	vst v21  }
0x27e: {  	s7 =	sadd.s32 $0x80, s7;
	v21 =	vmul.f32 $1.111111120e-01, v27;
	v16 =	vmul.f32 v23, v25;
	v22 =	vsub.f32 $1.000000000e+00, v23;
	v18 =	vld [tilespmem:s29+$0x20];
	[tilespmem:s24+$0x10] =	vst v28  }
0x27f: {  	v4 =	vmul.f32 v19, v4;
	v59 =	vsub.f32 $1.000000000e+00, v19  }
0x280: {  	v5 =	vadd.f32 v6, v5;
	v20 =	vmul.f32 v20, v21;
	v7 =	vmul.f32 v22, v7  }
0x281: {  	v60 =	vsub.f32 $1.000000000e+00, v14;
	v3 =	vmul.f32 v14, v3;
	v6 =	vmul.f32 v59, v9  }
0x282: {  	v9 =	vsub.f32 $1.000000000e+00, v15;
	v2 =	vmul.f32 v15, v2;
	v13 =	vadd.f32 v20, v13  }
0x283: {  	[tilespmem:s24+$0x20] =	vst v5;
	v10 =	vmul.f32 v60, v10;
	v5 =	vsub.f32 $1.000000000e+00, v17;
	v7 =	vadd.f32 v7, v16  }
0x284: {  	v8 =	vmul.f32 v9, v8;
	v9 =	vsub.f32 $1.000000000e+00, v18;
	v4 =	vadd.f32 v6, v4;
	[tilespmem:s26+$0xFFFFFFC0] =	vst v13  }
0x285: {  	v1 =	vmul.f32 v17, v1;
	v5 =	vmul.f32 v5, v11;
	[tilespmem:s26+$0xFFFFFFD0] =	vst v7;
	v3 =	vadd.f32 v10, v3  }
0x286: {  	v0 =	vmul.f32 v18, v0;
	v6 =	vmul.f32 v9, v12;
	[tilespmem:s26+$0xFFFFFFE0] =	vst v4;
	v2 =	vadd.f32 v8, v2  }
0x287: {  	[tilespmem:s26+$0xFFFFFFF0] =	vst v3;
	v1 =	vadd.f32 v5, v1  }
0x288: {  	[tilespmem:s26+$0x0] =	vst v2;
	v0 =	vadd.f32 v6, v0  }
0x289: {  	[tilespmem:s26+$0x10] =	vst v1  }
0x28a: {  	[tilespmem:s26+$0x20] =	vst v0  }
0x28b: {  	s7 =	rddreg [dreg:$0x16]  }
0x28c: {  	[hbm4b:s7+s6] =	stream.linear.scatter [tilespmem:s21], [sflag:$0x8], $0x1E80, $0x38;
	[tilespmem:$0x1E8C8] =	vst v63  }
0x28d: {  	_ =	swait.ge [sflag:s5], $0x1E80  }
0x28e: {  	[sflag:s5] =	ssyncset.done $0x0  }
0x28f: {  	[sflag:s5] =	ssyncadd.s32 $0xFFFFE180  }
0x290: {  	_ =	swait.ge [sflag:s5], $0x1E80  }
0x291: {  	[sflag:s5] =	ssyncset.done $0x0  }
0x292: {  	[sflag:s5] =	ssyncadd.s32 $0xFFFFE180  }
0x293: {  	_ =	swait.ge [sflag:s5], $0x1E80  }
0x294: {  	[sflag:s5] =	ssyncset.done $0x0  }
0x295: {  	s24 =	simm.s32 $0x5BC0;
	[sflag:s5] =	ssyncadd.s32 $0xFFFFE180  }
0x296: {  	v0 =	vld [tilespmem:s24+$0x30]  }
0x297: {  	s7 =	simm.s32 $0x1EC0;
	v1 =	vld [tilespmem:s24+$0xFFFFFFD0]  }
0x298: {  	v2 =	vld [tilespmem:s7+$0x30]  }
0x299: {  	v3 =	vld [tilespmem:s24+$0xFFFFFFE0]  }
0x29a: {  	v4 =	vld [tilespmem:s24+$0xFFFFFFF0]  }
0x29b: {  	v7 =	vld [tilespmem:s24+$0x0]  }
0x29c: {  	v9 =	vld [tilespmem:s24+$0x10]  }
0x29d: {  	v10 =	vld [tilespmem:s24+$0x20]  }
0x29e: {  	v6 =	vld [tilespmem:s24+$0xFFFFFFC0]  }
0x29f: {  	v11 =	vld [tilespmem:s7+$0xFFFFFFC0]  }
0x2a0: {  	v61 =	vld [tilespmem:s7+$0xFFFFFFD0]  }
0x2a1: {  	v8 =	vld [tilespmem:s7+$0xFFFFFFE0]  }
0x2a2: {  	v5 =	vld [tilespmem:s7+$0xFFFFFFF0];
	v0 =	vmul.u32 $0x186A0, v0;
	v62 =	vmul.u32 $0x186A0, v1  }
0x2a3: {  	v3 =	vmul.u32 $0x186A0, v3;
	v63 =	vmul.u32 $0x186A0, v6;
	v6 =	vld [tilespmem:s7+$0x0];
	v4 =	vmul.u32 $0x186A0, v4  }
0x2a4: {  	v1 =	vadd.s32 v2, v0;
	v2 =	vmul.u32 $0x186A0, v7;
	v0 =	vmul.u32 $0x186A0, v9;
	v7 =	vld [tilespmem:s7+$0x10]  }
0x2a5: {  	s29 =	simm.s32 $0x5C40;
	s26 =	simm.s32 $0x0;
	v11 =	vadd.s32 v11, v63;
	v9 =	vld [tilespmem:s7+$0x20];
	[tilespmem:s24+$0x30] =	vst v1;
	v1 =	vmul.u32 $0x186A0, v10;
	v10 =	vadd.s32 v61, v62  }
.LBB3_15:
0x2a6: {  	v12 =	vld [tilespmem:s29+$0x30];
	s26 =	sadd.s32 $0x80, s26;
	[tilespmem:s24+$0xFFFFFFC0] =	vst v11;
	v3 =	vadd.s32 v8, v3  }
0x2a7: {  	s7 =	sadd.s32 $0x80, s7;
	v8 =	vld [tilespmem:s29+$0xFFFFFFD0];
	p2 =	slt.u32 s26, $0x1E00;
	[tilespmem:s24+$0xFFFFFFD0] =	vst v10;
	v4 =	vadd.s32 v5, v4  }
0x2a8: {  	v5 =	vld [tilespmem:s7+$0x30];
	[tilespmem:s24+$0xFFFFFFE0] =	vst v3;
	v2 =	vadd.s32 v6, v2  }
0x2a9: {  	v3 =	vld [tilespmem:s29+$0xFFFFFFE0];
	[tilespmem:s24+$0xFFFFFFF0] =	vst v4;
	v0 =	vadd.s32 v7, v0  }
0x2aa: {  	v4 =	vld [tilespmem:s29+$0xFFFFFFF0];
	[tilespmem:s24+$0x0] =	vst v2;
	v1 =	vadd.s32 v9, v1  }
0x2ab: {  	v2 =	vld [tilespmem:s29+$0x0];
	v6 =	vmul.u32 $0x186A0, v12;
	[tilespmem:s24+$0x10] =	vst v0  }
0x2ac: {  	v9 =	vmul.u32 $0x186A0, v8;
	v0 =	vld [tilespmem:s29+$0x10];
	[tilespmem:s24+$0x20] =	vst v1;
	s24 =	smov.u32 s29  }
0x2ad: {  	v1 =	vld [tilespmem:s29+$0x20];
	v5 =	vadd.s32 v5, v6  }
0x2ae: {  	v6 =	vld [tilespmem:s29+$0xFFFFFFC0];
	v3 =	vmul.u32 $0x186A0, v3;
	[tilespmem:s29+$0x30] =	vst v5  }
0x2af: {  	v10 =	vld [tilespmem:s7+$0xFFFFFFC0];
	v4 =	vmul.u32 $0x186A0, v4  }
0x2b0: {  	v12 =	vld [tilespmem:s7+$0xFFFFFFD0];
	v2 =	vmul.u32 $0x186A0, v2  }
.Ltmp9:
0x2b1: {  	v8 =	vld [tilespmem:s7+$0xFFFFFFE0];
	v0 =	vmul.u32 $0x186A0, v0;
	(pc) =	sbr.rel @p2 .LBB3_15-.Ltmp9, $4  }
0x2b2: {  	v5 =	vld [tilespmem:s7+$0xFFFFFFF0];
	v1 =	vmul.u32 $0x186A0, v1  }
0x2b3: {  	v11 =	vmul.u32 $0x186A0, v6;
	v6 =	vld [tilespmem:s7+$0x0]  }
0x2b4: {  	v7 =	vld [tilespmem:s7+$0x10]  }
0x2b5: {  	s29 =	sadd.s32 $0x80, s29;
	v11 =	vadd.s32 v10, v11;
	v10 =	vadd.s32 v12, v9;
	v9 =	vld [tilespmem:s7+$0x20]  }
0x2b6: {  	[tilespmem:s24+$0xFFFFFFC0] =	vst v11  }
0x2b7: {  	v3 =	vadd.s32 v8, v3;
	[tilespmem:s24+$0xFFFFFFD0] =	vst v10  }
0x2b8: {  	v4 =	vadd.s32 v5, v4;
	[tilespmem:s24+$0xFFFFFFE0] =	vst v3  }
0x2b9: {  	v2 =	vadd.s32 v6, v2;
	[tilespmem:s24+$0xFFFFFFF0] =	vst v4  }
0x2ba: {  	v0 =	vadd.s32 v7, v0;
	[tilespmem:s24+$0x0] =	vst v2  }
0x2bb: {  	v1 =	vadd.s32 v9, v1;
	[tilespmem:s24+$0x10] =	vst v0  }
0x2bc: {  	[tilespmem:s24+$0x20] =	vst v1  }
0x2bd: {  	[tilespmem:s23], [sflag:$0x6] =	stream.indirect.gather [spmem:s0], $0x1, s20, s18, $0xb8;
	[tilespmem:$0x1E8C8] =	vst v63  }
0x2be: {  	_ =	swait.ge [sflag:s19], $0x1E80  }
0x2bf: {  	[sflag:s19] =	ssyncset.done $0x0  }
0x2c0: {  	s24 =	simm.s32 $0x7A40;
	[sflag:s19] =	ssyncadd.s32 $0xFFFFE180  }
0x2c1: {  	v0 =	vld [tilespmem:s24+$0x30]  }
0x2c2: {  	s7 =	simm.s32 $0xB740;
	v1 =	vld [tilespmem:s24+$0xFFFFFFD0]  }
0x2c3: {  	v2 =	vld [tilespmem:s7+$0x30]  }
0x2c4: {  	v3 =	vld [tilespmem:s24+$0xFFFFFFE0]  }
0x2c5: {  	v4 =	vld [tilespmem:s24+$0xFFFFFFF0]  }
0x2c6: {  	v5 =	vld [tilespmem:s24+$0x0]  }
0x2c7: {  	v7 =	vld [tilespmem:s24+$0x10]  }
0x2c8: {  	v10 =	vld [tilespmem:s24+$0xFFFFFFC0]  }
0x2c9: {  	v13 =	vld [tilespmem:s7+$0xFFFFFFC0];
	v6 =	vsub.f32 $1.000000000e+00, v0  }
0x2ca: {  	v15 =	vld [tilespmem:s7+$0xFFFFFFE0]  }
0x2cb: {  	v8 =	vld [tilespmem:s24+$0x20];
	v9 =	vsub.f32 $1.000000000e+00, v2;
	v6 =	vmul.f32 $1.111111120e-01, v6  }
0x2cc: {  	v19 =	vld [tilespmem:s7+$0x0];
	v11 =	vsub.f32 $1.000000000e+00, v1;
	v12 =	vsub.f32 $1.000000000e+00, v3  }
0x2cd: {  	v14 =	vsub.f32 $1.000000000e+00, v4;
	v0 =	vmul.f32 v2, v0;
	v2 =	vmul.f32 v9, v6;
	v6 =	vld [tilespmem:s7+$0xFFFFFFD0]  }
0x2ce: {  	v22 =	vld [tilespmem:s7+$0x20];
	v16 =	vsub.f32 $1.000000000e+00, v7;
	v18 =	vsub.f32 $1.000000000e+00, v10;
	v10 =	vmul.f32 v13, v10  }
0x2cf: {  	v25 =	vmul.f32 v15, v3;
	v14 =	vmul.f32 $1.111111120e-01, v14;
	v17 =	vadd.f32 v2, v0;
	v0 =	vld [tilespmem:s7+$0xFFFFFFF0]  }
0x2d0: {  	s26 =	simm.s32 $0x7AC0;
	v20 =	vld [tilespmem:s7+$0x10];
	v9 =	vmul.f32 $1.111111120e-01, v11;
	v11 =	vmul.f32 $1.111111120e-01, v12;
	v12 =	vsub.f32 $1.000000000e+00, v5  }
0x2d1: {  	v24 =	vld [tilespmem:s26+$0x30];
	v13 =	vsub.f32 $1.000000000e+00, v13;
	v16 =	vmul.f32 $1.111111120e-01, v16;
	v18 =	vmul.f32 $1.111111120e-01, v18  }
0x2d2: {  	v26 =	vld [tilespmem:s26+$0xFFFFFFD0];
	v2 =	vmul.f32 $1.111111120e-01, v12;
	v12 =	vsub.f32 $1.000000000e+00, v8;
	v21 =	vsub.f32 $1.000000000e+00, v6  }
0x2d3: {  	s29 =	simm.s32 $0xB7C0;
	[tilespmem:s24+$0x30] =	vst v17;
	v17 =	vld [tilespmem:s26+$0xFFFFFFC0];
	v23 =	vmul.f32 v6, v1;
	v1 =	vsub.f32 $1.000000000e+00, v15;
	v6 =	vmul.f32 v13, v18  }
0x2d4: {  	v13 =	vld [tilespmem:s29+$0x30];
	v18 =	vmul.f32 v19, v5;
	v5 =	vmul.f32 v22, v8;
	v3 =	vsub.f32 $1.000000000e+00, v0  }
0x2d5: {  	v9 =	vmul.f32 v21, v9;
	v15 =	vmul.f32 v0, v4;
	v0 =	vsub.f32 $1.000000000e+00, v19;
	v4 =	vld [tilespmem:s26+$0xFFFFFFE0]  }
0x2d6: {  	v11 =	vmul.f32 v1, v11;
	v1 =	vsub.f32 $1.000000000e+00, v20;
	v14 =	vmul.f32 v3, v14;
	v3 =	vld [tilespmem:s26+$0xFFFFFFF0]  }
0x2d7: {  	v8 =	vsub.f32 $1.000000000e+00, v26;
	v20 =	vmul.f32 v20, v7;
	v21 =	vmul.f32 v0, v2;
	v2 =	vld [tilespmem:s26+$0x0]  }
0x2d8: {  	v7 =	vsub.f32 $1.000000000e+00, v24;
	v10 =	vadd.f32 v6, v10;
	v16 =	vmul.f32 v1, v16;
	v1 =	vld [tilespmem:s26+$0x10]  }
0x2d9: {  	v12 =	vmul.f32 $1.111111120e-01, v12;
	v0 =	vsub.f32 $1.000000000e+00, v22;
	v9 =	vadd.f32 v9, v23;
	v22 =	vld [tilespmem:s29+$0xFFFFFFC0]  }
0x2da: {  	v11 =	vadd.f32 v11, v25;
	v23 =	vld [tilespmem:s29+$0xFFFFFFD0];
	v19 =	vsub.f32 $1.000000000e+00, v13;
	v13 =	vmul.f32 v13, v24  }
0x2db: {  	v6 =	vmul.f32 v0, v12;
	v0 =	vld [tilespmem:s26+$0x20];
	v12 =	vmul.f32 $1.111111120e-01, v7;
	v18 =	vadd.f32 v21, v18  }
0x2dc: {  	[tilespmem:s24+$0xFFFFFFC0] =	vst v10;
	v7 =	vmul.f32 $1.111111120e-01, v8;
	v21 =	vsub.f32 $1.000000000e+00, v17;
	v8 =	vsub.f32 $1.000000000e+00, v4  }
0x2dd: {  	[tilespmem:s24+$0xFFFFFFD0] =	vst v9;
	v15 =	vadd.f32 v14, v15;
	v63 =	vadd.f32 v16, v20;
	v12 =	vmul.f32 v19, v12  }
0x2de: {  	[tilespmem:s24+$0xFFFFFFE0] =	vst v11;
	v19 =	vld [tilespmem:s29+$0xFFFFFFE0];
	v21 =	vmul.f32 $1.111111120e-01, v21;
	v10 =	vsub.f32 $1.000000000e+00, v3;
	v9 =	vmul.f32 $1.111111120e-01, v8  }
0x2df: {  	v14 =	vld [tilespmem:s29+$0xFFFFFFF0];
	[tilespmem:s24+$0xFFFFFFF0] =	vst v15;
	v8 =	vsub.f32 $1.000000000e+00, v2;
	v11 =	vsub.f32 $1.000000000e+00, v1;
	v16 =	vmul.f32 v23, v26  }
0x2e0: {  	v15 =	vld [tilespmem:s29+$0x0];
	[tilespmem:s24+$0x0] =	vst v18;
	v12 =	vadd.f32 v12, v13;
	v13 =	vmul.f32 v22, v17;
	v62 =	vsub.f32 $1.000000000e+00, v0  }
0x2e1: {  	[tilespmem:s24+$0x10] =	vst v63;
	v20 =	vsub.f32 $1.000000000e+00, v22;
	v17 =	vld [tilespmem:s29+$0x10];
	v10 =	vmul.f32 $1.111111120e-01, v10;
	v8 =	vmul.f32 $1.111111120e-01, v8  }
0x2e2: {  	s30 =	simm.s32 $0x80;
	s7 =	simm.s32 $0x7B40;
	v18 =	vld [tilespmem:s29+$0x20];
	v22 =	vsub.f32 $1.000000000e+00, v23;
	v11 =	vmul.f32 $1.111111120e-01, v11;
	[tilespmem:s26+$0x30] =	vst v12;
	v12 =	vmul.f32 $1.111111120e-01, v62  }
.LBB3_17:
0x2e3: {  	v23 =	vld [tilespmem:s7+$0x30];
	s30 =	sadd.s32 $0x80, s30;
	v24 =	vmul.f32 v19, v4;
	v4 =	vsub.f32 $1.000000000e+00, v19;
	v5 =	vadd.f32 v6, v5  }
0x2e4: {  	s29 =	sadd.s32 $0x80, s29;
	v25 =	vld [tilespmem:s7+$0xFFFFFFD0];
	p2 =	slt.u32 s30, $0x1E00;
	v6 =	vmul.f32 v20, v21;
	v7 =	vmul.f32 v22, v7;
	v19 =	vsub.f32 $1.000000000e+00, v14  }
0x2e5: {  	v14 =	vmul.f32 v14, v3;
	v20 =	vld [tilespmem:s29+$0x30];
	v9 =	vmul.f32 v4, v9;
	v21 =	vsub.f32 $1.000000000e+00, v15;
	[tilespmem:s24+$0x20] =	vst v5;
	s24 =	smov.u32 s26;
	s26 =	smov.u32 s7  }
0x2e6: {  	v15 =	vmul.f32 v15, v2;
	v4 =	vld [tilespmem:s7+$0xFFFFFFE0];
	v10 =	vmul.f32 v19, v10;
	v5 =	vsub.f32 $1.000000000e+00, v17  }
0x2e7: {  	v17 =	vmul.f32 v17, v1;
	v3 =	vld [tilespmem:s7+$0xFFFFFFF0];
	v21 =	vmul.f32 v21, v8;
	v8 =	vsub.f32 $1.000000000e+00, v18  }
0x2e8: {  	v2 =	vld [tilespmem:s7+$0x0];
	v19 =	vsub.f32 $1.000000000e+00, v23;
	v22 =	vmul.f32 v5, v11;
	v5 =	vmul.f32 v18, v0  }
0x2e9: {  	v13 =	vadd.f32 v6, v13;
	v11 =	vsub.f32 $1.000000000e+00, v25;
	v1 =	vld [tilespmem:s7+$0x10];
	v6 =	vmul.f32 v8, v12  }
0x2ea: {  	v16 =	vadd.f32 v7, v16;
	v0 =	vld [tilespmem:s7+$0x20];
	v8 =	vmul.f32 $1.111111120e-01, v19;
	v12 =	vsub.f32 $1.000000000e+00, v20  }
0x2eb: {  	v18 =	vld [tilespmem:s7+$0xFFFFFFC0];
	v7 =	vmul.f32 $1.111111120e-01, v11;
	v11 =	vsub.f32 $1.000000000e+00, v4;
	[tilespmem:s24+$0xFFFFFFC0] =	vst v13;
	v13 =	vadd.f32 v9, v24  }
0x2ec: {  	v20 =	vmul.f32 v20, v23;
	v24 =	vld [tilespmem:s29+$0xFFFFFFC0];
	v26 =	vsub.f32 $1.000000000e+00, v3;
	v8 =	vmul.f32 v12, v8;
	[tilespmem:s24+$0xFFFFFFD0] =	vst v16  }
0x2ed: {  	v12 =	vadd.f32 v10, v14;
	v23 =	vld [tilespmem:s29+$0xFFFFFFD0];
	v9 =	vmul.f32 $1.111111120e-01, v11;
	v11 =	vsub.f32 $1.000000000e+00, v2;
	[tilespmem:s24+$0xFFFFFFE0] =	vst v13  }
.Ltmp10:
0x2ee: {  	v19 =	vld [tilespmem:s29+$0xFFFFFFE0];
	v10 =	vmul.f32 $1.111111120e-01, v26;
	v13 =	vsub.f32 $1.000000000e+00, v1;
	v16 =	vadd.f32 v8, v20;
	(pc) =	sbr.rel @p2 .LBB3_17-.Ltmp10, $4  }
0x2ef: {  	v21 =	vadd.f32 v21, v15;
	v14 =	vld [tilespmem:s29+$0xFFFFFFF0];
	v8 =	vmul.f32 $1.111111120e-01, v11;
	v26 =	vsub.f32 $1.000000000e+00, v0;
	[tilespmem:s24+$0xFFFFFFF0] =	vst v12  }
0x2f0: {  	v28 =	vadd.f32 v22, v17;
	v27 =	vsub.f32 $1.000000000e+00, v18;
	v15 =	vld [tilespmem:s29+$0x0];
	v11 =	vmul.f32 $1.111111120e-01, v13;
	[tilespmem:s7+$0x30] =	vst v16  }
0x2f1: {  	v13 =	vmul.f32 v24, v18;
	v20 =	vsub.f32 $1.000000000e+00, v24;
	v17 =	vld [tilespmem:s29+$0x10];
	v12 =	vmul.f32 $1.111111120e-01, v26;
	[tilespmem:s24+$0x0] =	vst v21  }
0x2f2: {  	s7 =	sadd.s32 $0x80, s7;
	v21 =	vmul.f32 $1.111111120e-01, v27;
	v16 =	vmul.f32 v23, v25;
	v22 =	vsub.f32 $1.000000000e+00, v23;
	v18 =	vld [tilespmem:s29+$0x20];
	[tilespmem:s24+$0x10] =	vst v28  }
0x2f3: {  	v4 =	vmul.f32 v19, v4;
	v19 =	vsub.f32 $1.000000000e+00, v19  }
0x2f4: {  	v5 =	vadd.f32 v6, v5;
	v20 =	vmul.f32 v20, v21;
	v7 =	vmul.f32 v22, v7  }
0x2f5: {  	v21 =	vsub.f32 $1.000000000e+00, v14;
	v3 =	vmul.f32 v14, v3;
	v6 =	vmul.f32 v19, v9  }
0x2f6: {  	v9 =	vsub.f32 $1.000000000e+00, v15;
	v2 =	vmul.f32 v15, v2;
	v13 =	vadd.f32 v20, v13  }
0x2f7: {  	[tilespmem:s24+$0x20] =	vst v5;
	v10 =	vmul.f32 v21, v10;
	v5 =	vsub.f32 $1.000000000e+00, v17;
	v7 =	vadd.f32 v7, v16  }
0x2f8: {  	v8 =	vmul.f32 v9, v8;
	v9 =	vsub.f32 $1.000000000e+00, v18;
	v4 =	vadd.f32 v6, v4;
	[tilespmem:s26+$0xFFFFFFC0] =	vst v13  }
0x2f9: {  	v1 =	vmul.f32 v17, v1;
	v5 =	vmul.f32 v5, v11;
	[tilespmem:s26+$0xFFFFFFD0] =	vst v7;
	v3 =	vadd.f32 v10, v3  }
0x2fa: {  	v0 =	vmul.f32 v18, v0;
	v6 =	vmul.f32 v9, v12;
	[tilespmem:s26+$0xFFFFFFE0] =	vst v4;
	v2 =	vadd.f32 v8, v2  }
0x2fb: {  	[tilespmem:s26+$0xFFFFFFF0] =	vst v3;
	v1 =	vadd.f32 v5, v1  }
0x2fc: {  	[tilespmem:s26+$0x0] =	vst v2;
	v0 =	vadd.f32 v6, v0  }
0x2fd: {  	[tilespmem:s26+$0x10] =	vst v1  }
0x2fe: {  	[tilespmem:s26+$0x20] =	vst v0  }
0x2ff: {  	s7 =	rddreg [dreg:$0x19]  }
0x300: {  	[hbm4b:s7+s6] =	stream.linear.scatter [tilespmem:s17], [sflag:$0x7], $0x1E80, $0x38;
	[tilespmem:$0x1E8C8] =	vst v63  }
0x301: {  	_ =	swait.ge [sflag:s25], $0x1E80  }
0x302: {  	[sflag:s25] =	ssyncset.done $0x0  }
0x303: {  	[sflag:s25] =	ssyncadd.s32 $0xFFFFE180  }
0x304: {  	_ =	swait.ge [sflag:s28], $0x1E80  }
0x305: {  	[sflag:s28] =	ssyncset.done $0x0  }
0x306: {  	s24 =	simm.s32 $0x98C0;
	[sflag:s28] =	ssyncadd.s32 $0xFFFFE180  }
0x307: {  	v0 =	vld [tilespmem:s24+$0x30]  }
0x308: {  	s26 =	simm.s32 $0xD5C0;
	v1 =	vld [tilespmem:s24+$0xFFFFFFD0]  }
0x309: {  	v2 =	vld [tilespmem:s26+$0x30]  }
0x30a: {  	v3 =	vld [tilespmem:s24+$0xFFFFFFE0]  }
0x30b: {  	v4 =	vld [tilespmem:s24+$0xFFFFFFF0]  }
0x30c: {  	v5 =	vld [tilespmem:s24+$0x0]  }
0x30d: {  	v7 =	vld [tilespmem:s24+$0x10]  }
0x30e: {  	v10 =	vld [tilespmem:s24+$0xFFFFFFC0]  }
0x30f: {  	v13 =	vld [tilespmem:s26+$0xFFFFFFC0];
	v6 =	vsub.f32 $1.000000000e+00, v0  }
0x310: {  	v15 =	vld [tilespmem:s26+$0xFFFFFFE0]  }
0x311: {  	v8 =	vld [tilespmem:s24+$0x20];
	v9 =	vsub.f32 $1.000000000e+00, v2;
	v6 =	vmul.f32 $1.111111120e-01, v6  }
0x312: {  	v19 =	vld [tilespmem:s26+$0x0];
	v11 =	vsub.f32 $1.000000000e+00, v1;
	v12 =	vsub.f32 $1.000000000e+00, v3  }
0x313: {  	v14 =	vsub.f32 $1.000000000e+00, v4;
	v0 =	vmul.f32 v2, v0;
	v2 =	vmul.f32 v9, v6;
	v6 =	vld [tilespmem:s26+$0xFFFFFFD0]  }
0x314: {  	v22 =	vld [tilespmem:s26+$0x20];
	v16 =	vsub.f32 $1.000000000e+00, v7;
	v18 =	vsub.f32 $1.000000000e+00, v10;
	v10 =	vmul.f32 v13, v10  }
0x315: {  	v25 =	vmul.f32 v15, v3;
	v14 =	vmul.f32 $1.111111120e-01, v14;
	v17 =	vadd.f32 v2, v0;
	v0 =	vld [tilespmem:s26+$0xFFFFFFF0]  }
0x316: {  	v20 =	vld [tilespmem:s26+$0x10];
	v9 =	vmul.f32 $1.111111120e-01, v11;
	v11 =	vmul.f32 $1.111111120e-01, v12;
	v12 =	vsub.f32 $1.000000000e+00, v5;
	s26 =	simm.s32 $0x9940  }
0x317: {  	v13 =	vsub.f32 $1.000000000e+00, v13;
	v16 =	vmul.f32 $1.111111120e-01, v16;
	v18 =	vmul.f32 $1.111111120e-01, v18;
	v24 =	vld [tilespmem:s26+$0x30]  }
0x318: {  	v2 =	vmul.f32 $1.111111120e-01, v12;
	v12 =	vsub.f32 $1.000000000e+00, v8;
	v26 =	vld [tilespmem:s26+$0xFFFFFFD0];
	v21 =	vsub.f32 $1.000000000e+00, v6  }
0x319: {  	s29 =	simm.s32 $0xD640;
	[tilespmem:s24+$0x30] =	vst v17;
	v17 =	vld [tilespmem:s26+$0xFFFFFFC0];
	v23 =	vmul.f32 v6, v1;
	v1 =	vsub.f32 $1.000000000e+00, v15;
	v6 =	vmul.f32 v13, v18  }
0x31a: {  	v13 =	vld [tilespmem:s29+$0x30];
	v18 =	vmul.f32 v19, v5;
	v5 =	vmul.f32 v22, v8;
	v3 =	vsub.f32 $1.000000000e+00, v0  }
0x31b: {  	v9 =	vmul.f32 v21, v9;
	v15 =	vmul.f32 v0, v4;
	v0 =	vsub.f32 $1.000000000e+00, v19;
	v4 =	vld [tilespmem:s26+$0xFFFFFFE0]  }
0x31c: {  	v11 =	vmul.f32 v1, v11;
	v1 =	vsub.f32 $1.000000000e+00, v20;
	v14 =	vmul.f32 v3, v14;
	v3 =	vld [tilespmem:s26+$0xFFFFFFF0]  }
0x31d: {  	v20 =	vmul.f32 v20, v7;
	v10 =	vadd.f32 v6, v10;
	v21 =	vmul.f32 v0, v2;
	v2 =	vld [tilespmem:s26+$0x0]  }
0x31e: {  	v7 =	vsub.f32 $1.000000000e+00, v24;
	v8 =	vsub.f32 $1.000000000e+00, v26;
	v16 =	vmul.f32 v1, v16;
	v1 =	vld [tilespmem:s26+$0x10]  }
0x31f: {  	v12 =	vmul.f32 $1.111111120e-01, v12;
	v0 =	vsub.f32 $1.000000000e+00, v22;
	v9 =	vadd.f32 v9, v23;
	v22 =	vld [tilespmem:s29+$0xFFFFFFC0]  }
0x320: {  	v11 =	vadd.f32 v11, v25;
	v23 =	vld [tilespmem:s29+$0xFFFFFFD0];
	v19 =	vsub.f32 $1.000000000e+00, v13;
	v13 =	vmul.f32 v13, v24  }
0x321: {  	v6 =	vmul.f32 v0, v12;
	v0 =	vld [tilespmem:s26+$0x20];
	v12 =	vmul.f32 $1.111111120e-01, v7;
	v18 =	vadd.f32 v21, v18  }
0x322: {  	[tilespmem:s24+$0xFFFFFFC0] =	vst v10;
	v7 =	vmul.f32 $1.111111120e-01, v8;
	v21 =	vsub.f32 $1.000000000e+00, v17;
	v8 =	vsub.f32 $1.000000000e+00, v4  }
0x323: {  	[tilespmem:s24+$0xFFFFFFD0] =	vst v9;
	v15 =	vadd.f32 v14, v15;
	v63 =	vadd.f32 v16, v20;
	v12 =	vmul.f32 v19, v12  }
0x324: {  	[tilespmem:s24+$0xFFFFFFE0] =	vst v11;
	v19 =	vld [tilespmem:s29+$0xFFFFFFE0];
	v21 =	vmul.f32 $1.111111120e-01, v21;
	v10 =	vsub.f32 $1.000000000e+00, v3;
	v9 =	vmul.f32 $1.111111120e-01, v8  }
0x325: {  	v14 =	vld [tilespmem:s29+$0xFFFFFFF0];
	[tilespmem:s24+$0xFFFFFFF0] =	vst v15;
	v8 =	vsub.f32 $1.000000000e+00, v2;
	v11 =	vsub.f32 $1.000000000e+00, v1;
	v16 =	vmul.f32 v23, v26  }
0x326: {  	v15 =	vld [tilespmem:s29+$0x0];
	[tilespmem:s24+$0x0] =	vst v18;
	v12 =	vadd.f32 v12, v13;
	v13 =	vmul.f32 v22, v17;
	v62 =	vsub.f32 $1.000000000e+00, v0  }
0x327: {  	[tilespmem:s24+$0x10] =	vst v63;
	v20 =	vsub.f32 $1.000000000e+00, v22;
	v17 =	vld [tilespmem:s29+$0x10];
	v10 =	vmul.f32 $1.111111120e-01, v10;
	v8 =	vmul.f32 $1.111111120e-01, v8  }
0x328: {  	s30 =	simm.s32 $0x80;
	s7 =	simm.s32 $0x99C0;
	v18 =	vld [tilespmem:s29+$0x20];
	v22 =	vsub.f32 $1.000000000e+00, v23;
	v11 =	vmul.f32 $1.111111120e-01, v11;
	[tilespmem:s26+$0x30] =	vst v12;
	v12 =	vmul.f32 $1.111111120e-01, v62  }
.LBB3_19:
0x329: {  	v23 =	vld [tilespmem:s7+$0x30];
	s30 =	sadd.s32 $0x80, s30;
	v24 =	vmul.f32 v19, v4;
	v4 =	vsub.f32 $1.000000000e+00, v19;
	v5 =	vadd.f32 v6, v5  }
0x32a: {  	s29 =	sadd.s32 $0x80, s29;
	v25 =	vld [tilespmem:s7+$0xFFFFFFD0];
	p2 =	slt.u32 s30, $0x1E00;
	v6 =	vmul.f32 v20, v21;
	v7 =	vmul.f32 v22, v7;
	v19 =	vsub.f32 $1.000000000e+00, v14  }
0x32b: {  	v14 =	vmul.f32 v14, v3;
	v20 =	vld [tilespmem:s29+$0x30];
	v9 =	vmul.f32 v4, v9;
	v21 =	vsub.f32 $1.000000000e+00, v15;
	[tilespmem:s24+$0x20] =	vst v5;
	s24 =	smov.u32 s26;
	s26 =	smov.u32 s7  }
0x32c: {  	v15 =	vmul.f32 v15, v2;
	v4 =	vld [tilespmem:s7+$0xFFFFFFE0];
	v10 =	vmul.f32 v19, v10;
	v5 =	vsub.f32 $1.000000000e+00, v17  }
0x32d: {  	v17 =	vmul.f32 v17, v1;
	v3 =	vld [tilespmem:s7+$0xFFFFFFF0];
	v21 =	vmul.f32 v21, v8;
	v8 =	vsub.f32 $1.000000000e+00, v18  }
0x32e: {  	v2 =	vld [tilespmem:s7+$0x0];
	v19 =	vsub.f32 $1.000000000e+00, v23;
	v22 =	vmul.f32 v5, v11;
	v5 =	vmul.f32 v18, v0  }
0x32f: {  	v13 =	vadd.f32 v6, v13;
	v11 =	vsub.f32 $1.000000000e+00, v25;
	v1 =	vld [tilespmem:s7+$0x10];
	v6 =	vmul.f32 v8, v12  }
0x330: {  	v16 =	vadd.f32 v7, v16;
	v0 =	vld [tilespmem:s7+$0x20];
	v8 =	vmul.f32 $1.111111120e-01, v19;
	v12 =	vsub.f32 $1.000000000e+00, v20  }
0x331: {  	v18 =	vld [tilespmem:s7+$0xFFFFFFC0];
	v7 =	vmul.f32 $1.111111120e-01, v11;
	v11 =	vsub.f32 $1.000000000e+00, v4;
	[tilespmem:s24+$0xFFFFFFC0] =	vst v13;
	v13 =	vadd.f32 v9, v24  }
0x332: {  	v20 =	vmul.f32 v20, v23;
	v24 =	vld [tilespmem:s29+$0xFFFFFFC0];
	v26 =	vsub.f32 $1.000000000e+00, v3;
	v8 =	vmul.f32 v12, v8;
	[tilespmem:s24+$0xFFFFFFD0] =	vst v16  }
0x333: {  	v12 =	vadd.f32 v10, v14;
	v23 =	vld [tilespmem:s29+$0xFFFFFFD0];
	v9 =	vmul.f32 $1.111111120e-01, v11;
	v11 =	vsub.f32 $1.000000000e+00, v2;
	[tilespmem:s24+$0xFFFFFFE0] =	vst v13  }
.Ltmp11:
0x334: {  	v19 =	vld [tilespmem:s29+$0xFFFFFFE0];
	v10 =	vmul.f32 $1.111111120e-01, v26;
	v13 =	vsub.f32 $1.000000000e+00, v1;
	v16 =	vadd.f32 v8, v20;
	(pc) =	sbr.rel @p2 .LBB3_19-.Ltmp11, $4  }
0x335: {  	v21 =	vadd.f32 v21, v15;
	v14 =	vld [tilespmem:s29+$0xFFFFFFF0];
	v8 =	vmul.f32 $1.111111120e-01, v11;
	v26 =	vsub.f32 $1.000000000e+00, v0;
	[tilespmem:s24+$0xFFFFFFF0] =	vst v12  }
0x336: {  	v28 =	vadd.f32 v22, v17;
	v27 =	vsub.f32 $1.000000000e+00, v18;
	v15 =	vld [tilespmem:s29+$0x0];
	v11 =	vmul.f32 $1.111111120e-01, v13;
	[tilespmem:s7+$0x30] =	vst v16  }
0x337: {  	v13 =	vmul.f32 v24, v18;
	v20 =	vsub.f32 $1.000000000e+00, v24;
	v17 =	vld [tilespmem:s29+$0x10];
	v12 =	vmul.f32 $1.111111120e-01, v26;
	[tilespmem:s24+$0x0] =	vst v21  }
0x338: {  	s7 =	sadd.s32 $0x80, s7;
	v21 =	vmul.f32 $1.111111120e-01, v27;
	v16 =	vmul.f32 v23, v25;
	v22 =	vsub.f32 $1.000000000e+00, v23;
	v18 =	vld [tilespmem:s29+$0x20];
	[tilespmem:s24+$0x10] =	vst v28  }
0x339: {  	v4 =	vmul.f32 v19, v4;
	v57 =	vsub.f32 $1.000000000e+00, v19  }
0x33a: {  	v5 =	vadd.f32 v6, v5;
	v20 =	vmul.f32 v20, v21;
	v7 =	vmul.f32 v22, v7  }
0x33b: {  	v58 =	vsub.f32 $1.000000000e+00, v14;
	v3 =	vmul.f32 v14, v3;
	v59 =	vmul.f32 v57, v9  }
0x33c: {  	v60 =	vsub.f32 $1.000000000e+00, v15;
	v2 =	vmul.f32 v15, v2;
	v13 =	vadd.f32 v20, v13  }
0x33d: {  	[tilespmem:s24+$0x20] =	vst v5;
	v10 =	vmul.f32 v58, v10;
	v61 =	vsub.f32 $1.000000000e+00, v17;
	v7 =	vadd.f32 v7, v16  }
0x33e: {  	v8 =	vmul.f32 v60, v8;
	v62 =	vsub.f32 $1.000000000e+00, v18;
	v4 =	vadd.f32 v59, v4;
	[tilespmem:s26+$0xFFFFFFC0] =	vst v13  }
0x33f: {  	v1 =	vmul.f32 v17, v1;
	v5 =	vmul.f32 v61, v11;
	[tilespmem:s26+$0xFFFFFFD0] =	vst v7;
	v3 =	vadd.f32 v10, v3  }
0x340: {  	v0 =	vmul.f32 v18, v0;
	v63 =	vmul.f32 v62, v12;
	[tilespmem:s26+$0xFFFFFFE0] =	vst v4;
	v2 =	vadd.f32 v8, v2  }
0x341: {  	[tilespmem:s26+$0xFFFFFFF0] =	vst v3;
	v1 =	vadd.f32 v5, v1  }
0x342: {  	[tilespmem:s26+$0x0] =	vst v2;
	v0 =	vadd.f32 v63, v0  }
0x343: {  	[tilespmem:s26+$0x10] =	vst v1  }
0x344: {  	[tilespmem:s26+$0x20] =	vst v0  }
.Ltmp12:
0x345: {  	s7 =	rddreg [dreg:$0x1d];
	(pc) =	sbr.rel @p1 .LBB3_24-.Ltmp12, $4  }
0x346: {  	[hbm4b:s7+s6] =	stream.linear.scatter [tilespmem:s21], [sflag:$0x9], $0x1E80, $0x38;
	[tilespmem:$0x1E8C8] =	vst v63  }
0x347: {  	_ =	swait.ge [sflag:s15], $0x1E80  }
0x348: {  	[sflag:s15] =	ssyncset.done $0x0  }
0x349: {  	[sflag:s15] =	ssyncadd.s32 $0xFFFFE180  }
0x34a: {  	s7 =	simm.s32 $0x0;
	s24 =	rddreg [dreg:$0x1e]  }
0x34b: {  	[tilespmem:s7], [sflag:$0x9] =	stream.linear.gather [hbm4b:s24+s7], $0x20, $0x38;
	[tilespmem:$0x1E8C8] =	vst v63  }
0x34c: {  	_ =	swait.ge [sflag:s15], $0x20  }
0x34d: {  	[sflag:s15] =	ssyncset.done $0x0  }
0x34e: {  	s26 =	rddreg [dreg:$0x1f];
	[sflag:s15] =	ssyncadd.s32 $0xFFFFFFE0  }
0x34f: {  	[tilespmem:s16], [sflag:$0x9] =	stream.linear.gather [hbm4b:s26+s7], $0x20, $0x38;
	[tilespmem:$0x1E8C8] =	vst v63  }
0x350: {  	_ =	swait.ge [sflag:s15], $0x20  }
0x351: {  	s29 =	sld [smem:$0x7DA]  }
0x352: {  	[sflag:s15] =	ssyncset.done $0x0  }
0x353: {  	[sflag:s15] =	ssyncadd.s32 $0xFFFFFFE0  }
0x354: {  	[tilespmem:s17], [sflag:$0x9] =	stream.linear.gather [hbm4b:s29+s7], $0x20, $0x38;
	[tilespmem:$0x1E8C8] =	vst v63  }
0x355: {  	_ =	swait.ge [sflag:s15], $0x20  }
0x356: {  	[sflag:s15] =	ssyncset.done $0x0  }
0x357: {  	[sflag:s15] =	ssyncadd.s32 $0xFFFFFFE0  }
0x358: {  	v0 =	vld [tilespmem:$0x3D00]  }
0x359: {  	v1 =	vld [tilespmem:$0x3D10]  }
0x35a: {  	v2 =	vld [tilespmem:$0x0]  }
0x35b: {  	v3 =	vld [tilespmem:$0x10];
	_ =	sdelay $0x1  }
0x35c: {  	v0 =	vmul.u32 $0x186A0, v0  }
0x35d: {  	v1 =	vmul.u32 $0x186A0, v1  }
0x35e: {  	v0 =	vadd.s32 v2, v0  }
0x35f: {  	v63 =	vadd.s32 v3, v1;
	[tilespmem:$0x3D00] =	vst v0  }
0x360: {  	s30 =	simm.s32 $0x20;
	[tilespmem:$0x3D10] =	vst v63  }
0x361: {  	[tilespmem:s22], [sflag:$0x5] =	stream.indirect.gather [spmem:s0], $0x1, s16, s30, $0xb8;
	[tilespmem:$0x1E8C8] =	vst v63  }
0x362: {  	_ =	swait.ge [sflag:s19], $0x20  }
0x363: {  	[sflag:s19] =	ssyncset.done $0x0  }
0x364: {  	p2 =	por $0x1, $0x1;
	[sflag:s19] =	ssyncadd.s32 $0xFFFFFFE0  }
.LBB3_22:
0x365: {  	v0 =	vld [tilespmem:s7+$0x7A00];
	_ =	sdelay $0x1  }
0x366: {  	v1 =	vld [tilespmem:s7+$0xB700];
	_ =	sdelay $0x2  }
0x367: {  	v2 =	vsub.f32 $1.000000000e+00, v0;
	_ =	sdelay $0x1  }
0x368: {  	v3 =	vsub.f32 $1.000000000e+00, v1;
	v2 =	vmul.f32 $1.111111120e-01, v2  }
0x369: {  	p3 =	por p2, p2  }
.Ltmp13:
0x36a: {  	v0 =	vmul.f32 v1, v0;
	v63 =	vmul.f32 v3, v2;
	(pc) =	sbr.rel @p3 .LBB3_22-.Ltmp13, $3  }
0x36b: {  	_ = 	snop  }
0x36c: {  	v0 =	vadd.f32 v63, v0;
	_ =	sdelay $0x1  }
0x36d: {  	p2 =	por $0x0, $0x0;
	[tilespmem:s7+$0x7A00] =	vst v0;
	s7 =	simm.s32 $0x10  }
0x36e: {  	s7 =	sld [smem:$0x7DB];
	_ =	sdelay $0x1  }
.Ltmp14:
0x36f: {  	_ = 	snop;
	(pc) =	sbr.rel .LBB3_24-.Ltmp14, $4  }
0x370: {  	[hbm4b:s7+s6] =	stream.linear.scatter [tilespmem:s17], [sflag:$0x9], $0x20, $0x38;
	[tilespmem:$0x1E8C8] =	vst v63  }
0x371: {  	_ =	swait.ge [sflag:s15], $0x20  }
0x372: {  	[sflag:s15] =	ssyncset.done $0x0  }
0x373: {  	[sflag:s15] =	ssyncadd.s32 $0xFFFFFFE0  }
.LBB3_25:
0x374: {  	_ =	sfence.sel $0x180000  }
0x375: {  	[bflag:$0x0] =	sbarrier.arrive $0xFFFF  }
0x376: {  	_ =	strace $0x9000004A  }
0x377: {  	[bflag:$0x2] =	sbarrier.arrive $0xFFFF  }
0x378: {  	s0 =	sld [smem:$0x7DC];
	_ =	sdelay $0x2  }
0x379: {  	s0 =	sadd.s32 @!p0 $0x100000, s0  }
0x37a: {  	[sflag:s0] =	ssyncadd.tile.s32 @!p0 $0x1;
	_ =	shalt  }
.Lfunc_end3:
_tile_overlayer_lowered:
.L_overlay_start_3:
0x37b: {  	(tag) =	ssettag $0x3  }
0x37c: {  	s0 =	rddreg [dreg:$0x0];
	s2 =	stileid.u32  }
0x37d: {  	s1 =	rddreg [dreg:$0x1];
	p0 =	sne.s32 s2, $0x0  }
0x37e: {  	s3 =	rddreg [dreg:$0x2];
	[bflag:$0x3] =	sbarrier.arrive $0xFFFF;
	s2 =	simm.s32 @!p0 $0x1C09  }
0x37f: {  	[timem:s3], [sflag:s2] =	dma.local @!p0 [hbm:s0], s1  }
0x380: {  	s0 =	simm.s32 @!p0 $0x9  }
0x381: {  	_ =	swait.ge @!p0 [sflag:s0], s1  }
0x382: {  	s1 =	ssub.s32 @!p0 $0x0, s1;
	[sflag:s0] =	ssyncset.done @!p0 $0x0  }
0x383: {  	[sflag:s0] =	ssyncadd.s32 @!p0 s1  }
0x384: {  	[bflag:$0x3] =	sbarrier.arrive $0xFFFF  }
0x385: {  	_ =	shalt  }

</sc_bundles>
